<compile_context>
chip_gen: v7x
topology: tpu7x:2x2x1
jax: 0.10.2.dev20260603
libtpu: 0.0.44.dev20260713+nightly
codegen_flags: <defaults>
</compile_context>

<pallas_src>
import functools

import jax
import jax.numpy as jnp
from jax import lax
from jax.experimental import pallas as pl
from jax.experimental.pallas import tpu as pltpu
from jax.experimental.pallas import tpu_sc as plsc

_N = 50000
_E = 800000
_DIN = 128
_DIM = 64
_OUT = 2
_B = 256

_NC = 2
_NS = 16
_NW = _NC * _NS
_E_PAD = 819200
_EPW = _E_PAD // _NW
_CH = 128
_NCH = _EPW // _CH

_DEGN = 51200
_DPT = _DEGN // _NS

_NSP = 3
_SPAN = 18432
_NT = _NSP * _SPAN
_ACCN = 18496
_APT = _ACCN // _NS
_TRASH = 18432

_mesh = plsc.VectorSubcoreMesh(core_axis_name="c", subcore_axis_name="s")



@functools.partial(
    pl.kernel,
    mesh=_mesh,
    out_type=jax.ShapeDtypeStruct((_NC, _DEGN), jnp.float32),
    scratch_types=[
        pltpu.VMEM((_CH,), jnp.int32),
        pltpu.VMEM((_CH,), jnp.float32),
        pltpu.VMEM((_DPT,), jnp.float32),
        pltpu.VMEM_SHARED((_DEGN,), jnp.float32),
    ],
)
def _sc_deg(dst_hbm, deg_out, dst_v, ones_v, zbuf, deg_sh):
    cid = lax.axis_index("c")
    sid = lax.axis_index("s")
    wid = sid * _NC + cid

    def fill_ones(i, _):
        ones_v[pl.ds(i * 16, 16)] = jnp.full((16,), 1.0, jnp.float32)
        return 0
    lax.fori_loop(0, _CH // 16, fill_ones, 0)

    def fill_zero(i, _):
        zbuf[pl.ds(i * 16, 16)] = jnp.zeros((16,), jnp.float32)
        return 0
    lax.fori_loop(0, _DPT // 16, fill_zero, 0)

    pltpu.sync_copy(zbuf, deg_sh.at[pl.ds(sid * _DPT, _DPT)])
    plsc.subcore_barrier()

    base = wid * _EPW

    def chunk(j, _):
        pltpu.sync_copy(dst_hbm.at[pl.ds(base + j * _CH, _CH)], dst_v)
        pltpu.sync_copy(ones_v, deg_sh.at[dst_v], add=True)
        return 0
    lax.fori_loop(0, _NCH, chunk, 0)

    plsc.subcore_barrier()
    pltpu.sync_copy(deg_sh.at[pl.ds(sid * _DPT, _DPT)],
                    deg_out.at[cid, pl.ds(sid * _DPT, _DPT)])



@functools.partial(
    pl.kernel,
    mesh=_mesh,
    out_type=jax.ShapeDtypeStruct((_NSP, _NC, _ACCN, _DIM), jnp.float32),
    scratch_types=[
        [pltpu.VMEM((_CH,), jnp.int32) for _ in range(4)],
        [pltpu.VMEM((_CH,), jnp.int32) for _ in range(4)],
        pltpu.VMEM((_CH,), jnp.int32),
        [pltpu.VMEM((_CH, _DIM), jnp.float32) for _ in range(4)],
        pltpu.VMEM((_APT // 4, _DIM), jnp.float32),
        [pltpu.SemaphoreType.DMA for _ in range(4)],
        pltpu.VMEM_SHARED((_ACCN, _DIM), jnp.float32),
    ],
    compiler_params=pltpu.CompilerParams(use_tc_tiling_on_sc=False),
)
def _sc_agg(src_hbm, dst_hbm, h2p_hbm, acc_out,
            srcs, dstrs, dstl_v, rows, zb2, sems, acc_sh):
    cid = lax.axis_index("c")
    sid = lax.axis_index("s")
    wid = sid * _NC + cid
    base = wid * _EPW
    zrows = _APT // 4

    def fill_zero(i, _):
        r = i // 4
        c = (i % 4) * 16
        zb2[r, pl.ds(c, 16)] = jnp.zeros((16,), jnp.float32)
        return 0
    lax.fori_loop(0, zrows * 4, fill_zero, 0)

    for sp in range(_NSP):
        for k in range(4):
            pltpu.sync_copy(zb2, acc_sh.at[pl.ds(sid * _APT + k * zrows, zrows)])
        plsc.subcore_barrier()
        lo = sp * _SPAN

        def issue(j, b):
            pltpu.sync_copy(src_hbm.at[pl.ds(base + j * _CH, _CH)], srcs[b])
            pltpu.sync_copy(dst_hbm.at[pl.ds(base + j * _CH, _CH)], dstrs[b])
            pltpu.make_async_copy(h2p_hbm.at[srcs[b]], rows[b], sems[b]).start()

        def finish(j, b):
            def remap(k2, _2):
                d = dstrs[b][pl.ds(k2 * 16, 16)]
                dl = d - lo
                ok = (dl >= 0) & (dl < _SPAN)
                dstl_v[pl.ds(k2 * 16, 16)] = jnp.where(ok, dl, _TRASH)
                return 0
            lax.fori_loop(0, _CH // 16, remap, 0)
            pltpu.make_async_copy(h2p_hbm.at[srcs[b]], rows[b], sems[b]).wait()
            pltpu.sync_copy(rows[b], acc_sh.at[dstl_v], add=True)

        for b0 in range(3):
            issue(b0, b0)

        def quad(p, _):
            for b in range(4):
                j = p * 4 + b

                @pl.when(j + 3 < _NCH)
                def _():
                    issue(j + 3, (b + 3) % 4)
                finish(j, b)
            return 0
        lax.fori_loop(0, _NCH // 4, quad, 0)

        plsc.subcore_barrier()
        pltpu.sync_copy(acc_sh.at[pl.ds(sid * _APT, _APT)],
                        acc_out.at[sp, cid, pl.ds(sid * _APT, _APT)])
        plsc.subcore_barrier()



def _tc1_body(x_ref, w0_ref, b0_ref, wc_ref, o_ref):
    h = jnp.dot(x_ref[...], w0_ref[...], preferred_element_type=jnp.float32)
    h = jnp.maximum(h + b0_ref[...][None, :], 0.0)
    o_ref[...] = jnp.dot(h, wc_ref[...], preferred_element_type=jnp.float32)


_tc1 = pl.pallas_call(
    _tc1_body,
    grid=(50,),
    in_specs=[
        pl.BlockSpec((1000, _DIN), lambda i: (i, 0)),
        pl.BlockSpec((_DIN, _DIM), lambda i: (0, 0)),
        pl.BlockSpec((_DIM,), lambda i: (0,)),
        pl.BlockSpec((_DIM, _DIM), lambda i: (0, 0)),
    ],
    out_specs=pl.BlockSpec((1000, _DIM), lambda i: (i, 0)),
    out_shape=jax.ShapeDtypeStruct((_N, _DIM), jnp.float32),
)



def _tc2_body(degp_ref, h2_ref, dinv_ref, h2p_ref):
    deg = degp_ref[0, :] + degp_ref[1, :] + 1.0
    dinv = lax.rsqrt(deg)
    dinv_ref[...] = dinv[:, None]
    h2p_ref[...] = h2_ref[...] * dinv[:, None]


_tc2 = pl.pallas_call(
    _tc2_body,
    grid=(49,),
    in_specs=[
        pl.BlockSpec((_NC, 1024), lambda i: (0, i)),
        pl.BlockSpec((1024, _DIM), lambda i: (i, 0)),
    ],
    out_specs=[
        pl.BlockSpec((1024, 1), lambda i: (i, 0)),
        pl.BlockSpec((1024, _DIM), lambda i: (i, 0)),
    ],
    out_shape=[
        jax.ShapeDtypeStruct((_N, 1), jnp.float32),
        jax.ShapeDtypeStruct((_N, _DIM), jnp.float32),
    ],
)



def _tc3_body(accs_ref, dinv_ref, h2_ref, bc_ref, o_ref):
    agg = accs_ref[0, 0] + accs_ref[0, 1]
    dinv = dinv_ref[...]
    out = jnp.maximum(
        dinv * (agg + dinv * h2_ref[...]) + bc_ref[...][None, :], 0.0)
    row = (pl.program_id(0) * 1152
           + lax.broadcasted_iota(jnp.int32, (1152, 1), 0))
    out = jnp.where(row < _N, out, 0.0)
    o_ref[...] = out.T


_tc3 = pl.pallas_call(
    _tc3_body,
    grid=(44,),
    in_specs=[
        pl.BlockSpec((1, _NC, 1152, _DIM), lambda i: (i // 16, 0, i % 16, 0)),
        pl.BlockSpec((1152, 1), lambda i: (i, 0)),
        pl.BlockSpec((1152, _DIM), lambda i: (i, 0)),
        pl.BlockSpec((_DIM,), lambda i: (0,)),
    ],
    out_specs=pl.BlockSpec((_DIM, 1152), lambda i: (0, i)),
    out_shape=jax.ShapeDtypeStruct((_DIM, _NT), jnp.float32),
)



_NB = 27
_BS = 2048


def _tc4_body(ht_ref, batch_ref, wih_ref, bih_ref, whh_ref, bhh_ref,
              w1_ref, b1_ref, w2_ref, b2_ref, o_ref):
    iota_g = lax.broadcasted_iota(jnp.int32, (_B, 1), 0)
    hs = jnp.zeros((_B, _DIM), jnp.float32)
    cs = jnp.zeros((_B, _DIM), jnp.float32)
    q_star = jnp.zeros((_B, 2 * _DIM), jnp.float32)

    for _ in range(3):
        gates = (jnp.dot(q_star, wih_ref[...], preferred_element_type=jnp.float32)
                 + bih_ref[...][None, :]
                 + jnp.dot(hs, whh_ref[...], preferred_element_type=jnp.float32)
                 + bhh_ref[...][None, :])
        i_g = jax.nn.sigmoid(gates[:, :_DIM])
        f_g = jax.nn.sigmoid(gates[:, _DIM:2 * _DIM])
        g_g = jnp.tanh(gates[:, 2 * _DIM:3 * _DIM])
        o_g = jax.nn.sigmoid(gates[:, 3 * _DIM:])
        cs = f_g * cs + i_g * g_g
        hs = o_g * jnp.tanh(cs)
        q = hs

        def pass1(nb, emax):
            bb = batch_ref[pl.ds(nb * _BS, _BS)]
            valid = (bb < _B)[None, :]
            hbt = jnp.where(valid, ht_ref[:, pl.ds(nb * _BS, _BS)], 0.0)
            obt = (iota_g == bb[None, :]).astype(jnp.float32)
            qbt = lax.dot_general(q, obt, (((0,), (0,)), ((), ())),
                                  preferred_element_type=jnp.float32)
            ebt = jnp.sum(hbt * qbt, axis=0, keepdims=True)
            m = jnp.max(jnp.where(obt > 0, ebt, -1e30), axis=1, keepdims=True)
            return jnp.maximum(emax, m)
        emax = lax.fori_loop(0, _NB, pass1,
                             jnp.full((_B, 1), -1e30, jnp.float32))

        def pass2(nb, carry):
            denom, racc = carry
            bb = batch_ref[pl.ds(nb * _BS, _BS)]
            valid = (bb < _B)[None, :]
            hbt = jnp.where(valid, ht_ref[:, pl.ds(nb * _BS, _BS)], 0.0)
            obt = (iota_g == bb[None, :]).astype(jnp.float32)
            qbt = lax.dot_general(q, obt, (((0,), (0,)), ((), ())),
                                  preferred_element_type=jnp.float32)
            ebt = jnp.sum(hbt * qbt, axis=0, keepdims=True)
            mg = lax.dot_general(emax, obt, (((0,), (0,)), ((), ())),
                                 preferred_element_type=jnp.float32)
            ab = jnp.where(obt > 0, jnp.exp(ebt - mg), 0.0)
            denom = denom + jnp.sum(ab, axis=1, keepdims=True)
            racc = racc + lax.dot_general(
                ab, hbt, (((1,), (1,)), ((), ())),
                preferred_element_type=jnp.float32)
            return denom, racc
        denom, racc = lax.fori_loop(
            0, _NB, pass2,
            (jnp.zeros((_B, 1), jnp.float32),
             jnp.zeros((_B, _DIM), jnp.float32)))

        r = jnp.where(denom > 0, racc / denom, 0.0)
        q_star = jnp.concatenate([q, r], axis=1)

    o1 = jnp.maximum(
        jnp.dot(q_star, w1_ref[...], preferred_element_type=jnp.float32)
        + b1_ref[...][None, :], 0.0)
    o_ref[...] = (jnp.dot(o1, w2_ref[...], preferred_element_type=jnp.float32)
                  + b2_ref[...][None, :])


_tc4 = pl.pallas_call(
    _tc4_body,
    out_shape=jax.ShapeDtypeStruct((_B, _OUT), jnp.float32),
)


def kernel(x, edge_index, batch, W0, b0, Wc, bc, Wih, bih, Whh, bhh,
           W1, b1, W2, b2):
    src = edge_index[0].astype(jnp.int32)
    dst = edge_index[1].astype(jnp.int32)
    pad = _E_PAD - _E
    src_p = jnp.concatenate([src, jnp.zeros((pad,), jnp.int32)])
    dst_p = jnp.concatenate([dst, jnp.full((pad,), _N, jnp.int32)])
    batch32 = jnp.concatenate([batch.astype(jnp.int32),
                           jnp.full((_NT - _N,), _B, jnp.int32)])

    h2 = _tc1(x, W0, b0, Wc)
    degp = _sc_deg(dst_p)
    dinv, h2p = _tc2(degp, h2)
    accs = _sc_agg(src_p, dst_p, h2p)
    out2 = _tc3(accs, dinv, h2, bc)
    return _tc4(out2, batch32, Wih, bih, Whh, bhh, W1, b1, W2, b2)

# --- scband reference (transcript-rebuilt; emitter-appended) ---
"""Pipeline reference for scband-gcn-54494545052138 (READ-ONLY COPY).

The authoritative reference and input builder live on the scoring server;
editing this copy changes nothing except your own understanding.
"""

import jax, jax.numpy as jnp
import numpy as np

N = 50000
E = 800000
DIN = 128
DIM = 64
OUT = 2
B = 256

def setup_inputs(seed: int = 0) -> dict:
    key = jax.random.key(seed)
    ks = jax.random.split(key, 16)
    x = jax.random.normal(ks[0], (N, DIN), dtype=jnp.float32)
    edge_index = jax.random.randint(ks[1], (2, E), 0, N, dtype=jnp.int64)
    batch = jnp.sort(jax.random.randint(ks[2], (N,), 0, B, dtype=jnp.int64))
    s = 1.0 / np.sqrt(DIM)
    W0 = jax.random.normal(ks[3], (DIN, DIM), dtype=jnp.float32) * (1.0 / np.sqrt(DIN))
    b0 = jnp.zeros((DIM,), dtype=jnp.float32)
    Wc = jax.random.normal(ks[4], (DIM, DIM), dtype=jnp.float32) * s
    bc = jnp.zeros((DIM,), dtype=jnp.float32)
    Wih = jax.random.normal(ks[5], (2 * DIM, 4 * DIM), dtype=jnp.float32) * s
    bih = jnp.zeros((4 * DIM,), dtype=jnp.float32)
    Whh = jax.random.normal(ks[6], (DIM, 4 * DIM), dtype=jnp.float32) * s
    bhh = jnp.zeros((4 * DIM,), dtype=jnp.float32)
    W1 = jax.random.normal(ks[7], (2 * DIM, DIM), dtype=jnp.float32) * (1.0 / np.sqrt(2 * DIM))
    b1 = jnp.zeros((DIM,), dtype=jnp.float32)
    W2 = jax.random.normal(ks[8], (DIM, OUT), dtype=jnp.float32) * s
    b2 = jnp.zeros((OUT,), dtype=jnp.float32)
    return {"x": x, "edge_index": edge_index, "batch": batch,
            "W0": W0, "b0": b0, "Wc": Wc, "bc": bc,
            "Wih": Wih, "bih": bih, "Whh": Whh, "bhh": bhh,
            "W1": W1, "b1": b1, "W2": W2, "b2": b2}


def _gcn_conv(h, edge_index, Wc, bc):
    h = h @ Wc
    loop = jnp.arange(N, dtype=edge_index.dtype)
    src = jnp.concatenate([edge_index[0], loop])
    dst = jnp.concatenate([edge_index[1], loop])
    deg = jax.ops.segment_sum(jnp.ones_like(src, dtype=h.dtype), dst, num_segments=N)
    dinv = jnp.where(deg > 0, 1.0 / jnp.sqrt(deg), 0.0)
    norm = dinv[src] * dinv[dst]
    msg = norm[:, None] * h[src]
    out = jnp.zeros((N, DIM), dtype=h.dtype).at[dst].add(msg)
    return out + bc


def _set2set(h, batch, Wih, bih, Whh, bhh):
    hs = jnp.zeros((B, DIM), dtype=h.dtype)
    cs = jnp.zeros((B, DIM), dtype=h.dtype)
    q_star = jnp.zeros((B, 2 * DIM), dtype=h.dtype)
    for _ in range(3):
        gates = q_star @ Wih + bih + hs @ Whh + bhh
        i, f, g, o = jnp.split(gates, 4, axis=-1)
        i = jax.nn.sigmoid(i)
        f = jax.nn.sigmoid(f)
        g = jnp.tanh(g)
        o = jax.nn.sigmoid(o)
        cs = f * cs + i * g
        hs = o * jnp.tanh(cs)
        q = hs
        e = jnp.sum(h * q[batch], axis=-1)
        emax = jax.ops.segment_max(e, batch, num_segments=B)
        a = jnp.exp(e - emax[batch])
        denom = jax.ops.segment_sum(a, batch, num_segments=B)
        a = a / denom[batch]
        r = jax.ops.segment_sum(a[:, None] * h, batch, num_segments=B)
        q_star = jnp.concatenate([q, r], axis=-1)
    return q_star


def reference(x, edge_index, batch, W0, b0, Wc, bc, Wih, bih, Whh, bhh, W1, b1, W2, b2):
    out = jax.nn.relu(x @ W0 + b0)
    out = jax.nn.relu(_gcn_conv(out, edge_index, Wc, bc))
    out = _set2set(out, batch, Wih, bih, Whh, bhh)
    out = jax.nn.relu(out @ W1 + b1)
    out = out @ W2 + b2
    return out

if __name__ == "__main__":
    import jax
    _d = setup_inputs()
    print(jax.jit(kernel)(*tuple(_d.values())))

</pallas_src>

<mosaic_0001>
#map = affine_map<(d0, d1) -> (0)>
#map1 = affine_map<(d0, d1) -> (0, 0)>
#map2 = affine_map<(d0, d1) -> (0, 0, 0, 0)>
module attributes {stable_mosaic.version = 14 : i64} {
  func.func @_sc_agg(%arg0: i32, %arg1: i32, %arg2: memref<819200xi32, #tpu.memory_space<hbm>>, %arg3: memref<819200xi32, #tpu.memory_space<hbm>>, %arg4: memref<50000x64xf32, #tpu.memory_space<hbm>>, %arg5: memref<3x2x18496x64xf32, #tpu.memory_space<hbm>>, %arg6: memref<128xi32, #tpu.memory_space<vmem>>, %arg7: memref<128xi32, #tpu.memory_space<vmem>>, %arg8: memref<128xi32, #tpu.memory_space<vmem>>, %arg9: memref<128xi32, #tpu.memory_space<vmem>>, %arg10: memref<128xi32, #tpu.memory_space<vmem>>, %arg11: memref<128xi32, #tpu.memory_space<vmem>>, %arg12: memref<128xi32, #tpu.memory_space<vmem>>, %arg13: memref<128xi32, #tpu.memory_space<vmem>>, %arg14: memref<128xi32, #tpu.memory_space<vmem>>, %arg15: memref<128x64xf32, #tpu.memory_space<vmem>>, %arg16: memref<128x64xf32, #tpu.memory_space<vmem>>, %arg17: memref<128x64xf32, #tpu.memory_space<vmem>>, %arg18: memref<128x64xf32, #tpu.memory_space<vmem>>, %arg19: memref<289x64xf32, #tpu.memory_space<vmem>>, %arg20: memref<!tpu.dma_semaphore, #tpu.memory_space<semaphore_mem>>, %arg21: memref<!tpu.dma_semaphore, #tpu.memory_space<semaphore_mem>>, %arg22: memref<!tpu.dma_semaphore, #tpu.memory_space<semaphore_mem>>, %arg23: memref<!tpu.dma_semaphore, #tpu.memory_space<semaphore_mem>>, %arg24: memref<18496x64xf32, #tpu.memory_space<vmem_shared>>) attributes {dimension_semantics = [#tpu.dimension_semantics<core_parallel>, #tpu.dimension_semantics<subcore_parallel>], iteration_bounds = array<i64: 2, 16>, scalar_prefetch = 0 : i64, scratch_operands = 19 : i64, tpu.core_type = #tpu.core_type<sc_vector_subcore>, window_params = [{transform_indices = #map}, {transform_indices = #map}, {transform_indices = #map1}, {transform_indices = #map2}]} {
    %mul3A = arith.constant 2 : i32
    %mul3A_0 = arith.muli %arg1, %mul3A : i32
    %add3A = arith.addi %mul3A_0, %arg0 : i32
    %mul3A_1 = arith.constant 25600 : i32
    %mul3A_2 = arith.muli %add3A, %mul3A_1 : i32
    %scan3A = arith.constant 0 : i32
    %scan3A_3 = arith.constant 0 : i32
    %scan3A_4 = arith.constant 1156 : i32
    %scan3A_5 = arith.addi %scan3A_3, %scan3A_4 : i32
    %scan3A_6 = arith.constant 1 : i32
    %scan3A_7 = scf.for %scan3A_162 = %scan3A_3 to %scan3A_5 step %scan3A_6 iter_args(%scan3A_163 = %scan3A) -> (i32)  : i32 {
      %jit3A = arith.constant 4 : i32
      %div3A = arith.divsi %scan3A_162, %jit3A : i32
      %sign3A = arith.constant 0 : i32
      %sign3A_164 = arith.cmpi sgt, %scan3A_162, %sign3A : i32
      %sign3A_165 = arith.extui %sign3A_164 : i1 to i32
      %sign3A_166 = arith.constant 0 : i32
      %sign3A_167 = arith.cmpi slt, %scan3A_162, %sign3A_166 : i32
      %sign3A_168 = arith.extui %sign3A_167 : i1 to i32
      %sign3A_169 = arith.subi %sign3A_165, %sign3A_168 : i32
      %sign3A_170 = arith.constant 0 : i32
      %sign3A_171 = arith.cmpi sgt, %jit3A, %sign3A_170 : i32
      %sign3A_172 = arith.extui %sign3A_171 : i1 to i32
      %sign3A_173 = arith.constant 0 : i32
      %sign3A_174 = arith.cmpi slt, %jit3A, %sign3A_173 : i32
      %sign3A_175 = arith.extui %sign3A_174 : i1 to i32
      %sign3A_176 = arith.subi %sign3A_172, %sign3A_175 : i32
      %ne3A = arith.cmpi ne, %sign3A_169, %sign3A_176 : i32
      %rem3A = arith.remsi %scan3A_162, %jit3A : i32
      %ne3A_177 = arith.constant 0 : i32
      %ne3A_178 = arith.cmpi ne, %rem3A, %ne3A_177 : i32
      %and3A = arith.andi %ne3A, %ne3A_178 : i1
      %sub3A = arith.constant 1 : i32
      %sub3A_179 = arith.subi %div3A, %sub3A : i32
      %select_n3A = arith.select %and3A, %sub3A_179, %div3A : i32
      %jit3A_180 = arith.constant 4 : i32
      %eq3A = arith.constant 0 : i32
      %eq3A_181 = arith.cmpi eq, %jit3A_180, %eq3A : i32
      %jit3A_182 = arith.constant 1 : i32
      %select_n3A_183 = arith.select %eq3A_181, %jit3A_182, %jit3A_180 : i32
      %rem3A_184 = arith.remsi %scan3A_162, %select_n3A_183 : i32
      %ne3A_185 = arith.constant 0 : i32
      %ne3A_186 = arith.cmpi ne, %rem3A_184, %ne3A_185 : i32
      %lt3A = arith.constant 0 : i32
      %lt3A_187 = arith.cmpi slt, %rem3A_184, %lt3A : i32
      %lt3A_188 = arith.constant 0 : i32
      %lt3A_189 = arith.cmpi slt, %select_n3A_183, %lt3A_188 : i32
      %ne3A_190 = arith.xori %lt3A_187, %lt3A_189 : i1
      %and3A_191 = arith.andi %ne3A_190, %ne3A_186 : i1
      %add3A_192 = arith.addi %rem3A_184, %select_n3A_183 : i32
      %select_n3A_193 = arith.select %and3A_191, %add3A_192, %rem3A_184 : i32
      %mul3A_194 = arith.constant 16 : i32
      %mul3A_195 = arith.muli %select_n3A_193, %mul3A_194 : i32
      %broadcast_in_dim3A = arith.constant 0.000000e+00 : f32
      %broadcast_in_dim3A_196 = vector.broadcast %broadcast_in_dim3A : f32 to vector<16xf32>
      %swap3A = arith.index_cast %select_n3A : i32 to index
      %swap3A_197 = arith.index_cast %mul3A_195 : i32 to index
      %swap3A_198 = tpu.vector_load %arg19[%swap3A, %swap3A_197] {strides = array<i32>} : memref<289x64xf32, #tpu.memory_space<vmem>>, vector<1x16xf32>,
      %swap3A_199 = vector.shape_cast %swap3A_198 : vector<1x16xf32> to vector<16xf32>
      %swap3A_200 = vector.shape_cast %broadcast_in_dim3A_196 : vector<16xf32> to vector<1x16xf32>
      tpu.vector_store %arg19[%swap3A, %swap3A_197], %swap3A_200 {strides = array<i32>} : memref<289x64xf32, #tpu.memory_space<vmem>>, vector<1x16xf32>,
      %scan3A_201 = arith.constant 0 : i32
      scf.yield %scan3A_201 : i32
    }
    %scan3A_8 = arith.constant 1156 : i32
    %mul3A_9 = arith.constant 1156 : i32
    %mul3A_10 = arith.muli %arg1, %mul3A_9 : i32
    %add3A_11 = arith.constant 0 : i32
    %add3A_12 = arith.addi %mul3A_10, %add3A_11 : i32
    "tpu.region"() ({
      %run_scoped3A_162 = tpu.sem_alloc : memref<!tpu.dma_semaphore, #tpu.memory_space<semaphore_mem>>
      %dma_start3A_163 = arith.constant 0 : i32
      %dma_start3A_164 = tpu.memref_slice %arg24[%add3A_12, %dma_start3A_163] : memref<18496x64xf32, #tpu.memory_space<vmem_shared>> -> memref<289x64xf32, #tpu.memory_space<vmem_shared>>
      %dma_start3A_165 = arith.constant 0 : i32
      %dma_start3A_166 = tpu.memref_slice %arg24[%add3A_12, %dma_start3A_165] : memref<18496x64xf32, #tpu.memory_space<vmem_shared>> -> memref<289x64xf32, #tpu.memory_space<vmem_shared>>
      tpu.enqueue_dma source(%arg19 : memref<289x64xf32, #tpu.memory_space<vmem>>) target(%dma_start3A_166 : memref<289x64xf32, #tpu.memory_space<vmem_shared>>) target_semaphore(%run_scoped3A_162 : memref<!tpu.dma_semaphore, #tpu.memory_space<semaphore_mem>>)
      %dma_wait3A = arith.constant 0 : i32
      %dma_wait3A_167 = tpu.memref_slice %arg24[%add3A_12, %dma_wait3A] : memref<18496x64xf32, #tpu.memory_space<vmem_shared>> -> memref<289x64xf32, #tpu.memory_space<vmem_shared>>
      %dma_wait3A_168 = arith.constant 0 : i32
      %dma_wait3A_169 = tpu.memref_slice %arg24[%add3A_12, %dma_wait3A_168] : memref<18496x64xf32, #tpu.memory_space<vmem_shared>> -> memref<289x64xf32, #tpu.memory_space<vmem_shared>>
      tpu.wait_dma2 semaphore(%run_scoped3A_162 : memref<!tpu.dma_semaphore, #tpu.memory_space<semaphore_mem>>) src(%arg19 : memref<289x64xf32, #tpu.memory_space<vmem>>) dst(%dma_wait3A_169 : memref<289x64xf32, #tpu.memory_space<vmem_shared>>)
      tpu.yield
    }) : () -> ()
    %mul3A_13 = arith.constant 1156 : i32
    %mul3A_14 = arith.muli %arg1, %mul3A_13 : i32
    %add3A_15 = arith.constant 289 : i32
    %add3A_16 = arith.addi %mul3A_14, %add3A_15 : i32
    "tpu.region"() ({
      %run_scoped3A_162 = tpu.sem_alloc : memref<!tpu.dma_semaphore, #tpu.memory_space<semaphore_mem>>
      %dma_start3A_163 = arith.constant 0 : i32
      %dma_start3A_164 = tpu.memref_slice %arg24[%add3A_16, %dma_start3A_163] : memref<18496x64xf32, #tpu.memory_space<vmem_shared>> -> memref<289x64xf32, #tpu.memory_space<vmem_shared>>
      %dma_start3A_165 = arith.constant 0 : i32
      %dma_start3A_166 = tpu.memref_slice %arg24[%add3A_16, %dma_start3A_165] : memref<18496x64xf32, #tpu.memory_space<vmem_shared>> -> memref<289x64xf32, #tpu.memory_space<vmem_shared>>
      tpu.enqueue_dma source(%arg19 : memref<289x64xf32, #tpu.memory_space<vmem>>) target(%dma_start3A_166 : memref<289x64xf32, #tpu.memory_space<vmem_shared>>) target_semaphore(%run_scoped3A_162 : memref<!tpu.dma_semaphore, #tpu.memory_space<semaphore_mem>>)
      %dma_wait3A = arith.constant 0 : i32
      %dma_wait3A_167 = tpu.memref_slice %arg24[%add3A_16, %dma_wait3A] : memref<18496x64xf32, #tpu.memory_space<vmem_shared>> -> memref<289x64xf32, #tpu.memory_space<vmem_shared>>
      %dma_wait3A_168 = arith.constant 0 : i32
      %dma_wait3A_169 = tpu.memref_slice %arg24[%add3A_16, %dma_wait3A_168] : memref<18496x64xf32, #tpu.memory_space<vmem_shared>> -> memref<289x64xf32, #tpu.memory_space<vmem_shared>>
      tpu.wait_dma2 semaphore(%run_scoped3A_162 : memref<!tpu.dma_semaphore, #tpu.memory_space<semaphore_mem>>) src(%arg19 : memref<289x64xf32, #tpu.memory_space<vmem>>) dst(%dma_wait3A_169 : memref<289x64xf32, #tpu.memory_space<vmem_shared>>)
      tpu.yield
    }) : () -> ()
    %mul3A_17 = arith.constant 1156 : i32
    %mul3A_18 = arith.muli %arg1, %mul3A_17 : i32
    %add3A_19 = arith.constant 578 : i32
    %add3A_20 = arith.addi %mul3A_18, %add3A_19 : i32
    "tpu.region"() ({
      %run_scoped3A_162 = tpu.sem_alloc : memref<!tpu.dma_semaphore, #tpu.memory_space<semaphore_mem>>
      %dma_start3A_163 = arith.constant 0 : i32
      %dma_start3A_164 = tpu.memref_slice %arg24[%add3A_20, %dma_start3A_163] : memref<18496x64xf32, #tpu.memory_space<vmem_shared>> -> memref<289x64xf32, #tpu.memory_space<vmem_shared>>
      %dma_start3A_165 = arith.constant 0 : i32
      %dma_start3A_166 = tpu.memref_slice %arg24[%add3A_20, %dma_start3A_165] : memref<18496x64xf32, #tpu.memory_space<vmem_shared>> -> memref<289x64xf32, #tpu.memory_space<vmem_shared>>
      tpu.enqueue_dma source(%arg19 : memref<289x64xf32, #tpu.memory_space<vmem>>) target(%dma_start3A_166 : memref<289x64xf32, #tpu.memory_space<vmem_shared>>) target_semaphore(%run_scoped3A_162 : memref<!tpu.dma_semaphore, #tpu.memory_space<semaphore_mem>>)
      %dma_wait3A = arith.constant 0 : i32
      %dma_wait3A_167 = tpu.memref_slice %arg24[%add3A_20, %dma_wait3A] : memref<18496x64xf32, #tpu.memory_space<vmem_shared>> -> memref<289x64xf32, #tpu.memory_space<vmem_shared>>
      %dma_wait3A_168 = arith.constant 0 : i32
      %dma_wait3A_169 = tpu.memref_slice %arg24[%add3A_20, %dma_wait3A_168] : memref<18496x64xf32, #tpu.memory_space<vmem_shared>> -> memref<289x64xf32, #tpu.memory_space<vmem_shared>>
      tpu.wait_dma2 semaphore(%run_scoped3A_162 : memref<!tpu.dma_semaphore, #tpu.memory_space<semaphore_mem>>) src(%arg19 : memref<289x64xf32, #tpu.memory_space<vmem>>) dst(%dma_wait3A_169 : memref<289x64xf32, #tpu.memory_space<vmem_shared>>)
      tpu.yield
    }) : () -> ()
    %mul3A_21 = arith.constant 1156 : i32
    %mul3A_22 = arith.muli %arg1, %mul3A_21 : i32
    %add3A_23 = arith.constant 867 : i32
    %add3A_24 = arith.addi %mul3A_22, %add3A_23 : i32
    "tpu.region"() ({
      %run_scoped3A_162 = tpu.sem_alloc : memref<!tpu.dma_semaphore, #tpu.memory_space<semaphore_mem>>
      %dma_start3A_163 = arith.constant 0 : i32
      %dma_start3A_164 = tpu.memref_slice %arg24[%add3A_24, %dma_start3A_163] : memref<18496x64xf32, #tpu.memory_space<vmem_shared>> -> memref<289x64xf32, #tpu.memory_space<vmem_shared>>
      %dma_start3A_165 = arith.constant 0 : i32
      %dma_start3A_166 = tpu.memref_slice %arg24[%add3A_24, %dma_start3A_165] : memref<18496x64xf32, #tpu.memory_space<vmem_shared>> -> memref<289x64xf32, #tpu.memory_space<vmem_shared>>
      tpu.enqueue_dma source(%arg19 : memref<289x64xf32, #tpu.memory_space<vmem>>) target(%dma_start3A_166 : memref<289x64xf32, #tpu.memory_space<vmem_shared>>) target_semaphore(%run_scoped3A_162 : memref<!tpu.dma_semaphore, #tpu.memory_space<semaphore_mem>>)
      %dma_wait3A = arith.constant 0 : i32
      %dma_wait3A_167 = tpu.memref_slice %arg24[%add3A_24, %dma_wait3A] : memref<18496x64xf32, #tpu.memory_space<vmem_shared>> -> memref<289x64xf32, #tpu.memory_space<vmem_shared>>
      %dma_wait3A_168 = arith.constant 0 : i32
      %dma_wait3A_169 = tpu.memref_slice %arg24[%add3A_24, %dma_wait3A_168] : memref<18496x64xf32, #tpu.memory_space<vmem_shared>> -> memref<289x64xf32, #tpu.memory_space<vmem_shared>>
      tpu.wait_dma2 semaphore(%run_scoped3A_162 : memref<!tpu.dma_semaphore, #tpu.memory_space<semaphore_mem>>) src(%arg19 : memref<289x64xf32, #tpu.memory_space<vmem>>) dst(%dma_wait3A_169 : memref<289x64xf32, #tpu.memory_space<vmem_shared>>)
      tpu.yield
    }) : () -> ()
    %barrier3A = arith.constant 0 : index
    tpu.barrier barrier_id(%barrier3A)
    %add3A_25 = arith.constant 0 : i32
    %add3A_26 = arith.addi %mul3A_2, %add3A_25 : i32
    "tpu.region"() ({
      %run_scoped3A_162 = tpu.sem_alloc : memref<!tpu.dma_semaphore, #tpu.memory_space<semaphore_mem>>
      %dma_start3A_163 = tpu.memref_slice %arg2[%add3A_26] : memref<819200xi32, #tpu.memory_space<hbm>> -> memref<128xi32, #tpu.memory_space<hbm>>
      %dma_start3A_164 = tpu.memref_slice %arg2[%add3A_26] : memref<819200xi32, #tpu.memory_space<hbm>> -> memref<128xi32, #tpu.memory_space<hbm>>
      tpu.enqueue_dma source(%dma_start3A_164 : memref<128xi32, #tpu.memory_space<hbm>>) target(%arg6 : memref<128xi32, #tpu.memory_space<vmem>>) target_semaphore(%run_scoped3A_162 : memref<!tpu.dma_semaphore, #tpu.memory_space<semaphore_mem>>)
      %dma_wait3A = tpu.memref_slice %arg2[%add3A_26] : memref<819200xi32, #tpu.memory_space<hbm>> -> memref<128xi32, #tpu.memory_space<hbm>>
      %dma_wait3A_165 = tpu.memref_slice %arg2[%add3A_26] : memref<819200xi32, #tpu.memory_space<hbm>> -> memref<128xi32, #tpu.memory_space<hbm>>
      tpu.wait_dma2 semaphore(%run_scoped3A_162 : memref<!tpu.dma_semaphore, #tpu.memory_space<semaphore_mem>>) src(%dma_wait3A_165 : memref<128xi32, #tpu.memory_space<hbm>>) dst(%arg6 : memref<128xi32, #tpu.memory_space<vmem>>)
      tpu.yield
    }) : () -> ()
    %add3A_27 = arith.constant 0 : i32
    %add3A_28 = arith.addi %mul3A_2, %add3A_27 : i32
    "tpu.region"() ({
      %run_scoped3A_162 = tpu.sem_alloc : memref<!tpu.dma_semaphore, #tpu.memory_space<semaphore_mem>>
      %dma_start3A_163 = tpu.memref_slice %arg3[%add3A_28] : memref<819200xi32, #tpu.memory_space<hbm>> -> memref<128xi32, #tpu.memory_space<hbm>>
      %dma_start3A_164 = tpu.memref_slice %arg3[%add3A_28] : memref<819200xi32, #tpu.memory_space<hbm>> -> memref<128xi32, #tpu.memory_space<hbm>>
      tpu.enqueue_dma source(%dma_start3A_164 : memref<128xi32, #tpu.memory_space<hbm>>) target(%arg10 : memref<128xi32, #tpu.memory_space<vmem>>) target_semaphore(%run_scoped3A_162 : memref<!tpu.dma_semaphore, #tpu.memory_space<semaphore_mem>>)
      %dma_wait3A = tpu.memref_slice %arg3[%add3A_28] : memref<819200xi32, #tpu.memory_space<hbm>> -> memref<128xi32, #tpu.memory_space<hbm>>
      %dma_wait3A_165 = tpu.memref_slice %arg3[%add3A_28] : memref<819200xi32, #tpu.memory_space<hbm>> -> memref<128xi32, #tpu.memory_space<hbm>>
      tpu.wait_dma2 semaphore(%run_scoped3A_162 : memref<!tpu.dma_semaphore, #tpu.memory_space<semaphore_mem>>) src(%dma_wait3A_165 : memref<128xi32, #tpu.memory_space<hbm>>) dst(%arg10 : memref<128xi32, #tpu.memory_space<vmem>>)
      tpu.yield
    }) : () -> ()
    %dma_start3A = arith.constant 0 : i32
    %dma_start3A_29 = arith.constant 0 : i32
    %dma_start3A_30 = tpu.memref_slice %arg4[%dma_start3A, %dma_start3A_29] : memref<50000x64xf32, #tpu.memory_space<hbm>> -> memref<50000x64xf32, #tpu.memory_space<hbm>>
    tpu.enqueue_indirect_dma source(%dma_start3A_30 : memref<50000x64xf32, #tpu.memory_space<hbm>>) target(%arg15 : memref<128x64xf32, #tpu.memory_space<vmem>>) offsets(%arg6 : memref<128xi32, #tpu.memory_space<vmem>>) semaphore(%arg20 : memref<!tpu.dma_semaphore, #tpu.memory_space<semaphore_mem>>)
    %add3A_31 = arith.constant 128 : i32
    %add3A_32 = arith.addi %mul3A_2, %add3A_31 : i32
    "tpu.region"() ({
      %run_scoped3A_162 = tpu.sem_alloc : memref<!tpu.dma_semaphore, #tpu.memory_space<semaphore_mem>>
      %dma_start3A_163 = tpu.memref_slice %arg2[%add3A_32] : memref<819200xi32, #tpu.memory_space<hbm>> -> memref<128xi32, #tpu.memory_space<hbm>>
      %dma_start3A_164 = tpu.memref_slice %arg2[%add3A_32] : memref<819200xi32, #tpu.memory_space<hbm>> -> memref<128xi32, #tpu.memory_space<hbm>>
      tpu.enqueue_dma source(%dma_start3A_164 : memref<128xi32, #tpu.memory_space<hbm>>) target(%arg7 : memref<128xi32, #tpu.memory_space<vmem>>) target_semaphore(%run_scoped3A_162 : memref<!tpu.dma_semaphore, #tpu.memory_space<semaphore_mem>>)
      %dma_wait3A = tpu.memref_slice %arg2[%add3A_32] : memref<819200xi32, #tpu.memory_space<hbm>> -> memref<128xi32, #tpu.memory_space<hbm>>
      %dma_wait3A_165 = tpu.memref_slice %arg2[%add3A_32] : memref<819200xi32, #tpu.memory_space<hbm>> -> memref<128xi32, #tpu.memory_space<hbm>>
      tpu.wait_dma2 semaphore(%run_scoped3A_162 : memref<!tpu.dma_semaphore, #tpu.memory_space<semaphore_mem>>) src(%dma_wait3A_165 : memref<128xi32, #tpu.memory_space<hbm>>) dst(%arg7 : memref<128xi32, #tpu.memory_space<vmem>>)
      tpu.yield
    }) : () -> ()
    %add3A_33 = arith.constant 128 : i32
    %add3A_34 = arith.addi %mul3A_2, %add3A_33 : i32
    "tpu.region"() ({
      %run_scoped3A_162 = tpu.sem_alloc : memref<!tpu.dma_semaphore, #tpu.memory_space<semaphore_mem>>
      %dma_start3A_163 = tpu.memref_slice %arg3[%add3A_34] : memref<819200xi32, #tpu.memory_space<hbm>> -> memref<128xi32, #tpu.memory_space<hbm>>
      %dma_start3A_164 = tpu.memref_slice %arg3[%add3A_34] : memref<819200xi32, #tpu.memory_space<hbm>> -> memref<128xi32, #tpu.memory_space<hbm>>
      tpu.enqueue_dma source(%dma_start3A_164 : memref<128xi32, #tpu.memory_space<hbm>>) target(%arg11 : memref<128xi32, #tpu.memory_space<vmem>>) target_semaphore(%run_scoped3A_162 : memref<!tpu.dma_semaphore, #tpu.memory_space<semaphore_mem>>)
      %dma_wait3A = tpu.memref_slice %arg3[%add3A_34] : memref<819200xi32, #tpu.memory_space<hbm>> -> memref<128xi32, #tpu.memory_space<hbm>>
      %dma_wait3A_165 = tpu.memref_slice %arg3[%add3A_34] : memref<819200xi32, #tpu.memory_space<hbm>> -> memref<128xi32, #tpu.memory_space<hbm>>
      tpu.wait_dma2 semaphore(%run_scoped3A_162 : memref<!tpu.dma_semaphore, #tpu.memory_space<semaphore_mem>>) src(%dma_wait3A_165 : memref<128xi32, #tpu.memory_space<hbm>>) dst(%arg11 : memref<128xi32, #tpu.memory_space<vmem>>)
      tpu.yield
    }) : () -> ()
    %dma_start3A_35 = arith.constant 0 : i32
    %dma_start3A_36 = arith.constant 0 : i32
    %dma_start3A_37 = tpu.memref_slice %arg4[%dma_start3A_35, %dma_start3A_36] : memref<50000x64xf32, #tpu.memory_space<hbm>> -> memref<50000x64xf32, #tpu.memory_space<hbm>>
    tpu.enqueue_indirect_dma source(%dma_start3A_37 : memref<50000x64xf32, #tpu.memory_space<hbm>>) target(%arg16 : memref<128x64xf32, #tpu.memory_space<vmem>>) offsets(%arg7 : memref<128xi32, #tpu.memory_space<vmem>>) semaphore(%arg21 : memref<!tpu.dma_semaphore, #tpu.memory_space<semaphore_mem>>)
    %add3A_38 = arith.constant 256 : i32
    %add3A_39 = arith.addi %mul3A_2, %add3A_38 : i32
    "tpu.region"() ({
      %run_scoped3A_162 = tpu.sem_alloc : memref<!tpu.dma_semaphore, #tpu.memory_space<semaphore_mem>>
      %dma_start3A_163 = tpu.memref_slice %arg2[%add3A_39] : memref<819200xi32, #tpu.memory_space<hbm>> -> memref<128xi32, #tpu.memory_space<hbm>>
      %dma_start3A_164 = tpu.memref_slice %arg2[%add3A_39] : memref<819200xi32, #tpu.memory_space<hbm>> -> memref<128xi32, #tpu.memory_space<hbm>>
      tpu.enqueue_dma source(%dma_start3A_164 : memref<128xi32, #tpu.memory_space<hbm>>) target(%arg8 : memref<128xi32, #tpu.memory_space<vmem>>) target_semaphore(%run_scoped3A_162 : memref<!tpu.dma_semaphore, #tpu.memory_space<semaphore_mem>>)
      %dma_wait3A = tpu.memref_slice %arg2[%add3A_39] : memref<819200xi32, #tpu.memory_space<hbm>> -> memref<128xi32, #tpu.memory_space<hbm>>
      %dma_wait3A_165 = tpu.memref_slice %arg2[%add3A_39] : memref<819200xi32, #tpu.memory_space<hbm>> -> memref<128xi32, #tpu.memory_space<hbm>>
      tpu.wait_dma2 semaphore(%run_scoped3A_162 : memref<!tpu.dma_semaphore, #tpu.memory_space<semaphore_mem>>) src(%dma_wait3A_165 : memref<128xi32, #tpu.memory_space<hbm>>) dst(%arg8 : memref<128xi32, #tpu.memory_space<vmem>>)
      tpu.yield
    }) : () -> ()
    %add3A_40 = arith.constant 256 : i32
    %add3A_41 = arith.addi %mul3A_2, %add3A_40 : i32
    "tpu.region"() ({
      %run_scoped3A_162 = tpu.sem_alloc : memref<!tpu.dma_semaphore, #tpu.memory_space<semaphore_mem>>
      %dma_start3A_163 = tpu.memref_slice %arg3[%add3A_41] : memref<819200xi32, #tpu.memory_space<hbm>> -> memref<128xi32, #tpu.memory_space<hbm>>
      %dma_start3A_164 = tpu.memref_slice %arg3[%add3A_41] : memref<819200xi32, #tpu.memory_space<hbm>> -> memref<128xi32, #tpu.memory_space<hbm>>
      tpu.enqueue_dma source(%dma_start3A_164 : memref<128xi32, #tpu.memory_space<hbm>>) target(%arg12 : memref<128xi32, #tpu.memory_space<vmem>>) target_semaphore(%run_scoped3A_162 : memref<!tpu.dma_semaphore, #tpu.memory_space<semaphore_mem>>)
      %dma_wait3A = tpu.memref_slice %arg3[%add3A_41] : memref<819200xi32, #tpu.memory_space<hbm>> -> memref<128xi32, #tpu.memory_space<hbm>>
      %dma_wait3A_165 = tpu.memref_slice %arg3[%add3A_41] : memref<819200xi32, #tpu.memory_space<hbm>> -> memref<128xi32, #tpu.memory_space<hbm>>
      tpu.wait_dma2 semaphore(%run_scoped3A_162 : memref<!tpu.dma_semaphore, #tpu.memory_space<semaphore_mem>>) src(%dma_wait3A_165 : memref<128xi32, #tpu.memory_space<hbm>>) dst(%arg12 : memref<128xi32, #tpu.memory_space<vmem>>)
      tpu.yield
    }) : () -> ()
    %dma_start3A_42 = arith.constant 0 : i32
    %dma_start3A_43 = arith.constant 0 : i32
    %dma_start3A_44 = tpu.memref_slice %arg4[%dma_start3A_42, %dma_start3A_43] : memref<50000x64xf32, #tpu.memory_space<hbm>> -> memref<50000x64xf32, #tpu.memory_space<hbm>>
    tpu.enqueue_indirect_dma source(%dma_start3A_44 : memref<50000x64xf32, #tpu.memory_space<hbm>>) target(%arg17 : memref<128x64xf32, #tpu.memory_space<vmem>>) offsets(%arg8 : memref<128xi32, #tpu.memory_space<vmem>>) semaphore(%arg22 : memref<!tpu.dma_semaphore, #tpu.memory_space<semaphore_mem>>)
    %scan3A_45 = arith.constant 0 : i32
    %scan3A_46 = arith.constant 0 : i32
    %scan3A_47 = arith.constant 50 : i32
    %scan3A_48 = arith.addi %scan3A_46, %scan3A_47 : i32
    %scan3A_49 = arith.constant 1 : i32
    %scan3A_50 = scf.for %scan3A_162 = %scan3A_46 to %scan3A_48 step %scan3A_49 iter_args(%scan3A_163 = %scan3A_45) -> (i32)  : i32 {
      %mul3A_164 = arith.constant 4 : i32
      %mul3A_165 = arith.muli %scan3A_162, %mul3A_164 : i32
      %add3A_166 = arith.constant 0 : i32
      %add3A_167 = arith.addi %mul3A_165, %add3A_166 : i32
      %add3A_168 = arith.constant 3 : i32
      %add3A_169 = arith.addi %add3A_167, %add3A_168 : i32
      %lt3A = arith.constant 200 : i32
      %lt3A_170 = arith.cmpi slt, %add3A_169, %lt3A : i32
      %convert_element_type3A = arith.extui %lt3A_170 : i1 to i32
      %cond3A = arith.constant 0 : i32
      %cond3A_171 = arith.cmpi ne, %convert_element_type3A, %cond3A : i32
      scf.if %cond3A_171 {
        %add3A_245 = arith.constant 3 : i32
        %add3A_246 = arith.addi %add3A_167, %add3A_245 : i32
        %mul3A_247 = arith.constant 128 : i32
        %mul3A_248 = arith.muli %add3A_246, %mul3A_247 : i32
        %add3A_249 = arith.addi %mul3A_2, %mul3A_248 : i32
        "tpu.region"() ({
          %run_scoped3A_256 = tpu.sem_alloc : memref<!tpu.dma_semaphore, #tpu.memory_space<semaphore_mem>>
          %dma_start3A_257 = tpu.memref_slice %arg2[%add3A_249] : memref<819200xi32, #tpu.memory_space<hbm>> -> memref<128xi32, #tpu.memory_space<hbm>>
          %dma_start3A_258 = tpu.memref_slice %arg2[%add3A_249] : memref<819200xi32, #tpu.memory_space<hbm>> -> memref<128xi32, #tpu.memory_space<hbm>>
          tpu.enqueue_dma source(%dma_start3A_258 : memref<128xi32, #tpu.memory_space<hbm>>) target(%arg9 : memref<128xi32, #tpu.memory_space<vmem>>) target_semaphore(%run_scoped3A_256 : memref<!tpu.dma_semaphore, #tpu.memory_space<semaphore_mem>>)
          %dma_wait3A_259 = tpu.memref_slice %arg2[%add3A_249] : memref<819200xi32, #tpu.memory_space<hbm>> -> memref<128xi32, #tpu.memory_space<hbm>>
          %dma_wait3A_260 = tpu.memref_slice %arg2[%add3A_249] : memref<819200xi32, #tpu.memory_space<hbm>> -> memref<128xi32, #tpu.memory_space<hbm>>
          tpu.wait_dma2 semaphore(%run_scoped3A_256 : memref<!tpu.dma_semaphore, #tpu.memory_space<semaphore_mem>>) src(%dma_wait3A_260 : memref<128xi32, #tpu.memory_space<hbm>>) dst(%arg9 : memref<128xi32, #tpu.memory_space<vmem>>)
          tpu.yield
        }) : () -> ()
        %mul3A_250 = arith.constant 128 : i32
        %mul3A_251 = arith.muli %add3A_246, %mul3A_250 : i32
        %add3A_252 = arith.addi %mul3A_2, %mul3A_251 : i32
        "tpu.region"() ({
          %run_scoped3A_256 = tpu.sem_alloc : memref<!tpu.dma_semaphore, #tpu.memory_space<semaphore_mem>>
          %dma_start3A_257 = tpu.memref_slice %arg3[%add3A_252] : memref<819200xi32, #tpu.memory_space<hbm>> -> memref<128xi32, #tpu.memory_space<hbm>>
          %dma_start3A_258 = tpu.memref_slice %arg3[%add3A_252] : memref<819200xi32, #tpu.memory_space<hbm>> -> memref<128xi32, #tpu.memory_space<hbm>>
          tpu.enqueue_dma source(%dma_start3A_258 : memref<128xi32, #tpu.memory_space<hbm>>) target(%arg13 : memref<128xi32, #tpu.memory_space<vmem>>) target_semaphore(%run_scoped3A_256 : memref<!tpu.dma_semaphore, #tpu.memory_space<semaphore_mem>>)
          %dma_wait3A_259 = tpu.memref_slice %arg3[%add3A_252] : memref<819200xi32, #tpu.memory_space<hbm>> -> memref<128xi32, #tpu.memory_space<hbm>>
          %dma_wait3A_260 = tpu.memref_slice %arg3[%add3A_252] : memref<819200xi32, #tpu.memory_space<hbm>> -> memref<128xi32, #tpu.memory_space<hbm>>
          tpu.wait_dma2 semaphore(%run_scoped3A_256 : memref<!tpu.dma_semaphore, #tpu.memory_space<semaphore_mem>>) src(%dma_wait3A_260 : memref<128xi32, #tpu.memory_space<hbm>>) dst(%arg13 : memref<128xi32, #tpu.memory_space<vmem>>)
          tpu.yield
        }) : () -> ()
        %dma_start3A_253 = arith.constant 0 : i32
        %dma_start3A_254 = arith.constant 0 : i32
        %dma_start3A_255 = tpu.memref_slice %arg4[%dma_start3A_253, %dma_start3A_254] : memref<50000x64xf32, #tpu.memory_space<hbm>> -> memref<50000x64xf32, #tpu.memory_space<hbm>>
        tpu.enqueue_indirect_dma source(%dma_start3A_255 : memref<50000x64xf32, #tpu.memory_space<hbm>>) target(%arg18 : memref<128x64xf32, #tpu.memory_space<vmem>>) offsets(%arg9 : memref<128xi32, #tpu.memory_space<vmem>>) semaphore(%arg23 : memref<!tpu.dma_semaphore, #tpu.memory_space<semaphore_mem>>)
      } else {
      }
      %scan3A_172 = arith.constant 0 : i32
      %scan3A_173 = arith.constant 0 : i32
      %scan3A_174 = arith.constant 8 : i32
      %scan3A_175 = arith.addi %scan3A_173, %scan3A_174 : i32
      %scan3A_176 = arith.constant 1 : i32
      %scan3A_177 = scf.for %scan3A_245 = %scan3A_173 to %scan3A_175 step %scan3A_176 iter_args(%scan3A_246 = %scan3A_172) -> (i32)  : i32 {
        %mul3A_247 = arith.constant 16 : i32
        %mul3A_248 = arith.muli %scan3A_245, %mul3A_247 : i32
        %get3A = arith.index_cast %mul3A_248 : i32 to index
        %get3A_249 = tpu.vector_load %arg10[%get3A] {strides = array<i32>} : memref<128xi32, #tpu.memory_space<vmem>>, vector<16xi32>,
        %get3A_250 = vector.shape_cast %get3A_249 : vector<16xi32> to vector<16xi32>
        %sub3A = arith.constant 0 : i32
        %sub3A_251 = vector.broadcast %sub3A : i32 to vector<16xi32>
        %sub3A_252 = arith.subi %get3A_250, %sub3A_251 : vector<16xi32>
        %ge3A = arith.constant 0 : i32
        %ge3A_253 = vector.broadcast %ge3A : i32 to vector<16xi32>
        %ge3A_254 = arith.cmpi sge, %sub3A_252, %ge3A_253 : vector<16xi32>
        %lt3A_255 = arith.constant 18432 : i32
        %lt3A_256 = vector.broadcast %lt3A_255 : i32 to vector<16xi32>
        %lt3A_257 = arith.cmpi slt, %sub3A_252, %lt3A_256 : vector<16xi32>
        %and3A = arith.andi %ge3A_254, %lt3A_257 : vector<16xi1>
        %jit3A = arith.constant 18432 : i32
        %broadcast_in_dim3A = vector.broadcast %jit3A : i32 to vector<16xi32>
        %select_n3A = arith.select %and3A, %sub3A_252, %broadcast_in_dim3A : vector<16xi1>, vector<16xi32>
        %mul3A_258 = arith.constant 16 : i32
        %mul3A_259 = arith.muli %scan3A_245, %mul3A_258 : i32
        %swap3A = arith.index_cast %mul3A_259 : i32 to index
        %swap3A_260 = tpu.vector_load %arg14[%swap3A] {strides = array<i32>} : memref<128xi32, #tpu.memory_space<vmem>>, vector<16xi32>,
        %swap3A_261 = vector.shape_cast %swap3A_260 : vector<16xi32> to vector<16xi32>
        %swap3A_262 = vector.shape_cast %select_n3A : vector<16xi32> to vector<16xi32>
        tpu.vector_store %arg14[%swap3A], %swap3A_262 {strides = array<i32>} : memref<128xi32, #tpu.memory_space<vmem>>, vector<16xi32>,
        %scan3A_263 = arith.constant 0 : i32
        scf.yield %scan3A_263 : i32
      }
      %scan3A_178 = arith.constant 8 : i32
      %dma_wait3A = arith.constant 0 : i32
      %dma_wait3A_179 = arith.constant 0 : i32
      %dma_wait3A_180 = tpu.memref_slice %arg4[%dma_wait3A, %dma_wait3A_179] : memref<50000x64xf32, #tpu.memory_space<hbm>> -> memref<50000x64xf32, #tpu.memory_space<hbm>>
      tpu.wait_indirect_dma semaphore(%arg20 : memref<!tpu.dma_semaphore, #tpu.memory_space<semaphore_mem>>) src(%dma_wait3A_180 : memref<50000x64xf32, #tpu.memory_space<hbm>>) dst(%arg15 : memref<128x64xf32, #tpu.memory_space<vmem>>)
      "tpu.region"() ({
        %run_scoped3A_245 = tpu.sem_alloc : memref<!tpu.dma_semaphore, #tpu.memory_space<semaphore_mem>>
        %dma_start3A_246 = arith.constant 0 : i32
        %dma_start3A_247 = arith.constant 0 : i32
        %dma_start3A_248 = tpu.memref_slice %arg24[%dma_start3A_246, %dma_start3A_247] : memref<18496x64xf32, #tpu.memory_space<vmem_shared>> -> memref<18496x64xf32, #tpu.memory_space<vmem_shared>>
        tpu.enqueue_indirect_dma source(%arg15 : memref<128x64xf32, #tpu.memory_space<vmem>>) target(%dma_start3A_248 : memref<18496x64xf32, #tpu.memory_space<vmem_shared>>) offsets(%arg14 : memref<128xi32, #tpu.memory_space<vmem>>) semaphore(%run_scoped3A_245 : memref<!tpu.dma_semaphore, #tpu.memory_space<semaphore_mem>>) {add = true}
        %dma_wait3A_249 = arith.constant 0 : i32
        %dma_wait3A_250 = arith.constant 0 : i32
        %dma_wait3A_251 = tpu.memref_slice %arg24[%dma_wait3A_249, %dma_wait3A_250] : memref<18496x64xf32, #tpu.memory_space<vmem_shared>> -> memref<18496x64xf32, #tpu.memory_space<vmem_shared>>
        tpu.wait_indirect_dma semaphore(%run_scoped3A_245 : memref<!tpu.dma_semaphore, #tpu.memory_space<semaphore_mem>>) src(%arg15 : memref<128x64xf32, #tpu.memory_space<vmem>>) dst(%dma_wait3A_251 : memref<18496x64xf32, #tpu.memory_space<vmem_shared>>)
        tpu.yield
      }) : () -> ()
      %mul3A_181 = arith.constant 4 : i32
      %mul3A_182 = arith.muli %scan3A_162, %mul3A_181 : i32
      %add3A_183 = arith.constant 1 : i32
      %add3A_184 = arith.addi %mul3A_182, %add3A_183 : i32
      %add3A_185 = arith.constant 3 : i32
      %add3A_186 = arith.addi %add3A_184, %add3A_185 : i32
      %lt3A_187 = arith.constant 200 : i32
      %lt3A_188 = arith.cmpi slt, %add3A_186, %lt3A_187 : i32
      %convert_element_type3A_189 = arith.extui %lt3A_188 : i1 to i32
      %cond3A_190 = arith.constant 0 : i32
      %cond3A_191 = arith.cmpi ne, %convert_element_type3A_189, %cond3A_190 : i32
      scf.if %cond3A_191 {
        %add3A_245 = arith.constant 3 : i32
        %add3A_246 = arith.addi %add3A_184, %add3A_245 : i32
        %mul3A_247 = arith.constant 128 : i32
        %mul3A_248 = arith.muli %add3A_246, %mul3A_247 : i32
        %add3A_249 = arith.addi %mul3A_2, %mul3A_248 : i32
        "tpu.region"() ({
          %run_scoped3A_256 = tpu.sem_alloc : memref<!tpu.dma_semaphore, #tpu.memory_space<semaphore_mem>>
          %dma_start3A_257 = tpu.memref_slice %arg2[%add3A_249] : memref<819200xi32, #tpu.memory_space<hbm>> -> memref<128xi32, #tpu.memory_space<hbm>>
          %dma_start3A_258 = tpu.memref_slice %arg2[%add3A_249] : memref<819200xi32, #tpu.memory_space<hbm>> -> memref<128xi32, #tpu.memory_space<hbm>>
          tpu.enqueue_dma source(%dma_start3A_258 : memref<128xi32, #tpu.memory_space<hbm>>) target(%arg6 : memref<128xi32, #tpu.memory_space<vmem>>) target_semaphore(%run_scoped3A_256 : memref<!tpu.dma_semaphore, #tpu.memory_space<semaphore_mem>>)
          %dma_wait3A_259 = tpu.memref_slice %arg2[%add3A_249] : memref<819200xi32, #tpu.memory_space<hbm>> -> memref<128xi32, #tpu.memory_space<hbm>>
          %dma_wait3A_260 = tpu.memref_slice %arg2[%add3A_249] : memref<819200xi32, #tpu.memory_space<hbm>> -> memref<128xi32, #tpu.memory_space<hbm>>
          tpu.wait_dma2 semaphore(%run_scoped3A_256 : memref<!tpu.dma_semaphore, #tpu.memory_space<semaphore_mem>>) src(%dma_wait3A_260 : memref<128xi32, #tpu.memory_space<hbm>>) dst(%arg6 : memref<128xi32, #tpu.memory_space<vmem>>)
          tpu.yield
        }) : () -> ()
        %mul3A_250 = arith.constant 128 : i32
        %mul3A_251 = arith.muli %add3A_246, %mul3A_250 : i32
        %add3A_252 = arith.addi %mul3A_2, %mul3A_251 : i32
        "tpu.region"() ({
          %run_scoped3A_256 = tpu.sem_alloc : memref<!tpu.dma_semaphore, #tpu.memory_space<semaphore_mem>>
          %dma_start3A_257 = tpu.memref_slice %arg3[%add3A_252] : memref<819200xi32, #tpu.memory_space<hbm>> -> memref<128xi32, #tpu.memory_space<hbm>>
          %dma_start3A_258 = tpu.memref_slice %arg3[%add3A_252] : memref<819200xi32, #tpu.memory_space<hbm>> -> memref<128xi32, #tpu.memory_space<hbm>>
          tpu.enqueue_dma source(%dma_start3A_258 : memref<128xi32, #tpu.memory_space<hbm>>) target(%arg10 : memref<128xi32, #tpu.memory_space<vmem>>) target_semaphore(%run_scoped3A_256 : memref<!tpu.dma_semaphore, #tpu.memory_space<semaphore_mem>>)
          %dma_wait3A_259 = tpu.memref_slice %arg3[%add3A_252] : memref<819200xi32, #tpu.memory_space<hbm>> -> memref<128xi32, #tpu.memory_space<hbm>>
          %dma_wait3A_260 = tpu.memref_slice %arg3[%add3A_252] : memref<819200xi32, #tpu.memory_space<hbm>> -> memref<128xi32, #tpu.memory_space<hbm>>
          tpu.wait_dma2 semaphore(%run_scoped3A_256 : memref<!tpu.dma_semaphore, #tpu.memory_space<semaphore_mem>>) src(%dma_wait3A_260 : memref<128xi32, #tpu.memory_space<hbm>>) dst(%arg10 : memref<128xi32, #tpu.memory_space<vmem>>)
          tpu.yield
        }) : () -> ()
        %dma_start3A_253 = arith.constant 0 : i32
        %dma_start3A_254 = arith.constant 0 : i32
        %dma_start3A_255 = tpu.memref_slice %arg4[%dma_start3A_253, %dma_start3A_254] : memref<50000x64xf32, #tpu.memory_space<hbm>> -> memref<50000x64xf32, #tpu.memory_space<hbm>>
        tpu.enqueue_indirect_dma source(%dma_start3A_255 : memref<50000x64xf32, #tpu.memory_space<hbm>>) target(%arg15 : memref<128x64xf32, #tpu.memory_space<vmem>>) offsets(%arg6 : memref<128xi32, #tpu.memory_space<vmem>>) semaphore(%arg20 : memref<!tpu.dma_semaphore, #tpu.memory_space<semaphore_mem>>)
      } else {
      }
      %scan3A_192 = arith.constant 0 : i32
      %scan3A_193 = arith.constant 0 : i32
      %scan3A_194 = arith.constant 8 : i32
      %scan3A_195 = arith.addi %scan3A_193, %scan3A_194 : i32
      %scan3A_196 = arith.constant 1 : i32
      %scan3A_197 = scf.for %scan3A_245 = %scan3A_193 to %scan3A_195 step %scan3A_196 iter_args(%scan3A_246 = %scan3A_192) -> (i32)  : i32 {
        %mul3A_247 = arith.constant 16 : i32
        %mul3A_248 = arith.muli %scan3A_245, %mul3A_247 : i32
        %get3A = arith.index_cast %mul3A_248 : i32 to index
        %get3A_249 = tpu.vector_load %arg11[%get3A] {strides = array<i32>} : memref<128xi32, #tpu.memory_space<vmem>>, vector<16xi32>,
        %get3A_250 = vector.shape_cast %get3A_249 : vector<16xi32> to vector<16xi32>
        %sub3A = arith.constant 0 : i32
        %sub3A_251 = vector.broadcast %sub3A : i32 to vector<16xi32>
        %sub3A_252 = arith.subi %get3A_250, %sub3A_251 : vector<16xi32>
        %ge3A = arith.constant 0 : i32
        %ge3A_253 = vector.broadcast %ge3A : i32 to vector<16xi32>
        %ge3A_254 = arith.cmpi sge, %sub3A_252, %ge3A_253 : vector<16xi32>
        %lt3A_255 = arith.constant 18432 : i32
        %lt3A_256 = vector.broadcast %lt3A_255 : i32 to vector<16xi32>
        %lt3A_257 = arith.cmpi slt, %sub3A_252, %lt3A_256 : vector<16xi32>
        %and3A = arith.andi %ge3A_254, %lt3A_257 : vector<16xi1>
        %jit3A = arith.constant 18432 : i32
        %broadcast_in_dim3A = vector.broadcast %jit3A : i32 to vector<16xi32>
        %select_n3A = arith.select %and3A, %sub3A_252, %broadcast_in_dim3A : vector<16xi1>, vector<16xi32>
        %mul3A_258 = arith.constant 16 : i32
        %mul3A_259 = arith.muli %scan3A_245, %mul3A_258 : i32
        %swap3A = arith.index_cast %mul3A_259 : i32 to index
        %swap3A_260 = tpu.vector_load %arg14[%swap3A] {strides = array<i32>} : memref<128xi32, #tpu.memory_space<vmem>>, vector<16xi32>,
        %swap3A_261 = vector.shape_cast %swap3A_260 : vector<16xi32> to vector<16xi32>
        %swap3A_262 = vector.shape_cast %select_n3A : vector<16xi32> to vector<16xi32>
        tpu.vector_store %arg14[%swap3A], %swap3A_262 {strides = array<i32>} : memref<128xi32, #tpu.memory_space<vmem>>, vector<16xi32>,
        %scan3A_263 = arith.constant 0 : i32
        scf.yield %scan3A_263 : i32
      }
      %scan3A_198 = arith.constant 8 : i32
      %dma_wait3A_199 = arith.constant 0 : i32
      %dma_wait3A_200 = arith.constant 0 : i32
      %dma_wait3A_201 = tpu.memref_slice %arg4[%dma_wait3A_199, %dma_wait3A_200] : memref<50000x64xf32, #tpu.memory_space<hbm>> -> memref<50000x64xf32, #tpu.memory_space<hbm>>
      tpu.wait_indirect_dma semaphore(%arg21 : memref<!tpu.dma_semaphore, #tpu.memory_space<semaphore_mem>>) src(%dma_wait3A_201 : memref<50000x64xf32, #tpu.memory_space<hbm>>) dst(%arg16 : memref<128x64xf32, #tpu.memory_space<vmem>>)
      "tpu.region"() ({
        %run_scoped3A_245 = tpu.sem_alloc : memref<!tpu.dma_semaphore, #tpu.memory_space<semaphore_mem>>
        %dma_start3A_246 = arith.constant 0 : i32
        %dma_start3A_247 = arith.constant 0 : i32
        %dma_start3A_248 = tpu.memref_slice %arg24[%dma_start3A_246, %dma_start3A_247] : memref<18496x64xf32, #tpu.memory_space<vmem_shared>> -> memref<18496x64xf32, #tpu.memory_space<vmem_shared>>
        tpu.enqueue_indirect_dma source(%arg16 : memref<128x64xf32, #tpu.memory_space<vmem>>) target(%dma_start3A_248 : memref<18496x64xf32, #tpu.memory_space<vmem_shared>>) offsets(%arg14 : memref<128xi32, #tpu.memory_space<vmem>>) semaphore(%run_scoped3A_245 : memref<!tpu.dma_semaphore, #tpu.memory_space<semaphore_mem>>) {add = true}
        %dma_wait3A_249 = arith.constant 0 : i32
        %dma_wait3A_250 = arith.constant 0 : i32
        %dma_wait3A_251 = tpu.memref_slice %arg24[%dma_wait3A_249, %dma_wait3A_250] : memref<18496x64xf32, #tpu.memory_space<vmem_shared>> -> memref<18496x64xf32, #tpu.memory_space<vmem_shared>>
        tpu.wait_indirect_dma semaphore(%run_scoped3A_245 : memref<!tpu.dma_semaphore, #tpu.memory_space<semaphore_mem>>) src(%arg16 : memref<128x64xf32, #tpu.memory_space<vmem>>) dst(%dma_wait3A_251 : memref<18496x64xf32, #tpu.memory_space<vmem_shared>>)
        tpu.yield
      }) : () -> ()
      %mul3A_202 = arith.constant 4 : i32
      %mul3A_203 = arith.muli %scan3A_162, %mul3A_202 : i32
      %add3A_204 = arith.constant 2 : i32
      %add3A_205 = arith.addi %mul3A_203, %add3A_204 : i32
      %add3A_206 = arith.constant 3 : i32
      %add3A_207 = arith.addi %add3A_205, %add3A_206 : i32
      %lt3A_208 = arith.constant 200 : i32
      %lt3A_209 = arith.cmpi slt, %add3A_207, %lt3A_208 : i32
      %convert_element_type3A_210 = arith.extui %lt3A_209 : i1 to i32
      %cond3A_211 = arith.constant 0 : i32
      %cond3A_212 = arith.cmpi ne, %convert_element_type3A_210, %cond3A_211 : i32
      scf.if %cond3A_212 {
        %add3A_245 = arith.constant 3 : i32
        %add3A_246 = arith.addi %add3A_205, %add3A_245 : i32
        %mul3A_247 = arith.constant 128 : i32
        %mul3A_248 = arith.muli %add3A_246, %mul3A_247 : i32
        %add3A_249 = arith.addi %mul3A_2, %mul3A_248 : i32
        "tpu.region"() ({
          %run_scoped3A_256 = tpu.sem_alloc : memref<!tpu.dma_semaphore, #tpu.memory_space<semaphore_mem>>
          %dma_start3A_257 = tpu.memref_slice %arg2[%add3A_249] : memref<819200xi32, #tpu.memory_space<hbm>> -> memref<128xi32, #tpu.memory_space<hbm>>
          %dma_start3A_258 = tpu.memref_slice %arg2[%add3A_249] : memref<819200xi32, #tpu.memory_space<hbm>> -> memref<128xi32, #tpu.memory_space<hbm>>
          tpu.enqueue_dma source(%dma_start3A_258 : memref<128xi32, #tpu.memory_space<hbm>>) target(%arg7 : memref<128xi32, #tpu.memory_space<vmem>>) target_semaphore(%run_scoped3A_256 : memref<!tpu.dma_semaphore, #tpu.memory_space<semaphore_mem>>)
          %dma_wait3A_259 = tpu.memref_slice %arg2[%add3A_249] : memref<819200xi32, #tpu.memory_space<hbm>> -> memref<128xi32, #tpu.memory_space<hbm>>
          %dma_wait3A_260 = tpu.memref_slice %arg2[%add3A_249] : memref<819200xi32, #tpu.memory_space<hbm>> -> memref<128xi32, #tpu.memory_space<hbm>>
          tpu.wait_dma2 semaphore(%run_scoped3A_256 : memref<!tpu.dma_semaphore, #tpu.memory_space<semaphore_mem>>) src(%dma_wait3A_260 : memref<128xi32, #tpu.memory_space<hbm>>) dst(%arg7 : memref<128xi32, #tpu.memory_space<vmem>>)
          tpu.yield
        }) : () -> ()
        %mul3A_250 = arith.constant 128 : i32
        %mul3A_251 = arith.muli %add3A_246, %mul3A_250 : i32
        %add3A_252 = arith.addi %mul3A_2, %mul3A_251 : i32
        "tpu.region"() ({
          %run_scoped3A_256 = tpu.sem_alloc : memref<!tpu.dma_semaphore, #tpu.memory_space<semaphore_mem>>
          %dma_start3A_257 = tpu.memref_slice %arg3[%add3A_252] : memref<819200xi32, #tpu.memory_space<hbm>> -> memref<128xi32, #tpu.memory_space<hbm>>
          %dma_start3A_258 = tpu.memref_slice %arg3[%add3A_252] : memref<819200xi32, #tpu.memory_space<hbm>> -> memref<128xi32, #tpu.memory_space<hbm>>
          tpu.enqueue_dma source(%dma_start3A_258 : memref<128xi32, #tpu.memory_space<hbm>>) target(%arg11 : memref<128xi32, #tpu.memory_space<vmem>>) target_semaphore(%run_scoped3A_256 : memref<!tpu.dma_semaphore, #tpu.memory_space<semaphore_mem>>)
          %dma_wait3A_259 = tpu.memref_slice %arg3[%add3A_252] : memref<819200xi32, #tpu.memory_space<hbm>> -> memref<128xi32, #tpu.memory_space<hbm>>
          %dma_wait3A_260 = tpu.memref_slice %arg3[%add3A_252] : memref<819200xi32, #tpu.memory_space<hbm>> -> memref<128xi32, #tpu.memory_space<hbm>>
          tpu.wait_dma2 semaphore(%run_scoped3A_256 : memref<!tpu.dma_semaphore, #tpu.memory_space<semaphore_mem>>) src(%dma_wait3A_260 : memref<128xi32, #tpu.memory_space<hbm>>) dst(%arg11 : memref<128xi32, #tpu.memory_space<vmem>>)
          tpu.yield
        }) : () -> ()
        %dma_start3A_253 = arith.constant 0 : i32
        %dma_start3A_254 = arith.constant 0 : i32
        %dma_start3A_255 = tpu.memref_slice %arg4[%dma_start3A_253, %dma_start3A_254] : memref<50000x64xf32, #tpu.memory_space<hbm>> -> memref<50000x64xf32, #tpu.memory_space<hbm>>
        tpu.enqueue_indirect_dma source(%dma_start3A_255 : memref<50000x64xf32, #tpu.memory_space<hbm>>) target(%arg16 : memref<128x64xf32, #tpu.memory_space<vmem>>) offsets(%arg7 : memref<128xi32, #tpu.memory_space<vmem>>) semaphore(%arg21 : memref<!tpu.dma_semaphore, #tpu.memory_space<semaphore_mem>>)
      } else {
      }
      %scan3A_213 = arith.constant 0 : i32
      %scan3A_214 = arith.constant 0 : i32
      %scan3A_215 = arith.constant 8 : i32
      %scan3A_216 = arith.addi %scan3A_214, %scan3A_215 : i32
      %scan3A_217 = arith.constant 1 : i32
      %scan3A_218 = scf.for %scan3A_245 = %scan3A_214 to %scan3A_216 step %scan3A_217 iter_args(%scan3A_246 = %scan3A_213) -> (i32)  : i32 {
        %mul3A_247 = arith.constant 16 : i32
        %mul3A_248 = arith.muli %scan3A_245, %mul3A_247 : i32
        %get3A = arith.index_cast %mul3A_248 : i32 to index
        %get3A_249 = tpu.vector_load %arg12[%get3A] {strides = array<i32>} : memref<128xi32, #tpu.memory_space<vmem>>, vector<16xi32>,
        %get3A_250 = vector.shape_cast %get3A_249 : vector<16xi32> to vector<16xi32>
        %sub3A = arith.constant 0 : i32
        %sub3A_251 = vector.broadcast %sub3A : i32 to vector<16xi32>
        %sub3A_252 = arith.subi %get3A_250, %sub3A_251 : vector<16xi32>
        %ge3A = arith.constant 0 : i32
        %ge3A_253 = vector.broadcast %ge3A : i32 to vector<16xi32>
        %ge3A_254 = arith.cmpi sge, %sub3A_252, %ge3A_253 : vector<16xi32>
        %lt3A_255 = arith.constant 18432 : i32
        %lt3A_256 = vector.broadcast %lt3A_255 : i32 to vector<16xi32>
        %lt3A_257 = arith.cmpi slt, %sub3A_252, %lt3A_256 : vector<16xi32>
        %and3A = arith.andi %ge3A_254, %lt3A_257 : vector<16xi1>
        %jit3A = arith.constant 18432 : i32
        %broadcast_in_dim3A = vector.broadcast %jit3A : i32 to vector<16xi32>
        %select_n3A = arith.select %and3A, %sub3A_252, %broadcast_in_dim3A : vector<16xi1>, vector<16xi32>
        %mul3A_258 = arith.constant 16 : i32
        %mul3A_259 = arith.muli %scan3A_245, %mul3A_258 : i32
        %swap3A = arith.index_cast %mul3A_259 : i32 to index
        %swap3A_260 = tpu.vector_load %arg14[%swap3A] {strides = array<i32>} : memref<128xi32, #tpu.memory_space<vmem>>, vector<16xi32>,
        %swap3A_261 = vector.shape_cast %swap3A_260 : vector<16xi32> to vector<16xi32>
        %swap3A_262 = vector.shape_cast %select_n3A : vector<16xi32> to vector<16xi32>
        tpu.vector_store %arg14[%swap3A], %swap3A_262 {strides = array<i32>} : memref<128xi32, #tpu.memory_space<vmem>>, vector<16xi32>,
        %scan3A_263 = arith.constant 0 : i32
        scf.yield %scan3A_263 : i32
      }
      %scan3A_219 = arith.constant 8 : i32
      %dma_wait3A_220 = arith.constant 0 : i32
      %dma_wait3A_221 = arith.constant 0 : i32
      %dma_wait3A_222 = tpu.memref_slice %arg4[%dma_wait3A_220, %dma_wait3A_221] : memref<50000x64xf32, #tpu.memory_space<hbm>> -> memref<50000x64xf32, #tpu.memory_space<hbm>>
      tpu.wait_indirect_dma semaphore(%arg22 : memref<!tpu.dma_semaphore, #tpu.memory_space<semaphore_mem>>) src(%dma_wait3A_222 : memref<50000x64xf32, #tpu.memory_space<hbm>>) dst(%arg17 : memref<128x64xf32, #tpu.memory_space<vmem>>)
      "tpu.region"() ({
        %run_scoped3A_245 = tpu.sem_alloc : memref<!tpu.dma_semaphore, #tpu.memory_space<semaphore_mem>>
        %dma_start3A_246 = arith.constant 0 : i32
        %dma_start3A_247 = arith.constant 0 : i32
        %dma_start3A_248 = tpu.memref_slice %arg24[%dma_start3A_246, %dma_start3A_247] : memref<18496x64xf32, #tpu.memory_space<vmem_shared>> -> memref<18496x64xf32, #tpu.memory_space<vmem_shared>>
        tpu.enqueue_indirect_dma source(%arg17 : memref<128x64xf32, #tpu.memory_space<vmem>>) target(%dma_start3A_248 : memref<18496x64xf32, #tpu.memory_space<vmem_shared>>) offsets(%arg14 : memref<128xi32, #tpu.memory_space<vmem>>) semaphore(%run_scoped3A_245 : memref<!tpu.dma_semaphore, #tpu.memory_space<semaphore_mem>>) {add = true}
        %dma_wait3A_249 = arith.constant 0 : i32
        %dma_wait3A_250 = arith.constant 0 : i32
        %dma_wait3A_251 = tpu.memref_slice %arg24[%dma_wait3A_249, %dma_wait3A_250] : memref<18496x64xf32, #tpu.memory_space<vmem_shared>> -> memref<18496x64xf32, #tpu.memory_space<vmem_shared>>
        tpu.wait_indirect_dma semaphore(%run_scoped3A_245 : memref<!tpu.dma_semaphore, #tpu.memory_space<semaphore_mem>>) src(%arg17 : memref<128x64xf32, #tpu.memory_space<vmem>>) dst(%dma_wait3A_251 : memref<18496x64xf32, #tpu.memory_space<vmem_shared>>)
        tpu.yield
      }) : () -> ()
      %mul3A_223 = arith.constant 4 : i32
      %mul3A_224 = arith.muli %scan3A_162, %mul3A_223 : i32
      %add3A_225 = arith.constant 3 : i32
      %add3A_226 = arith.addi %mul3A_224, %add3A_225 : i32
      %add3A_227 = arith.constant 3 : i32
      %add3A_228 = arith.addi %add3A_226, %add3A_227 : i32
      %lt3A_229 = arith.constant 200 : i32
      %lt3A_230 = arith.cmpi slt, %add3A_228, %lt3A_229 : i32
      %convert_element_type3A_231 = arith.extui %lt3A_230 : i1 to i32
      %cond3A_232 = arith.constant 0 : i32
      %cond3A_233 = arith.cmpi ne, %convert_element_type3A_231, %cond3A_232 : i32
      scf.if %cond3A_233 {
        %add3A_245 = arith.constant 3 : i32
        %add3A_246 = arith.addi %add3A_226, %add3A_245 : i32
        %mul3A_247 = arith.constant 128 : i32
        %mul3A_248 = arith.muli %add3A_246, %mul3A_247 : i32
        %add3A_249 = arith.addi %mul3A_2, %mul3A_248 : i32
        "tpu.region"() ({
          %run_scoped3A_256 = tpu.sem_alloc : memref<!tpu.dma_semaphore, #tpu.memory_space<semaphore_mem>>
          %dma_start3A_257 = tpu.memref_slice %arg2[%add3A_249] : memref<819200xi32, #tpu.memory_space<hbm>> -> memref<128xi32, #tpu.memory_space<hbm>>
          %dma_start3A_258 = tpu.memref_slice %arg2[%add3A_249] : memref<819200xi32, #tpu.memory_space<hbm>> -> memref<128xi32, #tpu.memory_space<hbm>>
          tpu.enqueue_dma source(%dma_start3A_258 : memref<128xi32, #tpu.memory_space<hbm>>) target(%arg8 : memref<128xi32, #tpu.memory_space<vmem>>) target_semaphore(%run_scoped3A_256 : memref<!tpu.dma_semaphore, #tpu.memory_space<semaphore_mem>>)
          %dma_wait3A_259 = tpu.memref_slice %arg2[%add3A_249] : memref<819200xi32, #tpu.memory_space<hbm>> -> memref<128xi32, #tpu.memory_space<hbm>>
          %dma_wait3A_260 = tpu.memref_slice %arg2[%add3A_249] : memref<819200xi32, #tpu.memory_space<hbm>> -> memref<128xi32, #tpu.memory_space<hbm>>
          tpu.wait_dma2 semaphore(%run_scoped3A_256 : memref<!tpu.dma_semaphore, #tpu.memory_space<semaphore_mem>>) src(%dma_wait3A_260 : memref<128xi32, #tpu.memory_space<hbm>>) dst(%arg8 : memref<128xi32, #tpu.memory_space<vmem>>)
          tpu.yield
        }) : () -> ()
        %mul3A_250 = arith.constant 128 : i32
        %mul3A_251 = arith.muli %add3A_246, %mul3A_250 : i32
        %add3A_252 = arith.addi %mul3A_2, %mul3A_251 : i32
        "tpu.region"() ({
          %run_scoped3A_256 = tpu.sem_alloc : memref<!tpu.dma_semaphore, #tpu.memory_space<semaphore_mem>>
          %dma_start3A_257 = tpu.memref_slice %arg3[%add3A_252] : memref<819200xi32, #tpu.memory_space<hbm>> -> memref<128xi32, #tpu.memory_space<hbm>>
          %dma_start3A_258 = tpu.memref_slice %arg3[%add3A_252] : memref<819200xi32, #tpu.memory_space<hbm>> -> memref<128xi32, #tpu.memory_space<hbm>>
          tpu.enqueue_dma source(%dma_start3A_258 : memref<128xi32, #tpu.memory_space<hbm>>) target(%arg12 : memref<128xi32, #tpu.memory_space<vmem>>) target_semaphore(%run_scoped3A_256 : memref<!tpu.dma_semaphore, #tpu.memory_space<semaphore_mem>>)
          %dma_wait3A_259 = tpu.memref_slice %arg3[%add3A_252] : memref<819200xi32, #tpu.memory_space<hbm>> -> memref<128xi32, #tpu.memory_space<hbm>>
          %dma_wait3A_260 = tpu.memref_slice %arg3[%add3A_252] : memref<819200xi32, #tpu.memory_space<hbm>> -> memref<128xi32, #tpu.memory_space<hbm>>
          tpu.wait_dma2 semaphore(%run_scoped3A_256 : memref<!tpu.dma_semaphore, #tpu.memory_space<semaphore_mem>>) src(%dma_wait3A_260 : memref<128xi32, #tpu.memory_space<hbm>>) dst(%arg12 : memref<128xi32, #tpu.memory_space<vmem>>)
          tpu.yield
        }) : () -> ()
        %dma_start3A_253 = arith.constant 0 : i32
        %dma_start3A_254 = arith.constant 0 : i32
        %dma_start3A_255 = tpu.memref_slice %arg4[%dma_start3A_253, %dma_start3A_254] : memref<50000x64xf32, #tpu.memory_space<hbm>> -> memref<50000x64xf32, #tpu.memory_space<hbm>>
        tpu.enqueue_indirect_dma source(%dma_start3A_255 : memref<50000x64xf32, #tpu.memory_space<hbm>>) target(%arg17 : memref<128x64xf32, #tpu.memory_space<vmem>>) offsets(%arg8 : memref<128xi32, #tpu.memory_space<vmem>>) semaphore(%arg22 : memref<!tpu.dma_semaphore, #tpu.memory_space<semaphore_mem>>)
      } else {
      }
      %scan3A_234 = arith.constant 0 : i32
      %scan3A_235 = arith.constant 0 : i32
      %scan3A_236 = arith.constant 8 : i32
      %scan3A_237 = arith.addi %scan3A_235, %scan3A_236 : i32
      %scan3A_238 = arith.constant 1 : i32
      %scan3A_239 = scf.for %scan3A_245 = %scan3A_235 to %scan3A_237 step %scan3A_238 iter_args(%scan3A_246 = %scan3A_234) -> (i32)  : i32 {
        %mul3A_247 = arith.constant 16 : i32
        %mul3A_248 = arith.muli %scan3A_245, %mul3A_247 : i32
        %get3A = arith.index_cast %mul3A_248 : i32 to index
        %get3A_249 = tpu.vector_load %arg13[%get3A] {strides = array<i32>} : memref<128xi32, #tpu.memory_space<vmem>>, vector<16xi32>,
        %get3A_250 = vector.shape_cast %get3A_249 : vector<16xi32> to vector<16xi32>
        %sub3A = arith.constant 0 : i32
        %sub3A_251 = vector.broadcast %sub3A : i32 to vector<16xi32>
        %sub3A_252 = arith.subi %get3A_250, %sub3A_251 : vector<16xi32>
        %ge3A = arith.constant 0 : i32
        %ge3A_253 = vector.broadcast %ge3A : i32 to vector<16xi32>
        %ge3A_254 = arith.cmpi sge, %sub3A_252, %ge3A_253 : vector<16xi32>
        %lt3A_255 = arith.constant 18432 : i32
        %lt3A_256 = vector.broadcast %lt3A_255 : i32 to vector<16xi32>
        %lt3A_257 = arith.cmpi slt, %sub3A_252, %lt3A_256 : vector<16xi32>
        %and3A = arith.andi %ge3A_254, %lt3A_257 : vector<16xi1>
        %jit3A = arith.constant 18432 : i32
        %broadcast_in_dim3A = vector.broadcast %jit3A : i32 to vector<16xi32>
        %select_n3A = arith.select %and3A, %sub3A_252, %broadcast_in_dim3A : vector<16xi1>, vector<16xi32>
        %mul3A_258 = arith.constant 16 : i32
        %mul3A_259 = arith.muli %scan3A_245, %mul3A_258 : i32
        %swap3A = arith.index_cast %mul3A_259 : i32 to index
        %swap3A_260 = tpu.vector_load %arg14[%swap3A] {strides = array<i32>} : memref<128xi32, #tpu.memory_space<vmem>>, vector<16xi32>,
        %swap3A_261 = vector.shape_cast %swap3A_260 : vector<16xi32> to vector<16xi32>
        %swap3A_262 = vector.shape_cast %select_n3A : vector<16xi32> to vector<16xi32>
        tpu.vector_store %arg14[%swap3A], %swap3A_262 {strides = array<i32>} : memref<128xi32, #tpu.memory_space<vmem>>, vector<16xi32>,
        %scan3A_263 = arith.constant 0 : i32
        scf.yield %scan3A_263 : i32
      }
      %scan3A_240 = arith.constant 8 : i32
      %dma_wait3A_241 = arith.constant 0 : i32
      %dma_wait3A_242 = arith.constant 0 : i32
      %dma_wait3A_243 = tpu.memref_slice %arg4[%dma_wait3A_241, %dma_wait3A_242] : memref<50000x64xf32, #tpu.memory_space<hbm>> -> memref<50000x64xf32, #tpu.memory_space<hbm>>
      tpu.wait_indirect_dma semaphore(%arg23 : memref<!tpu.dma_semaphore, #tpu.memory_space<semaphore_mem>>) src(%dma_wait3A_243 : memref<50000x64xf32, #tpu.memory_space<hbm>>) dst(%arg18 : memref<128x64xf32, #tpu.memory_space<vmem>>)
      "tpu.region"() ({
        %run_scoped3A_245 = tpu.sem_alloc : memref<!tpu.dma_semaphore, #tpu.memory_space<semaphore_mem>>
        %dma_start3A_246 = arith.constant 0 : i32
        %dma_start3A_247 = arith.constant 0 : i32
        %dma_start3A_248 = tpu.memref_slice %arg24[%dma_start3A_246, %dma_start3A_247] : memref<18496x64xf32, #tpu.memory_space<vmem_shared>> -> memref<18496x64xf32, #tpu.memory_space<vmem_shared>>
        tpu.enqueue_indirect_dma source(%arg18 : memref<128x64xf32, #tpu.memory_space<vmem>>) target(%dma_start3A_248 : memref<18496x64xf32, #tpu.memory_space<vmem_shared>>) offsets(%arg14 : memref<128xi32, #tpu.memory_space<vmem>>) semaphore(%run_scoped3A_245 : memref<!tpu.dma_semaphore, #tpu.memory_space<semaphore_mem>>) {add = true}
        %dma_wait3A_249 = arith.constant 0 : i32
        %dma_wait3A_250 = arith.constant 0 : i32
        %dma_wait3A_251 = tpu.memref_slice %arg24[%dma_wait3A_249, %dma_wait3A_250] : memref<18496x64xf32, #tpu.memory_space<vmem_shared>> -> memref<18496x64xf32, #tpu.memory_space<vmem_shared>>
        tpu.wait_indirect_dma semaphore(%run_scoped3A_245 : memref<!tpu.dma_semaphore, #tpu.memory_space<semaphore_mem>>) src(%arg18 : memref<128x64xf32, #tpu.memory_space<vmem>>) dst(%dma_wait3A_251 : memref<18496x64xf32, #tpu.memory_space<vmem_shared>>)
        tpu.yield
      }) : () -> ()
      %scan3A_244 = arith.constant 0 : i32
      scf.yield %scan3A_244 : i32
    }
    %scan3A_51 = arith.constant 50 : i32
    %barrier3A_52 = arith.constant 0 : index
    tpu.barrier barrier_id(%barrier3A_52)
    %mul3A_53 = arith.constant 1156 : i32
    %mul3A_54 = arith.muli %arg1, %mul3A_53 : i32
    %mul3A_55 = arith.constant 1156 : i32
    %mul3A_56 = arith.muli %arg1, %mul3A_55 : i32
    %run_scoped3A = arith.constant 0 : i32
    "tpu.region"() ({
      %run_scoped3A_162 = tpu.sem_alloc : memref<!tpu.dma_semaphore, #tpu.memory_space<semaphore_mem>>
      %dma_start3A_163 = arith.constant 0 : i32
      %dma_start3A_164 = tpu.memref_slice %arg5[%run_scoped3A, %arg0, %mul3A_56, %dma_start3A_163] : memref<3x2x18496x64xf32, #tpu.memory_space<hbm>> -> memref<1x1x1156x64xf32, #tpu.memory_space<hbm>>
      %dma_start3A_165 = tpu.memref_squeeze %dma_start3A_164 : memref<1x1x1156x64xf32, #tpu.memory_space<hbm>> -> memref<1156x64xf32, #tpu.memory_space<hbm>>
      %dma_start3A_166 = arith.constant 0 : i32
      %dma_start3A_167 = tpu.memref_slice %arg24[%mul3A_54, %dma_start3A_166] : memref<18496x64xf32, #tpu.memory_space<vmem_shared>> -> memref<1156x64xf32, #tpu.memory_space<vmem_shared>>
      tpu.enqueue_dma source(%dma_start3A_167 : memref<1156x64xf32, #tpu.memory_space<vmem_shared>>) target(%dma_start3A_165 : memref<1156x64xf32, #tpu.memory_space<hbm>>) target_semaphore(%run_scoped3A_162 : memref<!tpu.dma_semaphore, #tpu.memory_space<semaphore_mem>>)
      %dma_wait3A = arith.constant 0 : i32
      %dma_wait3A_168 = tpu.memref_slice %arg5[%run_scoped3A, %arg0, %mul3A_56, %dma_wait3A] : memref<3x2x18496x64xf32, #tpu.memory_space<hbm>> -> memref<1x1x1156x64xf32, #tpu.memory_space<hbm>>
      %dma_wait3A_169 = tpu.memref_squeeze %dma_wait3A_168 : memref<1x1x1156x64xf32, #tpu.memory_space<hbm>> -> memref<1156x64xf32, #tpu.memory_space<hbm>>
      %dma_wait3A_170 = arith.constant 0 : i32
      %dma_wait3A_171 = tpu.memref_slice %arg24[%mul3A_54, %dma_wait3A_170] : memref<18496x64xf32, #tpu.memory_space<vmem_shared>> -> memref<1156x64xf32, #tpu.memory_space<vmem_shared>>
      tpu.wait_dma2 semaphore(%run_scoped3A_162 : memref<!tpu.dma_semaphore, #tpu.memory_space<semaphore_mem>>) src(%dma_wait3A_171 : memref<1156x64xf32, #tpu.memory_space<vmem_shared>>) dst(%dma_wait3A_169 : memref<1156x64xf32, #tpu.memory_space<hbm>>)
      tpu.yield
    }) : () -> ()
    %barrier3A_57 = arith.constant 0 : index
    tpu.barrier barrier_id(%barrier3A_57)
    %mul3A_58 = arith.constant 1156 : i32
    %mul3A_59 = arith.muli %arg1, %mul3A_58 : i32
    %add3A_60 = arith.constant 0 : i32
    %add3A_61 = arith.addi %mul3A_59, %add3A_60 : i32
    "tpu.region"() ({
      %run_scoped3A_162 = tpu.sem_alloc : memref<!tpu.dma_semaphore, #tpu.memory_space<semaphore_mem>>
      %dma_start3A_163 = arith.constant 0 : i32
      %dma_start3A_164 = tpu.memref_slice %arg24[%add3A_61, %dma_start3A_163] : memref<18496x64xf32, #tpu.memory_space<vmem_shared>> -> memref<289x64xf32, #tpu.memory_space<vmem_shared>>
      %dma_start3A_165 = arith.constant 0 : i32
      %dma_start3A_166 = tpu.memref_slice %arg24[%add3A_61, %dma_start3A_165] : memref<18496x64xf32, #tpu.memory_space<vmem_shared>> -> memref<289x64xf32, #tpu.memory_space<vmem_shared>>
      tpu.enqueue_dma source(%arg19 : memref<289x64xf32, #tpu.memory_space<vmem>>) target(%dma_start3A_166 : memref<289x64xf32, #tpu.memory_space<vmem_shared>>) target_semaphore(%run_scoped3A_162 : memref<!tpu.dma_semaphore, #tpu.memory_space<semaphore_mem>>)
      %dma_wait3A = arith.constant 0 : i32
      %dma_wait3A_167 = tpu.memref_slice %arg24[%add3A_61, %dma_wait3A] : memref<18496x64xf32, #tpu.memory_space<vmem_shared>> -> memref<289x64xf32, #tpu.memory_space<vmem_shared>>
      %dma_wait3A_168 = arith.constant 0 : i32
      %dma_wait3A_169 = tpu.memref_slice %arg24[%add3A_61, %dma_wait3A_168] : memref<18496x64xf32, #tpu.memory_space<vmem_shared>> -> memref<289x64xf32, #tpu.memory_space<vmem_shared>>
      tpu.wait_dma2 semaphore(%run_scoped3A_162 : memref<!tpu.dma_semaphore, #tpu.memory_space<semaphore_mem>>) src(%arg19 : memref<289x64xf32, #tpu.memory_space<vmem>>) dst(%dma_wait3A_169 : memref<289x64xf32, #tpu.memory_space<vmem_shared>>)
      tpu.yield
    }) : () -> ()
    %mul3A_62 = arith.constant 1156 : i32
    %mul3A_63 = arith.muli %arg1, %mul3A_62 : i32
    %add3A_64 = arith.constant 289 : i32
    %add3A_65 = arith.addi %mul3A_63, %add3A_64 : i32
    "tpu.region"() ({
      %run_scoped3A_162 = tpu.sem_alloc : memref<!tpu.dma_semaphore, #tpu.memory_space<semaphore_mem>>
      %dma_start3A_163 = arith.constant 0 : i32
      %dma_start3A_164 = tpu.memref_slice %arg24[%add3A_65, %dma_start3A_163] : memref<18496x64xf32, #tpu.memory_space<vmem_shared>> -> memref<289x64xf32, #tpu.memory_space<vmem_shared>>
      %dma_start3A_165 = arith.constant 0 : i32
      %dma_start3A_166 = tpu.memref_slice %arg24[%add3A_65, %dma_start3A_165] : memref<18496x64xf32, #tpu.memory_space<vmem_shared>> -> memref<289x64xf32, #tpu.memory_space<vmem_shared>>
      tpu.enqueue_dma source(%arg19 : memref<289x64xf32, #tpu.memory_space<vmem>>) target(%dma_start3A_166 : memref<289x64xf32, #tpu.memory_space<vmem_shared>>) target_semaphore(%run_scoped3A_162 : memref<!tpu.dma_semaphore, #tpu.memory_space<semaphore_mem>>)
      %dma_wait3A = arith.constant 0 : i32
      %dma_wait3A_167 = tpu.memref_slice %arg24[%add3A_65, %dma_wait3A] : memref<18496x64xf32, #tpu.memory_space<vmem_shared>> -> memref<289x64xf32, #tpu.memory_space<vmem_shared>>
      %dma_wait3A_168 = arith.constant 0 : i32
      %dma_wait3A_169 = tpu.memref_slice %arg24[%add3A_65, %dma_wait3A_168] : memref<18496x64xf32, #tpu.memory_space<vmem_shared>> -> memref<289x64xf32, #tpu.memory_space<vmem_shared>>
      tpu.wait_dma2 semaphore(%run_scoped3A_162 : memref<!tpu.dma_semaphore, #tpu.memory_space<semaphore_mem>>) src(%arg19 : memref<289x64xf32, #tpu.memory_space<vmem>>) dst(%dma_wait3A_169 : memref<289x64xf32, #tpu.memory_space<vmem_shared>>)
      tpu.yield
    }) : () -> ()
    %mul3A_66 = arith.constant 1156 : i32
    %mul3A_67 = arith.muli %arg1, %mul3A_66 : i32
    %add3A_68 = arith.constant 578 : i32
    %add3A_69 = arith.addi %mul3A_67, %add3A_68 : i32
    "tpu.region"() ({
      %run_scoped3A_162 = tpu.sem_alloc : memref<!tpu.dma_semaphore, #tpu.memory_space<semaphore_mem>>
      %dma_start3A_163 = arith.constant 0 : i32
      %dma_start3A_164 = tpu.memref_slice %arg24[%add3A_69, %dma_start3A_163] : memref<18496x64xf32, #tpu.memory_space<vmem_shared>> -> memref<289x64xf32, #tpu.memory_space<vmem_shared>>
      %dma_start3A_165 = arith.constant 0 : i32
      %dma_start3A_166 = tpu.memref_slice %arg24[%add3A_69, %dma_start3A_165] : memref<18496x64xf32, #tpu.memory_space<vmem_shared>> -> memref<289x64xf32, #tpu.memory_space<vmem_shared>>
      tpu.enqueue_dma source(%arg19 : memref<289x64xf32, #tpu.memory_space<vmem>>) target(%dma_start3A_166 : memref<289x64xf32, #tpu.memory_space<vmem_shared>>) target_semaphore(%run_scoped3A_162 : memref<!tpu.dma_semaphore, #tpu.memory_space<semaphore_mem>>)
      %dma_wait3A = arith.constant 0 : i32
      %dma_wait3A_167 = tpu.memref_slice %arg24[%add3A_69, %dma_wait3A] : memref<18496x64xf32, #tpu.memory_space<vmem_shared>> -> memref<289x64xf32, #tpu.memory_space<vmem_shared>>
      %dma_wait3A_168 = arith.constant 0 : i32
      %dma_wait3A_169 = tpu.memref_slice %arg24[%add3A_69, %dma_wait3A_168] : memref<18496x64xf32, #tpu.memory_space<vmem_shared>> -> memref<289x64xf32, #tpu.memory_space<vmem_shared>>
      tpu.wait_dma2 semaphore(%run_scoped3A_162 : memref<!tpu.dma_semaphore, #tpu.memory_space<semaphore_mem>>) src(%arg19 : memref<289x64xf32, #tpu.memory_space<vmem>>) dst(%dma_wait3A_169 : memref<289x64xf32, #tpu.memory_space<vmem_shared>>)
      tpu.yield
    }) : () -> ()
    %mul3A_70 = arith.constant 1156 : i32
    %mul3A_71 = arith.muli %arg1, %mul3A_70 : i32
    %add3A_72 = arith.constant 867 : i32
    %add3A_73 = arith.addi %mul3A_71, %add3A_72 : i32
    "tpu.region"() ({
      %run_scoped3A_162 = tpu.sem_alloc : memref<!tpu.dma_semaphore, #tpu.memory_space<semaphore_mem>>
      %dma_start3A_163 = arith.constant 0 : i32
      %dma_start3A_164 = tpu.memref_slice %arg24[%add3A_73, %dma_start3A_163] : memref<18496x64xf32, #tpu.memory_space<vmem_shared>> -> memref<289x64xf32, #tpu.memory_space<vmem_shared>>
      %dma_start3A_165 = arith.constant 0 : i32
      %dma_start3A_166 = tpu.memref_slice %arg24[%add3A_73, %dma_start3A_165] : memref<18496x64xf32, #tpu.memory_space<vmem_shared>> -> memref<289x64xf32, #tpu.memory_space<vmem_shared>>
      tpu.enqueue_dma source(%arg19 : memref<289x64xf32, #tpu.memory_space<vmem>>) target(%dma_start3A_166 : memref<289x64xf32, #tpu.memory_space<vmem_shared>>) target_semaphore(%run_scoped3A_162 : memref<!tpu.dma_semaphore, #tpu.memory_space<semaphore_mem>>)
      %dma_wait3A = arith.constant 0 : i32
      %dma_wait3A_167 = tpu.memref_slice %arg24[%add3A_73, %dma_wait3A] : memref<18496x64xf32, #tpu.memory_space<vmem_shared>> -> memref<289x64xf32, #tpu.memory_space<vmem_shared>>
      %dma_wait3A_168 = arith.constant 0 : i32
      %dma_wait3A_169 = tpu.memref_slice %arg24[%add3A_73, %dma_wait3A_168] : memref<18496x64xf32, #tpu.memory_space<vmem_shared>> -> memref<289x64xf32, #tpu.memory_space<vmem_shared>>
      tpu.wait_dma2 semaphore(%run_scoped3A_162 : memref<!tpu.dma_semaphore, #tpu.memory_space<semaphore_mem>>) src(%arg19 : memref<289x64xf32, #tpu.memory_space<vmem>>) dst(%dma_wait3A_169 : memref<289x64xf32, #tpu.memory_space<vmem_shared>>)
      tpu.yield
    }) : () -> ()
    %barrier3A_74 = arith.constant 0 : index
    tpu.barrier barrier_id(%barrier3A_74)
    %add3A_75 = arith.constant 0 : i32
    %add3A_76 = arith.addi %mul3A_2, %add3A_75 : i32
    "tpu.region"() ({
      %run_scoped3A_162 = tpu.sem_alloc : memref<!tpu.dma_semaphore, #tpu.memory_space<semaphore_mem>>
      %dma_start3A_163 = tpu.memref_slice %arg2[%add3A_76] : memref<819200xi32, #tpu.memory_space<hbm>> -> memref<128xi32, #tpu.memory_space<hbm>>
      %dma_start3A_164 = tpu.memref_slice %arg2[%add3A_76] : memref<819200xi32, #tpu.memory_space<hbm>> -> memref<128xi32, #tpu.memory_space<hbm>>
      tpu.enqueue_dma source(%dma_start3A_164 : memref<128xi32, #tpu.memory_space<hbm>>) target(%arg6 : memref<128xi32, #tpu.memory_space<vmem>>) target_semaphore(%run_scoped3A_162 : memref<!tpu.dma_semaphore, #tpu.memory_space<semaphore_mem>>)
      %dma_wait3A = tpu.memref_slice %arg2[%add3A_76] : memref<819200xi32, #tpu.memory_space<hbm>> -> memref<128xi32, #tpu.memory_space<hbm>>
      %dma_wait3A_165 = tpu.memref_slice %arg2[%add3A_76] : memref<819200xi32, #tpu.memory_space<hbm>> -> memref<128xi32, #tpu.memory_space<hbm>>
      tpu.wait_dma2 semaphore(%run_scoped3A_162 : memref<!tpu.dma_semaphore, #tpu.memory_space<semaphore_mem>>) src(%dma_wait3A_165 : memref<128xi32, #tpu.memory_space<hbm>>) dst(%arg6 : memref<128xi32, #tpu.memory_space<vmem>>)
      tpu.yield
    }) : () -> ()
    %add3A_77 = arith.constant 0 : i32
    %add3A_78 = arith.addi %mul3A_2, %add3A_77 : i32
    "tpu.region"() ({
      %run_scoped3A_162 = tpu.sem_alloc : memref<!tpu.dma_semaphore, #tpu.memory_space<semaphore_mem>>
      %dma_start3A_163 = tpu.memref_slice %arg3[%add3A_78] : memref<819200xi32, #tpu.memory_space<hbm>> -> memref<128xi32, #tpu.memory_space<hbm>>
      %dma_start3A_164 = tpu.memref_slice %arg3[%add3A_78] : memref<819200xi32, #tpu.memory_space<hbm>> -> memref<128xi32, #tpu.memory_space<hbm>>
      tpu.enqueue_dma source(%dma_start3A_164 : memref<128xi32, #tpu.memory_space<hbm>>) target(%arg10 : memref<128xi32, #tpu.memory_space<vmem>>) target_semaphore(%run_scoped3A_162 : memref<!tpu.dma_semaphore, #tpu.memory_space<semaphore_mem>>)
      %dma_wait3A = tpu.memref_slice %arg3[%add3A_78] : memref<819200xi32, #tpu.memory_space<hbm>> -> memref<128xi32, #tpu.memory_space<hbm>>
      %dma_wait3A_165 = tpu.memref_slice %arg3[%add3A_78] : memref<819200xi32, #tpu.memory_space<hbm>> -> memref<128xi32, #tpu.memory_space<hbm>>
      tpu.wait_dma2 semaphore(%run_scoped3A_162 : memref<!tpu.dma_semaphore, #tpu.memory_space<semaphore_mem>>) src(%dma_wait3A_165 : memref<128xi32, #tpu.memory_space<hbm>>) dst(%arg10 : memref<128xi32, #tpu.memory_space<vmem>>)
      tpu.yield
    }) : () -> ()
    %dma_start3A_79 = arith.constant 0 : i32
    %dma_start3A_80 = arith.constant 0 : i32
    %dma_start3A_81 = tpu.memref_slice %arg4[%dma_start3A_79, %dma_start3A_80] : memref<50000x64xf32, #tpu.memory_space<hbm>> -> memref<50000x64xf32, #tpu.memory_space<hbm>>
    tpu.enqueue_indirect_dma source(%dma_start3A_81 : memref<50000x64xf32, #tpu.memory_space<hbm>>) target(%arg15 : memref<128x64xf32, #tpu.memory_space<vmem>>) offsets(%arg6 : memref<128xi32, #tpu.memory_space<vmem>>) semaphore(%arg20 : memref<!tpu.dma_semaphore, #tpu.memory_space<semaphore_mem>>)
    %add3A_82 = arith.constant 128 : i32
    %add3A_83 = arith.addi %mul3A_2, %add3A_82 : i32
    "tpu.region"() ({
      %run_scoped3A_162 = tpu.sem_alloc : memref<!tpu.dma_semaphore, #tpu.memory_space<semaphore_mem>>
      %dma_start3A_163 = tpu.memref_slice %arg2[%add3A_83] : memref<819200xi32, #tpu.memory_space<hbm>> -> memref<128xi32, #tpu.memory_space<hbm>>
      %dma_start3A_164 = tpu.memref_slice %arg2[%add3A_83] : memref<819200xi32, #tpu.memory_space<hbm>> -> memref<128xi32, #tpu.memory_space<hbm>>
      tpu.enqueue_dma source(%dma_start3A_164 : memref<128xi32, #tpu.memory_space<hbm>>) target(%arg7 : memref<128xi32, #tpu.memory_space<vmem>>) target_semaphore(%run_scoped3A_162 : memref<!tpu.dma_semaphore, #tpu.memory_space<semaphore_mem>>)
      %dma_wait3A = tpu.memref_slice %arg2[%add3A_83] : memref<819200xi32, #tpu.memory_space<hbm>> -> memref<128xi32, #tpu.memory_space<hbm>>
      %dma_wait3A_165 = tpu.memref_slice %arg2[%add3A_83] : memref<819200xi32, #tpu.memory_space<hbm>> -> memref<128xi32, #tpu.memory_space<hbm>>
      tpu.wait_dma2 semaphore(%run_scoped3A_162 : memref<!tpu.dma_semaphore, #tpu.memory_space<semaphore_mem>>) src(%dma_wait3A_165 : memref<128xi32, #tpu.memory_space<hbm>>) dst(%arg7 : memref<128xi32, #tpu.memory_space<vmem>>)
      tpu.yield
    }) : () -> ()
    %add3A_84 = arith.constant 128 : i32
    %add3A_85 = arith.addi %mul3A_2, %add3A_84 : i32
    "tpu.region"() ({
      %run_scoped3A_162 = tpu.sem_alloc : memref<!tpu.dma_semaphore, #tpu.memory_space<semaphore_mem>>
      %dma_start3A_163 = tpu.memref_slice %arg3[%add3A_85] : memref<819200xi32, #tpu.memory_space<hbm>> -> memref<128xi32, #tpu.memory_space<hbm>>
      %dma_start3A_164 = tpu.memref_slice %arg3[%add3A_85] : memref<819200xi32, #tpu.memory_space<hbm>> -> memref<128xi32, #tpu.memory_space<hbm>>
      tpu.enqueue_dma source(%dma_start3A_164 : memref<128xi32, #tpu.memory_space<hbm>>) target(%arg11 : memref<128xi32, #tpu.memory_space<vmem>>) target_semaphore(%run_scoped3A_162 : memref<!tpu.dma_semaphore, #tpu.memory_space<semaphore_mem>>)
      %dma_wait3A = tpu.memref_slice %arg3[%add3A_85] : memref<819200xi32, #tpu.memory_space<hbm>> -> memref<128xi32, #tpu.memory_space<hbm>>
      %dma_wait3A_165 = tpu.memref_slice %arg3[%add3A_85] : memref<819200xi32, #tpu.memory_space<hbm>> -> memref<128xi32, #tpu.memory_space<hbm>>
      tpu.wait_dma2 semaphore(%run_scoped3A_162 : memref<!tpu.dma_semaphore, #tpu.memory_space<semaphore_mem>>) src(%dma_wait3A_165 : memref<128xi32, #tpu.memory_space<hbm>>) dst(%arg11 : memref<128xi32, #tpu.memory_space<vmem>>)
      tpu.yield
    }) : () -> ()
    %dma_start3A_86 = arith.constant 0 : i32
    %dma_start3A_87 = arith.constant 0 : i32
    %dma_start3A_88 = tpu.memref_slice %arg4[%dma_start3A_86, %dma_start3A_87] : memref<50000x64xf32, #tpu.memory_space<hbm>> -> memref<50000x64xf32, #tpu.memory_space<hbm>>
    tpu.enqueue_indirect_dma source(%dma_start3A_88 : memref<50000x64xf32, #tpu.memory_space<hbm>>) target(%arg16 : memref<128x64xf32, #tpu.memory_space<vmem>>) offsets(%arg7 : memref<128xi32, #tpu.memory_space<vmem>>) semaphore(%arg21 : memref<!tpu.dma_semaphore, #tpu.memory_space<semaphore_mem>>)
    %add3A_89 = arith.constant 256 : i32
    %add3A_90 = arith.addi %mul3A_2, %add3A_89 : i32
    "tpu.region"() ({
      %run_scoped3A_162 = tpu.sem_alloc : memref<!tpu.dma_semaphore, #tpu.memory_space<semaphore_mem>>
      %dma_start3A_163 = tpu.memref_slice %arg2[%add3A_90] : memref<819200xi32, #tpu.memory_space<hbm>> -> memref<128xi32, #tpu.memory_space<hbm>>
      %dma_start3A_164 = tpu.memref_slice %arg2[%add3A_90] : memref<819200xi32, #tpu.memory_space<hbm>> -> memref<128xi32, #tpu.memory_space<hbm>>
      tpu.enqueue_dma source(%dma_start3A_164 : memref<128xi32, #tpu.memory_space<hbm>>) target(%arg8 : memref<128xi32, #tpu.memory_space<vmem>>) target_semaphore(%run_scoped3A_162 : memref<!tpu.dma_semaphore, #tpu.memory_space<semaphore_mem>>)
      %dma_wait3A = tpu.memref_slice %arg2[%add3A_90] : memref<819200xi32, #tpu.memory_space<hbm>> -> memref<128xi32, #tpu.memory_space<hbm>>
      %dma_wait3A_165 = tpu.memref_slice %arg2[%add3A_90] : memref<819200xi32, #tpu.memory_space<hbm>> -> memref<128xi32, #tpu.memory_space<hbm>>
      tpu.wait_dma2 semaphore(%run_scoped3A_162 : memref<!tpu.dma_semaphore, #tpu.memory_space<semaphore_mem>>) src(%dma_wait3A_165 : memref<128xi32, #tpu.memory_space<hbm>>) dst(%arg8 : memref<128xi32, #tpu.memory_space<vmem>>)
      tpu.yield
    }) : () -> ()
    %add3A_91 = arith.constant 256 : i32
    %add3A_92 = arith.addi %mul3A_2, %add3A_91 : i32
    "tpu.region"() ({
      %run_scoped3A_162 = tpu.sem_alloc : memref<!tpu.dma_semaphore, #tpu.memory_space<semaphore_mem>>
      %dma_start3A_163 = tpu.memref_slice %arg3[%add3A_92] : memref<819200xi32, #tpu.memory_space<hbm>> -> memref<128xi32, #tpu.memory_space<hbm>>
      %dma_start3A_164 = tpu.memref_slice %arg3[%add3A_92] : memref<819200xi32, #tpu.memory_space<hbm>> -> memref<128xi32, #tpu.memory_space<hbm>>
      tpu.enqueue_dma source(%dma_start3A_164 : memref<128xi32, #tpu.memory_space<hbm>>) target(%arg12 : memref<128xi32, #tpu.memory_space<vmem>>) target_semaphore(%run_scoped3A_162 : memref<!tpu.dma_semaphore, #tpu.memory_space<semaphore_mem>>)
      %dma_wait3A = tpu.memref_slice %arg3[%add3A_92] : memref<819200xi32, #tpu.memory_space<hbm>> -> memref<128xi32, #tpu.memory_space<hbm>>
      %dma_wait3A_165 = tpu.memref_slice %arg3[%add3A_92] : memref<819200xi32, #tpu.memory_space<hbm>> -> memref<128xi32, #tpu.memory_space<hbm>>
      tpu.wait_dma2 semaphore(%run_scoped3A_162 : memref<!tpu.dma_semaphore, #tpu.memory_space<semaphore_mem>>) src(%dma_wait3A_165 : memref<128xi32, #tpu.memory_space<hbm>>) dst(%arg12 : memref<128xi32, #tpu.memory_space<vmem>>)
      tpu.yield
    }) : () -> ()
    %dma_start3A_93 = arith.constant 0 : i32
    %dma_start3A_94 = arith.constant 0 : i32
    %dma_start3A_95 = tpu.memref_slice %arg4[%dma_start3A_93, %dma_start3A_94] : memref<50000x64xf32, #tpu.memory_space<hbm>> -> memref<50000x64xf32, #tpu.memory_space<hbm>>
    tpu.enqueue_indirect_dma source(%dma_start3A_95 : memref<50000x64xf32, #tpu.memory_space<hbm>>) target(%arg17 : memref<128x64xf32, #tpu.memory_space<vmem>>) offsets(%arg8 : memref<128xi32, #tpu.memory_space<vmem>>) semaphore(%arg22 : memref<!tpu.dma_semaphore, #tpu.memory_space<semaphore_mem>>)
    %scan3A_96 = arith.constant 0 : i32
    %scan3A_97 = arith.constant 0 : i32
    %scan3A_98 = arith.constant 50 : i32
    %scan3A_99 = arith.addi %scan3A_97, %scan3A_98 : i32
    %scan3A_100 = arith.constant 1 : i32
    %scan3A_101 = scf.for %scan3A_162 = %scan3A_97 to %scan3A_99 step %scan3A_100 iter_args(%scan3A_163 = %scan3A_96) -> (i32)  : i32 {
      %mul3A_164 = arith.constant 4 : i32
      %mul3A_165 = arith.muli %scan3A_162, %mul3A_164 : i32
      %add3A_166 = arith.constant 0 : i32
      %add3A_167 = arith.addi %mul3A_165, %add3A_166 : i32
      %add3A_168 = arith.constant 3 : i32
      %add3A_169 = arith.addi %add3A_167, %add3A_168 : i32
      %lt3A = arith.constant 200 : i32
      %lt3A_170 = arith.cmpi slt, %add3A_169, %lt3A : i32
      %convert_element_type3A = arith.extui %lt3A_170 : i1 to i32
      %cond3A = arith.constant 0 : i32
      %cond3A_171 = arith.cmpi ne, %convert_element_type3A, %cond3A : i32
      scf.if %cond3A_171 {
        %add3A_245 = arith.constant 3 : i32
        %add3A_246 = arith.addi %add3A_167, %add3A_245 : i32
        %mul3A_247 = arith.constant 128 : i32
        %mul3A_248 = arith.muli %add3A_246, %mul3A_247 : i32
        %add3A_249 = arith.addi %mul3A_2, %mul3A_248 : i32
        "tpu.region"() ({
          %run_scoped3A_256 = tpu.sem_alloc : memref<!tpu.dma_semaphore, #tpu.memory_space<semaphore_mem>>
          %dma_start3A_257 = tpu.memref_slice %arg2[%add3A_249] : memref<819200xi32, #tpu.memory_space<hbm>> -> memref<128xi32, #tpu.memory_space<hbm>>
          %dma_start3A_258 = tpu.memref_slice %arg2[%add3A_249] : memref<819200xi32, #tpu.memory_space<hbm>> -> memref<128xi32, #tpu.memory_space<hbm>>
          tpu.enqueue_dma source(%dma_start3A_258 : memref<128xi32, #tpu.memory_space<hbm>>) target(%arg9 : memref<128xi32, #tpu.memory_space<vmem>>) target_semaphore(%run_scoped3A_256 : memref<!tpu.dma_semaphore, #tpu.memory_space<semaphore_mem>>)
          %dma_wait3A_259 = tpu.memref_slice %arg2[%add3A_249] : memref<819200xi32, #tpu.memory_space<hbm>> -> memref<128xi32, #tpu.memory_space<hbm>>
          %dma_wait3A_260 = tpu.memref_slice %arg2[%add3A_249] : memref<819200xi32, #tpu.memory_space<hbm>> -> memref<128xi32, #tpu.memory_space<hbm>>
          tpu.wait_dma2 semaphore(%run_scoped3A_256 : memref<!tpu.dma_semaphore, #tpu.memory_space<semaphore_mem>>) src(%dma_wait3A_260 : memref<128xi32, #tpu.memory_space<hbm>>) dst(%arg9 : memref<128xi32, #tpu.memory_space<vmem>>)
          tpu.yield
        }) : () -> ()
        %mul3A_250 = arith.constant 128 : i32
        %mul3A_251 = arith.muli %add3A_246, %mul3A_250 : i32
        %add3A_252 = arith.addi %mul3A_2, %mul3A_251 : i32
        "tpu.region"() ({
          %run_scoped3A_256 = tpu.sem_alloc : memref<!tpu.dma_semaphore, #tpu.memory_space<semaphore_mem>>
          %dma_start3A_257 = tpu.memref_slice %arg3[%add3A_252] : memref<819200xi32, #tpu.memory_space<hbm>> -> memref<128xi32, #tpu.memory_space<hbm>>
          %dma_start3A_258 = tpu.memref_slice %arg3[%add3A_252] : memref<819200xi32, #tpu.memory_space<hbm>> -> memref<128xi32, #tpu.memory_space<hbm>>
          tpu.enqueue_dma source(%dma_start3A_258 : memref<128xi32, #tpu.memory_space<hbm>>) target(%arg13 : memref<128xi32, #tpu.memory_space<vmem>>) target_semaphore(%run_scoped3A_256 : memref<!tpu.dma_semaphore, #tpu.memory_space<semaphore_mem>>)
          %dma_wait3A_259 = tpu.memref_slice %arg3[%add3A_252] : memref<819200xi32, #tpu.memory_space<hbm>> -> memref<128xi32, #tpu.memory_space<hbm>>
          %dma_wait3A_260 = tpu.memref_slice %arg3[%add3A_252] : memref<819200xi32, #tpu.memory_space<hbm>> -> memref<128xi32, #tpu.memory_space<hbm>>
          tpu.wait_dma2 semaphore(%run_scoped3A_256 : memref<!tpu.dma_semaphore, #tpu.memory_space<semaphore_mem>>) src(%dma_wait3A_260 : memref<128xi32, #tpu.memory_space<hbm>>) dst(%arg13 : memref<128xi32, #tpu.memory_space<vmem>>)
          tpu.yield
        }) : () -> ()
        %dma_start3A_253 = arith.constant 0 : i32
        %dma_start3A_254 = arith.constant 0 : i32
        %dma_start3A_255 = tpu.memref_slice %arg4[%dma_start3A_253, %dma_start3A_254] : memref<50000x64xf32, #tpu.memory_space<hbm>> -> memref<50000x64xf32, #tpu.memory_space<hbm>>
        tpu.enqueue_indirect_dma source(%dma_start3A_255 : memref<50000x64xf32, #tpu.memory_space<hbm>>) target(%arg18 : memref<128x64xf32, #tpu.memory_space<vmem>>) offsets(%arg9 : memref<128xi32, #tpu.memory_space<vmem>>) semaphore(%arg23 : memref<!tpu.dma_semaphore, #tpu.memory_space<semaphore_mem>>)
      } else {
      }
      %scan3A_172 = arith.constant 0 : i32
      %scan3A_173 = arith.constant 0 : i32
      %scan3A_174 = arith.constant 8 : i32
      %scan3A_175 = arith.addi %scan3A_173, %scan3A_174 : i32
      %scan3A_176 = arith.constant 1 : i32
      %scan3A_177 = scf.for %scan3A_245 = %scan3A_173 to %scan3A_175 step %scan3A_176 iter_args(%scan3A_246 = %scan3A_172) -> (i32)  : i32 {
        %mul3A_247 = arith.constant 16 : i32
        %mul3A_248 = arith.muli %scan3A_245, %mul3A_247 : i32
        %get3A = arith.index_cast %mul3A_248 : i32 to index
        %get3A_249 = tpu.vector_load %arg10[%get3A] {strides = array<i32>} : memref<128xi32, #tpu.memory_space<vmem>>, vector<16xi32>,
        %get3A_250 = vector.shape_cast %get3A_249 : vector<16xi32> to vector<16xi32>
        %sub3A = arith.constant 18432 : i32
        %sub3A_251 = vector.broadcast %sub3A : i32 to vector<16xi32>
        %sub3A_252 = arith.subi %get3A_250, %sub3A_251 : vector<16xi32>
        %ge3A = arith.constant 0 : i32
        %ge3A_253 = vector.broadcast %ge3A : i32 to vector<16xi32>
        %ge3A_254 = arith.cmpi sge, %sub3A_252, %ge3A_253 : vector<16xi32>
        %lt3A_255 = arith.constant 18432 : i32
        %lt3A_256 = vector.broadcast %lt3A_255 : i32 to vector<16xi32>
        %lt3A_257 = arith.cmpi slt, %sub3A_252, %lt3A_256 : vector<16xi32>
        %and3A = arith.andi %ge3A_254, %lt3A_257 : vector<16xi1>
        %jit3A = arith.constant 18432 : i32
        %broadcast_in_dim3A = vector.broadcast %jit3A : i32 to vector<16xi32>
        %select_n3A = arith.select %and3A, %sub3A_252, %broadcast_in_dim3A : vector<16xi1>, vector<16xi32>
        %mul3A_258 = arith.constant 16 : i32
        %mul3A_259 = arith.muli %scan3A_245, %mul3A_258 : i32
        %swap3A = arith.index_cast %mul3A_259 : i32 to index
        %swap3A_260 = tpu.vector_load %arg14[%swap3A] {strides = array<i32>} : memref<128xi32, #tpu.memory_space<vmem>>, vector<16xi32>,
        %swap3A_261 = vector.shape_cast %swap3A_260 : vector<16xi32> to vector<16xi32>
        %swap3A_262 = vector.shape_cast %select_n3A : vector<16xi32> to vector<16xi32>
        tpu.vector_store %arg14[%swap3A], %swap3A_262 {strides = array<i32>} : memref<128xi32, #tpu.memory_space<vmem>>, vector<16xi32>,
        %scan3A_263 = arith.constant 0 : i32
        scf.yield %scan3A_263 : i32
      }
      %scan3A_178 = arith.constant 8 : i32
      %dma_wait3A = arith.constant 0 : i32
      %dma_wait3A_179 = arith.constant 0 : i32
      %dma_wait3A_180 = tpu.memref_slice %arg4[%dma_wait3A, %dma_wait3A_179] : memref<50000x64xf32, #tpu.memory_space<hbm>> -> memref<50000x64xf32, #tpu.memory_space<hbm>>
      tpu.wait_indirect_dma semaphore(%arg20 : memref<!tpu.dma_semaphore, #tpu.memory_space<semaphore_mem>>) src(%dma_wait3A_180 : memref<50000x64xf32, #tpu.memory_space<hbm>>) dst(%arg15 : memref<128x64xf32, #tpu.memory_space<vmem>>)
      "tpu.region"() ({
        %run_scoped3A_245 = tpu.sem_alloc : memref<!tpu.dma_semaphore, #tpu.memory_space<semaphore_mem>>
        %dma_start3A_246 = arith.constant 0 : i32
        %dma_start3A_247 = arith.constant 0 : i32
        %dma_start3A_248 = tpu.memref_slice %arg24[%dma_start3A_246, %dma_start3A_247] : memref<18496x64xf32, #tpu.memory_space<vmem_shared>> -> memref<18496x64xf32, #tpu.memory_space<vmem_shared>>
        tpu.enqueue_indirect_dma source(%arg15 : memref<128x64xf32, #tpu.memory_space<vmem>>) target(%dma_start3A_248 : memref<18496x64xf32, #tpu.memory_space<vmem_shared>>) offsets(%arg14 : memref<128xi32, #tpu.memory_space<vmem>>) semaphore(%run_scoped3A_245 : memref<!tpu.dma_semaphore, #tpu.memory_space<semaphore_mem>>) {add = true}
        %dma_wait3A_249 = arith.constant 0 : i32
        %dma_wait3A_250 = arith.constant 0 : i32
        %dma_wait3A_251 = tpu.memref_slice %arg24[%dma_wait3A_249, %dma_wait3A_250] : memref<18496x64xf32, #tpu.memory_space<vmem_shared>> -> memref<18496x64xf32, #tpu.memory_space<vmem_shared>>
        tpu.wait_indirect_dma semaphore(%run_scoped3A_245 : memref<!tpu.dma_semaphore, #tpu.memory_space<semaphore_mem>>) src(%arg15 : memref<128x64xf32, #tpu.memory_space<vmem>>) dst(%dma_wait3A_251 : memref<18496x64xf32, #tpu.memory_space<vmem_shared>>)
        tpu.yield
      }) : () -> ()
      %mul3A_181 = arith.constant 4 : i32
      %mul3A_182 = arith.muli %scan3A_162, %mul3A_181 : i32
      %add3A_183 = arith.constant 1 : i32
      %add3A_184 = arith.addi %mul3A_182, %add3A_183 : i32
      %add3A_185 = arith.constant 3 : i32
      %add3A_186 = arith.addi %add3A_184, %add3A_185 : i32
      %lt3A_187 = arith.constant 200 : i32
      %lt3A_188 = arith.cmpi slt, %add3A_186, %lt3A_187 : i32
      %convert_element_type3A_189 = arith.extui %lt3A_188 : i1 to i32
      %cond3A_190 = arith.constant 0 : i32
      %cond3A_191 = arith.cmpi ne, %convert_element_type3A_189, %cond3A_190 : i32
      scf.if %cond3A_191 {
        %add3A_245 = arith.constant 3 : i32
        %add3A_246 = arith.addi %add3A_184, %add3A_245 : i32
        %mul3A_247 = arith.constant 128 : i32
        %mul3A_248 = arith.muli %add3A_246, %mul3A_247 : i32
        %add3A_249 = arith.addi %mul3A_2, %mul3A_248 : i32
        "tpu.region"() ({
          %run_scoped3A_256 = tpu.sem_alloc : memref<!tpu.dma_semaphore, #tpu.memory_space<semaphore_mem>>
          %dma_start3A_257 = tpu.memref_slice %arg2[%add3A_249] : memref<819200xi32, #tpu.memory_space<hbm>> -> memref<128xi32, #tpu.memory_space<hbm>>
          %dma_start3A_258 = tpu.memref_slice %arg2[%add3A_249] : memref<819200xi32, #tpu.memory_space<hbm>> -> memref<128xi32, #tpu.memory_space<hbm>>
          tpu.enqueue_dma source(%dma_start3A_258 : memref<128xi32, #tpu.memory_space<hbm>>) target(%arg6 : memref<128xi32, #tpu.memory_space<vmem>>) target_semaphore(%run_scoped3A_256 : memref<!tpu.dma_semaphore, #tpu.memory_space<semaphore_mem>>)
          %dma_wait3A_259 = tpu.memref_slice %arg2[%add3A_249] : memref<819200xi32, #tpu.memory_space<hbm>> -> memref<128xi32, #tpu.memory_space<hbm>>
          %dma_wait3A_260 = tpu.memref_slice %arg2[%add3A_249] : memref<819200xi32, #tpu.memory_space<hbm>> -> memref<128xi32, #tpu.memory_space<hbm>>
          tpu.wait_dma2 semaphore(%run_scoped3A_256 : memref<!tpu.dma_semaphore, #tpu.memory_space<semaphore_mem>>) src(%dma_wait3A_260 : memref<128xi32, #tpu.memory_space<hbm>>) dst(%arg6 : memref<128xi32, #tpu.memory_space<vmem>>)
          tpu.yield
        }) : () -> ()
        %mul3A_250 = arith.constant 128 : i32
        %mul3A_251 = arith.muli %add3A_246, %mul3A_250 : i32
        %add3A_252 = arith.addi %mul3A_2, %mul3A_251 : i32
        "tpu.region"() ({
          %run_scoped3A_256 = tpu.sem_alloc : memref<!tpu.dma_semaphore, #tpu.memory_space<semaphore_mem>>
          %dma_start3A_257 = tpu.memref_slice %arg3[%add3A_252] : memref<819200xi32, #tpu.memory_space<hbm>> -> memref<128xi32, #tpu.memory_space<hbm>>
          %dma_start3A_258 = tpu.memref_slice %arg3[%add3A_252] : memref<819200xi32, #tpu.memory_space<hbm>> -> memref<128xi32, #tpu.memory_space<hbm>>
          tpu.enqueue_dma source(%dma_start3A_258 : memref<128xi32, #tpu.memory_space<hbm>>) target(%arg10 : memref<128xi32, #tpu.memory_space<vmem>>) target_semaphore(%run_scoped3A_256 : memref<!tpu.dma_semaphore, #tpu.memory_space<semaphore_mem>>)
          %dma_wait3A_259 = tpu.memref_slice %arg3[%add3A_252] : memref<819200xi32, #tpu.memory_space<hbm>> -> memref<128xi32, #tpu.memory_space<hbm>>
          %dma_wait3A_260 = tpu.memref_slice %arg3[%add3A_252] : memref<819200xi32, #tpu.memory_space<hbm>> -> memref<128xi32, #tpu.memory_space<hbm>>
          tpu.wait_dma2 semaphore(%run_scoped3A_256 : memref<!tpu.dma_semaphore, #tpu.memory_space<semaphore_mem>>) src(%dma_wait3A_260 : memref<128xi32, #tpu.memory_space<hbm>>) dst(%arg10 : memref<128xi32, #tpu.memory_space<vmem>>)
          tpu.yield
        }) : () -> ()
        %dma_start3A_253 = arith.constant 0 : i32
        %dma_start3A_254 = arith.constant 0 : i32
        %dma_start3A_255 = tpu.memref_slice %arg4[%dma_start3A_253, %dma_start3A_254] : memref<50000x64xf32, #tpu.memory_space<hbm>> -> memref<50000x64xf32, #tpu.memory_space<hbm>>
        tpu.enqueue_indirect_dma source(%dma_start3A_255 : memref<50000x64xf32, #tpu.memory_space<hbm>>) target(%arg15 : memref<128x64xf32, #tpu.memory_space<vmem>>) offsets(%arg6 : memref<128xi32, #tpu.memory_space<vmem>>) semaphore(%arg20 : memref<!tpu.dma_semaphore, #tpu.memory_space<semaphore_mem>>)
      } else {
      }
      %scan3A_192 = arith.constant 0 : i32
      %scan3A_193 = arith.constant 0 : i32
      %scan3A_194 = arith.constant 8 : i32
      %scan3A_195 = arith.addi %scan3A_193, %scan3A_194 : i32
      %scan3A_196 = arith.constant 1 : i32
      %scan3A_197 = scf.for %scan3A_245 = %scan3A_193 to %scan3A_195 step %scan3A_196 iter_args(%scan3A_246 = %scan3A_192) -> (i32)  : i32 {
        %mul3A_247 = arith.constant 16 : i32
        %mul3A_248 = arith.muli %scan3A_245, %mul3A_247 : i32
        %get3A = arith.index_cast %mul3A_248 : i32 to index
        %get3A_249 = tpu.vector_load %arg11[%get3A] {strides = array<i32>} : memref<128xi32, #tpu.memory_space<vmem>>, vector<16xi32>,
        %get3A_250 = vector.shape_cast %get3A_249 : vector<16xi32> to vector<16xi32>
        %sub3A = arith.constant 18432 : i32
        %sub3A_251 = vector.broadcast %sub3A : i32 to vector<16xi32>
        %sub3A_252 = arith.subi %get3A_250, %sub3A_251 : vector<16xi32>
        %ge3A = arith.constant 0 : i32
        %ge3A_253 = vector.broadcast %ge3A : i32 to vector<16xi32>
        %ge3A_254 = arith.cmpi sge, %sub3A_252, %ge3A_253 : vector<16xi32>
        %lt3A_255 = arith.constant 18432 : i32
        %lt3A_256 = vector.broadcast %lt3A_255 : i32 to vector<16xi32>
        %lt3A_257 = arith.cmpi slt, %sub3A_252, %lt3A_256 : vector<16xi32>
        %and3A = arith.andi %ge3A_254, %lt3A_257 : vector<16xi1>
        %jit3A = arith.constant 18432 : i32
        %broadcast_in_dim3A = vector.broadcast %jit3A : i32 to vector<16xi32>
        %select_n3A = arith.select %and3A, %sub3A_252, %broadcast_in_dim3A : vector<16xi1>, vector<16xi32>
        %mul3A_258 = arith.constant 16 : i32
        %mul3A_259 = arith.muli %scan3A_245, %mul3A_258 : i32
        %swap3A = arith.index_cast %mul3A_259 : i32 to index
        %swap3A_260 = tpu.vector_load %arg14[%swap3A] {strides = array<i32>} : memref<128xi32, #tpu.memory_space<vmem>>, vector<16xi32>,
        %swap3A_261 = vector.shape_cast %swap3A_260 : vector<16xi32> to vector<16xi32>
        %swap3A_262 = vector.shape_cast %select_n3A : vector<16xi32> to vector<16xi32>
        tpu.vector_store %arg14[%swap3A], %swap3A_262 {strides = array<i32>} : memref<128xi32, #tpu.memory_space<vmem>>, vector<16xi32>,
        %scan3A_263 = arith.constant 0 : i32
        scf.yield %scan3A_263 : i32
      }
      %scan3A_198 = arith.constant 8 : i32
      %dma_wait3A_199 = arith.constant 0 : i32
      %dma_wait3A_200 = arith.constant 0 : i32
      %dma_wait3A_201 = tpu.memref_slice %arg4[%dma_wait3A_199, %dma_wait3A_200] : memref<50000x64xf32, #tpu.memory_space<hbm>> -> memref<50000x64xf32, #tpu.memory_space<hbm>>
      tpu.wait_indirect_dma semaphore(%arg21 : memref<!tpu.dma_semaphore, #tpu.memory_space<semaphore_mem>>) src(%dma_wait3A_201 : memref<50000x64xf32, #tpu.memory_space<hbm>>) dst(%arg16 : memref<128x64xf32, #tpu.memory_space<vmem>>)
      "tpu.region"() ({
        %run_scoped3A_245 = tpu.sem_alloc : memref<!tpu.dma_semaphore, #tpu.memory_space<semaphore_mem>>
        %dma_start3A_246 = arith.constant 0 : i32
        %dma_start3A_247 = arith.constant 0 : i32
        %dma_start3A_248 = tpu.memref_slice %arg24[%dma_start3A_246, %dma_start3A_247] : memref<18496x64xf32, #tpu.memory_space<vmem_shared>> -> memref<18496x64xf32, #tpu.memory_space<vmem_shared>>
        tpu.enqueue_indirect_dma source(%arg16 : memref<128x64xf32, #tpu.memory_space<vmem>>) target(%dma_start3A_248 : memref<18496x64xf32, #tpu.memory_space<vmem_shared>>) offsets(%arg14 : memref<128xi32, #tpu.memory_space<vmem>>) semaphore(%run_scoped3A_245 : memref<!tpu.dma_semaphore, #tpu.memory_space<semaphore_mem>>) {add = true}
        %dma_wait3A_249 = arith.constant 0 : i32
        %dma_wait3A_250 = arith.constant 0 : i32
        %dma_wait3A_251 = tpu.memref_slice %arg24[%dma_wait3A_249, %dma_wait3A_250] : memref<18496x64xf32, #tpu.memory_space<vmem_shared>> -> memref<18496x64xf32, #tpu.memory_space<vmem_shared>>
        tpu.wait_indirect_dma semaphore(%run_scoped3A_245 : memref<!tpu.dma_semaphore, #tpu.memory_space<semaphore_mem>>) src(%arg16 : memref<128x64xf32, #tpu.memory_space<vmem>>) dst(%dma_wait3A_251 : memref<18496x64xf32, #tpu.memory_space<vmem_shared>>)
        tpu.yield
      }) : () -> ()
      %mul3A_202 = arith.constant 4 : i32
      %mul3A_203 = arith.muli %scan3A_162, %mul3A_202 : i32
      %add3A_204 = arith.constant 2 : i32
      %add3A_205 = arith.addi %mul3A_203, %add3A_204 : i32
      %add3A_206 = arith.constant 3 : i32
      %add3A_207 = arith.addi %add3A_205, %add3A_206 : i32
      %lt3A_208 = arith.constant 200 : i32
      %lt3A_209 = arith.cmpi slt, %add3A_207, %lt3A_208 : i32
      %convert_element_type3A_210 = arith.extui %lt3A_209 : i1 to i32
      %cond3A_211 = arith.constant 0 : i32
      %cond3A_212 = arith.cmpi ne, %convert_element_type3A_210, %cond3A_211 : i32
      scf.if %cond3A_212 {
        %add3A_245 = arith.constant 3 : i32
        %add3A_246 = arith.addi %add3A_205, %add3A_245 : i32
        %mul3A_247 = arith.constant 128 : i32
        %mul3A_248 = arith.muli %add3A_246, %mul3A_247 : i32
        %add3A_249 = arith.addi %mul3A_2, %mul3A_248 : i32
        "tpu.region"() ({
          %run_scoped3A_256 = tpu.sem_alloc : memref<!tpu.dma_semaphore, #tpu.memory_space<semaphore_mem>>
          %dma_start3A_257 = tpu.memref_slice %arg2[%add3A_249] : memref<819200xi32, #tpu.memory_space<hbm>> -> memref<128xi32, #tpu.memory_space<hbm>>
          %dma_start3A_258 = tpu.memref_slice %arg2[%add3A_249] : memref<819200xi32, #tpu.memory_space<hbm>> -> memref<128xi32, #tpu.memory_space<hbm>>
          tpu.enqueue_dma source(%dma_start3A_258 : memref<128xi32, #tpu.memory_space<hbm>>) target(%arg7 : memref<128xi32, #tpu.memory_space<vmem>>) target_semaphore(%run_scoped3A_256 : memref<!tpu.dma_semaphore, #tpu.memory_space<semaphore_mem>>)
          %dma_wait3A_259 = tpu.memref_slice %arg2[%add3A_249] : memref<819200xi32, #tpu.memory_space<hbm>> -> memref<128xi32, #tpu.memory_space<hbm>>
          %dma_wait3A_260 = tpu.memref_slice %arg2[%add3A_249] : memref<819200xi32, #tpu.memory_space<hbm>> -> memref<128xi32, #tpu.memory_space<hbm>>
          tpu.wait_dma2 semaphore(%run_scoped3A_256 : memref<!tpu.dma_semaphore, #tpu.memory_space<semaphore_mem>>) src(%dma_wait3A_260 : memref<128xi32, #tpu.memory_space<hbm>>) dst(%arg7 : memref<128xi32, #tpu.memory_space<vmem>>)
          tpu.yield
        }) : () -> ()
        %mul3A_250 = arith.constant 128 : i32
        %mul3A_251 = arith.muli %add3A_246, %mul3A_250 : i32
        %add3A_252 = arith.addi %mul3A_2, %mul3A_251 : i32
        "tpu.region"() ({
          %run_scoped3A_256 = tpu.sem_alloc : memref<!tpu.dma_semaphore, #tpu.memory_space<semaphore_mem>>
          %dma_start3A_257 = tpu.memref_slice %arg3[%add3A_252] : memref<819200xi32, #tpu.memory_space<hbm>> -> memref<128xi32, #tpu.memory_space<hbm>>
          %dma_start3A_258 = tpu.memref_slice %arg3[%add3A_252] : memref<819200xi32, #tpu.memory_space<hbm>> -> memref<128xi32, #tpu.memory_space<hbm>>
          tpu.enqueue_dma source(%dma_start3A_258 : memref<128xi32, #tpu.memory_space<hbm>>) target(%arg11 : memref<128xi32, #tpu.memory_space<vmem>>) target_semaphore(%run_scoped3A_256 : memref<!tpu.dma_semaphore, #tpu.memory_space<semaphore_mem>>)
          %dma_wait3A_259 = tpu.memref_slice %arg3[%add3A_252] : memref<819200xi32, #tpu.memory_space<hbm>> -> memref<128xi32, #tpu.memory_space<hbm>>
          %dma_wait3A_260 = tpu.memref_slice %arg3[%add3A_252] : memref<819200xi32, #tpu.memory_space<hbm>> -> memref<128xi32, #tpu.memory_space<hbm>>
          tpu.wait_dma2 semaphore(%run_scoped3A_256 : memref<!tpu.dma_semaphore, #tpu.memory_space<semaphore_mem>>) src(%dma_wait3A_260 : memref<128xi32, #tpu.memory_space<hbm>>) dst(%arg11 : memref<128xi32, #tpu.memory_space<vmem>>)
          tpu.yield
        }) : () -> ()
        %dma_start3A_253 = arith.constant 0 : i32
        %dma_start3A_254 = arith.constant 0 : i32
        %dma_start3A_255 = tpu.memref_slice %arg4[%dma_start3A_253, %dma_start3A_254] : memref<50000x64xf32, #tpu.memory_space<hbm>> -> memref<50000x64xf32, #tpu.memory_space<hbm>>
        tpu.enqueue_indirect_dma source(%dma_start3A_255 : memref<50000x64xf32, #tpu.memory_space<hbm>>) target(%arg16 : memref<128x64xf32, #tpu.memory_space<vmem>>) offsets(%arg7 : memref<128xi32, #tpu.memory_space<vmem>>) semaphore(%arg21 : memref<!tpu.dma_semaphore, #tpu.memory_space<semaphore_mem>>)
      } else {
      }
      %scan3A_213 = arith.constant 0 : i32
      %scan3A_214 = arith.constant 0 : i32
      %scan3A_215 = arith.constant 8 : i32
      %scan3A_216 = arith.addi %scan3A_214, %scan3A_215 : i32
      %scan3A_217 = arith.constant 1 : i32
      %scan3A_218 = scf.for %scan3A_245 = %scan3A_214 to %scan3A_216 step %scan3A_217 iter_args(%scan3A_246 = %scan3A_213) -> (i32)  : i32 {
        %mul3A_247 = arith.constant 16 : i32
        %mul3A_248 = arith.muli %scan3A_245, %mul3A_247 : i32
        %get3A = arith.index_cast %mul3A_248 : i32 to index
        %get3A_249 = tpu.vector_load %arg12[%get3A] {strides = array<i32>} : memref<128xi32, #tpu.memory_space<vmem>>, vector<16xi32>,
        %get3A_250 = vector.shape_cast %get3A_249 : vector<16xi32> to vector<16xi32>
        %sub3A = arith.constant 18432 : i32
        %sub3A_251 = vector.broadcast %sub3A : i32 to vector<16xi32>
        %sub3A_252 = arith.subi %get3A_250, %sub3A_251 : vector<16xi32>
        %ge3A = arith.constant 0 : i32
        %ge3A_253 = vector.broadcast %ge3A : i32 to vector<16xi32>
        %ge3A_254 = arith.cmpi sge, %sub3A_252, %ge3A_253 : vector<16xi32>
        %lt3A_255 = arith.constant 18432 : i32
        %lt3A_256 = vector.broadcast %lt3A_255 : i32 to vector<16xi32>
        %lt3A_257 = arith.cmpi slt, %sub3A_252, %lt3A_256 : vector<16xi32>
        %and3A = arith.andi %ge3A_254, %lt3A_257 : vector<16xi1>
        %jit3A = arith.constant 18432 : i32
        %broadcast_in_dim3A = vector.broadcast %jit3A : i32 to vector<16xi32>
        %select_n3A = arith.select %and3A, %sub3A_252, %broadcast_in_dim3A : vector<16xi1>, vector<16xi32>
        %mul3A_258 = arith.constant 16 : i32
        %mul3A_259 = arith.muli %scan3A_245, %mul3A_258 : i32
        %swap3A = arith.index_cast %mul3A_259 : i32 to index
        %swap3A_260 = tpu.vector_load %arg14[%swap3A] {strides = array<i32>} : memref<128xi32, #tpu.memory_space<vmem>>, vector<16xi32>,
        %swap3A_261 = vector.shape_cast %swap3A_260 : vector<16xi32> to vector<16xi32>
        %swap3A_262 = vector.shape_cast %select_n3A : vector<16xi32> to vector<16xi32>
        tpu.vector_store %arg14[%swap3A], %swap3A_262 {strides = array<i32>} : memref<128xi32, #tpu.memory_space<vmem>>, vector<16xi32>,
        %scan3A_263 = arith.constant 0 : i32
        scf.yield %scan3A_263 : i32
      }
      %scan3A_219 = arith.constant 8 : i32
      %dma_wait3A_220 = arith.constant 0 : i32
      %dma_wait3A_221 = arith.constant 0 : i32
      %dma_wait3A_222 = tpu.memref_slice %arg4[%dma_wait3A_220, %dma_wait3A_221] : memref<50000x64xf32, #tpu.memory_space<hbm>> -> memref<50000x64xf32, #tpu.memory_space<hbm>>
      tpu.wait_indirect_dma semaphore(%arg22 : memref<!tpu.dma_semaphore, #tpu.memory_space<semaphore_mem>>) src(%dma_wait3A_222 : memref<50000x64xf32, #tpu.memory_space<hbm>>) dst(%arg17 : memref<128x64xf32, #tpu.memory_space<vmem>>)
      "tpu.region"() ({
        %run_scoped3A_245 = tpu.sem_alloc : memref<!tpu.dma_semaphore, #tpu.memory_space<semaphore_mem>>
        %dma_start3A_246 = arith.constant 0 : i32
        %dma_start3A_247 = arith.constant 0 : i32
        %dma_start3A_248 = tpu.memref_slice %arg24[%dma_start3A_246, %dma_start3A_247] : memref<18496x64xf32, #tpu.memory_space<vmem_shared>> -> memref<18496x64xf32, #tpu.memory_space<vmem_shared>>
        tpu.enqueue_indirect_dma source(%arg17 : memref<128x64xf32, #tpu.memory_space<vmem>>) target(%dma_start3A_248 : memref<18496x64xf32, #tpu.memory_space<vmem_shared>>) offsets(%arg14 : memref<128xi32, #tpu.memory_space<vmem>>) semaphore(%run_scoped3A_245 : memref<!tpu.dma_semaphore, #tpu.memory_space<semaphore_mem>>) {add = true}
        %dma_wait3A_249 = arith.constant 0 : i32
        %dma_wait3A_250 = arith.constant 0 : i32
        %dma_wait3A_251 = tpu.memref_slice %arg24[%dma_wait3A_249, %dma_wait3A_250] : memref<18496x64xf32, #tpu.memory_space<vmem_shared>> -> memref<18496x64xf32, #tpu.memory_space<vmem_shared>>
        tpu.wait_indirect_dma semaphore(%run_scoped3A_245 : memref<!tpu.dma_semaphore, #tpu.memory_space<semaphore_mem>>) src(%arg17 : memref<128x64xf32, #tpu.memory_space<vmem>>) dst(%dma_wait3A_251 : memref<18496x64xf32, #tpu.memory_space<vmem_shared>>)
        tpu.yield
      }) : () -> ()
      %mul3A_223 = arith.constant 4 : i32
      %mul3A_224 = arith.muli %scan3A_162, %mul3A_223 : i32
      %add3A_225 = arith.constant 3 : i32
      %add3A_226 = arith.addi %mul3A_224, %add3A_225 : i32
      %add3A_227 = arith.constant 3 : i32
      %add3A_228 = arith.addi %add3A_226, %add3A_227 : i32
      %lt3A_229 = arith.constant 200 : i32
      %lt3A_230 = arith.cmpi slt, %add3A_228, %lt3A_229 : i32
      %convert_element_type3A_231 = arith.extui %lt3A_230 : i1 to i32
      %cond3A_232 = arith.constant 0 : i32
      %cond3A_233 = arith.cmpi ne, %convert_element_type3A_231, %cond3A_232 : i32
      scf.if %cond3A_233 {
        %add3A_245 = arith.constant 3 : i32
        %add3A_246 = arith.addi %add3A_226, %add3A_245 : i32
        %mul3A_247 = arith.constant 128 : i32
        %mul3A_248 = arith.muli %add3A_246, %mul3A_247 : i32
        %add3A_249 = arith.addi %mul3A_2, %mul3A_248 : i32
        "tpu.region"() ({
          %run_scoped3A_256 = tpu.sem_alloc : memref<!tpu.dma_semaphore, #tpu.memory_space<semaphore_mem>>
          %dma_start3A_257 = tpu.memref_slice %arg2[%add3A_249] : memref<819200xi32, #tpu.memory_space<hbm>> -> memref<128xi32, #tpu.memory_space<hbm>>
          %dma_start3A_258 = tpu.memref_slice %arg2[%add3A_249] : memref<819200xi32, #tpu.memory_space<hbm>> -> memref<128xi32, #tpu.memory_space<hbm>>
          tpu.enqueue_dma source(%dma_start3A_258 : memref<128xi32, #tpu.memory_space<hbm>>) target(%arg8 : memref<128xi32, #tpu.memory_space<vmem>>) target_semaphore(%run_scoped3A_256 : memref<!tpu.dma_semaphore, #tpu.memory_space<semaphore_mem>>)
          %dma_wait3A_259 = tpu.memref_slice %arg2[%add3A_249] : memref<819200xi32, #tpu.memory_space<hbm>> -> memref<128xi32, #tpu.memory_space<hbm>>
          %dma_wait3A_260 = tpu.memref_slice %arg2[%add3A_249] : memref<819200xi32, #tpu.memory_space<hbm>> -> memref<128xi32, #tpu.memory_space<hbm>>
          tpu.wait_dma2 semaphore(%run_scoped3A_256 : memref<!tpu.dma_semaphore, #tpu.memory_space<semaphore_mem>>) src(%dma_wait3A_260 : memref<128xi32, #tpu.memory_space<hbm>>) dst(%arg8 : memref<128xi32, #tpu.memory_space<vmem>>)
          tpu.yield
        }) : () -> ()
        %mul3A_250 = arith.constant 128 : i32
        %mul3A_251 = arith.muli %add3A_246, %mul3A_250 : i32
        %add3A_252 = arith.addi %mul3A_2, %mul3A_251 : i32
        "tpu.region"() ({
          %run_scoped3A_256 = tpu.sem_alloc : memref<!tpu.dma_semaphore, #tpu.memory_space<semaphore_mem>>
          %dma_start3A_257 = tpu.memref_slice %arg3[%add3A_252] : memref<819200xi32, #tpu.memory_space<hbm>> -> memref<128xi32, #tpu.memory_space<hbm>>
          %dma_start3A_258 = tpu.memref_slice %arg3[%add3A_252] : memref<819200xi32, #tpu.memory_space<hbm>> -> memref<128xi32, #tpu.memory_space<hbm>>
          tpu.enqueue_dma source(%dma_start3A_258 : memref<128xi32, #tpu.memory_space<hbm>>) target(%arg12 : memref<128xi32, #tpu.memory_space<vmem>>) target_semaphore(%run_scoped3A_256 : memref<!tpu.dma_semaphore, #tpu.memory_space<semaphore_mem>>)
          %dma_wait3A_259 = tpu.memref_slice %arg3[%add3A_252] : memref<819200xi32, #tpu.memory_space<hbm>> -> memref<128xi32, #tpu.memory_space<hbm>>
          %dma_wait3A_260 = tpu.memref_slice %arg3[%add3A_252] : memref<819200xi32, #tpu.memory_space<hbm>> -> memref<128xi32, #tpu.memory_space<hbm>>
          tpu.wait_dma2 semaphore(%run_scoped3A_256 : memref<!tpu.dma_semaphore, #tpu.memory_space<semaphore_mem>>) src(%dma_wait3A_260 : memref<128xi32, #tpu.memory_space<hbm>>) dst(%arg12 : memref<128xi32, #tpu.memory_space<vmem>>)
          tpu.yield
        }) : () -> ()
        %dma_start3A_253 = arith.constant 0 : i32
        %dma_start3A_254 = arith.constant 0 : i32
        %dma_start3A_255 = tpu.memref_slice %arg4[%dma_start3A_253, %dma_start3A_254] : memref<50000x64xf32, #tpu.memory_space<hbm>> -> memref<50000x64xf32, #tpu.memory_space<hbm>>
        tpu.enqueue_indirect_dma source(%dma_start3A_255 : memref<50000x64xf32, #tpu.memory_space<hbm>>) target(%arg17 : memref<128x64xf32, #tpu.memory_space<vmem>>) offsets(%arg8 : memref<128xi32, #tpu.memory_space<vmem>>) semaphore(%arg22 : memref<!tpu.dma_semaphore, #tpu.memory_space<semaphore_mem>>)
      } else {
      }
      %scan3A_234 = arith.constant 0 : i32
      %scan3A_235 = arith.constant 0 : i32
      %scan3A_236 = arith.constant 8 : i32
      %scan3A_237 = arith.addi %scan3A_235, %scan3A_236 : i32
      %scan3A_238 = arith.constant 1 : i32
      %scan3A_239 = scf.for %scan3A_245 = %scan3A_235 to %scan3A_237 step %scan3A_238 iter_args(%scan3A_246 = %scan3A_234) -> (i32)  : i32 {
        %mul3A_247 = arith.constant 16 : i32
        %mul3A_248 = arith.muli %scan3A_245, %mul3A_247 : i32
        %get3A = arith.index_cast %mul3A_248 : i32 to index
        %get3A_249 = tpu.vector_load %arg13[%get3A] {strides = array<i32>} : memref<128xi32, #tpu.memory_space<vmem>>, vector<16xi32>,
        %get3A_250 = vector.shape_cast %get3A_249 : vector<16xi32> to vector<16xi32>
        %sub3A = arith.constant 18432 : i32
        %sub3A_251 = vector.broadcast %sub3A : i32 to vector<16xi32>
        %sub3A_252 = arith.subi %get3A_250, %sub3A_251 : vector<16xi32>
        %ge3A = arith.constant 0 : i32
        %ge3A_253 = vector.broadcast %ge3A : i32 to vector<16xi32>
        %ge3A_254 = arith.cmpi sge, %sub3A_252, %ge3A_253 : vector<16xi32>
        %lt3A_255 = arith.constant 18432 : i32
        %lt3A_256 = vector.broadcast %lt3A_255 : i32 to vector<16xi32>
        %lt3A_257 = arith.cmpi slt, %sub3A_252, %lt3A_256 : vector<16xi32>
        %and3A = arith.andi %ge3A_254, %lt3A_257 : vector<16xi1>
        %jit3A = arith.constant 18432 : i32
        %broadcast_in_dim3A = vector.broadcast %jit3A : i32 to vector<16xi32>
        %select_n3A = arith.select %and3A, %sub3A_252, %broadcast_in_dim3A : vector<16xi1>, vector<16xi32>
        %mul3A_258 = arith.constant 16 : i32
        %mul3A_259 = arith.muli %scan3A_245, %mul3A_258 : i32
        %swap3A = arith.index_cast %mul3A_259 : i32 to index
        %swap3A_260 = tpu.vector_load %arg14[%swap3A] {strides = array<i32>} : memref<128xi32, #tpu.memory_space<vmem>>, vector<16xi32>,
        %swap3A_261 = vector.shape_cast %swap3A_260 : vector<16xi32> to vector<16xi32>
        %swap3A_262 = vector.shape_cast %select_n3A : vector<16xi32> to vector<16xi32>
        tpu.vector_store %arg14[%swap3A], %swap3A_262 {strides = array<i32>} : memref<128xi32, #tpu.memory_space<vmem>>, vector<16xi32>,
        %scan3A_263 = arith.constant 0 : i32
        scf.yield %scan3A_263 : i32
      }
      %scan3A_240 = arith.constant 8 : i32
      %dma_wait3A_241 = arith.constant 0 : i32
      %dma_wait3A_242 = arith.constant 0 : i32
      %dma_wait3A_243 = tpu.memref_slice %arg4[%dma_wait3A_241, %dma_wait3A_242] : memref<50000x64xf32, #tpu.memory_space<hbm>> -> memref<50000x64xf32, #tpu.memory_space<hbm>>
      tpu.wait_indirect_dma semaphore(%arg23 : memref<!tpu.dma_semaphore, #tpu.memory_space<semaphore_mem>>) src(%dma_wait3A_243 : memref<50000x64xf32, #tpu.memory_space<hbm>>) dst(%arg18 : memref<128x64xf32, #tpu.memory_space<vmem>>)
      "tpu.region"() ({
        %run_scoped3A_245 = tpu.sem_alloc : memref<!tpu.dma_semaphore, #tpu.memory_space<semaphore_mem>>
        %dma_start3A_246 = arith.constant 0 : i32
        %dma_start3A_247 = arith.constant 0 : i32
        %dma_start3A_248 = tpu.memref_slice %arg24[%dma_start3A_246, %dma_start3A_247] : memref<18496x64xf32, #tpu.memory_space<vmem_shared>> -> memref<18496x64xf32, #tpu.memory_space<vmem_shared>>
        tpu.enqueue_indirect_dma source(%arg18 : memref<128x64xf32, #tpu.memory_space<vmem>>) target(%dma_start3A_248 : memref<18496x64xf32, #tpu.memory_space<vmem_shared>>) offsets(%arg14 : memref<128xi32, #tpu.memory_space<vmem>>) semaphore(%run_scoped3A_245 : memref<!tpu.dma_semaphore, #tpu.memory_space<semaphore_mem>>) {add = true}
        %dma_wait3A_249 = arith.constant 0 : i32
        %dma_wait3A_250 = arith.constant 0 : i32
        %dma_wait3A_251 = tpu.memref_slice %arg24[%dma_wait3A_249, %dma_wait3A_250] : memref<18496x64xf32, #tpu.memory_space<vmem_shared>> -> memref<18496x64xf32, #tpu.memory_space<vmem_shared>>
        tpu.wait_indirect_dma semaphore(%run_scoped3A_245 : memref<!tpu.dma_semaphore, #tpu.memory_space<semaphore_mem>>) src(%arg18 : memref<128x64xf32, #tpu.memory_space<vmem>>) dst(%dma_wait3A_251 : memref<18496x64xf32, #tpu.memory_space<vmem_shared>>)
        tpu.yield
      }) : () -> ()
      %scan3A_244 = arith.constant 0 : i32
      scf.yield %scan3A_244 : i32
    }
    %scan3A_102 = arith.constant 50 : i32
    %barrier3A_103 = arith.constant 0 : index
    tpu.barrier barrier_id(%barrier3A_103)
    %mul3A_104 = arith.constant 1156 : i32
    %mul3A_105 = arith.muli %arg1, %mul3A_104 : i32
    %mul3A_106 = arith.constant 1156 : i32
    %mul3A_107 = arith.muli %arg1, %mul3A_106 : i32
    %run_scoped3A_108 = arith.constant 1 : i32
    "tpu.region"() ({
      %run_scoped3A_162 = tpu.sem_alloc : memref<!tpu.dma_semaphore, #tpu.memory_space<semaphore_mem>>
      %dma_start3A_163 = arith.constant 0 : i32
      %dma_start3A_164 = tpu.memref_slice %arg5[%run_scoped3A_108, %arg0, %mul3A_107, %dma_start3A_163] : memref<3x2x18496x64xf32, #tpu.memory_space<hbm>> -> memref<1x1x1156x64xf32, #tpu.memory_space<hbm>>
      %dma_start3A_165 = tpu.memref_squeeze %dma_start3A_164 : memref<1x1x1156x64xf32, #tpu.memory_space<hbm>> -> memref<1156x64xf32, #tpu.memory_space<hbm>>
      %dma_start3A_166 = arith.constant 0 : i32
      %dma_start3A_167 = tpu.memref_slice %arg24[%mul3A_105, %dma_start3A_166] : memref<18496x64xf32, #tpu.memory_space<vmem_shared>> -> memref<1156x64xf32, #tpu.memory_space<vmem_shared>>
      tpu.enqueue_dma source(%dma_start3A_167 : memref<1156x64xf32, #tpu.memory_space<vmem_shared>>) target(%dma_start3A_165 : memref<1156x64xf32, #tpu.memory_space<hbm>>) target_semaphore(%run_scoped3A_162 : memref<!tpu.dma_semaphore, #tpu.memory_space<semaphore_mem>>)
      %dma_wait3A = arith.constant 0 : i32
      %dma_wait3A_168 = tpu.memref_slice %arg5[%run_scoped3A_108, %arg0, %mul3A_107, %dma_wait3A] : memref<3x2x18496x64xf32, #tpu.memory_space<hbm>> -> memref<1x1x1156x64xf32, #tpu.memory_space<hbm>>
      %dma_wait3A_169 = tpu.memref_squeeze %dma_wait3A_168 : memref<1x1x1156x64xf32, #tpu.memory_space<hbm>> -> memref<1156x64xf32, #tpu.memory_space<hbm>>
      %dma_wait3A_170 = arith.constant 0 : i32
      %dma_wait3A_171 = tpu.memref_slice %arg24[%mul3A_105, %dma_wait3A_170] : memref<18496x64xf32, #tpu.memory_space<vmem_shared>> -> memref<1156x64xf32, #tpu.memory_space<vmem_shared>>
      tpu.wait_dma2 semaphore(%run_scoped3A_162 : memref<!tpu.dma_semaphore, #tpu.memory_space<semaphore_mem>>) src(%dma_wait3A_171 : memref<1156x64xf32, #tpu.memory_space<vmem_shared>>) dst(%dma_wait3A_169 : memref<1156x64xf32, #tpu.memory_space<hbm>>)
      tpu.yield
    }) : () -> ()
    %barrier3A_109 = arith.constant 0 : index
    tpu.barrier barrier_id(%barrier3A_109)
    %mul3A_110 = arith.constant 1156 : i32
    %mul3A_111 = arith.muli %arg1, %mul3A_110 : i32
    %add3A_112 = arith.constant 0 : i32
    %add3A_113 = arith.addi %mul3A_111, %add3A_112 : i32
    "tpu.region"() ({
      %run_scoped3A_162 = tpu.sem_alloc : memref<!tpu.dma_semaphore, #tpu.memory_space<semaphore_mem>>
      %dma_start3A_163 = arith.constant 0 : i32
      %dma_start3A_164 = tpu.memref_slice %arg24[%add3A_113, %dma_start3A_163] : memref<18496x64xf32, #tpu.memory_space<vmem_shared>> -> memref<289x64xf32, #tpu.memory_space<vmem_shared>>
      %dma_start3A_165 = arith.constant 0 : i32
      %dma_start3A_166 = tpu.memref_slice %arg24[%add3A_113, %dma_start3A_165] : memref<18496x64xf32, #tpu.memory_space<vmem_shared>> -> memref<289x64xf32, #tpu.memory_space<vmem_shared>>
      tpu.enqueue_dma source(%arg19 : memref<289x64xf32, #tpu.memory_space<vmem>>) target(%dma_start3A_166 : memref<289x64xf32, #tpu.memory_space<vmem_shared>>) target_semaphore(%run_scoped3A_162 : memref<!tpu.dma_semaphore, #tpu.memory_space<semaphore_mem>>)
      %dma_wait3A = arith.constant 0 : i32
      %dma_wait3A_167 = tpu.memref_slice %arg24[%add3A_113, %dma_wait3A] : memref<18496x64xf32, #tpu.memory_space<vmem_shared>> -> memref<289x64xf32, #tpu.memory_space<vmem_shared>>
      %dma_wait3A_168 = arith.constant 0 : i32
      %dma_wait3A_169 = tpu.memref_slice %arg24[%add3A_113, %dma_wait3A_168] : memref<18496x64xf32, #tpu.memory_space<vmem_shared>> -> memref<289x64xf32, #tpu.memory_space<vmem_shared>>
      tpu.wait_dma2 semaphore(%run_scoped3A_162 : memref<!tpu.dma_semaphore, #tpu.memory_space<semaphore_mem>>) src(%arg19 : memref<289x64xf32, #tpu.memory_space<vmem>>) dst(%dma_wait3A_169 : memref<289x64xf32, #tpu.memory_space<vmem_shared>>)
      tpu.yield
    }) : () -> ()
    %mul3A_114 = arith.constant 1156 : i32
    %mul3A_115 = arith.muli %arg1, %mul3A_114 : i32
    %add3A_116 = arith.constant 289 : i32
    %add3A_117 = arith.addi %mul3A_115, %add3A_116 : i32
    "tpu.region"() ({
      %run_scoped3A_162 = tpu.sem_alloc : memref<!tpu.dma_semaphore, #tpu.memory_space<semaphore_mem>>
      %dma_start3A_163 = arith.constant 0 : i32
      %dma_start3A_164 = tpu.memref_slice %arg24[%add3A_117, %dma_start3A_163] : memref<18496x64xf32, #tpu.memory_space<vmem_shared>> -> memref<289x64xf32, #tpu.memory_space<vmem_shared>>
      %dma_start3A_165 = arith.constant 0 : i32
      %dma_start3A_166 = tpu.memref_slice %arg24[%add3A_117, %dma_start3A_165] : memref<18496x64xf32, #tpu.memory_space<vmem_shared>> -> memref<289x64xf32, #tpu.memory_space<vmem_shared>>
      tpu.enqueue_dma source(%arg19 : memref<289x64xf32, #tpu.memory_space<vmem>>) target(%dma_start3A_166 : memref<289x64xf32, #tpu.memory_space<vmem_shared>>) target_semaphore(%run_scoped3A_162 : memref<!tpu.dma_semaphore, #tpu.memory_space<semaphore_mem>>)
      %dma_wait3A = arith.constant 0 : i32
      %dma_wait3A_167 = tpu.memref_slice %arg24[%add3A_117, %dma_wait3A] : memref<18496x64xf32, #tpu.memory_space<vmem_shared>> -> memref<289x64xf32, #tpu.memory_space<vmem_shared>>
      %dma_wait3A_168 = arith.constant 0 : i32
      %dma_wait3A_169 = tpu.memref_slice %arg24[%add3A_117, %dma_wait3A_168] : memref<18496x64xf32, #tpu.memory_space<vmem_shared>> -> memref<289x64xf32, #tpu.memory_space<vmem_shared>>
      tpu.wait_dma2 semaphore(%run_scoped3A_162 : memref<!tpu.dma_semaphore, #tpu.memory_space<semaphore_mem>>) src(%arg19 : memref<289x64xf32, #tpu.memory_space<vmem>>) dst(%dma_wait3A_169 : memref<289x64xf32, #tpu.memory_space<vmem_shared>>)
      tpu.yield
    }) : () -> ()
    %mul3A_118 = arith.constant 1156 : i32
    %mul3A_119 = arith.muli %arg1, %mul3A_118 : i32
    %add3A_120 = arith.constant 578 : i32
    %add3A_121 = arith.addi %mul3A_119, %add3A_120 : i32
    "tpu.region"() ({
      %run_scoped3A_162 = tpu.sem_alloc : memref<!tpu.dma_semaphore, #tpu.memory_space<semaphore_mem>>
      %dma_start3A_163 = arith.constant 0 : i32
      %dma_start3A_164 = tpu.memref_slice %arg24[%add3A_121, %dma_start3A_163] : memref<18496x64xf32, #tpu.memory_space<vmem_shared>> -> memref<289x64xf32, #tpu.memory_space<vmem_shared>>
      %dma_start3A_165 = arith.constant 0 : i32
      %dma_start3A_166 = tpu.memref_slice %arg24[%add3A_121, %dma_start3A_165] : memref<18496x64xf32, #tpu.memory_space<vmem_shared>> -> memref<289x64xf32, #tpu.memory_space<vmem_shared>>
      tpu.enqueue_dma source(%arg19 : memref<289x64xf32, #tpu.memory_space<vmem>>) target(%dma_start3A_166 : memref<289x64xf32, #tpu.memory_space<vmem_shared>>) target_semaphore(%run_scoped3A_162 : memref<!tpu.dma_semaphore, #tpu.memory_space<semaphore_mem>>)
      %dma_wait3A = arith.constant 0 : i32
      %dma_wait3A_167 = tpu.memref_slice %arg24[%add3A_121, %dma_wait3A] : memref<18496x64xf32, #tpu.memory_space<vmem_shared>> -> memref<289x64xf32, #tpu.memory_space<vmem_shared>>
      %dma_wait3A_168 = arith.constant 0 : i32
      %dma_wait3A_169 = tpu.memref_slice %arg24[%add3A_121, %dma_wait3A_168] : memref<18496x64xf32, #tpu.memory_space<vmem_shared>> -> memref<289x64xf32, #tpu.memory_space<vmem_shared>>
      tpu.wait_dma2 semaphore(%run_scoped3A_162 : memref<!tpu.dma_semaphore, #tpu.memory_space<semaphore_mem>>) src(%arg19 : memref<289x64xf32, #tpu.memory_space<vmem>>) dst(%dma_wait3A_169 : memref<289x64xf32, #tpu.memory_space<vmem_shared>>)
      tpu.yield
    }) : () -> ()
    %mul3A_122 = arith.constant 1156 : i32
    %mul3A_123 = arith.muli %arg1, %mul3A_122 : i32
    %add3A_124 = arith.constant 867 : i32
    %add3A_125 = arith.addi %mul3A_123, %add3A_124 : i32
    "tpu.region"() ({
      %run_scoped3A_162 = tpu.sem_alloc : memref<!tpu.dma_semaphore, #tpu.memory_space<semaphore_mem>>
      %dma_start3A_163 = arith.constant 0 : i32
      %dma_start3A_164 = tpu.memref_slice %arg24[%add3A_125, %dma_start3A_163] : memref<18496x64xf32, #tpu.memory_space<vmem_shared>> -> memref<289x64xf32, #tpu.memory_space<vmem_shared>>
      %dma_start3A_165 = arith.constant 0 : i32
      %dma_start3A_166 = tpu.memref_slice %arg24[%add3A_125, %dma_start3A_165] : memref<18496x64xf32, #tpu.memory_space<vmem_shared>> -> memref<289x64xf32, #tpu.memory_space<vmem_shared>>
      tpu.enqueue_dma source(%arg19 : memref<289x64xf32, #tpu.memory_space<vmem>>) target(%dma_start3A_166 : memref<289x64xf32, #tpu.memory_space<vmem_shared>>) target_semaphore(%run_scoped3A_162 : memref<!tpu.dma_semaphore, #tpu.memory_space<semaphore_mem>>)
      %dma_wait3A = arith.constant 0 : i32
      %dma_wait3A_167 = tpu.memref_slice %arg24[%add3A_125, %dma_wait3A] : memref<18496x64xf32, #tpu.memory_space<vmem_shared>> -> memref<289x64xf32, #tpu.memory_space<vmem_shared>>
      %dma_wait3A_168 = arith.constant 0 : i32
      %dma_wait3A_169 = tpu.memref_slice %arg24[%add3A_125, %dma_wait3A_168] : memref<18496x64xf32, #tpu.memory_space<vmem_shared>> -> memref<289x64xf32, #tpu.memory_space<vmem_shared>>
      tpu.wait_dma2 semaphore(%run_scoped3A_162 : memref<!tpu.dma_semaphore, #tpu.memory_space<semaphore_mem>>) src(%arg19 : memref<289x64xf32, #tpu.memory_space<vmem>>) dst(%dma_wait3A_169 : memref<289x64xf32, #tpu.memory_space<vmem_shared>>)
      tpu.yield
    }) : () -> ()
    %barrier3A_126 = arith.constant 0 : index
    tpu.barrier barrier_id(%barrier3A_126)
    %add3A_127 = arith.constant 0 : i32
    %add3A_128 = arith.addi %mul3A_2, %add3A_127 : i32
    "tpu.region"() ({
      %run_scoped3A_162 = tpu.sem_alloc : memref<!tpu.dma_semaphore, #tpu.memory_space<semaphore_mem>>
      %dma_start3A_163 = tpu.memref_slice %arg2[%add3A_128] : memref<819200xi32, #tpu.memory_space<hbm>> -> memref<128xi32, #tpu.memory_space<hbm>>
      %dma_start3A_164 = tpu.memref_slice %arg2[%add3A_128] : memref<819200xi32, #tpu.memory_space<hbm>> -> memref<128xi32, #tpu.memory_space<hbm>>
      tpu.enqueue_dma source(%dma_start3A_164 : memref<128xi32, #tpu.memory_space<hbm>>) target(%arg6 : memref<128xi32, #tpu.memory_space<vmem>>) target_semaphore(%run_scoped3A_162 : memref<!tpu.dma_semaphore, #tpu.memory_space<semaphore_mem>>)
      %dma_wait3A = tpu.memref_slice %arg2[%add3A_128] : memref<819200xi32, #tpu.memory_space<hbm>> -> memref<128xi32, #tpu.memory_space<hbm>>
      %dma_wait3A_165 = tpu.memref_slice %arg2[%add3A_128] : memref<819200xi32, #tpu.memory_space<hbm>> -> memref<128xi32, #tpu.memory_space<hbm>>
      tpu.wait_dma2 semaphore(%run_scoped3A_162 : memref<!tpu.dma_semaphore, #tpu.memory_space<semaphore_mem>>) src(%dma_wait3A_165 : memref<128xi32, #tpu.memory_space<hbm>>) dst(%arg6 : memref<128xi32, #tpu.memory_space<vmem>>)
      tpu.yield
    }) : () -> ()
    %add3A_129 = arith.constant 0 : i32
    %add3A_130 = arith.addi %mul3A_2, %add3A_129 : i32
    "tpu.region"() ({
      %run_scoped3A_162 = tpu.sem_alloc : memref<!tpu.dma_semaphore, #tpu.memory_space<semaphore_mem>>
      %dma_start3A_163 = tpu.memref_slice %arg3[%add3A_130] : memref<819200xi32, #tpu.memory_space<hbm>> -> memref<128xi32, #tpu.memory_space<hbm>>
      %dma_start3A_164 = tpu.memref_slice %arg3[%add3A_130] : memref<819200xi32, #tpu.memory_space<hbm>> -> memref<128xi32, #tpu.memory_space<hbm>>
      tpu.enqueue_dma source(%dma_start3A_164 : memref<128xi32, #tpu.memory_space<hbm>>) target(%arg10 : memref<128xi32, #tpu.memory_space<vmem>>) target_semaphore(%run_scoped3A_162 : memref<!tpu.dma_semaphore, #tpu.memory_space<semaphore_mem>>)
      %dma_wait3A = tpu.memref_slice %arg3[%add3A_130] : memref<819200xi32, #tpu.memory_space<hbm>> -> memref<128xi32, #tpu.memory_space<hbm>>
      %dma_wait3A_165 = tpu.memref_slice %arg3[%add3A_130] : memref<819200xi32, #tpu.memory_space<hbm>> -> memref<128xi32, #tpu.memory_space<hbm>>
      tpu.wait_dma2 semaphore(%run_scoped3A_162 : memref<!tpu.dma_semaphore, #tpu.memory_space<semaphore_mem>>) src(%dma_wait3A_165 : memref<128xi32, #tpu.memory_space<hbm>>) dst(%arg10 : memref<128xi32, #tpu.memory_space<vmem>>)
      tpu.yield
    }) : () -> ()
    %dma_start3A_131 = arith.constant 0 : i32
    %dma_start3A_132 = arith.constant 0 : i32
    %dma_start3A_133 = tpu.memref_slice %arg4[%dma_start3A_131, %dma_start3A_132] : memref<50000x64xf32, #tpu.memory_space<hbm>> -> memref<50000x64xf32, #tpu.memory_space<hbm>>
    tpu.enqueue_indirect_dma source(%dma_start3A_133 : memref<50000x64xf32, #tpu.memory_space<hbm>>) target(%arg15 : memref<128x64xf32, #tpu.memory_space<vmem>>) offsets(%arg6 : memref<128xi32, #tpu.memory_space<vmem>>) semaphore(%arg20 : memref<!tpu.dma_semaphore, #tpu.memory_space<semaphore_mem>>)
    %add3A_134 = arith.constant 128 : i32
    %add3A_135 = arith.addi %mul3A_2, %add3A_134 : i32
    "tpu.region"() ({
      %run_scoped3A_162 = tpu.sem_alloc : memref<!tpu.dma_semaphore, #tpu.memory_space<semaphore_mem>>
      %dma_start3A_163 = tpu.memref_slice %arg2[%add3A_135] : memref<819200xi32, #tpu.memory_space<hbm>> -> memref<128xi32, #tpu.memory_space<hbm>>
      %dma_start3A_164 = tpu.memref_slice %arg2[%add3A_135] : memref<819200xi32, #tpu.memory_space<hbm>> -> memref<128xi32, #tpu.memory_space<hbm>>
      tpu.enqueue_dma source(%dma_start3A_164 : memref<128xi32, #tpu.memory_space<hbm>>) target(%arg7 : memref<128xi32, #tpu.memory_space<vmem>>) target_semaphore(%run_scoped3A_162 : memref<!tpu.dma_semaphore, #tpu.memory_space<semaphore_mem>>)
      %dma_wait3A = tpu.memref_slice %arg2[%add3A_135] : memref<819200xi32, #tpu.memory_space<hbm>> -> memref<128xi32, #tpu.memory_space<hbm>>
      %dma_wait3A_165 = tpu.memref_slice %arg2[%add3A_135] : memref<819200xi32, #tpu.memory_space<hbm>> -> memref<128xi32, #tpu.memory_space<hbm>>
      tpu.wait_dma2 semaphore(%run_scoped3A_162 : memref<!tpu.dma_semaphore, #tpu.memory_space<semaphore_mem>>) src(%dma_wait3A_165 : memref<128xi32, #tpu.memory_space<hbm>>) dst(%arg7 : memref<128xi32, #tpu.memory_space<vmem>>)
      tpu.yield
    }) : () -> ()
    %add3A_136 = arith.constant 128 : i32
    %add3A_137 = arith.addi %mul3A_2, %add3A_136 : i32
    "tpu.region"() ({
      %run_scoped3A_162 = tpu.sem_alloc : memref<!tpu.dma_semaphore, #tpu.memory_space<semaphore_mem>>
      %dma_start3A_163 = tpu.memref_slice %arg3[%add3A_137] : memref<819200xi32, #tpu.memory_space<hbm>> -> memref<128xi32, #tpu.memory_space<hbm>>
      %dma_start3A_164 = tpu.memref_slice %arg3[%add3A_137] : memref<819200xi32, #tpu.memory_space<hbm>> -> memref<128xi32, #tpu.memory_space<hbm>>
      tpu.enqueue_dma source(%dma_start3A_164 : memref<128xi32, #tpu.memory_space<hbm>>) target(%arg11 : memref<128xi32, #tpu.memory_space<vmem>>) target_semaphore(%run_scoped3A_162 : memref<!tpu.dma_semaphore, #tpu.memory_space<semaphore_mem>>)
      %dma_wait3A = tpu.memref_slice %arg3[%add3A_137] : memref<819200xi32, #tpu.memory_space<hbm>> -> memref<128xi32, #tpu.memory_space<hbm>>
      %dma_wait3A_165 = tpu.memref_slice %arg3[%add3A_137] : memref<819200xi32, #tpu.memory_space<hbm>> -> memref<128xi32, #tpu.memory_space<hbm>>
      tpu.wait_dma2 semaphore(%run_scoped3A_162 : memref<!tpu.dma_semaphore, #tpu.memory_space<semaphore_mem>>) src(%dma_wait3A_165 : memref<128xi32, #tpu.memory_space<hbm>>) dst(%arg11 : memref<128xi32, #tpu.memory_space<vmem>>)
      tpu.yield
    }) : () -> ()
    %dma_start3A_138 = arith.constant 0 : i32
    %dma_start3A_139 = arith.constant 0 : i32
    %dma_start3A_140 = tpu.memref_slice %arg4[%dma_start3A_138, %dma_start3A_139] : memref<50000x64xf32, #tpu.memory_space<hbm>> -> memref<50000x64xf32, #tpu.memory_space<hbm>>
    tpu.enqueue_indirect_dma source(%dma_start3A_140 : memref<50000x64xf32, #tpu.memory_space<hbm>>) target(%arg16 : memref<128x64xf32, #tpu.memory_space<vmem>>) offsets(%arg7 : memref<128xi32, #tpu.memory_space<vmem>>) semaphore(%arg21 : memref<!tpu.dma_semaphore, #tpu.memory_space<semaphore_mem>>)
    %add3A_141 = arith.constant 256 : i32
    %add3A_142 = arith.addi %mul3A_2, %add3A_141 : i32
    "tpu.region"() ({
      %run_scoped3A_162 = tpu.sem_alloc : memref<!tpu.dma_semaphore, #tpu.memory_space<semaphore_mem>>
      %dma_start3A_163 = tpu.memref_slice %arg2[%add3A_142] : memref<819200xi32, #tpu.memory_space<hbm>> -> memref<128xi32, #tpu.memory_space<hbm>>
      %dma_start3A_164 = tpu.memref_slice %arg2[%add3A_142] : memref<819200xi32, #tpu.memory_space<hbm>> -> memref<128xi32, #tpu.memory_space<hbm>>
      tpu.enqueue_dma source(%dma_start3A_164 : memref<128xi32, #tpu.memory_space<hbm>>) target(%arg8 : memref<128xi32, #tpu.memory_space<vmem>>) target_semaphore(%run_scoped3A_162 : memref<!tpu.dma_semaphore, #tpu.memory_space<semaphore_mem>>)
      %dma_wait3A = tpu.memref_slice %arg2[%add3A_142] : memref<819200xi32, #tpu.memory_space<hbm>> -> memref<128xi32, #tpu.memory_space<hbm>>
      %dma_wait3A_165 = tpu.memref_slice %arg2[%add3A_142] : memref<819200xi32, #tpu.memory_space<hbm>> -> memref<128xi32, #tpu.memory_space<hbm>>
      tpu.wait_dma2 semaphore(%run_scoped3A_162 : memref<!tpu.dma_semaphore, #tpu.memory_space<semaphore_mem>>) src(%dma_wait3A_165 : memref<128xi32, #tpu.memory_space<hbm>>) dst(%arg8 : memref<128xi32, #tpu.memory_space<vmem>>)
      tpu.yield
    }) : () -> ()
    %add3A_143 = arith.constant 256 : i32
    %add3A_144 = arith.addi %mul3A_2, %add3A_143 : i32
    "tpu.region"() ({
      %run_scoped3A_162 = tpu.sem_alloc : memref<!tpu.dma_semaphore, #tpu.memory_space<semaphore_mem>>
      %dma_start3A_163 = tpu.memref_slice %arg3[%add3A_144] : memref<819200xi32, #tpu.memory_space<hbm>> -> memref<128xi32, #tpu.memory_space<hbm>>
      %dma_start3A_164 = tpu.memref_slice %arg3[%add3A_144] : memref<819200xi32, #tpu.memory_space<hbm>> -> memref<128xi32, #tpu.memory_space<hbm>>
      tpu.enqueue_dma source(%dma_start3A_164 : memref<128xi32, #tpu.memory_space<hbm>>) target(%arg12 : memref<128xi32, #tpu.memory_space<vmem>>) target_semaphore(%run_scoped3A_162 : memref<!tpu.dma_semaphore, #tpu.memory_space<semaphore_mem>>)
      %dma_wait3A = tpu.memref_slice %arg3[%add3A_144] : memref<819200xi32, #tpu.memory_space<hbm>> -> memref<128xi32, #tpu.memory_space<hbm>>
      %dma_wait3A_165 = tpu.memref_slice %arg3[%add3A_144] : memref<819200xi32, #tpu.memory_space<hbm>> -> memref<128xi32, #tpu.memory_space<hbm>>
      tpu.wait_dma2 semaphore(%run_scoped3A_162 : memref<!tpu.dma_semaphore, #tpu.memory_space<semaphore_mem>>) src(%dma_wait3A_165 : memref<128xi32, #tpu.memory_space<hbm>>) dst(%arg12 : memref<128xi32, #tpu.memory_space<vmem>>)
      tpu.yield
    }) : () -> ()
    %dma_start3A_145 = arith.constant 0 : i32
    %dma_start3A_146 = arith.constant 0 : i32
    %dma_start3A_147 = tpu.memref_slice %arg4[%dma_start3A_145, %dma_start3A_146] : memref<50000x64xf32, #tpu.memory_space<hbm>> -> memref<50000x64xf32, #tpu.memory_space<hbm>>
    tpu.enqueue_indirect_dma source(%dma_start3A_147 : memref<50000x64xf32, #tpu.memory_space<hbm>>) target(%arg17 : memref<128x64xf32, #tpu.memory_space<vmem>>) offsets(%arg8 : memref<128xi32, #tpu.memory_space<vmem>>) semaphore(%arg22 : memref<!tpu.dma_semaphore, #tpu.memory_space<semaphore_mem>>)
    %scan3A_148 = arith.constant 0 : i32
    %scan3A_149 = arith.constant 0 : i32
    %scan3A_150 = arith.constant 50 : i32
    %scan3A_151 = arith.addi %scan3A_149, %scan3A_150 : i32
    %scan3A_152 = arith.constant 1 : i32
    %scan3A_153 = scf.for %scan3A_162 = %scan3A_149 to %scan3A_151 step %scan3A_152 iter_args(%scan3A_163 = %scan3A_148) -> (i32)  : i32 {
      %mul3A_164 = arith.constant 4 : i32
      %mul3A_165 = arith.muli %scan3A_162, %mul3A_164 : i32
      %add3A_166 = arith.constant 0 : i32
      %add3A_167 = arith.addi %mul3A_165, %add3A_166 : i32
      %add3A_168 = arith.constant 3 : i32
      %add3A_169 = arith.addi %add3A_167, %add3A_168 : i32
      %lt3A = arith.constant 200 : i32
      %lt3A_170 = arith.cmpi slt, %add3A_169, %lt3A : i32
      %convert_element_type3A = arith.extui %lt3A_170 : i1 to i32
      %cond3A = arith.constant 0 : i32
      %cond3A_171 = arith.cmpi ne, %convert_element_type3A, %cond3A : i32
      scf.if %cond3A_171 {
        %add3A_245 = arith.constant 3 : i32
        %add3A_246 = arith.addi %add3A_167, %add3A_245 : i32
        %mul3A_247 = arith.constant 128 : i32
        %mul3A_248 = arith.muli %add3A_246, %mul3A_247 : i32
        %add3A_249 = arith.addi %mul3A_2, %mul3A_248 : i32
        "tpu.region"() ({
          %run_scoped3A_256 = tpu.sem_alloc : memref<!tpu.dma_semaphore, #tpu.memory_space<semaphore_mem>>
          %dma_start3A_257 = tpu.memref_slice %arg2[%add3A_249] : memref<819200xi32, #tpu.memory_space<hbm>> -> memref<128xi32, #tpu.memory_space<hbm>>
          %dma_start3A_258 = tpu.memref_slice %arg2[%add3A_249] : memref<819200xi32, #tpu.memory_space<hbm>> -> memref<128xi32, #tpu.memory_space<hbm>>
          tpu.enqueue_dma source(%dma_start3A_258 : memref<128xi32, #tpu.memory_space<hbm>>) target(%arg9 : memref<128xi32, #tpu.memory_space<vmem>>) target_semaphore(%run_scoped3A_256 : memref<!tpu.dma_semaphore, #tpu.memory_space<semaphore_mem>>)
          %dma_wait3A_259 = tpu.memref_slice %arg2[%add3A_249] : memref<819200xi32, #tpu.memory_space<hbm>> -> memref<128xi32, #tpu.memory_space<hbm>>
          %dma_wait3A_260 = tpu.memref_slice %arg2[%add3A_249] : memref<819200xi32, #tpu.memory_space<hbm>> -> memref<128xi32, #tpu.memory_space<hbm>>
          tpu.wait_dma2 semaphore(%run_scoped3A_256 : memref<!tpu.dma_semaphore, #tpu.memory_space<semaphore_mem>>) src(%dma_wait3A_260 : memref<128xi32, #tpu.memory_space<hbm>>) dst(%arg9 : memref<128xi32, #tpu.memory_space<vmem>>)
          tpu.yield
        }) : () -> ()
        %mul3A_250 = arith.constant 128 : i32
        %mul3A_251 = arith.muli %add3A_246, %mul3A_250 : i32
        %add3A_252 = arith.addi %mul3A_2, %mul3A_251 : i32
        "tpu.region"() ({
          %run_scoped3A_256 = tpu.sem_alloc : memref<!tpu.dma_semaphore, #tpu.memory_space<semaphore_mem>>
          %dma_start3A_257 = tpu.memref_slice %arg3[%add3A_252] : memref<819200xi32, #tpu.memory_space<hbm>> -> memref<128xi32, #tpu.memory_space<hbm>>
          %dma_start3A_258 = tpu.memref_slice %arg3[%add3A_252] : memref<819200xi32, #tpu.memory_space<hbm>> -> memref<128xi32, #tpu.memory_space<hbm>>
          tpu.enqueue_dma source(%dma_start3A_258 : memref<128xi32, #tpu.memory_space<hbm>>) target(%arg13 : memref<128xi32, #tpu.memory_space<vmem>>) target_semaphore(%run_scoped3A_256 : memref<!tpu.dma_semaphore, #tpu.memory_space<semaphore_mem>>)
          %dma_wait3A_259 = tpu.memref_slice %arg3[%add3A_252] : memref<819200xi32, #tpu.memory_space<hbm>> -> memref<128xi32, #tpu.memory_space<hbm>>
          %dma_wait3A_260 = tpu.memref_slice %arg3[%add3A_252] : memref<819200xi32, #tpu.memory_space<hbm>> -> memref<128xi32, #tpu.memory_space<hbm>>
          tpu.wait_dma2 semaphore(%run_scoped3A_256 : memref<!tpu.dma_semaphore, #tpu.memory_space<semaphore_mem>>) src(%dma_wait3A_260 : memref<128xi32, #tpu.memory_space<hbm>>) dst(%arg13 : memref<128xi32, #tpu.memory_space<vmem>>)
          tpu.yield
        }) : () -> ()
        %dma_start3A_253 = arith.constant 0 : i32
        %dma_start3A_254 = arith.constant 0 : i32
        %dma_start3A_255 = tpu.memref_slice %arg4[%dma_start3A_253, %dma_start3A_254] : memref<50000x64xf32, #tpu.memory_space<hbm>> -> memref<50000x64xf32, #tpu.memory_space<hbm>>
        tpu.enqueue_indirect_dma source(%dma_start3A_255 : memref<50000x64xf32, #tpu.memory_space<hbm>>) target(%arg18 : memref<128x64xf32, #tpu.memory_space<vmem>>) offsets(%arg9 : memref<128xi32, #tpu.memory_space<vmem>>) semaphore(%arg23 : memref<!tpu.dma_semaphore, #tpu.memory_space<semaphore_mem>>)
      } else {
      }
      %scan3A_172 = arith.constant 0 : i32
      %scan3A_173 = arith.constant 0 : i32
      %scan3A_174 = arith.constant 8 : i32
      %scan3A_175 = arith.addi %scan3A_173, %scan3A_174 : i32
      %scan3A_176 = arith.constant 1 : i32
      %scan3A_177 = scf.for %scan3A_245 = %scan3A_173 to %scan3A_175 step %scan3A_176 iter_args(%scan3A_246 = %scan3A_172) -> (i32)  : i32 {
        %mul3A_247 = arith.constant 16 : i32
        %mul3A_248 = arith.muli %scan3A_245, %mul3A_247 : i32
        %get3A = arith.index_cast %mul3A_248 : i32 to index
        %get3A_249 = tpu.vector_load %arg10[%get3A] {strides = array<i32>} : memref<128xi32, #tpu.memory_space<vmem>>, vector<16xi32>,
        %get3A_250 = vector.shape_cast %get3A_249 : vector<16xi32> to vector<16xi32>
        %sub3A = arith.constant 36864 : i32
        %sub3A_251 = vector.broadcast %sub3A : i32 to vector<16xi32>
        %sub3A_252 = arith.subi %get3A_250, %sub3A_251 : vector<16xi32>
        %ge3A = arith.constant 0 : i32
        %ge3A_253 = vector.broadcast %ge3A : i32 to vector<16xi32>
        %ge3A_254 = arith.cmpi sge, %sub3A_252, %ge3A_253 : vector<16xi32>
        %lt3A_255 = arith.constant 18432 : i32
        %lt3A_256 = vector.broadcast %lt3A_255 : i32 to vector<16xi32>
        %lt3A_257 = arith.cmpi slt, %sub3A_252, %lt3A_256 : vector<16xi32>
        %and3A = arith.andi %ge3A_254, %lt3A_257 : vector<16xi1>
        %jit3A = arith.constant 18432 : i32
        %broadcast_in_dim3A = vector.broadcast %jit3A : i32 to vector<16xi32>
        %select_n3A = arith.select %and3A, %sub3A_252, %broadcast_in_dim3A : vector<16xi1>, vector<16xi32>
        %mul3A_258 = arith.constant 16 : i32
        %mul3A_259 = arith.muli %scan3A_245, %mul3A_258 : i32
        %swap3A = arith.index_cast %mul3A_259 : i32 to index
        %swap3A_260 = tpu.vector_load %arg14[%swap3A] {strides = array<i32>} : memref<128xi32, #tpu.memory_space<vmem>>, vector<16xi32>,
        %swap3A_261 = vector.shape_cast %swap3A_260 : vector<16xi32> to vector<16xi32>
        %swap3A_262 = vector.shape_cast %select_n3A : vector<16xi32> to vector<16xi32>
        tpu.vector_store %arg14[%swap3A], %swap3A_262 {strides = array<i32>} : memref<128xi32, #tpu.memory_space<vmem>>, vector<16xi32>,
        %scan3A_263 = arith.constant 0 : i32
        scf.yield %scan3A_263 : i32
      }
      %scan3A_178 = arith.constant 8 : i32
      %dma_wait3A = arith.constant 0 : i32
      %dma_wait3A_179 = arith.constant 0 : i32
      %dma_wait3A_180 = tpu.memref_slice %arg4[%dma_wait3A, %dma_wait3A_179] : memref<50000x64xf32, #tpu.memory_space<hbm>> -> memref<50000x64xf32, #tpu.memory_space<hbm>>
      tpu.wait_indirect_dma semaphore(%arg20 : memref<!tpu.dma_semaphore, #tpu.memory_space<semaphore_mem>>) src(%dma_wait3A_180 : memref<50000x64xf32, #tpu.memory_space<hbm>>) dst(%arg15 : memref<128x64xf32, #tpu.memory_space<vmem>>)
      "tpu.region"() ({
        %run_scoped3A_245 = tpu.sem_alloc : memref<!tpu.dma_semaphore, #tpu.memory_space<semaphore_mem>>
        %dma_start3A_246 = arith.constant 0 : i32
        %dma_start3A_247 = arith.constant 0 : i32
        %dma_start3A_248 = tpu.memref_slice %arg24[%dma_start3A_246, %dma_start3A_247] : memref<18496x64xf32, #tpu.memory_space<vmem_shared>> -> memref<18496x64xf32, #tpu.memory_space<vmem_shared>>
        tpu.enqueue_indirect_dma source(%arg15 : memref<128x64xf32, #tpu.memory_space<vmem>>) target(%dma_start3A_248 : memref<18496x64xf32, #tpu.memory_space<vmem_shared>>) offsets(%arg14 : memref<128xi32, #tpu.memory_space<vmem>>) semaphore(%run_scoped3A_245 : memref<!tpu.dma_semaphore, #tpu.memory_space<semaphore_mem>>) {add = true}
        %dma_wait3A_249 = arith.constant 0 : i32
        %dma_wait3A_250 = arith.constant 0 : i32
        %dma_wait3A_251 = tpu.memref_slice %arg24[%dma_wait3A_249, %dma_wait3A_250] : memref<18496x64xf32, #tpu.memory_space<vmem_shared>> -> memref<18496x64xf32, #tpu.memory_space<vmem_shared>>
        tpu.wait_indirect_dma semaphore(%run_scoped3A_245 : memref<!tpu.dma_semaphore, #tpu.memory_space<semaphore_mem>>) src(%arg15 : memref<128x64xf32, #tpu.memory_space<vmem>>) dst(%dma_wait3A_251 : memref<18496x64xf32, #tpu.memory_space<vmem_shared>>)
        tpu.yield
      }) : () -> ()
      %mul3A_181 = arith.constant 4 : i32
      %mul3A_182 = arith.muli %scan3A_162, %mul3A_181 : i32
      %add3A_183 = arith.constant 1 : i32
      %add3A_184 = arith.addi %mul3A_182, %add3A_183 : i32
      %add3A_185 = arith.constant 3 : i32
      %add3A_186 = arith.addi %add3A_184, %add3A_185 : i32
      %lt3A_187 = arith.constant 200 : i32
      %lt3A_188 = arith.cmpi slt, %add3A_186, %lt3A_187 : i32
      %convert_element_type3A_189 = arith.extui %lt3A_188 : i1 to i32
      %cond3A_190 = arith.constant 0 : i32
      %cond3A_191 = arith.cmpi ne, %convert_element_type3A_189, %cond3A_190 : i32
      scf.if %cond3A_191 {
        %add3A_245 = arith.constant 3 : i32
        %add3A_246 = arith.addi %add3A_184, %add3A_245 : i32
        %mul3A_247 = arith.constant 128 : i32
        %mul3A_248 = arith.muli %add3A_246, %mul3A_247 : i32
        %add3A_249 = arith.addi %mul3A_2, %mul3A_248 : i32
        "tpu.region"() ({
          %run_scoped3A_256 = tpu.sem_alloc : memref<!tpu.dma_semaphore, #tpu.memory_space<semaphore_mem>>
          %dma_start3A_257 = tpu.memref_slice %arg2[%add3A_249] : memref<819200xi32, #tpu.memory_space<hbm>> -> memref<128xi32, #tpu.memory_space<hbm>>
          %dma_start3A_258 = tpu.memref_slice %arg2[%add3A_249] : memref<819200xi32, #tpu.memory_space<hbm>> -> memref<128xi32, #tpu.memory_space<hbm>>
          tpu.enqueue_dma source(%dma_start3A_258 : memref<128xi32, #tpu.memory_space<hbm>>) target(%arg6 : memref<128xi32, #tpu.memory_space<vmem>>) target_semaphore(%run_scoped3A_256 : memref<!tpu.dma_semaphore, #tpu.memory_space<semaphore_mem>>)
          %dma_wait3A_259 = tpu.memref_slice %arg2[%add3A_249] : memref<819200xi32, #tpu.memory_space<hbm>> -> memref<128xi32, #tpu.memory_space<hbm>>
          %dma_wait3A_260 = tpu.memref_slice %arg2[%add3A_249] : memref<819200xi32, #tpu.memory_space<hbm>> -> memref<128xi32, #tpu.memory_space<hbm>>
          tpu.wait_dma2 semaphore(%run_scoped3A_256 : memref<!tpu.dma_semaphore, #tpu.memory_space<semaphore_mem>>) src(%dma_wait3A_260 : memref<128xi32, #tpu.memory_space<hbm>>) dst(%arg6 : memref<128xi32, #tpu.memory_space<vmem>>)
          tpu.yield
        }) : () -> ()
        %mul3A_250 = arith.constant 128 : i32
        %mul3A_251 = arith.muli %add3A_246, %mul3A_250 : i32
        %add3A_252 = arith.addi %mul3A_2, %mul3A_251 : i32
        "tpu.region"() ({
          %run_scoped3A_256 = tpu.sem_alloc : memref<!tpu.dma_semaphore, #tpu.memory_space<semaphore_mem>>
          %dma_start3A_257 = tpu.memref_slice %arg3[%add3A_252] : memref<819200xi32, #tpu.memory_space<hbm>> -> memref<128xi32, #tpu.memory_space<hbm>>
          %dma_start3A_258 = tpu.memref_slice %arg3[%add3A_252] : memref<819200xi32, #tpu.memory_space<hbm>> -> memref<128xi32, #tpu.memory_space<hbm>>
          tpu.enqueue_dma source(%dma_start3A_258 : memref<128xi32, #tpu.memory_space<hbm>>) target(%arg10 : memref<128xi32, #tpu.memory_space<vmem>>) target_semaphore(%run_scoped3A_256 : memref<!tpu.dma_semaphore, #tpu.memory_space<semaphore_mem>>)
          %dma_wait3A_259 = tpu.memref_slice %arg3[%add3A_252] : memref<819200xi32, #tpu.memory_space<hbm>> -> memref<128xi32, #tpu.memory_space<hbm>>
          %dma_wait3A_260 = tpu.memref_slice %arg3[%add3A_252] : memref<819200xi32, #tpu.memory_space<hbm>> -> memref<128xi32, #tpu.memory_space<hbm>>
          tpu.wait_dma2 semaphore(%run_scoped3A_256 : memref<!tpu.dma_semaphore, #tpu.memory_space<semaphore_mem>>) src(%dma_wait3A_260 : memref<128xi32, #tpu.memory_space<hbm>>) dst(%arg10 : memref<128xi32, #tpu.memory_space<vmem>>)
          tpu.yield
        }) : () -> ()
        %dma_start3A_253 = arith.constant 0 : i32
        %dma_start3A_254 = arith.constant 0 : i32
        %dma_start3A_255 = tpu.memref_slice %arg4[%dma_start3A_253, %dma_start3A_254] : memref<50000x64xf32, #tpu.memory_space<hbm>> -> memref<50000x64xf32, #tpu.memory_space<hbm>>
        tpu.enqueue_indirect_dma source(%dma_start3A_255 : memref<50000x64xf32, #tpu.memory_space<hbm>>) target(%arg15 : memref<128x64xf32, #tpu.memory_space<vmem>>) offsets(%arg6 : memref<128xi32, #tpu.memory_space<vmem>>) semaphore(%arg20 : memref<!tpu.dma_semaphore, #tpu.memory_space<semaphore_mem>>)
      } else {
      }
      %scan3A_192 = arith.constant 0 : i32
      %scan3A_193 = arith.constant 0 : i32
      %scan3A_194 = arith.constant 8 : i32
      %scan3A_195 = arith.addi %scan3A_193, %scan3A_194 : i32
      %scan3A_196 = arith.constant 1 : i32
      %scan3A_197 = scf.for %scan3A_245 = %scan3A_193 to %scan3A_195 step %scan3A_196 iter_args(%scan3A_246 = %scan3A_192) -> (i32)  : i32 {
        %mul3A_247 = arith.constant 16 : i32
        %mul3A_248 = arith.muli %scan3A_245, %mul3A_247 : i32
        %get3A = arith.index_cast %mul3A_248 : i32 to index
        %get3A_249 = tpu.vector_load %arg11[%get3A] {strides = array<i32>} : memref<128xi32, #tpu.memory_space<vmem>>, vector<16xi32>,
        %get3A_250 = vector.shape_cast %get3A_249 : vector<16xi32> to vector<16xi32>
        %sub3A = arith.constant 36864 : i32
        %sub3A_251 = vector.broadcast %sub3A : i32 to vector<16xi32>
        %sub3A_252 = arith.subi %get3A_250, %sub3A_251 : vector<16xi32>
        %ge3A = arith.constant 0 : i32
        %ge3A_253 = vector.broadcast %ge3A : i32 to vector<16xi32>
        %ge3A_254 = arith.cmpi sge, %sub3A_252, %ge3A_253 : vector<16xi32>
        %lt3A_255 = arith.constant 18432 : i32
        %lt3A_256 = vector.broadcast %lt3A_255 : i32 to vector<16xi32>
        %lt3A_257 = arith.cmpi slt, %sub3A_252, %lt3A_256 : vector<16xi32>
        %and3A = arith.andi %ge3A_254, %lt3A_257 : vector<16xi1>
        %jit3A = arith.constant 18432 : i32
        %broadcast_in_dim3A = vector.broadcast %jit3A : i32 to vector<16xi32>
        %select_n3A = arith.select %and3A, %sub3A_252, %broadcast_in_dim3A : vector<16xi1>, vector<16xi32>
        %mul3A_258 = arith.constant 16 : i32
        %mul3A_259 = arith.muli %scan3A_245, %mul3A_258 : i32
        %swap3A = arith.index_cast %mul3A_259 : i32 to index
        %swap3A_260 = tpu.vector_load %arg14[%swap3A] {strides = array<i32>} : memref<128xi32, #tpu.memory_space<vmem>>, vector<16xi32>,
        %swap3A_261 = vector.shape_cast %swap3A_260 : vector<16xi32> to vector<16xi32>
        %swap3A_262 = vector.shape_cast %select_n3A : vector<16xi32> to vector<16xi32>
        tpu.vector_store %arg14[%swap3A], %swap3A_262 {strides = array<i32>} : memref<128xi32, #tpu.memory_space<vmem>>, vector<16xi32>,
        %scan3A_263 = arith.constant 0 : i32
        scf.yield %scan3A_263 : i32
      }
      %scan3A_198 = arith.constant 8 : i32
      %dma_wait3A_199 = arith.constant 0 : i32
      %dma_wait3A_200 = arith.constant 0 : i32
      %dma_wait3A_201 = tpu.memref_slice %arg4[%dma_wait3A_199, %dma_wait3A_200] : memref<50000x64xf32, #tpu.memory_space<hbm>> -> memref<50000x64xf32, #tpu.memory_space<hbm>>
      tpu.wait_indirect_dma semaphore(%arg21 : memref<!tpu.dma_semaphore, #tpu.memory_space<semaphore_mem>>) src(%dma_wait3A_201 : memref<50000x64xf32, #tpu.memory_space<hbm>>) dst(%arg16 : memref<128x64xf32, #tpu.memory_space<vmem>>)
      "tpu.region"() ({
        %run_scoped3A_245 = tpu.sem_alloc : memref<!tpu.dma_semaphore, #tpu.memory_space<semaphore_mem>>
        %dma_start3A_246 = arith.constant 0 : i32
        %dma_start3A_247 = arith.constant 0 : i32
        %dma_start3A_248 = tpu.memref_slice %arg24[%dma_start3A_246, %dma_start3A_247] : memref<18496x64xf32, #tpu.memory_space<vmem_shared>> -> memref<18496x64xf32, #tpu.memory_space<vmem_shared>>
        tpu.enqueue_indirect_dma source(%arg16 : memref<128x64xf32, #tpu.memory_space<vmem>>) target(%dma_start3A_248 : memref<18496x64xf32, #tpu.memory_space<vmem_shared>>) offsets(%arg14 : memref<128xi32, #tpu.memory_space<vmem>>) semaphore(%run_scoped3A_245 : memref<!tpu.dma_semaphore, #tpu.memory_space<semaphore_mem>>) {add = true}
        %dma_wait3A_249 = arith.constant 0 : i32
        %dma_wait3A_250 = arith.constant 0 : i32
        %dma_wait3A_251 = tpu.memref_slice %arg24[%dma_wait3A_249, %dma_wait3A_250] : memref<18496x64xf32, #tpu.memory_space<vmem_shared>> -> memref<18496x64xf32, #tpu.memory_space<vmem_shared>>
        tpu.wait_indirect_dma semaphore(%run_scoped3A_245 : memref<!tpu.dma_semaphore, #tpu.memory_space<semaphore_mem>>) src(%arg16 : memref<128x64xf32, #tpu.memory_space<vmem>>) dst(%dma_wait3A_251 : memref<18496x64xf32, #tpu.memory_space<vmem_shared>>)
        tpu.yield
      }) : () -> ()
      %mul3A_202 = arith.constant 4 : i32
      %mul3A_203 = arith.muli %scan3A_162, %mul3A_202 : i32
      %add3A_204 = arith.constant 2 : i32
      %add3A_205 = arith.addi %mul3A_203, %add3A_204 : i32
      %add3A_206 = arith.constant 3 : i32
      %add3A_207 = arith.addi %add3A_205, %add3A_206 : i32
      %lt3A_208 = arith.constant 200 : i32
      %lt3A_209 = arith.cmpi slt, %add3A_207, %lt3A_208 : i32
      %convert_element_type3A_210 = arith.extui %lt3A_209 : i1 to i32
      %cond3A_211 = arith.constant 0 : i32
      %cond3A_212 = arith.cmpi ne, %convert_element_type3A_210, %cond3A_211 : i32
      scf.if %cond3A_212 {
        %add3A_245 = arith.constant 3 : i32
        %add3A_246 = arith.addi %add3A_205, %add3A_245 : i32
        %mul3A_247 = arith.constant 128 : i32
        %mul3A_248 = arith.muli %add3A_246, %mul3A_247 : i32
        %add3A_249 = arith.addi %mul3A_2, %mul3A_248 : i32
        "tpu.region"() ({
          %run_scoped3A_256 = tpu.sem_alloc : memref<!tpu.dma_semaphore, #tpu.memory_space<semaphore_mem>>
          %dma_start3A_257 = tpu.memref_slice %arg2[%add3A_249] : memref<819200xi32, #tpu.memory_space<hbm>> -> memref<128xi32, #tpu.memory_space<hbm>>
          %dma_start3A_258 = tpu.memref_slice %arg2[%add3A_249] : memref<819200xi32, #tpu.memory_space<hbm>> -> memref<128xi32, #tpu.memory_space<hbm>>
          tpu.enqueue_dma source(%dma_start3A_258 : memref<128xi32, #tpu.memory_space<hbm>>) target(%arg7 : memref<128xi32, #tpu.memory_space<vmem>>) target_semaphore(%run_scoped3A_256 : memref<!tpu.dma_semaphore, #tpu.memory_space<semaphore_mem>>)
          %dma_wait3A_259 = tpu.memref_slice %arg2[%add3A_249] : memref<819200xi32, #tpu.memory_space<hbm>> -> memref<128xi32, #tpu.memory_space<hbm>>
          %dma_wait3A_260 = tpu.memref_slice %arg2[%add3A_249] : memref<819200xi32, #tpu.memory_space<hbm>> -> memref<128xi32, #tpu.memory_space<hbm>>
          tpu.wait_dma2 semaphore(%run_scoped3A_256 : memref<!tpu.dma_semaphore, #tpu.memory_space<semaphore_mem>>) src(%dma_wait3A_260 : memref<128xi32, #tpu.memory_space<hbm>>) dst(%arg7 : memref<128xi32, #tpu.memory_space<vmem>>)
          tpu.yield
        }) : () -> ()
        %mul3A_250 = arith.constant 128 : i32
        %mul3A_251 = arith.muli %add3A_246, %mul3A_250 : i32
        %add3A_252 = arith.addi %mul3A_2, %mul3A_251 : i32
        "tpu.region"() ({
          %run_scoped3A_256 = tpu.sem_alloc : memref<!tpu.dma_semaphore, #tpu.memory_space<semaphore_mem>>
          %dma_start3A_257 = tpu.memref_slice %arg3[%add3A_252] : memref<819200xi32, #tpu.memory_space<hbm>> -> memref<128xi32, #tpu.memory_space<hbm>>
          %dma_start3A_258 = tpu.memref_slice %arg3[%add3A_252] : memref<819200xi32, #tpu.memory_space<hbm>> -> memref<128xi32, #tpu.memory_space<hbm>>
          tpu.enqueue_dma source(%dma_start3A_258 : memref<128xi32, #tpu.memory_space<hbm>>) target(%arg11 : memref<128xi32, #tpu.memory_space<vmem>>) target_semaphore(%run_scoped3A_256 : memref<!tpu.dma_semaphore, #tpu.memory_space<semaphore_mem>>)
          %dma_wait3A_259 = tpu.memref_slice %arg3[%add3A_252] : memref<819200xi32, #tpu.memory_space<hbm>> -> memref<128xi32, #tpu.memory_space<hbm>>
          %dma_wait3A_260 = tpu.memref_slice %arg3[%add3A_252] : memref<819200xi32, #tpu.memory_space<hbm>> -> memref<128xi32, #tpu.memory_space<hbm>>
          tpu.wait_dma2 semaphore(%run_scoped3A_256 : memref<!tpu.dma_semaphore, #tpu.memory_space<semaphore_mem>>) src(%dma_wait3A_260 : memref<128xi32, #tpu.memory_space<hbm>>) dst(%arg11 : memref<128xi32, #tpu.memory_space<vmem>>)
          tpu.yield
        }) : () -> ()
        %dma_start3A_253 = arith.constant 0 : i32
        %dma_start3A_254 = arith.constant 0 : i32
        %dma_start3A_255 = tpu.memref_slice %arg4[%dma_start3A_253, %dma_start3A_254] : memref<50000x64xf32, #tpu.memory_space<hbm>> -> memref<50000x64xf32, #tpu.memory_space<hbm>>
        tpu.enqueue_indirect_dma source(%dma_start3A_255 : memref<50000x64xf32, #tpu.memory_space<hbm>>) target(%arg16 : memref<128x64xf32, #tpu.memory_space<vmem>>) offsets(%arg7 : memref<128xi32, #tpu.memory_space<vmem>>) semaphore(%arg21 : memref<!tpu.dma_semaphore, #tpu.memory_space<semaphore_mem>>)
      } else {
      }
      %scan3A_213 = arith.constant 0 : i32
      %scan3A_214 = arith.constant 0 : i32
      %scan3A_215 = arith.constant 8 : i32
      %scan3A_216 = arith.addi %scan3A_214, %scan3A_215 : i32
      %scan3A_217 = arith.constant 1 : i32
      %scan3A_218 = scf.for %scan3A_245 = %scan3A_214 to %scan3A_216 step %scan3A_217 iter_args(%scan3A_246 = %scan3A_213) -> (i32)  : i32 {
        %mul3A_247 = arith.constant 16 : i32
        %mul3A_248 = arith.muli %scan3A_245, %mul3A_247 : i32
        %get3A = arith.index_cast %mul3A_248 : i32 to index
        %get3A_249 = tpu.vector_load %arg12[%get3A] {strides = array<i32>} : memref<128xi32, #tpu.memory_space<vmem>>, vector<16xi32>,
        %get3A_250 = vector.shape_cast %get3A_249 : vector<16xi32> to vector<16xi32>
        %sub3A = arith.constant 36864 : i32
        %sub3A_251 = vector.broadcast %sub3A : i32 to vector<16xi32>
        %sub3A_252 = arith.subi %get3A_250, %sub3A_251 : vector<16xi32>
        %ge3A = arith.constant 0 : i32
        %ge3A_253 = vector.broadcast %ge3A : i32 to vector<16xi32>
        %ge3A_254 = arith.cmpi sge, %sub3A_252, %ge3A_253 : vector<16xi32>
        %lt3A_255 = arith.constant 18432 : i32
        %lt3A_256 = vector.broadcast %lt3A_255 : i32 to vector<16xi32>
        %lt3A_257 = arith.cmpi slt, %sub3A_252, %lt3A_256 : vector<16xi32>
        %and3A = arith.andi %ge3A_254, %lt3A_257 : vector<16xi1>
        %jit3A = arith.constant 18432 : i32
        %broadcast_in_dim3A = vector.broadcast %jit3A : i32 to vector<16xi32>
        %select_n3A = arith.select %and3A, %sub3A_252, %broadcast_in_dim3A : vector<16xi1>, vector<16xi32>
        %mul3A_258 = arith.constant 16 : i32
        %mul3A_259 = arith.muli %scan3A_245, %mul3A_258 : i32
        %swap3A = arith.index_cast %mul3A_259 : i32 to index
        %swap3A_260 = tpu.vector_load %arg14[%swap3A] {strides = array<i32>} : memref<128xi32, #tpu.memory_space<vmem>>, vector<16xi32>,
        %swap3A_261 = vector.shape_cast %swap3A_260 : vector<16xi32> to vector<16xi32>
        %swap3A_262 = vector.shape_cast %select_n3A : vector<16xi32> to vector<16xi32>
        tpu.vector_store %arg14[%swap3A], %swap3A_262 {strides = array<i32>} : memref<128xi32, #tpu.memory_space<vmem>>, vector<16xi32>,
        %scan3A_263 = arith.constant 0 : i32
        scf.yield %scan3A_263 : i32
      }
      %scan3A_219 = arith.constant 8 : i32
      %dma_wait3A_220 = arith.constant 0 : i32
      %dma_wait3A_221 = arith.constant 0 : i32
      %dma_wait3A_222 = tpu.memref_slice %arg4[%dma_wait3A_220, %dma_wait3A_221] : memref<50000x64xf32, #tpu.memory_space<hbm>> -> memref<50000x64xf32, #tpu.memory_space<hbm>>
      tpu.wait_indirect_dma semaphore(%arg22 : memref<!tpu.dma_semaphore, #tpu.memory_space<semaphore_mem>>) src(%dma_wait3A_222 : memref<50000x64xf32, #tpu.memory_space<hbm>>) dst(%arg17 : memref<128x64xf32, #tpu.memory_space<vmem>>)
      "tpu.region"() ({
        %run_scoped3A_245 = tpu.sem_alloc : memref<!tpu.dma_semaphore, #tpu.memory_space<semaphore_mem>>
        %dma_start3A_246 = arith.constant 0 : i32
        %dma_start3A_247 = arith.constant 0 : i32
        %dma_start3A_248 = tpu.memref_slice %arg24[%dma_start3A_246, %dma_start3A_247] : memref<18496x64xf32, #tpu.memory_space<vmem_shared>> -> memref<18496x64xf32, #tpu.memory_space<vmem_shared>>
        tpu.enqueue_indirect_dma source(%arg17 : memref<128x64xf32, #tpu.memory_space<vmem>>) target(%dma_start3A_248 : memref<18496x64xf32, #tpu.memory_space<vmem_shared>>) offsets(%arg14 : memref<128xi32, #tpu.memory_space<vmem>>) semaphore(%run_scoped3A_245 : memref<!tpu.dma_semaphore, #tpu.memory_space<semaphore_mem>>) {add = true}
        %dma_wait3A_249 = arith.constant 0 : i32
        %dma_wait3A_250 = arith.constant 0 : i32
        %dma_wait3A_251 = tpu.memref_slice %arg24[%dma_wait3A_249, %dma_wait3A_250] : memref<18496x64xf32, #tpu.memory_space<vmem_shared>> -> memref<18496x64xf32, #tpu.memory_space<vmem_shared>>
        tpu.wait_indirect_dma semaphore(%run_scoped3A_245 : memref<!tpu.dma_semaphore, #tpu.memory_space<semaphore_mem>>) src(%arg17 : memref<128x64xf32, #tpu.memory_space<vmem>>) dst(%dma_wait3A_251 : memref<18496x64xf32, #tpu.memory_space<vmem_shared>>)
        tpu.yield
      }) : () -> ()
      %mul3A_223 = arith.constant 4 : i32
      %mul3A_224 = arith.muli %scan3A_162, %mul3A_223 : i32
      %add3A_225 = arith.constant 3 : i32
      %add3A_226 = arith.addi %mul3A_224, %add3A_225 : i32
      %add3A_227 = arith.constant 3 : i32
      %add3A_228 = arith.addi %add3A_226, %add3A_227 : i32
      %lt3A_229 = arith.constant 200 : i32
      %lt3A_230 = arith.cmpi slt, %add3A_228, %lt3A_229 : i32
      %convert_element_type3A_231 = arith.extui %lt3A_230 : i1 to i32
      %cond3A_232 = arith.constant 0 : i32
      %cond3A_233 = arith.cmpi ne, %convert_element_type3A_231, %cond3A_232 : i32
      scf.if %cond3A_233 {
        %add3A_245 = arith.constant 3 : i32
        %add3A_246 = arith.addi %add3A_226, %add3A_245 : i32
        %mul3A_247 = arith.constant 128 : i32
        %mul3A_248 = arith.muli %add3A_246, %mul3A_247 : i32
        %add3A_249 = arith.addi %mul3A_2, %mul3A_248 : i32
        "tpu.region"() ({
          %run_scoped3A_256 = tpu.sem_alloc : memref<!tpu.dma_semaphore, #tpu.memory_space<semaphore_mem>>
          %dma_start3A_257 = tpu.memref_slice %arg2[%add3A_249] : memref<819200xi32, #tpu.memory_space<hbm>> -> memref<128xi32, #tpu.memory_space<hbm>>
          %dma_start3A_258 = tpu.memref_slice %arg2[%add3A_249] : memref<819200xi32, #tpu.memory_space<hbm>> -> memref<128xi32, #tpu.memory_space<hbm>>
          tpu.enqueue_dma source(%dma_start3A_258 : memref<128xi32, #tpu.memory_space<hbm>>) target(%arg8 : memref<128xi32, #tpu.memory_space<vmem>>) target_semaphore(%run_scoped3A_256 : memref<!tpu.dma_semaphore, #tpu.memory_space<semaphore_mem>>)
          %dma_wait3A_259 = tpu.memref_slice %arg2[%add3A_249] : memref<819200xi32, #tpu.memory_space<hbm>> -> memref<128xi32, #tpu.memory_space<hbm>>
          %dma_wait3A_260 = tpu.memref_slice %arg2[%add3A_249] : memref<819200xi32, #tpu.memory_space<hbm>> -> memref<128xi32, #tpu.memory_space<hbm>>
          tpu.wait_dma2 semaphore(%run_scoped3A_256 : memref<!tpu.dma_semaphore, #tpu.memory_space<semaphore_mem>>) src(%dma_wait3A_260 : memref<128xi32, #tpu.memory_space<hbm>>) dst(%arg8 : memref<128xi32, #tpu.memory_space<vmem>>)
          tpu.yield
        }) : () -> ()
        %mul3A_250 = arith.constant 128 : i32
        %mul3A_251 = arith.muli %add3A_246, %mul3A_250 : i32
        %add3A_252 = arith.addi %mul3A_2, %mul3A_251 : i32
        "tpu.region"() ({
          %run_scoped3A_256 = tpu.sem_alloc : memref<!tpu.dma_semaphore, #tpu.memory_space<semaphore_mem>>
          %dma_start3A_257 = tpu.memref_slice %arg3[%add3A_252] : memref<819200xi32, #tpu.memory_space<hbm>> -> memref<128xi32, #tpu.memory_space<hbm>>
          %dma_start3A_258 = tpu.memref_slice %arg3[%add3A_252] : memref<819200xi32, #tpu.memory_space<hbm>> -> memref<128xi32, #tpu.memory_space<hbm>>
          tpu.enqueue_dma source(%dma_start3A_258 : memref<128xi32, #tpu.memory_space<hbm>>) target(%arg12 : memref<128xi32, #tpu.memory_space<vmem>>) target_semaphore(%run_scoped3A_256 : memref<!tpu.dma_semaphore, #tpu.memory_space<semaphore_mem>>)
          %dma_wait3A_259 = tpu.memref_slice %arg3[%add3A_252] : memref<819200xi32, #tpu.memory_space<hbm>> -> memref<128xi32, #tpu.memory_space<hbm>>
          %dma_wait3A_260 = tpu.memref_slice %arg3[%add3A_252] : memref<819200xi32, #tpu.memory_space<hbm>> -> memref<128xi32, #tpu.memory_space<hbm>>
          tpu.wait_dma2 semaphore(%run_scoped3A_256 : memref<!tpu.dma_semaphore, #tpu.memory_space<semaphore_mem>>) src(%dma_wait3A_260 : memref<128xi32, #tpu.memory_space<hbm>>) dst(%arg12 : memref<128xi32, #tpu.memory_space<vmem>>)
          tpu.yield
        }) : () -> ()
        %dma_start3A_253 = arith.constant 0 : i32
        %dma_start3A_254 = arith.constant 0 : i32
        %dma_start3A_255 = tpu.memref_slice %arg4[%dma_start3A_253, %dma_start3A_254] : memref<50000x64xf32, #tpu.memory_space<hbm>> -> memref<50000x64xf32, #tpu.memory_space<hbm>>
        tpu.enqueue_indirect_dma source(%dma_start3A_255 : memref<50000x64xf32, #tpu.memory_space<hbm>>) target(%arg17 : memref<128x64xf32, #tpu.memory_space<vmem>>) offsets(%arg8 : memref<128xi32, #tpu.memory_space<vmem>>) semaphore(%arg22 : memref<!tpu.dma_semaphore, #tpu.memory_space<semaphore_mem>>)
      } else {
      }
      %scan3A_234 = arith.constant 0 : i32
      %scan3A_235 = arith.constant 0 : i32
      %scan3A_236 = arith.constant 8 : i32
      %scan3A_237 = arith.addi %scan3A_235, %scan3A_236 : i32
      %scan3A_238 = arith.constant 1 : i32
      %scan3A_239 = scf.for %scan3A_245 = %scan3A_235 to %scan3A_237 step %scan3A_238 iter_args(%scan3A_246 = %scan3A_234) -> (i32)  : i32 {
        %mul3A_247 = arith.constant 16 : i32
        %mul3A_248 = arith.muli %scan3A_245, %mul3A_247 : i32
        %get3A = arith.index_cast %mul3A_248 : i32 to index
        %get3A_249 = tpu.vector_load %arg13[%get3A] {strides = array<i32>} : memref<128xi32, #tpu.memory_space<vmem>>, vector<16xi32>,
        %get3A_250 = vector.shape_cast %get3A_249 : vector<16xi32> to vector<16xi32>
        %sub3A = arith.constant 36864 : i32
        %sub3A_251 = vector.broadcast %sub3A : i32 to vector<16xi32>
        %sub3A_252 = arith.subi %get3A_250, %sub3A_251 : vector<16xi32>
        %ge3A = arith.constant 0 : i32
        %ge3A_253 = vector.broadcast %ge3A : i32 to vector<16xi32>
        %ge3A_254 = arith.cmpi sge, %sub3A_252, %ge3A_253 : vector<16xi32>
        %lt3A_255 = arith.constant 18432 : i32
        %lt3A_256 = vector.broadcast %lt3A_255 : i32 to vector<16xi32>
        %lt3A_257 = arith.cmpi slt, %sub3A_252, %lt3A_256 : vector<16xi32>
        %and3A = arith.andi %ge3A_254, %lt3A_257 : vector<16xi1>
        %jit3A = arith.constant 18432 : i32
        %broadcast_in_dim3A = vector.broadcast %jit3A : i32 to vector<16xi32>
        %select_n3A = arith.select %and3A, %sub3A_252, %broadcast_in_dim3A : vector<16xi1>, vector<16xi32>
        %mul3A_258 = arith.constant 16 : i32
        %mul3A_259 = arith.muli %scan3A_245, %mul3A_258 : i32
        %swap3A = arith.index_cast %mul3A_259 : i32 to index
        %swap3A_260 = tpu.vector_load %arg14[%swap3A] {strides = array<i32>} : memref<128xi32, #tpu.memory_space<vmem>>, vector<16xi32>,
        %swap3A_261 = vector.shape_cast %swap3A_260 : vector<16xi32> to vector<16xi32>
        %swap3A_262 = vector.shape_cast %select_n3A : vector<16xi32> to vector<16xi32>
        tpu.vector_store %arg14[%swap3A], %swap3A_262 {strides = array<i32>} : memref<128xi32, #tpu.memory_space<vmem>>, vector<16xi32>,
        %scan3A_263 = arith.constant 0 : i32
        scf.yield %scan3A_263 : i32
      }
      %scan3A_240 = arith.constant 8 : i32
      %dma_wait3A_241 = arith.constant 0 : i32
      %dma_wait3A_242 = arith.constant 0 : i32
      %dma_wait3A_243 = tpu.memref_slice %arg4[%dma_wait3A_241, %dma_wait3A_242] : memref<50000x64xf32, #tpu.memory_space<hbm>> -> memref<50000x64xf32, #tpu.memory_space<hbm>>
      tpu.wait_indirect_dma semaphore(%arg23 : memref<!tpu.dma_semaphore, #tpu.memory_space<semaphore_mem>>) src(%dma_wait3A_243 : memref<50000x64xf32, #tpu.memory_space<hbm>>) dst(%arg18 : memref<128x64xf32, #tpu.memory_space<vmem>>)
      "tpu.region"() ({
        %run_scoped3A_245 = tpu.sem_alloc : memref<!tpu.dma_semaphore, #tpu.memory_space<semaphore_mem>>
        %dma_start3A_246 = arith.constant 0 : i32
        %dma_start3A_247 = arith.constant 0 : i32
        %dma_start3A_248 = tpu.memref_slice %arg24[%dma_start3A_246, %dma_start3A_247] : memref<18496x64xf32, #tpu.memory_space<vmem_shared>> -> memref<18496x64xf32, #tpu.memory_space<vmem_shared>>
        tpu.enqueue_indirect_dma source(%arg18 : memref<128x64xf32, #tpu.memory_space<vmem>>) target(%dma_start3A_248 : memref<18496x64xf32, #tpu.memory_space<vmem_shared>>) offsets(%arg14 : memref<128xi32, #tpu.memory_space<vmem>>) semaphore(%run_scoped3A_245 : memref<!tpu.dma_semaphore, #tpu.memory_space<semaphore_mem>>) {add = true}
        %dma_wait3A_249 = arith.constant 0 : i32
        %dma_wait3A_250 = arith.constant 0 : i32
        %dma_wait3A_251 = tpu.memref_slice %arg24[%dma_wait3A_249, %dma_wait3A_250] : memref<18496x64xf32, #tpu.memory_space<vmem_shared>> -> memref<18496x64xf32, #tpu.memory_space<vmem_shared>>
        tpu.wait_indirect_dma semaphore(%run_scoped3A_245 : memref<!tpu.dma_semaphore, #tpu.memory_space<semaphore_mem>>) src(%arg18 : memref<128x64xf32, #tpu.memory_space<vmem>>) dst(%dma_wait3A_251 : memref<18496x64xf32, #tpu.memory_space<vmem_shared>>)
        tpu.yield
      }) : () -> ()
      %scan3A_244 = arith.constant 0 : i32
      scf.yield %scan3A_244 : i32
    }
    %scan3A_154 = arith.constant 50 : i32
    %barrier3A_155 = arith.constant 0 : index
    tpu.barrier barrier_id(%barrier3A_155)
    %mul3A_156 = arith.constant 1156 : i32
    %mul3A_157 = arith.muli %arg1, %mul3A_156 : i32
    %mul3A_158 = arith.constant 1156 : i32
    %mul3A_159 = arith.muli %arg1, %mul3A_158 : i32
    %run_scoped3A_160 = arith.constant 2 : i32
    "tpu.region"() ({
      %run_scoped3A_162 = tpu.sem_alloc : memref<!tpu.dma_semaphore, #tpu.memory_space<semaphore_mem>>
      %dma_start3A_163 = arith.constant 0 : i32
      %dma_start3A_164 = tpu.memref_slice %arg5[%run_scoped3A_160, %arg0, %mul3A_159, %dma_start3A_163] : memref<3x2x18496x64xf32, #tpu.memory_space<hbm>> -> memref<1x1x1156x64xf32, #tpu.memory_space<hbm>>
      %dma_start3A_165 = tpu.memref_squeeze %dma_start3A_164 : memref<1x1x1156x64xf32, #tpu.memory_space<hbm>> -> memref<1156x64xf32, #tpu.memory_space<hbm>>
      %dma_start3A_166 = arith.constant 0 : i32
      %dma_start3A_167 = tpu.memref_slice %arg24[%mul3A_157, %dma_start3A_166] : memref<18496x64xf32, #tpu.memory_space<vmem_shared>> -> memref<1156x64xf32, #tpu.memory_space<vmem_shared>>
      tpu.enqueue_dma source(%dma_start3A_167 : memref<1156x64xf32, #tpu.memory_space<vmem_shared>>) target(%dma_start3A_165 : memref<1156x64xf32, #tpu.memory_space<hbm>>) target_semaphore(%run_scoped3A_162 : memref<!tpu.dma_semaphore, #tpu.memory_space<semaphore_mem>>)
      %dma_wait3A = arith.constant 0 : i32
      %dma_wait3A_168 = tpu.memref_slice %arg5[%run_scoped3A_160, %arg0, %mul3A_159, %dma_wait3A] : memref<3x2x18496x64xf32, #tpu.memory_space<hbm>> -> memref<1x1x1156x64xf32, #tpu.memory_space<hbm>>
      %dma_wait3A_169 = tpu.memref_squeeze %dma_wait3A_168 : memref<1x1x1156x64xf32, #tpu.memory_space<hbm>> -> memref<1156x64xf32, #tpu.memory_space<hbm>>
      %dma_wait3A_170 = arith.constant 0 : i32
      %dma_wait3A_171 = tpu.memref_slice %arg24[%mul3A_157, %dma_wait3A_170] : memref<18496x64xf32, #tpu.memory_space<vmem_shared>> -> memref<1156x64xf32, #tpu.memory_space<vmem_shared>>
      tpu.wait_dma2 semaphore(%run_scoped3A_162 : memref<!tpu.dma_semaphore, #tpu.memory_space<semaphore_mem>>) src(%dma_wait3A_171 : memref<1156x64xf32, #tpu.memory_space<vmem_shared>>) dst(%dma_wait3A_169 : memref<1156x64xf32, #tpu.memory_space<hbm>>)
      tpu.yield
    }) : () -> ()
    %barrier3A_161 = arith.constant 0 : index
    tpu.barrier barrier_id(%barrier3A_161)
    return
  }
}

#map = affine_map<(d0, d1) -> (0)>
#map1 = affine_map<(d0, d1) -> (0, 0)>
module attributes {stable_mosaic.version = 14 : i64} {
  func.func @_sc_deg(%arg0: i32, %arg1: i32, %arg2: memref<819200xi32, #tpu.memory_space<hbm>>, %arg3: memref<2x51200xf32, #tpu.memory_space<hbm>>, %arg4: memref<128xi32, #tpu.memory_space<vmem>>, %arg5: memref<128xf32, #tpu.memory_space<vmem>>, %arg6: memref<3200xf32, #tpu.memory_space<vmem>>, %arg7: memref<51200xf32, #tpu.memory_space<vmem_shared>>) attributes {dimension_semantics = [#tpu.dimension_semantics<core_parallel>, #tpu.dimension_semantics<subcore_parallel>], iteration_bounds = array<i64: 2, 16>, scalar_prefetch = 0 : i64, scratch_operands = 4 : i64, tpu.core_type = #tpu.core_type<sc_vector_subcore>, window_params = [{transform_indices = #map}, {transform_indices = #map1}]} {
    %mul3A = arith.constant 2 : i32
    %mul3A_0 = arith.muli %arg1, %mul3A : i32
    %add3A = arith.addi %mul3A_0, %arg0 : i32
    %scan3A = arith.constant 0 : i32
    %scan3A_1 = arith.constant 0 : i32
    %scan3A_2 = arith.constant 8 : i32
    %scan3A_3 = arith.addi %scan3A_1, %scan3A_2 : i32
    %scan3A_4 = arith.constant 1 : i32
    %scan3A_5 = scf.for %scan3A_30 = %scan3A_1 to %scan3A_3 step %scan3A_4 iter_args(%scan3A_31 = %scan3A) -> (i32)  : i32 {
      %broadcast_in_dim3A = arith.constant 1.000000e+00 : f32
      %broadcast_in_dim3A_32 = vector.broadcast %broadcast_in_dim3A : f32 to vector<16xf32>
      %mul3A_33 = arith.constant 16 : i32
      %mul3A_34 = arith.muli %scan3A_30, %mul3A_33 : i32
      %swap3A = arith.index_cast %mul3A_34 : i32 to index
      %swap3A_35 = tpu.vector_load %arg5[%swap3A] {strides = array<i32>} : memref<128xf32, #tpu.memory_space<vmem>>, vector<16xf32>,
      %swap3A_36 = vector.shape_cast %swap3A_35 : vector<16xf32> to vector<16xf32>
      %swap3A_37 = vector.shape_cast %broadcast_in_dim3A_32 : vector<16xf32> to vector<16xf32>
      tpu.vector_store %arg5[%swap3A], %swap3A_37 {strides = array<i32>} : memref<128xf32, #tpu.memory_space<vmem>>, vector<16xf32>,
      %scan3A_38 = arith.constant 0 : i32
      scf.yield %scan3A_38 : i32
    }
    %scan3A_6 = arith.constant 8 : i32
    %scan3A_7 = arith.constant 0 : i32
    %scan3A_8 = arith.constant 0 : i32
    %scan3A_9 = arith.constant 200 : i32
    %scan3A_10 = arith.addi %scan3A_8, %scan3A_9 : i32
    %scan3A_11 = arith.constant 1 : i32
    %scan3A_12 = scf.for %scan3A_30 = %scan3A_8 to %scan3A_10 step %scan3A_11 iter_args(%scan3A_31 = %scan3A_7) -> (i32)  : i32 {
      %broadcast_in_dim3A = arith.constant 0.000000e+00 : f32
      %broadcast_in_dim3A_32 = vector.broadcast %broadcast_in_dim3A : f32 to vector<16xf32>
      %mul3A_33 = arith.constant 16 : i32
      %mul3A_34 = arith.muli %scan3A_30, %mul3A_33 : i32
      %swap3A = arith.index_cast %mul3A_34 : i32 to index
      %swap3A_35 = tpu.vector_load %arg6[%swap3A] {strides = array<i32>} : memref<3200xf32, #tpu.memory_space<vmem>>, vector<16xf32>,
      %swap3A_36 = vector.shape_cast %swap3A_35 : vector<16xf32> to vector<16xf32>
      %swap3A_37 = vector.shape_cast %broadcast_in_dim3A_32 : vector<16xf32> to vector<16xf32>
      tpu.vector_store %arg6[%swap3A], %swap3A_37 {strides = array<i32>} : memref<3200xf32, #tpu.memory_space<vmem>>, vector<16xf32>,
      %scan3A_38 = arith.constant 0 : i32
      scf.yield %scan3A_38 : i32
    }
    %scan3A_13 = arith.constant 200 : i32
    %mul3A_14 = arith.constant 3200 : i32
    %mul3A_15 = arith.muli %arg1, %mul3A_14 : i32
    "tpu.region"() ({
      %run_scoped3A = tpu.sem_alloc : memref<!tpu.dma_semaphore, #tpu.memory_space<semaphore_mem>>
      %dma_start3A = tpu.memref_slice %arg7[%mul3A_15] : memref<51200xf32, #tpu.memory_space<vmem_shared>> -> memref<3200xf32, #tpu.memory_space<vmem_shared>>
      %dma_start3A_30 = tpu.memref_slice %arg7[%mul3A_15] : memref<51200xf32, #tpu.memory_space<vmem_shared>> -> memref<3200xf32, #tpu.memory_space<vmem_shared>>
      tpu.enqueue_dma source(%arg6 : memref<3200xf32, #tpu.memory_space<vmem>>) target(%dma_start3A_30 : memref<3200xf32, #tpu.memory_space<vmem_shared>>) target_semaphore(%run_scoped3A : memref<!tpu.dma_semaphore, #tpu.memory_space<semaphore_mem>>)
      %dma_wait3A = tpu.memref_slice %arg7[%mul3A_15] : memref<51200xf32, #tpu.memory_space<vmem_shared>> -> memref<3200xf32, #tpu.memory_space<vmem_shared>>
      %dma_wait3A_31 = tpu.memref_slice %arg7[%mul3A_15] : memref<51200xf32, #tpu.memory_space<vmem_shared>> -> memref<3200xf32, #tpu.memory_space<vmem_shared>>
      tpu.wait_dma2 semaphore(%run_scoped3A : memref<!tpu.dma_semaphore, #tpu.memory_space<semaphore_mem>>) src(%arg6 : memref<3200xf32, #tpu.memory_space<vmem>>) dst(%dma_wait3A_31 : memref<3200xf32, #tpu.memory_space<vmem_shared>>)
      tpu.yield
    }) : () -> ()
    %barrier3A = arith.constant 0 : index
    tpu.barrier barrier_id(%barrier3A)
    %mul3A_16 = arith.constant 25600 : i32
    %mul3A_17 = arith.muli %add3A, %mul3A_16 : i32
    %scan3A_18 = arith.constant 0 : i32
    %scan3A_19 = arith.constant 0 : i32
    %scan3A_20 = arith.constant 200 : i32
    %scan3A_21 = arith.addi %scan3A_19, %scan3A_20 : i32
    %scan3A_22 = arith.constant 1 : i32
    %scan3A_23 = scf.for %scan3A_30 = %scan3A_19 to %scan3A_21 step %scan3A_22 iter_args(%scan3A_31 = %scan3A_18) -> (i32)  : i32 {
      %mul3A_32 = arith.constant 128 : i32
      %mul3A_33 = arith.muli %scan3A_30, %mul3A_32 : i32
      %add3A_34 = arith.addi %mul3A_17, %mul3A_33 : i32
      "tpu.region"() ({
        %run_scoped3A = tpu.sem_alloc : memref<!tpu.dma_semaphore, #tpu.memory_space<semaphore_mem>>
        %dma_start3A = tpu.memref_slice %arg2[%add3A_34] : memref<819200xi32, #tpu.memory_space<hbm>> -> memref<128xi32, #tpu.memory_space<hbm>>
        %dma_start3A_36 = tpu.memref_slice %arg2[%add3A_34] : memref<819200xi32, #tpu.memory_space<hbm>> -> memref<128xi32, #tpu.memory_space<hbm>>
        tpu.enqueue_dma source(%dma_start3A_36 : memref<128xi32, #tpu.memory_space<hbm>>) target(%arg4 : memref<128xi32, #tpu.memory_space<vmem>>) target_semaphore(%run_scoped3A : memref<!tpu.dma_semaphore, #tpu.memory_space<semaphore_mem>>)
        %dma_wait3A = tpu.memref_slice %arg2[%add3A_34] : memref<819200xi32, #tpu.memory_space<hbm>> -> memref<128xi32, #tpu.memory_space<hbm>>
        %dma_wait3A_37 = tpu.memref_slice %arg2[%add3A_34] : memref<819200xi32, #tpu.memory_space<hbm>> -> memref<128xi32, #tpu.memory_space<hbm>>
        tpu.wait_dma2 semaphore(%run_scoped3A : memref<!tpu.dma_semaphore, #tpu.memory_space<semaphore_mem>>) src(%dma_wait3A_37 : memref<128xi32, #tpu.memory_space<hbm>>) dst(%arg4 : memref<128xi32, #tpu.memory_space<vmem>>)
        tpu.yield
      }) : () -> ()
      "tpu.region"() ({
        %run_scoped3A = tpu.sem_alloc : memref<!tpu.dma_semaphore, #tpu.memory_space<semaphore_mem>>
        %dma_start3A = arith.constant 0 : i32
        %dma_start3A_36 = tpu.memref_slice %arg7[%dma_start3A] : memref<51200xf32, #tpu.memory_space<vmem_shared>> -> memref<51200xf32, #tpu.memory_space<vmem_shared>>
        tpu.enqueue_indirect_dma source(%arg5 : memref<128xf32, #tpu.memory_space<vmem>>) target(%dma_start3A_36 : memref<51200xf32, #tpu.memory_space<vmem_shared>>) offsets(%arg4 : memref<128xi32, #tpu.memory_space<vmem>>) semaphore(%run_scoped3A : memref<!tpu.dma_semaphore, #tpu.memory_space<semaphore_mem>>) {add = true}
        %dma_wait3A = arith.constant 0 : i32
        %dma_wait3A_37 = tpu.memref_slice %arg7[%dma_wait3A] : memref<51200xf32, #tpu.memory_space<vmem_shared>> -> memref<51200xf32, #tpu.memory_space<vmem_shared>>
        tpu.wait_indirect_dma semaphore(%run_scoped3A : memref<!tpu.dma_semaphore, #tpu.memory_space<semaphore_mem>>) src(%arg5 : memref<128xf32, #tpu.memory_space<vmem>>) dst(%dma_wait3A_37 : memref<51200xf32, #tpu.memory_space<vmem_shared>>)
        tpu.yield
      }) : () -> ()
      %scan3A_35 = arith.constant 0 : i32
      scf.yield %scan3A_35 : i32
    }
    %scan3A_24 = arith.constant 200 : i32
    %barrier3A_25 = arith.constant 0 : index
    tpu.barrier barrier_id(%barrier3A_25)
    %mul3A_26 = arith.constant 3200 : i32
    %mul3A_27 = arith.muli %arg1, %mul3A_26 : i32
    %mul3A_28 = arith.constant 3200 : i32
    %mul3A_29 = arith.muli %arg1, %mul3A_28 : i32
    "tpu.region"() ({
      %run_scoped3A = tpu.sem_alloc : memref<!tpu.dma_semaphore, #tpu.memory_space<semaphore_mem>>
      %dma_start3A = tpu.memref_slice %arg3[%arg0, %mul3A_29] : memref<2x51200xf32, #tpu.memory_space<hbm>> -> memref<1x3200xf32, #tpu.memory_space<hbm>>
      %dma_start3A_30 = tpu.memref_squeeze %dma_start3A : memref<1x3200xf32, #tpu.memory_space<hbm>> -> memref<3200xf32, #tpu.memory_space<hbm>>
      %dma_start3A_31 = tpu.memref_slice %arg7[%mul3A_27] : memref<51200xf32, #tpu.memory_space<vmem_shared>> -> memref<3200xf32, #tpu.memory_space<vmem_shared>>
      tpu.enqueue_dma source(%dma_start3A_31 : memref<3200xf32, #tpu.memory_space<vmem_shared>>) target(%dma_start3A_30 : memref<3200xf32, #tpu.memory_space<hbm>>) target_semaphore(%run_scoped3A : memref<!tpu.dma_semaphore, #tpu.memory_space<semaphore_mem>>)
      %dma_wait3A = tpu.memref_slice %arg3[%arg0, %mul3A_29] : memref<2x51200xf32, #tpu.memory_space<hbm>> -> memref<1x3200xf32, #tpu.memory_space<hbm>>
      %dma_wait3A_32 = tpu.memref_squeeze %dma_wait3A : memref<1x3200xf32, #tpu.memory_space<hbm>> -> memref<3200xf32, #tpu.memory_space<hbm>>
      %dma_wait3A_33 = tpu.memref_slice %arg7[%mul3A_27] : memref<51200xf32, #tpu.memory_space<vmem_shared>> -> memref<3200xf32, #tpu.memory_space<vmem_shared>>
      tpu.wait_dma2 semaphore(%run_scoped3A : memref<!tpu.dma_semaphore, #tpu.memory_space<semaphore_mem>>) src(%dma_wait3A_33 : memref<3200xf32, #tpu.memory_space<vmem_shared>>) dst(%dma_wait3A_32 : memref<3200xf32, #tpu.memory_space<hbm>>)
      tpu.yield
    }) : () -> ()
    return
  }
}

module attributes {stable_mosaic.version = 14 : i64} {
  func.func @_tc1_body(%arg0: i32, %arg1: memref<1000x128xf32, #tpu.memory_space<vmem>>, %arg2: memref<128x64xf32, #tpu.memory_space<vmem>>, %arg3: memref<64xf32, #tpu.memory_space<vmem>>, %arg4: memref<64x64xf32, #tpu.memory_space<vmem>>, %arg5: memref<1000x64xf32, #tpu.memory_space<vmem>>) attributes {dimension_semantics = [#tpu.dimension_semantics<arbitrary>], iteration_bounds = array<i64: 50>, scalar_prefetch = 0 : i64, scratch_operands = 0 : i64, tpu.core_type = #tpu.core_type<tc>, window_params = [{transform_indices = @transform_0, window_bounds = array<i64: 1000, 128>}, {pipeline_mode = #tpu.pipeline_mode<synchronous>, transform_indices = @transform_1, window_bounds = array<i64: 128, 64>}, {pipeline_mode = #tpu.pipeline_mode<synchronous>, transform_indices = @transform_2, window_bounds = array<i64: 64>}, {pipeline_mode = #tpu.pipeline_mode<synchronous>, transform_indices = @transform_3, window_bounds = array<i64: 64, 64>}, {transform_indices = @transform_4, window_bounds = array<i64: 1000, 64>}]} {
    %get3A = arith.constant 0 : index
    %get3A_0 = arith.constant 0 : index
    %get3A_1 = vector.load %arg1[%get3A, %get3A_0] : memref<1000x128xf32, #tpu.memory_space<vmem>>, vector<1000x128xf32>
    %get3A_2 = arith.constant 0 : index
    %get3A_3 = arith.constant 0 : index
    %get3A_4 = vector.load %arg2[%get3A_2, %get3A_3] : memref<128x64xf32, #tpu.memory_space<vmem>>, vector<128x64xf32>
    %dot_general3A = arith.constant dense<0.000000e+00> : vector<1000x64xf32>
    %dot_general3A_5 = tpu.matmul %get3A_1, %get3A_4, %dot_general3A {dimension_numbers = #tpu.dot_dimension_numbers<[1], [0], [0], [1], [0, 0, 1, 1], [], []>, transpose_lhs_hint = false} : vector<1000x128xf32>, vector<128x64xf32>, vector<1000x64xf32> -> vector<1000x64xf32>
    %get3A_6 = arith.constant 0 : index
    %get3A_7 = vector.load %arg3[%get3A_6] : memref<64xf32, #tpu.memory_space<vmem>>, vector<64xf32>
    %broadcast_in_dim3A = vector.shape_cast %get3A_7 : vector<64xf32> to vector<1x64xf32>
    %add3A = vector.broadcast %broadcast_in_dim3A : vector<1x64xf32> to vector<1000x64xf32>
    %add3A_8 = arith.addf %dot_general3A_5, %add3A : vector<1000x64xf32>
    %max3A = arith.constant 0.000000e+00 : f32
    %max3A_9 = vector.broadcast %max3A : f32 to vector<1000x64xf32>
    %max3A_10 = arith.maximumf %add3A_8, %max3A_9 : vector<1000x64xf32>
    %get3A_11 = arith.constant 0 : index
    %get3A_12 = arith.constant 0 : index
    %get3A_13 = vector.load %arg4[%get3A_11, %get3A_12] : memref<64x64xf32, #tpu.memory_space<vmem>>, vector<64x64xf32>
    %dot_general3A_14 = arith.constant dense<0.000000e+00> : vector<1000x64xf32>
    %dot_general3A_15 = tpu.matmul %max3A_10, %get3A_13, %dot_general3A_14 {dimension_numbers = #tpu.dot_dimension_numbers<[1], [0], [0], [1], [0, 0, 1, 1], [], []>, transpose_lhs_hint = false} : vector<1000x64xf32>, vector<64x64xf32>, vector<1000x64xf32> -> vector<1000x64xf32>
    %swap3A = arith.constant 0 : index
    %swap3A_16 = arith.constant 0 : index
    %swap3A_17 = vector.load %arg5[%swap3A, %swap3A_16] : memref<1000x64xf32, #tpu.memory_space<vmem>>, vector<1000x64xf32>
    tpu.vector_store %arg5[%swap3A, %swap3A_16], %dot_general3A_15 {strides = array<i32>} : memref<1000x64xf32, #tpu.memory_space<vmem>>, vector<1000x64xf32>,
    return
  }
  func.func @transform_0(%arg0: i32) -> (i32, i32) {
    %c0_i32 = arith.constant 0 : i32
    %c0_i32_0 = arith.constant 0 : i32
    return %arg0, %c0_i32 : i32, i32
  }
  func.func @transform_1(%arg0: i32) -> (i32, i32) {
    %c0_i32 = arith.constant 0 : i32
    %c0_i32_0 = arith.constant 0 : i32
    %c0_i32_1 = arith.constant 0 : i32
    return %c0_i32, %c0_i32_0 : i32, i32
  }
  func.func @transform_2(%arg0: i32) -> i32 {
    %c0_i32 = arith.constant 0 : i32
    %c0_i32_0 = arith.constant 0 : i32
    return %c0_i32 : i32
  }
  func.func @transform_3(%arg0: i32) -> (i32, i32) {
    %c0_i32 = arith.constant 0 : i32
    %c0_i32_0 = arith.constant 0 : i32
    %c0_i32_1 = arith.constant 0 : i32
    return %c0_i32, %c0_i32_0 : i32, i32
  }
  func.func @transform_4(%arg0: i32) -> (i32, i32) {
    %c0_i32 = arith.constant 0 : i32
    %c0_i32_0 = arith.constant 0 : i32
    return %arg0, %c0_i32 : i32, i32
  }
}

module attributes {stable_mosaic.version = 14 : i64} {
  func.func @_tc2_body(%arg0: i32, %arg1: memref<2x1024xf32, #tpu.memory_space<vmem>>, %arg2: memref<1024x64xf32, #tpu.memory_space<vmem>>, %arg3: memref<1024x1xf32, #tpu.memory_space<vmem>>, %arg4: memref<1024x64xf32, #tpu.memory_space<vmem>>) attributes {dimension_semantics = [#tpu.dimension_semantics<arbitrary>], iteration_bounds = array<i64: 49>, scalar_prefetch = 0 : i64, scratch_operands = 0 : i64, tpu.core_type = #tpu.core_type<tc>, window_params = [{transform_indices = @transform_0, window_bounds = array<i64: 2, 1024>}, {transform_indices = @transform_1, window_bounds = array<i64: 1024, 64>}, {transform_indices = @transform_2, window_bounds = array<i64: 1024, 1>}, {transform_indices = @transform_3, window_bounds = array<i64: 1024, 64>}]} {
    %get3A = arith.constant 0 : index
    %get3A_0 = arith.constant 0 : index
    %get3A_1 = vector.load %arg1[%get3A, %get3A_0] : memref<2x1024xf32, #tpu.memory_space<vmem>>, vector<1x1024xf32>
    %get3A_2 = vector.shape_cast %get3A_1 : vector<1x1024xf32> to vector<1024xf32>
    %get3A_3 = arith.constant 1 : index
    %get3A_4 = arith.constant 0 : index
    %get3A_5 = vector.load %arg1[%get3A_3, %get3A_4] : memref<2x1024xf32, #tpu.memory_space<vmem>>, vector<1x1024xf32>
    %get3A_6 = vector.shape_cast %get3A_5 : vector<1x1024xf32> to vector<1024xf32>
    %add3A = arith.addf %get3A_2, %get3A_6 : vector<1024xf32>
    %add3A_7 = arith.constant 1.000000e+00 : f32
    %add3A_8 = vector.broadcast %add3A_7 : f32 to vector<1024xf32>
    %add3A_9 = arith.addf %add3A, %add3A_8 : vector<1024xf32>
    %rsqrt3A = math.rsqrt %add3A_9 : vector<1024xf32>
    %broadcast_in_dim3A = vector.shape_cast %rsqrt3A : vector<1024xf32> to vector<1024x1xf32>
    %swap3A = arith.constant 0 : index
    %swap3A_10 = arith.constant 0 : index
    %swap3A_11 = vector.load %arg3[%swap3A, %swap3A_10] : memref<1024x1xf32, #tpu.memory_space<vmem>>, vector<1024x1xf32>
    tpu.vector_store %arg3[%swap3A, %swap3A_10], %broadcast_in_dim3A {strides = array<i32>} : memref<1024x1xf32, #tpu.memory_space<vmem>>, vector<1024x1xf32>,
    %get3A_12 = arith.constant 0 : index
    %get3A_13 = arith.constant 0 : index
    %get3A_14 = vector.load %arg2[%get3A_12, %get3A_13] : memref<1024x64xf32, #tpu.memory_space<vmem>>, vector<1024x64xf32>
    %broadcast_in_dim3A_15 = vector.shape_cast %rsqrt3A : vector<1024xf32> to vector<1024x1xf32>
    %mul3A = vector.broadcast %broadcast_in_dim3A_15 : vector<1024x1xf32> to vector<1024x64xf32>
    %mul3A_16 = arith.mulf %get3A_14, %mul3A : vector<1024x64xf32>
    %swap3A_17 = arith.constant 0 : index
    %swap3A_18 = arith.constant 0 : index
    %swap3A_19 = vector.load %arg4[%swap3A_17, %swap3A_18] : memref<1024x64xf32, #tpu.memory_space<vmem>>, vector<1024x64xf32>
    tpu.vector_store %arg4[%swap3A_17, %swap3A_18], %mul3A_16 {strides = array<i32>} : memref<1024x64xf32, #tpu.memory_space<vmem>>, vector<1024x64xf32>,
    return
  }
  func.func @transform_0(%arg0: i32) -> (i32, i32) {
    %c0_i32 = arith.constant 0 : i32
    %c0_i32_0 = arith.constant 0 : i32
    return %c0_i32, %arg0 : i32, i32
  }
  func.func @transform_1(%arg0: i32) -> (i32, i32) {
    %c0_i32 = arith.constant 0 : i32
    %c0_i32_0 = arith.constant 0 : i32
    return %arg0, %c0_i32 : i32, i32
  }
  func.func @transform_2(%arg0: i32) -> (i32, i32) {
    %c0_i32 = arith.constant 0 : i32
    %c0_i32_0 = arith.constant 0 : i32
    return %arg0, %c0_i32 : i32, i32
  }
  func.func @transform_3(%arg0: i32) -> (i32, i32) {
    %c0_i32 = arith.constant 0 : i32
    %c0_i32_0 = arith.constant 0 : i32
    return %arg0, %c0_i32 : i32, i32
  }
}

module attributes {stable_mosaic.version = 14 : i64} {
  func.func @_tc3_body(%arg0: i32, %arg1: memref<1x2x1152x64xf32, #tpu.memory_space<vmem>>, %arg2: memref<1152x1xf32, #tpu.memory_space<vmem>>, %arg3: memref<1152x64xf32, #tpu.memory_space<vmem>>, %arg4: memref<64xf32, #tpu.memory_space<vmem>>, %arg5: memref<64x1152xf32, #tpu.memory_space<vmem>>) attributes {dimension_semantics = [#tpu.dimension_semantics<arbitrary>], iteration_bounds = array<i64: 44>, scalar_prefetch = 0 : i64, scratch_operands = 0 : i64, tpu.core_type = #tpu.core_type<tc>, window_params = [{transform_indices = @transform_0, window_bounds = array<i64: 1, 2, 1152, 64>}, {transform_indices = @transform_1, window_bounds = array<i64: 1152, 1>}, {transform_indices = @transform_2, window_bounds = array<i64: 1152, 64>}, {pipeline_mode = #tpu.pipeline_mode<synchronous>, transform_indices = @transform_3, window_bounds = array<i64: 64>}, {transform_indices = @transform_4, window_bounds = array<i64: 64, 1152>}]} {
    %get3A = arith.constant 0 : index
    %get3A_0 = arith.constant 0 : index
    %get3A_1 = arith.constant 0 : index
    %get3A_2 = arith.constant 0 : index
    %get3A_3 = vector.load %arg1[%get3A, %get3A_0, %get3A_1, %get3A_2] : memref<1x2x1152x64xf32, #tpu.memory_space<vmem>>, vector<1x1x1152x64xf32>
    %get3A_4 = vector.shape_cast %get3A_3 : vector<1x1x1152x64xf32> to vector<1152x64xf32>
    %get3A_5 = arith.constant 0 : index
    %get3A_6 = arith.constant 1 : index
    %get3A_7 = arith.constant 0 : index
    %get3A_8 = arith.constant 0 : index
    %get3A_9 = vector.load %arg1[%get3A_5, %get3A_6, %get3A_7, %get3A_8] : memref<1x2x1152x64xf32, #tpu.memory_space<vmem>>, vector<1x1x1152x64xf32>
    %get3A_10 = vector.shape_cast %get3A_9 : vector<1x1x1152x64xf32> to vector<1152x64xf32>
    %add3A = arith.addf %get3A_4, %get3A_10 : vector<1152x64xf32>
    %get3A_11 = arith.constant 0 : index
    %get3A_12 = arith.constant 0 : index
    %get3A_13 = vector.load %arg2[%get3A_11, %get3A_12] : memref<1152x1xf32, #tpu.memory_space<vmem>>, vector<1152x1xf32>
    %get3A_14 = arith.constant 0 : index
    %get3A_15 = arith.constant 0 : index
    %get3A_16 = vector.load %arg3[%get3A_14, %get3A_15] : memref<1152x64xf32, #tpu.memory_space<vmem>>, vector<1152x64xf32>
    %mul3A = vector.broadcast %get3A_13 : vector<1152x1xf32> to vector<1152x64xf32>
    %mul3A_17 = arith.mulf %mul3A, %get3A_16 : vector<1152x64xf32>
    %add3A_18 = arith.addf %add3A, %mul3A_17 : vector<1152x64xf32>
    %mul3A_19 = vector.broadcast %get3A_13 : vector<1152x1xf32> to vector<1152x64xf32>
    %mul3A_20 = arith.mulf %mul3A_19, %add3A_18 : vector<1152x64xf32>
    %get3A_21 = arith.constant 0 : index
    %get3A_22 = vector.load %arg4[%get3A_21] : memref<64xf32, #tpu.memory_space<vmem>>, vector<64xf32>
    %broadcast_in_dim3A = vector.shape_cast %get3A_22 : vector<64xf32> to vector<1x64xf32>
    %add3A_23 = vector.broadcast %broadcast_in_dim3A : vector<1x64xf32> to vector<1152x64xf32>
    %add3A_24 = arith.addf %mul3A_20, %add3A_23 : vector<1152x64xf32>
    %max3A = arith.constant 0.000000e+00 : f32
    %max3A_25 = vector.broadcast %max3A : f32 to vector<1152x64xf32>
    %max3A_26 = arith.maximumf %add3A_24, %max3A_25 : vector<1152x64xf32>
    %mul3A_27 = arith.constant 1152 : i32
    %mul3A_28 = arith.muli %arg0, %mul3A_27 : i32
    %iota3A = tpu.iota {dimensions = array<i32: 0>} : vector<1152x1xi32>
    %add3A_29 = vector.broadcast %mul3A_28 : i32 to vector<1152x1xi32>
    %add3A_30 = arith.addi %add3A_29, %iota3A : vector<1152x1xi32>
    %lt3A = arith.constant 50000 : i32
    %lt3A_31 = vector.broadcast %lt3A : i32 to vector<1152x1xi32>
    %lt3A_32 = arith.cmpi slt, %add3A_30, %lt3A_31 : vector<1152x1xi32>
    %jit3A = arith.constant 0.000000e+00 : f32
    %broadcast_in_dim3A_33 = vector.shape_cast %lt3A_32 : vector<1152x1xi1> to vector<1152x1xi1>
    %broadcast_in_dim3A_34 = vector.broadcast %broadcast_in_dim3A_33 : vector<1152x1xi1> to vector<1152x64xi1>
    %broadcast_in_dim3A_35 = vector.broadcast %jit3A : f32 to vector<1152x64xf32>
    %select_n3A = arith.select %broadcast_in_dim3A_34, %max3A_26, %broadcast_in_dim3A_35 : vector<1152x64xi1>, vector<1152x64xf32>
    %transpose3A = tpu.transpose %select_n3A, [1, 0] : vector<1152x64xf32> -> vector<64x1152xf32>
    %swap3A = arith.constant 0 : index
    %swap3A_36 = arith.constant 0 : index
    %swap3A_37 = vector.load %arg5[%swap3A, %swap3A_36] : memref<64x1152xf32, #tpu.memory_space<vmem>>, vector<64x1152xf32>
    tpu.vector_store %arg5[%swap3A, %swap3A_36], %transpose3A {strides = array<i32>} : memref<64x1152xf32, #tpu.memory_space<vmem>>, vector<64x1152xf32>,
    return
  }
  func.func @transform_0(%arg0: i32) -> (i32, i32, i32, i32) {
    %jit3A = arith.constant 16 : i32
    %div3A = arith.divsi %arg0, %jit3A : i32
    %sign3A = arith.constant 0 : i32
    %sign3A_0 = arith.cmpi sgt, %arg0, %sign3A : i32
    %sign3A_1 = arith.extui %sign3A_0 : i1 to i32
    %sign3A_2 = arith.constant 0 : i32
    %sign3A_3 = arith.cmpi slt, %arg0, %sign3A_2 : i32
    %sign3A_4 = arith.extui %sign3A_3 : i1 to i32
    %sign3A_5 = arith.subi %sign3A_1, %sign3A_4 : i32
    %sign3A_6 = arith.constant 0 : i32
    %sign3A_7 = arith.cmpi sgt, %jit3A, %sign3A_6 : i32
    %sign3A_8 = arith.extui %sign3A_7 : i1 to i32
    %sign3A_9 = arith.constant 0 : i32
    %sign3A_10 = arith.cmpi slt, %jit3A, %sign3A_9 : i32
    %sign3A_11 = arith.extui %sign3A_10 : i1 to i32
    %sign3A_12 = arith.subi %sign3A_8, %sign3A_11 : i32
    %ne3A = arith.cmpi ne, %sign3A_5, %sign3A_12 : i32
    %rem3A = arith.remsi %arg0, %jit3A : i32
    %ne3A_13 = arith.constant 0 : i32
    %ne3A_14 = arith.cmpi ne, %rem3A, %ne3A_13 : i32
    %and3A = arith.andi %ne3A, %ne3A_14 : i1
    %sub3A = arith.constant 1 : i32
    %sub3A_15 = arith.subi %div3A, %sub3A : i32
    %select_n3A = arith.select %and3A, %sub3A_15, %div3A : i32
    %jit3A_16 = arith.constant 16 : i32
    %eq3A = arith.constant 0 : i32
    %eq3A_17 = arith.cmpi eq, %jit3A_16, %eq3A : i32
    %jit3A_18 = arith.constant 1 : i32
    %select_n3A_19 = arith.select %eq3A_17, %jit3A_18, %jit3A_16 : i32
    %rem3A_20 = arith.remsi %arg0, %select_n3A_19 : i32
    %ne3A_21 = arith.constant 0 : i32
    %ne3A_22 = arith.cmpi ne, %rem3A_20, %ne3A_21 : i32
    %lt3A = arith.constant 0 : i32
    %lt3A_23 = arith.cmpi slt, %rem3A_20, %lt3A : i32
    %lt3A_24 = arith.constant 0 : i32
    %lt3A_25 = arith.cmpi slt, %select_n3A_19, %lt3A_24 : i32
    %ne3A_26 = arith.xori %lt3A_23, %lt3A_25 : i1
    %and3A_27 = arith.andi %ne3A_26, %ne3A_22 : i1
    %add3A = arith.addi %rem3A_20, %select_n3A_19 : i32
    %select_n3A_28 = arith.select %and3A_27, %add3A, %rem3A_20 : i32
    %c0_i32 = arith.constant 0 : i32
    %c0_i32_29 = arith.constant 0 : i32
    %c0_i32_30 = arith.constant 0 : i32
    return %select_n3A, %c0_i32, %select_n3A_28, %c0_i32_29 : i32, i32, i32, i32
  }
  func.func @transform_1(%arg0: i32) -> (i32, i32) {
    %c0_i32 = arith.constant 0 : i32
    %c0_i32_0 = arith.constant 0 : i32
    return %arg0, %c0_i32 : i32, i32
  }
  func.func @transform_2(%arg0: i32) -> (i32, i32) {
    %c0_i32 = arith.constant 0 : i32
    %c0_i32_0 = arith.constant 0 : i32
    return %arg0, %c0_i32 : i32, i32
  }
  func.func @transform_3(%arg0: i32) -> i32 {
    %c0_i32 = arith.constant 0 : i32
    %c0_i32_0 = arith.constant 0 : i32
    return %c0_i32 : i32
  }
  func.func @transform_4(%arg0: i32) -> (i32, i32) {
    %c0_i32 = arith.constant 0 : i32
    %c0_i32_0 = arith.constant 0 : i32
    return %c0_i32, %arg0 : i32, i32
  }
}

module attributes {stable_mosaic.version = 14 : i64} {
  func.func @_tc4_body(%arg0: memref<64x55296xf32, #tpu.memory_space<vmem>>, %arg1: memref<55296xi32, #tpu.memory_space<vmem>>, %arg2: memref<128x256xf32, #tpu.memory_space<vmem>>, %arg3: memref<256xf32, #tpu.memory_space<vmem>>, %arg4: memref<64x256xf32, #tpu.memory_space<vmem>>, %arg5: memref<256xf32, #tpu.memory_space<vmem>>, %arg6: memref<128x64xf32, #tpu.memory_space<vmem>>, %arg7: memref<64xf32, #tpu.memory_space<vmem>>, %arg8: memref<64x2xf32, #tpu.memory_space<vmem>>, %arg9: memref<2xf32, #tpu.memory_space<vmem>>, %arg10: memref<256x2xf32, #tpu.memory_space<vmem>>) attributes {dimension_semantics = [], scalar_prefetch = 0 : i64, scratch_operands = 0 : i64, tpu.core_type = #tpu.core_type<tc>} {
    %iota3A = tpu.iota {dimensions = array<i32: 0>} : vector<256x1xi32>
    %broadcast_in_dim3A = arith.constant 0.000000e+00 : f32
    %broadcast_in_dim3A_0 = vector.broadcast %broadcast_in_dim3A : f32 to vector<256x64xf32>
    %broadcast_in_dim3A_1 = arith.constant 0.000000e+00 : f32
    %broadcast_in_dim3A_2 = vector.broadcast %broadcast_in_dim3A_1 : f32 to vector<256x64xf32>
    %broadcast_in_dim3A_3 = arith.constant 0.000000e+00 : f32
    %broadcast_in_dim3A_4 = vector.broadcast %broadcast_in_dim3A_3 : f32 to vector<256x128xf32>
    %get3A = arith.constant 0 : index
    %get3A_5 = arith.constant 0 : index
    %get3A_6 = vector.load %arg2[%get3A, %get3A_5] : memref<128x256xf32, #tpu.memory_space<vmem>>, vector<128x256xf32>
    %dot_general3A = arith.constant dense<0.000000e+00> : vector<256x256xf32>
    %dot_general3A_7 = tpu.matmul %broadcast_in_dim3A_4, %get3A_6, %dot_general3A {dimension_numbers = #tpu.dot_dimension_numbers<[1], [0], [0], [1], [0, 0, 1, 1], [], []>, transpose_lhs_hint = false} : vector<256x128xf32>, vector<128x256xf32>, vector<256x256xf32> -> vector<256x256xf32>
    %get3A_8 = arith.constant 0 : index
    %get3A_9 = vector.load %arg3[%get3A_8] : memref<256xf32, #tpu.memory_space<vmem>>, vector<256xf32>
    %broadcast_in_dim3A_10 = vector.shape_cast %get3A_9 : vector<256xf32> to vector<1x256xf32>
    %add3A = vector.broadcast %broadcast_in_dim3A_10 : vector<1x256xf32> to vector<256x256xf32>
    %add3A_11 = arith.addf %dot_general3A_7, %add3A : vector<256x256xf32>
    %get3A_12 = arith.constant 0 : index
    %get3A_13 = arith.constant 0 : index
    %get3A_14 = vector.load %arg4[%get3A_12, %get3A_13] : memref<64x256xf32, #tpu.memory_space<vmem>>, vector<64x256xf32>
    %dot_general3A_15 = arith.constant dense<0.000000e+00> : vector<256x256xf32>
    %dot_general3A_16 = tpu.matmul %broadcast_in_dim3A_0, %get3A_14, %dot_general3A_15 {dimension_numbers = #tpu.dot_dimension_numbers<[1], [0], [0], [1], [0, 0, 1, 1], [], []>, transpose_lhs_hint = false} : vector<256x64xf32>, vector<64x256xf32>, vector<256x256xf32> -> vector<256x256xf32>
    %add3A_17 = arith.addf %add3A_11, %dot_general3A_16 : vector<256x256xf32>
    %get3A_18 = arith.constant 0 : index
    %get3A_19 = vector.load %arg5[%get3A_18] : memref<256xf32, #tpu.memory_space<vmem>>, vector<256xf32>
    %broadcast_in_dim3A_20 = vector.shape_cast %get3A_19 : vector<256xf32> to vector<1x256xf32>
    %add3A_21 = vector.broadcast %broadcast_in_dim3A_20 : vector<1x256xf32> to vector<256x256xf32>
    %add3A_22 = arith.addf %add3A_17, %add3A_21 : vector<256x256xf32>
    %slice3A = vector.extract_strided_slice %add3A_22 {offsets = [0, 0], sizes = [256, 64], strides = [1, 1]} : vector<256x256xf32> to vector<256x64xf32>
    %logistic3A = arith.negf %slice3A : vector<256x64xf32>
    %logistic3A_23 = math.exp %logistic3A : vector<256x64xf32>
    %logistic3A_24 = arith.constant 1.000000e+00 : f32
    %logistic3A_25 = vector.broadcast %logistic3A_24 : f32 to vector<256x64xf32>
    %logistic3A_26 = arith.addf %logistic3A_25, %logistic3A_23 : vector<256x64xf32>
    %logistic3A_27 = arith.divf %logistic3A_25, %logistic3A_26 : vector<256x64xf32>
    %slice3A_28 = vector.extract_strided_slice %add3A_22 {offsets = [0, 64], sizes = [256, 64], strides = [1, 1]} : vector<256x256xf32> to vector<256x64xf32>
    %logistic3A_29 = arith.negf %slice3A_28 : vector<256x64xf32>
    %logistic3A_30 = math.exp %logistic3A_29 : vector<256x64xf32>
    %logistic3A_31 = arith.constant 1.000000e+00 : f32
    %logistic3A_32 = vector.broadcast %logistic3A_31 : f32 to vector<256x64xf32>
    %logistic3A_33 = arith.addf %logistic3A_32, %logistic3A_30 : vector<256x64xf32>
    %logistic3A_34 = arith.divf %logistic3A_32, %logistic3A_33 : vector<256x64xf32>
    %slice3A_35 = vector.extract_strided_slice %add3A_22 {offsets = [0, 128], sizes = [256, 64], strides = [1, 1]} : vector<256x256xf32> to vector<256x64xf32>
    %tanh3A = math.tanh %slice3A_35 : vector<256x64xf32>
    %slice3A_36 = vector.extract_strided_slice %add3A_22 {offsets = [0, 192], sizes = [256, 64], strides = [1, 1]} : vector<256x256xf32> to vector<256x64xf32>
    %logistic3A_37 = arith.negf %slice3A_36 : vector<256x64xf32>
    %logistic3A_38 = math.exp %logistic3A_37 : vector<256x64xf32>
    %logistic3A_39 = arith.constant 1.000000e+00 : f32
    %logistic3A_40 = vector.broadcast %logistic3A_39 : f32 to vector<256x64xf32>
    %logistic3A_41 = arith.addf %logistic3A_40, %logistic3A_38 : vector<256x64xf32>
    %logistic3A_42 = arith.divf %logistic3A_40, %logistic3A_41 : vector<256x64xf32>
    %mul3A = arith.mulf %logistic3A_34, %broadcast_in_dim3A_2 : vector<256x64xf32>
    %mul3A_43 = arith.mulf %logistic3A_27, %tanh3A : vector<256x64xf32>
    %add3A_44 = arith.addf %mul3A, %mul3A_43 : vector<256x64xf32>
    %tanh3A_45 = math.tanh %add3A_44 : vector<256x64xf32>
    %mul3A_46 = arith.mulf %logistic3A_42, %tanh3A_45 : vector<256x64xf32>
    %broadcast_in_dim3A_47 = arith.constant -1.000000e+30 : f32
    %broadcast_in_dim3A_48 = vector.broadcast %broadcast_in_dim3A_47 : f32 to vector<256x1xf32>
    %scan3A = arith.constant 0 : i32
    %scan3A_49 = arith.constant 27 : i32
    %scan3A_50 = arith.addi %scan3A, %scan3A_49 : i32
    %scan3A_51 = arith.constant 1 : i32
    %scan3A_52 = scf.for %scan3A_250 = %scan3A to %scan3A_50 step %scan3A_51 iter_args(%scan3A_251 = %broadcast_in_dim3A_48) -> (vector<256x1xf32>)  : i32 {
      %mul3A_252 = arith.constant 2048 : i32
      %mul3A_253 = arith.muli %scan3A_250, %mul3A_252 : i32
      %get3A_254 = arith.index_cast %mul3A_253 : i32 to index
      %get3A_255 = vector.load %arg1[%get3A_254] : memref<55296xi32, #tpu.memory_space<vmem>>, vector<2048xi32>
      %lt3A = arith.constant 256 : i32
      %lt3A_256 = vector.broadcast %lt3A : i32 to vector<2048xi32>
      %lt3A_257 = arith.cmpi slt, %get3A_255, %lt3A_256 : vector<2048xi32>
      %broadcast_in_dim3A_258 = vector.shape_cast %lt3A_257 : vector<2048xi1> to vector<1x2048xi1>
      %mul3A_259 = arith.constant 2048 : i32
      %mul3A_260 = arith.muli %scan3A_250, %mul3A_259 : i32
      %get3A_261 = arith.constant 0 : index
      %get3A_262 = arith.index_cast %mul3A_260 : i32 to index
      %get3A_263 = vector.load %arg0[%get3A_261, %get3A_262] : memref<64x55296xf32, #tpu.memory_space<vmem>>, vector<64x2048xf32>
      %jit3A_264 = arith.constant 0.000000e+00 : f32
      %broadcast_in_dim3A_265 = vector.shape_cast %broadcast_in_dim3A_258 : vector<1x2048xi1> to vector<1x2048xi1>
      %broadcast_in_dim3A_266 = vector.broadcast %broadcast_in_dim3A_265 : vector<1x2048xi1> to vector<64x2048xi1>
      %broadcast_in_dim3A_267 = vector.broadcast %jit3A_264 : f32 to vector<64x2048xf32>
      %select_n3A_268 = arith.select %broadcast_in_dim3A_266, %get3A_263, %broadcast_in_dim3A_267 : vector<64x2048xi1>, vector<64x2048xf32>
      %broadcast_in_dim3A_269 = vector.shape_cast %get3A_255 : vector<2048xi32> to vector<1x2048xi32>
      %eq3A = vector.broadcast %iota3A : vector<256x1xi32> to vector<256x2048xi32>
      %eq3A_270 = vector.broadcast %broadcast_in_dim3A_269 : vector<1x2048xi32> to vector<256x2048xi32>
      %eq3A_271 = arith.cmpi eq, %eq3A, %eq3A_270 : vector<256x2048xi32>
      %convert_element_type3A = arith.extui %eq3A_271 : vector<256x2048xi1> to vector<256x2048xi32>
      %convert_element_type3A_272 = arith.sitofp %convert_element_type3A : vector<256x2048xi32> to vector<256x2048xf32>
      %dot_general3A_273 = arith.constant dense<0.000000e+00> : vector<64x2048xf32>
      %dot_general3A_274 = tpu.matmul %mul3A_46, %convert_element_type3A_272, %dot_general3A_273 {dimension_numbers = #tpu.dot_dimension_numbers<[0], [0], [1], [1], [0, 1, 1, 1], [], []>, transpose_lhs_hint = false} : vector<256x64xf32>, vector<256x2048xf32>, vector<64x2048xf32> -> vector<64x2048xf32>
      %mul3A_275 = arith.mulf %select_n3A_268, %dot_general3A_274 : vector<64x2048xf32>
      %reduce_sum3A = arith.constant dense<0.000000e+00> : vector<2048xf32>
      %reduce_sum3A_276 = vector.multi_reduction <add>, %mul3A_275, %reduce_sum3A [0] : vector<64x2048xf32> to vector<2048xf32>
      %broadcast_in_dim3A_277 = vector.shape_cast %reduce_sum3A_276 : vector<2048xf32> to vector<1x2048xf32>
      %gt3A_278 = arith.constant 0.000000e+00 : f32
      %gt3A_279 = vector.broadcast %gt3A_278 : f32 to vector<256x2048xf32>
      %gt3A_280 = arith.cmpf ogt, %convert_element_type3A_272, %gt3A_279 : vector<256x2048xf32>
      %jit3A_281 = arith.constant -1.000000e+30 : f32
      %broadcast_in_dim3A_282 = vector.shape_cast %broadcast_in_dim3A_277 : vector<1x2048xf32> to vector<1x2048xf32>
      %broadcast_in_dim3A_283 = vector.broadcast %broadcast_in_dim3A_282 : vector<1x2048xf32> to vector<256x2048xf32>
      %broadcast_in_dim3A_284 = vector.broadcast %jit3A_281 : f32 to vector<256x2048xf32>
      %select_n3A_285 = arith.select %gt3A_280, %broadcast_in_dim3A_283, %broadcast_in_dim3A_284 : vector<256x2048xi1>, vector<256x2048xf32>
      %reduce_max3A = arith.constant dense<0xFF800000> : vector<256xf32>
      %reduce_max3A_286 = vector.multi_reduction <maximumf>, %select_n3A_285, %reduce_max3A [1] : vector<256x2048xf32> to vector<256xf32>
      %broadcast_in_dim3A_287 = vector.shape_cast %reduce_max3A_286 : vector<256xf32> to vector<256x1xf32>
      %max3A_288 = arith.maximumf %scan3A_251, %broadcast_in_dim3A_287 : vector<256x1xf32>
      scf.yield %max3A_288 : vector<256x1xf32>
    }
    %scan3A_53 = arith.constant 27 : i32
    %broadcast_in_dim3A_54 = arith.constant 0.000000e+00 : f32
    %broadcast_in_dim3A_55 = vector.broadcast %broadcast_in_dim3A_54 : f32 to vector<256x1xf32>
    %broadcast_in_dim3A_56 = arith.constant 0.000000e+00 : f32
    %broadcast_in_dim3A_57 = vector.broadcast %broadcast_in_dim3A_56 : f32 to vector<256x64xf32>
    %scan3A_58 = arith.constant 0 : i32
    %scan3A_59 = arith.constant 27 : i32
    %scan3A_60 = arith.addi %scan3A_58, %scan3A_59 : i32
    %scan3A_61 = arith.constant 1 : i32
    %scan3A_62:2 = scf.for %scan3A_250 = %scan3A_58 to %scan3A_60 step %scan3A_61 iter_args(%scan3A_251 = %broadcast_in_dim3A_55, %scan3A_252 = %broadcast_in_dim3A_57) -> (vector<256x1xf32>, vector<256x64xf32>)  : i32 {
      %mul3A_253 = arith.constant 2048 : i32
      %mul3A_254 = arith.muli %scan3A_250, %mul3A_253 : i32
      %get3A_255 = arith.index_cast %mul3A_254 : i32 to index
      %get3A_256 = vector.load %arg1[%get3A_255] : memref<55296xi32, #tpu.memory_space<vmem>>, vector<2048xi32>
      %lt3A = arith.constant 256 : i32
      %lt3A_257 = vector.broadcast %lt3A : i32 to vector<2048xi32>
      %lt3A_258 = arith.cmpi slt, %get3A_256, %lt3A_257 : vector<2048xi32>
      %broadcast_in_dim3A_259 = vector.shape_cast %lt3A_258 : vector<2048xi1> to vector<1x2048xi1>
      %mul3A_260 = arith.constant 2048 : i32
      %mul3A_261 = arith.muli %scan3A_250, %mul3A_260 : i32
      %get3A_262 = arith.constant 0 : index
      %get3A_263 = arith.index_cast %mul3A_261 : i32 to index
      %get3A_264 = vector.load %arg0[%get3A_262, %get3A_263] : memref<64x55296xf32, #tpu.memory_space<vmem>>, vector<64x2048xf32>
      %jit3A_265 = arith.constant 0.000000e+00 : f32
      %broadcast_in_dim3A_266 = vector.shape_cast %broadcast_in_dim3A_259 : vector<1x2048xi1> to vector<1x2048xi1>
      %broadcast_in_dim3A_267 = vector.broadcast %broadcast_in_dim3A_266 : vector<1x2048xi1> to vector<64x2048xi1>
      %broadcast_in_dim3A_268 = vector.broadcast %jit3A_265 : f32 to vector<64x2048xf32>
      %select_n3A_269 = arith.select %broadcast_in_dim3A_267, %get3A_264, %broadcast_in_dim3A_268 : vector<64x2048xi1>, vector<64x2048xf32>
      %broadcast_in_dim3A_270 = vector.shape_cast %get3A_256 : vector<2048xi32> to vector<1x2048xi32>
      %eq3A = vector.broadcast %iota3A : vector<256x1xi32> to vector<256x2048xi32>
      %eq3A_271 = vector.broadcast %broadcast_in_dim3A_270 : vector<1x2048xi32> to vector<256x2048xi32>
      %eq3A_272 = arith.cmpi eq, %eq3A, %eq3A_271 : vector<256x2048xi32>
      %convert_element_type3A = arith.extui %eq3A_272 : vector<256x2048xi1> to vector<256x2048xi32>
      %convert_element_type3A_273 = arith.sitofp %convert_element_type3A : vector<256x2048xi32> to vector<256x2048xf32>
      %dot_general3A_274 = arith.constant dense<0.000000e+00> : vector<64x2048xf32>
      %dot_general3A_275 = tpu.matmul %mul3A_46, %convert_element_type3A_273, %dot_general3A_274 {dimension_numbers = #tpu.dot_dimension_numbers<[0], [0], [1], [1], [0, 1, 1, 1], [], []>, transpose_lhs_hint = false} : vector<256x64xf32>, vector<256x2048xf32>, vector<64x2048xf32> -> vector<64x2048xf32>
      %mul3A_276 = arith.mulf %select_n3A_269, %dot_general3A_275 : vector<64x2048xf32>
      %reduce_sum3A = arith.constant dense<0.000000e+00> : vector<2048xf32>
      %reduce_sum3A_277 = vector.multi_reduction <add>, %mul3A_276, %reduce_sum3A [0] : vector<64x2048xf32> to vector<2048xf32>
      %broadcast_in_dim3A_278 = vector.shape_cast %reduce_sum3A_277 : vector<2048xf32> to vector<1x2048xf32>
      %dot_general3A_279 = arith.constant dense<0.000000e+00> : vector<1x2048xf32>
      %dot_general3A_280 = tpu.matmul %scan3A_52, %convert_element_type3A_273, %dot_general3A_279 {dimension_numbers = #tpu.dot_dimension_numbers<[0], [0], [1], [1], [0, 1, 1, 1], [], []>, transpose_lhs_hint = false} : vector<256x1xf32>, vector<256x2048xf32>, vector<1x2048xf32> -> vector<1x2048xf32>
      %gt3A_281 = arith.constant 0.000000e+00 : f32
      %gt3A_282 = vector.broadcast %gt3A_281 : f32 to vector<256x2048xf32>
      %gt3A_283 = arith.cmpf ogt, %convert_element_type3A_273, %gt3A_282 : vector<256x2048xf32>
      %sub3A = arith.subf %broadcast_in_dim3A_278, %dot_general3A_280 : vector<1x2048xf32>
      %exp3A = math.exp %sub3A : vector<1x2048xf32>
      %jit3A_284 = arith.constant 0.000000e+00 : f32
      %broadcast_in_dim3A_285 = vector.shape_cast %exp3A : vector<1x2048xf32> to vector<1x2048xf32>
      %broadcast_in_dim3A_286 = vector.broadcast %broadcast_in_dim3A_285 : vector<1x2048xf32> to vector<256x2048xf32>
      %broadcast_in_dim3A_287 = vector.broadcast %jit3A_284 : f32 to vector<256x2048xf32>
      %select_n3A_288 = arith.select %gt3A_283, %broadcast_in_dim3A_286, %broadcast_in_dim3A_287 : vector<256x2048xi1>, vector<256x2048xf32>
      %reduce_sum3A_289 = arith.constant dense<0.000000e+00> : vector<256xf32>
      %reduce_sum3A_290 = vector.multi_reduction <add>, %select_n3A_288, %reduce_sum3A_289 [1] : vector<256x2048xf32> to vector<256xf32>
      %broadcast_in_dim3A_291 = vector.shape_cast %reduce_sum3A_290 : vector<256xf32> to vector<256x1xf32>
      %add3A_292 = arith.addf %scan3A_251, %broadcast_in_dim3A_291 : vector<256x1xf32>
      %dot_general3A_293 = arith.constant dense<0.000000e+00> : vector<256x64xf32>
      %dot_general3A_294 = tpu.matmul %select_n3A_288, %select_n3A_269, %dot_general3A_293 {dimension_numbers = #tpu.dot_dimension_numbers<[1], [1], [0], [0], [0, 0, 1, 0], [], []>, transpose_lhs_hint = false} : vector<256x2048xf32>, vector<64x2048xf32>, vector<256x64xf32> -> vector<256x64xf32>
      %add3A_295 = arith.addf %scan3A_252, %dot_general3A_294 : vector<256x64xf32>
      scf.yield %add3A_292, %add3A_295 : vector<256x1xf32>, vector<256x64xf32>
    }
    %scan3A_63 = arith.constant 27 : i32
    %gt3A = arith.constant 0.000000e+00 : f32
    %gt3A_64 = vector.broadcast %gt3A : f32 to vector<256x1xf32>
    %gt3A_65 = arith.cmpf ogt, %scan3A_62#0, %gt3A_64 : vector<256x1xf32>
    %div3A = vector.broadcast %scan3A_62#0 : vector<256x1xf32> to vector<256x64xf32>
    %div3A_66 = arith.divf %scan3A_62#1, %div3A : vector<256x64xf32>
    %jit3A = arith.constant 0.000000e+00 : f32
    %broadcast_in_dim3A_67 = vector.shape_cast %gt3A_65 : vector<256x1xi1> to vector<256x1xi1>
    %broadcast_in_dim3A_68 = vector.broadcast %broadcast_in_dim3A_67 : vector<256x1xi1> to vector<256x64xi1>
    %broadcast_in_dim3A_69 = vector.broadcast %jit3A : f32 to vector<256x64xf32>
    %select_n3A = arith.select %broadcast_in_dim3A_68, %div3A_66, %broadcast_in_dim3A_69 : vector<256x64xi1>, vector<256x64xf32>
    %concatenate3A = tpu.concatenate %mul3A_46, %select_n3A in 1 : vector<256x64xf32>, vector<256x64xf32> -> vector<256x128xf32>
    %get3A_70 = arith.constant 0 : index
    %get3A_71 = arith.constant 0 : index
    %get3A_72 = vector.load %arg2[%get3A_70, %get3A_71] : memref<128x256xf32, #tpu.memory_space<vmem>>, vector<128x256xf32>
    %dot_general3A_73 = arith.constant dense<0.000000e+00> : vector<256x256xf32>
    %dot_general3A_74 = tpu.matmul %concatenate3A, %get3A_72, %dot_general3A_73 {dimension_numbers = #tpu.dot_dimension_numbers<[1], [0], [0], [1], [0, 0, 1, 1], [], []>, transpose_lhs_hint = false} : vector<256x128xf32>, vector<128x256xf32>, vector<256x256xf32> -> vector<256x256xf32>
    %get3A_75 = arith.constant 0 : index
    %get3A_76 = vector.load %arg3[%get3A_75] : memref<256xf32, #tpu.memory_space<vmem>>, vector<256xf32>
    %broadcast_in_dim3A_77 = vector.shape_cast %get3A_76 : vector<256xf32> to vector<1x256xf32>
    %add3A_78 = vector.broadcast %broadcast_in_dim3A_77 : vector<1x256xf32> to vector<256x256xf32>
    %add3A_79 = arith.addf %dot_general3A_74, %add3A_78 : vector<256x256xf32>
    %get3A_80 = arith.constant 0 : index
    %get3A_81 = arith.constant 0 : index
    %get3A_82 = vector.load %arg4[%get3A_80, %get3A_81] : memref<64x256xf32, #tpu.memory_space<vmem>>, vector<64x256xf32>
    %dot_general3A_83 = arith.constant dense<0.000000e+00> : vector<256x256xf32>
    %dot_general3A_84 = tpu.matmul %mul3A_46, %get3A_82, %dot_general3A_83 {dimension_numbers = #tpu.dot_dimension_numbers<[1], [0], [0], [1], [0, 0, 1, 1], [], []>, transpose_lhs_hint = false} : vector<256x64xf32>, vector<64x256xf32>, vector<256x256xf32> -> vector<256x256xf32>
    %add3A_85 = arith.addf %add3A_79, %dot_general3A_84 : vector<256x256xf32>
    %get3A_86 = arith.constant 0 : index
    %get3A_87 = vector.load %arg5[%get3A_86] : memref<256xf32, #tpu.memory_space<vmem>>, vector<256xf32>
    %broadcast_in_dim3A_88 = vector.shape_cast %get3A_87 : vector<256xf32> to vector<1x256xf32>
    %add3A_89 = vector.broadcast %broadcast_in_dim3A_88 : vector<1x256xf32> to vector<256x256xf32>
    %add3A_90 = arith.addf %add3A_85, %add3A_89 : vector<256x256xf32>
    %slice3A_91 = vector.extract_strided_slice %add3A_90 {offsets = [0, 0], sizes = [256, 64], strides = [1, 1]} : vector<256x256xf32> to vector<256x64xf32>
    %logistic3A_92 = arith.negf %slice3A_91 : vector<256x64xf32>
    %logistic3A_93 = math.exp %logistic3A_92 : vector<256x64xf32>
    %logistic3A_94 = arith.constant 1.000000e+00 : f32
    %logistic3A_95 = vector.broadcast %logistic3A_94 : f32 to vector<256x64xf32>
    %logistic3A_96 = arith.addf %logistic3A_95, %logistic3A_93 : vector<256x64xf32>
    %logistic3A_97 = arith.divf %logistic3A_95, %logistic3A_96 : vector<256x64xf32>
    %slice3A_98 = vector.extract_strided_slice %add3A_90 {offsets = [0, 64], sizes = [256, 64], strides = [1, 1]} : vector<256x256xf32> to vector<256x64xf32>
    %logistic3A_99 = arith.negf %slice3A_98 : vector<256x64xf32>
    %logistic3A_100 = math.exp %logistic3A_99 : vector<256x64xf32>
    %logistic3A_101 = arith.constant 1.000000e+00 : f32
    %logistic3A_102 = vector.broadcast %logistic3A_101 : f32 to vector<256x64xf32>
    %logistic3A_103 = arith.addf %logistic3A_102, %logistic3A_100 : vector<256x64xf32>
    %logistic3A_104 = arith.divf %logistic3A_102, %logistic3A_103 : vector<256x64xf32>
    %slice3A_105 = vector.extract_strided_slice %add3A_90 {offsets = [0, 128], sizes = [256, 64], strides = [1, 1]} : vector<256x256xf32> to vector<256x64xf32>
    %tanh3A_106 = math.tanh %slice3A_105 : vector<256x64xf32>
    %slice3A_107 = vector.extract_strided_slice %add3A_90 {offsets = [0, 192], sizes = [256, 64], strides = [1, 1]} : vector<256x256xf32> to vector<256x64xf32>
    %logistic3A_108 = arith.negf %slice3A_107 : vector<256x64xf32>
    %logistic3A_109 = math.exp %logistic3A_108 : vector<256x64xf32>
    %logistic3A_110 = arith.constant 1.000000e+00 : f32
    %logistic3A_111 = vector.broadcast %logistic3A_110 : f32 to vector<256x64xf32>
    %logistic3A_112 = arith.addf %logistic3A_111, %logistic3A_109 : vector<256x64xf32>
    %logistic3A_113 = arith.divf %logistic3A_111, %logistic3A_112 : vector<256x64xf32>
    %mul3A_114 = arith.mulf %logistic3A_104, %add3A_44 : vector<256x64xf32>
    %mul3A_115 = arith.mulf %logistic3A_97, %tanh3A_106 : vector<256x64xf32>
    %add3A_116 = arith.addf %mul3A_114, %mul3A_115 : vector<256x64xf32>
    %tanh3A_117 = math.tanh %add3A_116 : vector<256x64xf32>
    %mul3A_118 = arith.mulf %logistic3A_113, %tanh3A_117 : vector<256x64xf32>
    %broadcast_in_dim3A_119 = arith.constant -1.000000e+30 : f32
    %broadcast_in_dim3A_120 = vector.broadcast %broadcast_in_dim3A_119 : f32 to vector<256x1xf32>
    %scan3A_121 = arith.constant 0 : i32
    %scan3A_122 = arith.constant 27 : i32
    %scan3A_123 = arith.addi %scan3A_121, %scan3A_122 : i32
    %scan3A_124 = arith.constant 1 : i32
    %scan3A_125 = scf.for %scan3A_250 = %scan3A_121 to %scan3A_123 step %scan3A_124 iter_args(%scan3A_251 = %broadcast_in_dim3A_120) -> (vector<256x1xf32>)  : i32 {
      %mul3A_252 = arith.constant 2048 : i32
      %mul3A_253 = arith.muli %scan3A_250, %mul3A_252 : i32
      %get3A_254 = arith.index_cast %mul3A_253 : i32 to index
      %get3A_255 = vector.load %arg1[%get3A_254] : memref<55296xi32, #tpu.memory_space<vmem>>, vector<2048xi32>
      %lt3A = arith.constant 256 : i32
      %lt3A_256 = vector.broadcast %lt3A : i32 to vector<2048xi32>
      %lt3A_257 = arith.cmpi slt, %get3A_255, %lt3A_256 : vector<2048xi32>
      %broadcast_in_dim3A_258 = vector.shape_cast %lt3A_257 : vector<2048xi1> to vector<1x2048xi1>
      %mul3A_259 = arith.constant 2048 : i32
      %mul3A_260 = arith.muli %scan3A_250, %mul3A_259 : i32
      %get3A_261 = arith.constant 0 : index
      %get3A_262 = arith.index_cast %mul3A_260 : i32 to index
      %get3A_263 = vector.load %arg0[%get3A_261, %get3A_262] : memref<64x55296xf32, #tpu.memory_space<vmem>>, vector<64x2048xf32>
      %jit3A_264 = arith.constant 0.000000e+00 : f32
      %broadcast_in_dim3A_265 = vector.shape_cast %broadcast_in_dim3A_258 : vector<1x2048xi1> to vector<1x2048xi1>
      %broadcast_in_dim3A_266 = vector.broadcast %broadcast_in_dim3A_265 : vector<1x2048xi1> to vector<64x2048xi1>
      %broadcast_in_dim3A_267 = vector.broadcast %jit3A_264 : f32 to vector<64x2048xf32>
      %select_n3A_268 = arith.select %broadcast_in_dim3A_266, %get3A_263, %broadcast_in_dim3A_267 : vector<64x2048xi1>, vector<64x2048xf32>
      %broadcast_in_dim3A_269 = vector.shape_cast %get3A_255 : vector<2048xi32> to vector<1x2048xi32>
      %eq3A = vector.broadcast %iota3A : vector<256x1xi32> to vector<256x2048xi32>
      %eq3A_270 = vector.broadcast %broadcast_in_dim3A_269 : vector<1x2048xi32> to vector<256x2048xi32>
      %eq3A_271 = arith.cmpi eq, %eq3A, %eq3A_270 : vector<256x2048xi32>
      %convert_element_type3A = arith.extui %eq3A_271 : vector<256x2048xi1> to vector<256x2048xi32>
      %convert_element_type3A_272 = arith.sitofp %convert_element_type3A : vector<256x2048xi32> to vector<256x2048xf32>
      %dot_general3A_273 = arith.constant dense<0.000000e+00> : vector<64x2048xf32>
      %dot_general3A_274 = tpu.matmul %mul3A_118, %convert_element_type3A_272, %dot_general3A_273 {dimension_numbers = #tpu.dot_dimension_numbers<[0], [0], [1], [1], [0, 1, 1, 1], [], []>, transpose_lhs_hint = false} : vector<256x64xf32>, vector<256x2048xf32>, vector<64x2048xf32> -> vector<64x2048xf32>
      %mul3A_275 = arith.mulf %select_n3A_268, %dot_general3A_274 : vector<64x2048xf32>
      %reduce_sum3A = arith.constant dense<0.000000e+00> : vector<2048xf32>
      %reduce_sum3A_276 = vector.multi_reduction <add>, %mul3A_275, %reduce_sum3A [0] : vector<64x2048xf32> to vector<2048xf32>
      %broadcast_in_dim3A_277 = vector.shape_cast %reduce_sum3A_276 : vector<2048xf32> to vector<1x2048xf32>
      %gt3A_278 = arith.constant 0.000000e+00 : f32
      %gt3A_279 = vector.broadcast %gt3A_278 : f32 to vector<256x2048xf32>
      %gt3A_280 = arith.cmpf ogt, %convert_element_type3A_272, %gt3A_279 : vector<256x2048xf32>
      %jit3A_281 = arith.constant -1.000000e+30 : f32
      %broadcast_in_dim3A_282 = vector.shape_cast %broadcast_in_dim3A_277 : vector<1x2048xf32> to vector<1x2048xf32>
      %broadcast_in_dim3A_283 = vector.broadcast %broadcast_in_dim3A_282 : vector<1x2048xf32> to vector<256x2048xf32>
      %broadcast_in_dim3A_284 = vector.broadcast %jit3A_281 : f32 to vector<256x2048xf32>
      %select_n3A_285 = arith.select %gt3A_280, %broadcast_in_dim3A_283, %broadcast_in_dim3A_284 : vector<256x2048xi1>, vector<256x2048xf32>
      %reduce_max3A = arith.constant dense<0xFF800000> : vector<256xf32>
      %reduce_max3A_286 = vector.multi_reduction <maximumf>, %select_n3A_285, %reduce_max3A [1] : vector<256x2048xf32> to vector<256xf32>
      %broadcast_in_dim3A_287 = vector.shape_cast %reduce_max3A_286 : vector<256xf32> to vector<256x1xf32>
      %max3A_288 = arith.maximumf %scan3A_251, %broadcast_in_dim3A_287 : vector<256x1xf32>
      scf.yield %max3A_288 : vector<256x1xf32>
    }
    %scan3A_126 = arith.constant 27 : i32
    %broadcast_in_dim3A_127 = arith.constant 0.000000e+00 : f32
    %broadcast_in_dim3A_128 = vector.broadcast %broadcast_in_dim3A_127 : f32 to vector<256x1xf32>
    %broadcast_in_dim3A_129 = arith.constant 0.000000e+00 : f32
    %broadcast_in_dim3A_130 = vector.broadcast %broadcast_in_dim3A_129 : f32 to vector<256x64xf32>
    %scan3A_131 = arith.constant 0 : i32
    %scan3A_132 = arith.constant 27 : i32
    %scan3A_133 = arith.addi %scan3A_131, %scan3A_132 : i32
    %scan3A_134 = arith.constant 1 : i32
    %scan3A_135:2 = scf.for %scan3A_250 = %scan3A_131 to %scan3A_133 step %scan3A_134 iter_args(%scan3A_251 = %broadcast_in_dim3A_128, %scan3A_252 = %broadcast_in_dim3A_130) -> (vector<256x1xf32>, vector<256x64xf32>)  : i32 {
      %mul3A_253 = arith.constant 2048 : i32
      %mul3A_254 = arith.muli %scan3A_250, %mul3A_253 : i32
      %get3A_255 = arith.index_cast %mul3A_254 : i32 to index
      %get3A_256 = vector.load %arg1[%get3A_255] : memref<55296xi32, #tpu.memory_space<vmem>>, vector<2048xi32>
      %lt3A = arith.constant 256 : i32
      %lt3A_257 = vector.broadcast %lt3A : i32 to vector<2048xi32>
      %lt3A_258 = arith.cmpi slt, %get3A_256, %lt3A_257 : vector<2048xi32>
      %broadcast_in_dim3A_259 = vector.shape_cast %lt3A_258 : vector<2048xi1> to vector<1x2048xi1>
      %mul3A_260 = arith.constant 2048 : i32
      %mul3A_261 = arith.muli %scan3A_250, %mul3A_260 : i32
      %get3A_262 = arith.constant 0 : index
      %get3A_263 = arith.index_cast %mul3A_261 : i32 to index
      %get3A_264 = vector.load %arg0[%get3A_262, %get3A_263] : memref<64x55296xf32, #tpu.memory_space<vmem>>, vector<64x2048xf32>
      %jit3A_265 = arith.constant 0.000000e+00 : f32
      %broadcast_in_dim3A_266 = vector.shape_cast %broadcast_in_dim3A_259 : vector<1x2048xi1> to vector<1x2048xi1>
      %broadcast_in_dim3A_267 = vector.broadcast %broadcast_in_dim3A_266 : vector<1x2048xi1> to vector<64x2048xi1>
      %broadcast_in_dim3A_268 = vector.broadcast %jit3A_265 : f32 to vector<64x2048xf32>
      %select_n3A_269 = arith.select %broadcast_in_dim3A_267, %get3A_264, %broadcast_in_dim3A_268 : vector<64x2048xi1>, vector<64x2048xf32>
      %broadcast_in_dim3A_270 = vector.shape_cast %get3A_256 : vector<2048xi32> to vector<1x2048xi32>
      %eq3A = vector.broadcast %iota3A : vector<256x1xi32> to vector<256x2048xi32>
      %eq3A_271 = vector.broadcast %broadcast_in_dim3A_270 : vector<1x2048xi32> to vector<256x2048xi32>
      %eq3A_272 = arith.cmpi eq, %eq3A, %eq3A_271 : vector<256x2048xi32>
      %convert_element_type3A = arith.extui %eq3A_272 : vector<256x2048xi1> to vector<256x2048xi32>
      %convert_element_type3A_273 = arith.sitofp %convert_element_type3A : vector<256x2048xi32> to vector<256x2048xf32>
      %dot_general3A_274 = arith.constant dense<0.000000e+00> : vector<64x2048xf32>
      %dot_general3A_275 = tpu.matmul %mul3A_118, %convert_element_type3A_273, %dot_general3A_274 {dimension_numbers = #tpu.dot_dimension_numbers<[0], [0], [1], [1], [0, 1, 1, 1], [], []>, transpose_lhs_hint = false} : vector<256x64xf32>, vector<256x2048xf32>, vector<64x2048xf32> -> vector<64x2048xf32>
      %mul3A_276 = arith.mulf %select_n3A_269, %dot_general3A_275 : vector<64x2048xf32>
      %reduce_sum3A = arith.constant dense<0.000000e+00> : vector<2048xf32>
      %reduce_sum3A_277 = vector.multi_reduction <add>, %mul3A_276, %reduce_sum3A [0] : vector<64x2048xf32> to vector<2048xf32>
      %broadcast_in_dim3A_278 = vector.shape_cast %reduce_sum3A_277 : vector<2048xf32> to vector<1x2048xf32>
      %dot_general3A_279 = arith.constant dense<0.000000e+00> : vector<1x2048xf32>
      %dot_general3A_280 = tpu.matmul %scan3A_125, %convert_element_type3A_273, %dot_general3A_279 {dimension_numbers = #tpu.dot_dimension_numbers<[0], [0], [1], [1], [0, 1, 1, 1], [], []>, transpose_lhs_hint = false} : vector<256x1xf32>, vector<256x2048xf32>, vector<1x2048xf32> -> vector<1x2048xf32>
      %gt3A_281 = arith.constant 0.000000e+00 : f32
      %gt3A_282 = vector.broadcast %gt3A_281 : f32 to vector<256x2048xf32>
      %gt3A_283 = arith.cmpf ogt, %convert_element_type3A_273, %gt3A_282 : vector<256x2048xf32>
      %sub3A = arith.subf %broadcast_in_dim3A_278, %dot_general3A_280 : vector<1x2048xf32>
      %exp3A = math.exp %sub3A : vector<1x2048xf32>
      %jit3A_284 = arith.constant 0.000000e+00 : f32
      %broadcast_in_dim3A_285 = vector.shape_cast %exp3A : vector<1x2048xf32> to vector<1x2048xf32>
      %broadcast_in_dim3A_286 = vector.broadcast %broadcast_in_dim3A_285 : vector<1x2048xf32> to vector<256x2048xf32>
      %broadcast_in_dim3A_287 = vector.broadcast %jit3A_284 : f32 to vector<256x2048xf32>
      %select_n3A_288 = arith.select %gt3A_283, %broadcast_in_dim3A_286, %broadcast_in_dim3A_287 : vector<256x2048xi1>, vector<256x2048xf32>
      %reduce_sum3A_289 = arith.constant dense<0.000000e+00> : vector<256xf32>
      %reduce_sum3A_290 = vector.multi_reduction <add>, %select_n3A_288, %reduce_sum3A_289 [1] : vector<256x2048xf32> to vector<256xf32>
      %broadcast_in_dim3A_291 = vector.shape_cast %reduce_sum3A_290 : vector<256xf32> to vector<256x1xf32>
      %add3A_292 = arith.addf %scan3A_251, %broadcast_in_dim3A_291 : vector<256x1xf32>
      %dot_general3A_293 = arith.constant dense<0.000000e+00> : vector<256x64xf32>
      %dot_general3A_294 = tpu.matmul %select_n3A_288, %select_n3A_269, %dot_general3A_293 {dimension_numbers = #tpu.dot_dimension_numbers<[1], [1], [0], [0], [0, 0, 1, 0], [], []>, transpose_lhs_hint = false} : vector<256x2048xf32>, vector<64x2048xf32>, vector<256x64xf32> -> vector<256x64xf32>
      %add3A_295 = arith.addf %scan3A_252, %dot_general3A_294 : vector<256x64xf32>
      scf.yield %add3A_292, %add3A_295 : vector<256x1xf32>, vector<256x64xf32>
    }
    %scan3A_136 = arith.constant 27 : i32
    %gt3A_137 = arith.constant 0.000000e+00 : f32
    %gt3A_138 = vector.broadcast %gt3A_137 : f32 to vector<256x1xf32>
    %gt3A_139 = arith.cmpf ogt, %scan3A_135#0, %gt3A_138 : vector<256x1xf32>
    %div3A_140 = vector.broadcast %scan3A_135#0 : vector<256x1xf32> to vector<256x64xf32>
    %div3A_141 = arith.divf %scan3A_135#1, %div3A_140 : vector<256x64xf32>
    %jit3A_142 = arith.constant 0.000000e+00 : f32
    %broadcast_in_dim3A_143 = vector.shape_cast %gt3A_139 : vector<256x1xi1> to vector<256x1xi1>
    %broadcast_in_dim3A_144 = vector.broadcast %broadcast_in_dim3A_143 : vector<256x1xi1> to vector<256x64xi1>
    %broadcast_in_dim3A_145 = vector.broadcast %jit3A_142 : f32 to vector<256x64xf32>
    %select_n3A_146 = arith.select %broadcast_in_dim3A_144, %div3A_141, %broadcast_in_dim3A_145 : vector<256x64xi1>, vector<256x64xf32>
    %concatenate3A_147 = tpu.concatenate %mul3A_118, %select_n3A_146 in 1 : vector<256x64xf32>, vector<256x64xf32> -> vector<256x128xf32>
    %get3A_148 = arith.constant 0 : index
    %get3A_149 = arith.constant 0 : index
    %get3A_150 = vector.load %arg2[%get3A_148, %get3A_149] : memref<128x256xf32, #tpu.memory_space<vmem>>, vector<128x256xf32>
    %dot_general3A_151 = arith.constant dense<0.000000e+00> : vector<256x256xf32>
    %dot_general3A_152 = tpu.matmul %concatenate3A_147, %get3A_150, %dot_general3A_151 {dimension_numbers = #tpu.dot_dimension_numbers<[1], [0], [0], [1], [0, 0, 1, 1], [], []>, transpose_lhs_hint = false} : vector<256x128xf32>, vector<128x256xf32>, vector<256x256xf32> -> vector<256x256xf32>
    %get3A_153 = arith.constant 0 : index
    %get3A_154 = vector.load %arg3[%get3A_153] : memref<256xf32, #tpu.memory_space<vmem>>, vector<256xf32>
    %broadcast_in_dim3A_155 = vector.shape_cast %get3A_154 : vector<256xf32> to vector<1x256xf32>
    %add3A_156 = vector.broadcast %broadcast_in_dim3A_155 : vector<1x256xf32> to vector<256x256xf32>
    %add3A_157 = arith.addf %dot_general3A_152, %add3A_156 : vector<256x256xf32>
    %get3A_158 = arith.constant 0 : index
    %get3A_159 = arith.constant 0 : index
    %get3A_160 = vector.load %arg4[%get3A_158, %get3A_159] : memref<64x256xf32, #tpu.memory_space<vmem>>, vector<64x256xf32>
    %dot_general3A_161 = arith.constant dense<0.000000e+00> : vector<256x256xf32>
    %dot_general3A_162 = tpu.matmul %mul3A_118, %get3A_160, %dot_general3A_161 {dimension_numbers = #tpu.dot_dimension_numbers<[1], [0], [0], [1], [0, 0, 1, 1], [], []>, transpose_lhs_hint = false} : vector<256x64xf32>, vector<64x256xf32>, vector<256x256xf32> -> vector<256x256xf32>
    %add3A_163 = arith.addf %add3A_157, %dot_general3A_162 : vector<256x256xf32>
    %get3A_164 = arith.constant 0 : index
    %get3A_165 = vector.load %arg5[%get3A_164] : memref<256xf32, #tpu.memory_space<vmem>>, vector<256xf32>
    %broadcast_in_dim3A_166 = vector.shape_cast %get3A_165 : vector<256xf32> to vector<1x256xf32>
    %add3A_167 = vector.broadcast %broadcast_in_dim3A_166 : vector<1x256xf32> to vector<256x256xf32>
    %add3A_168 = arith.addf %add3A_163, %add3A_167 : vector<256x256xf32>
    %slice3A_169 = vector.extract_strided_slice %add3A_168 {offsets = [0, 0], sizes = [256, 64], strides = [1, 1]} : vector<256x256xf32> to vector<256x64xf32>
    %logistic3A_170 = arith.negf %slice3A_169 : vector<256x64xf32>
    %logistic3A_171 = math.exp %logistic3A_170 : vector<256x64xf32>
    %logistic3A_172 = arith.constant 1.000000e+00 : f32
    %logistic3A_173 = vector.broadcast %logistic3A_172 : f32 to vector<256x64xf32>
    %logistic3A_174 = arith.addf %logistic3A_173, %logistic3A_171 : vector<256x64xf32>
    %logistic3A_175 = arith.divf %logistic3A_173, %logistic3A_174 : vector<256x64xf32>
    %slice3A_176 = vector.extract_strided_slice %add3A_168 {offsets = [0, 64], sizes = [256, 64], strides = [1, 1]} : vector<256x256xf32> to vector<256x64xf32>
    %logistic3A_177 = arith.negf %slice3A_176 : vector<256x64xf32>
    %logistic3A_178 = math.exp %logistic3A_177 : vector<256x64xf32>
    %logistic3A_179 = arith.constant 1.000000e+00 : f32
    %logistic3A_180 = vector.broadcast %logistic3A_179 : f32 to vector<256x64xf32>
    %logistic3A_181 = arith.addf %logistic3A_180, %logistic3A_178 : vector<256x64xf32>
    %logistic3A_182 = arith.divf %logistic3A_180, %logistic3A_181 : vector<256x64xf32>
    %slice3A_183 = vector.extract_strided_slice %add3A_168 {offsets = [0, 128], sizes = [256, 64], strides = [1, 1]} : vector<256x256xf32> to vector<256x64xf32>
    %tanh3A_184 = math.tanh %slice3A_183 : vector<256x64xf32>
    %slice3A_185 = vector.extract_strided_slice %add3A_168 {offsets = [0, 192], sizes = [256, 64], strides = [1, 1]} : vector<256x256xf32> to vector<256x64xf32>
    %logistic3A_186 = arith.negf %slice3A_185 : vector<256x64xf32>
    %logistic3A_187 = math.exp %logistic3A_186 : vector<256x64xf32>
    %logistic3A_188 = arith.constant 1.000000e+00 : f32
    %logistic3A_189 = vector.broadcast %logistic3A_188 : f32 to vector<256x64xf32>
    %logistic3A_190 = arith.addf %logistic3A_189, %logistic3A_187 : vector<256x64xf32>
    %logistic3A_191 = arith.divf %logistic3A_189, %logistic3A_190 : vector<256x64xf32>
    %mul3A_192 = arith.mulf %logistic3A_182, %add3A_116 : vector<256x64xf32>
    %mul3A_193 = arith.mulf %logistic3A_175, %tanh3A_184 : vector<256x64xf32>
    %add3A_194 = arith.addf %mul3A_192, %mul3A_193 : vector<256x64xf32>
    %tanh3A_195 = math.tanh %add3A_194 : vector<256x64xf32>
    %mul3A_196 = arith.mulf %logistic3A_191, %tanh3A_195 : vector<256x64xf32>
    %broadcast_in_dim3A_197 = arith.constant -1.000000e+30 : f32
    %broadcast_in_dim3A_198 = vector.broadcast %broadcast_in_dim3A_197 : f32 to vector<256x1xf32>
    %scan3A_199 = arith.constant 0 : i32
    %scan3A_200 = arith.constant 27 : i32
    %scan3A_201 = arith.addi %scan3A_199, %scan3A_200 : i32
    %scan3A_202 = arith.constant 1 : i32
    %scan3A_203 = scf.for %scan3A_250 = %scan3A_199 to %scan3A_201 step %scan3A_202 iter_args(%scan3A_251 = %broadcast_in_dim3A_198) -> (vector<256x1xf32>)  : i32 {
      %mul3A_252 = arith.constant 2048 : i32
      %mul3A_253 = arith.muli %scan3A_250, %mul3A_252 : i32
      %get3A_254 = arith.index_cast %mul3A_253 : i32 to index
      %get3A_255 = vector.load %arg1[%get3A_254] : memref<55296xi32, #tpu.memory_space<vmem>>, vector<2048xi32>
      %lt3A = arith.constant 256 : i32
      %lt3A_256 = vector.broadcast %lt3A : i32 to vector<2048xi32>
      %lt3A_257 = arith.cmpi slt, %get3A_255, %lt3A_256 : vector<2048xi32>
      %broadcast_in_dim3A_258 = vector.shape_cast %lt3A_257 : vector<2048xi1> to vector<1x2048xi1>
      %mul3A_259 = arith.constant 2048 : i32
      %mul3A_260 = arith.muli %scan3A_250, %mul3A_259 : i32
      %get3A_261 = arith.constant 0 : index
      %get3A_262 = arith.index_cast %mul3A_260 : i32 to index
      %get3A_263 = vector.load %arg0[%get3A_261, %get3A_262] : memref<64x55296xf32, #tpu.memory_space<vmem>>, vector<64x2048xf32>
      %jit3A_264 = arith.constant 0.000000e+00 : f32
      %broadcast_in_dim3A_265 = vector.shape_cast %broadcast_in_dim3A_258 : vector<1x2048xi1> to vector<1x2048xi1>
      %broadcast_in_dim3A_266 = vector.broadcast %broadcast_in_dim3A_265 : vector<1x2048xi1> to vector<64x2048xi1>
      %broadcast_in_dim3A_267 = vector.broadcast %jit3A_264 : f32 to vector<64x2048xf32>
      %select_n3A_268 = arith.select %broadcast_in_dim3A_266, %get3A_263, %broadcast_in_dim3A_267 : vector<64x2048xi1>, vector<64x2048xf32>
      %broadcast_in_dim3A_269 = vector.shape_cast %get3A_255 : vector<2048xi32> to vector<1x2048xi32>
      %eq3A = vector.broadcast %iota3A : vector<256x1xi32> to vector<256x2048xi32>
      %eq3A_270 = vector.broadcast %broadcast_in_dim3A_269 : vector<1x2048xi32> to vector<256x2048xi32>
      %eq3A_271 = arith.cmpi eq, %eq3A, %eq3A_270 : vector<256x2048xi32>
      %convert_element_type3A = arith.extui %eq3A_271 : vector<256x2048xi1> to vector<256x2048xi32>
      %convert_element_type3A_272 = arith.sitofp %convert_element_type3A : vector<256x2048xi32> to vector<256x2048xf32>
      %dot_general3A_273 = arith.constant dense<0.000000e+00> : vector<64x2048xf32>
      %dot_general3A_274 = tpu.matmul %mul3A_196, %convert_element_type3A_272, %dot_general3A_273 {dimension_numbers = #tpu.dot_dimension_numbers<[0], [0], [1], [1], [0, 1, 1, 1], [], []>, transpose_lhs_hint = false} : vector<256x64xf32>, vector<256x2048xf32>, vector<64x2048xf32> -> vector<64x2048xf32>
      %mul3A_275 = arith.mulf %select_n3A_268, %dot_general3A_274 : vector<64x2048xf32>
      %reduce_sum3A = arith.constant dense<0.000000e+00> : vector<2048xf32>
      %reduce_sum3A_276 = vector.multi_reduction <add>, %mul3A_275, %reduce_sum3A [0] : vector<64x2048xf32> to vector<2048xf32>
      %broadcast_in_dim3A_277 = vector.shape_cast %reduce_sum3A_276 : vector<2048xf32> to vector<1x2048xf32>
      %gt3A_278 = arith.constant 0.000000e+00 : f32
      %gt3A_279 = vector.broadcast %gt3A_278 : f32 to vector<256x2048xf32>
      %gt3A_280 = arith.cmpf ogt, %convert_element_type3A_272, %gt3A_279 : vector<256x2048xf32>
      %jit3A_281 = arith.constant -1.000000e+30 : f32
      %broadcast_in_dim3A_282 = vector.shape_cast %broadcast_in_dim3A_277 : vector<1x2048xf32> to vector<1x2048xf32>
      %broadcast_in_dim3A_283 = vector.broadcast %broadcast_in_dim3A_282 : vector<1x2048xf32> to vector<256x2048xf32>
      %broadcast_in_dim3A_284 = vector.broadcast %jit3A_281 : f32 to vector<256x2048xf32>
      %select_n3A_285 = arith.select %gt3A_280, %broadcast_in_dim3A_283, %broadcast_in_dim3A_284 : vector<256x2048xi1>, vector<256x2048xf32>
      %reduce_max3A = arith.constant dense<0xFF800000> : vector<256xf32>
      %reduce_max3A_286 = vector.multi_reduction <maximumf>, %select_n3A_285, %reduce_max3A [1] : vector<256x2048xf32> to vector<256xf32>
      %broadcast_in_dim3A_287 = vector.shape_cast %reduce_max3A_286 : vector<256xf32> to vector<256x1xf32>
      %max3A_288 = arith.maximumf %scan3A_251, %broadcast_in_dim3A_287 : vector<256x1xf32>
      scf.yield %max3A_288 : vector<256x1xf32>
    }
    %scan3A_204 = arith.constant 27 : i32
    %broadcast_in_dim3A_205 = arith.constant 0.000000e+00 : f32
    %broadcast_in_dim3A_206 = vector.broadcast %broadcast_in_dim3A_205 : f32 to vector<256x1xf32>
    %broadcast_in_dim3A_207 = arith.constant 0.000000e+00 : f32
    %broadcast_in_dim3A_208 = vector.broadcast %broadcast_in_dim3A_207 : f32 to vector<256x64xf32>
    %scan3A_209 = arith.constant 0 : i32
    %scan3A_210 = arith.constant 27 : i32
    %scan3A_211 = arith.addi %scan3A_209, %scan3A_210 : i32
    %scan3A_212 = arith.constant 1 : i32
    %scan3A_213:2 = scf.for %scan3A_250 = %scan3A_209 to %scan3A_211 step %scan3A_212 iter_args(%scan3A_251 = %broadcast_in_dim3A_206, %scan3A_252 = %broadcast_in_dim3A_208) -> (vector<256x1xf32>, vector<256x64xf32>)  : i32 {
      %mul3A_253 = arith.constant 2048 : i32
      %mul3A_254 = arith.muli %scan3A_250, %mul3A_253 : i32
      %get3A_255 = arith.index_cast %mul3A_254 : i32 to index
      %get3A_256 = vector.load %arg1[%get3A_255] : memref<55296xi32, #tpu.memory_space<vmem>>, vector<2048xi32>
      %lt3A = arith.constant 256 : i32
      %lt3A_257 = vector.broadcast %lt3A : i32 to vector<2048xi32>
      %lt3A_258 = arith.cmpi slt, %get3A_256, %lt3A_257 : vector<2048xi32>
      %broadcast_in_dim3A_259 = vector.shape_cast %lt3A_258 : vector<2048xi1> to vector<1x2048xi1>
      %mul3A_260 = arith.constant 2048 : i32
      %mul3A_261 = arith.muli %scan3A_250, %mul3A_260 : i32
      %get3A_262 = arith.constant 0 : index
      %get3A_263 = arith.index_cast %mul3A_261 : i32 to index
      %get3A_264 = vector.load %arg0[%get3A_262, %get3A_263] : memref<64x55296xf32, #tpu.memory_space<vmem>>, vector<64x2048xf32>
      %jit3A_265 = arith.constant 0.000000e+00 : f32
      %broadcast_in_dim3A_266 = vector.shape_cast %broadcast_in_dim3A_259 : vector<1x2048xi1> to vector<1x2048xi1>
      %broadcast_in_dim3A_267 = vector.broadcast %broadcast_in_dim3A_266 : vector<1x2048xi1> to vector<64x2048xi1>
      %broadcast_in_dim3A_268 = vector.broadcast %jit3A_265 : f32 to vector<64x2048xf32>
      %select_n3A_269 = arith.select %broadcast_in_dim3A_267, %get3A_264, %broadcast_in_dim3A_268 : vector<64x2048xi1>, vector<64x2048xf32>
      %broadcast_in_dim3A_270 = vector.shape_cast %get3A_256 : vector<2048xi32> to vector<1x2048xi32>
      %eq3A = vector.broadcast %iota3A : vector<256x1xi32> to vector<256x2048xi32>
      %eq3A_271 = vector.broadcast %broadcast_in_dim3A_270 : vector<1x2048xi32> to vector<256x2048xi32>
      %eq3A_272 = arith.cmpi eq, %eq3A, %eq3A_271 : vector<256x2048xi32>
      %convert_element_type3A = arith.extui %eq3A_272 : vector<256x2048xi1> to vector<256x2048xi32>
      %convert_element_type3A_273 = arith.sitofp %convert_element_type3A : vector<256x2048xi32> to vector<256x2048xf32>
      %dot_general3A_274 = arith.constant dense<0.000000e+00> : vector<64x2048xf32>
      %dot_general3A_275 = tpu.matmul %mul3A_196, %convert_element_type3A_273, %dot_general3A_274 {dimension_numbers = #tpu.dot_dimension_numbers<[0], [0], [1], [1], [0, 1, 1, 1], [], []>, transpose_lhs_hint = false} : vector<256x64xf32>, vector<256x2048xf32>, vector<64x2048xf32> -> vector<64x2048xf32>
      %mul3A_276 = arith.mulf %select_n3A_269, %dot_general3A_275 : vector<64x2048xf32>
      %reduce_sum3A = arith.constant dense<0.000000e+00> : vector<2048xf32>
      %reduce_sum3A_277 = vector.multi_reduction <add>, %mul3A_276, %reduce_sum3A [0] : vector<64x2048xf32> to vector<2048xf32>
      %broadcast_in_dim3A_278 = vector.shape_cast %reduce_sum3A_277 : vector<2048xf32> to vector<1x2048xf32>
      %dot_general3A_279 = arith.constant dense<0.000000e+00> : vector<1x2048xf32>
      %dot_general3A_280 = tpu.matmul %scan3A_203, %convert_element_type3A_273, %dot_general3A_279 {dimension_numbers = #tpu.dot_dimension_numbers<[0], [0], [1], [1], [0, 1, 1, 1], [], []>, transpose_lhs_hint = false} : vector<256x1xf32>, vector<256x2048xf32>, vector<1x2048xf32> -> vector<1x2048xf32>
      %gt3A_281 = arith.constant 0.000000e+00 : f32
      %gt3A_282 = vector.broadcast %gt3A_281 : f32 to vector<256x2048xf32>
      %gt3A_283 = arith.cmpf ogt, %convert_element_type3A_273, %gt3A_282 : vector<256x2048xf32>
      %sub3A = arith.subf %broadcast_in_dim3A_278, %dot_general3A_280 : vector<1x2048xf32>
      %exp3A = math.exp %sub3A : vector<1x2048xf32>
      %jit3A_284 = arith.constant 0.000000e+00 : f32
      %broadcast_in_dim3A_285 = vector.shape_cast %exp3A : vector<1x2048xf32> to vector<1x2048xf32>
      %broadcast_in_dim3A_286 = vector.broadcast %broadcast_in_dim3A_285 : vector<1x2048xf32> to vector<256x2048xf32>
      %broadcast_in_dim3A_287 = vector.broadcast %jit3A_284 : f32 to vector<256x2048xf32>
      %select_n3A_288 = arith.select %gt3A_283, %broadcast_in_dim3A_286, %broadcast_in_dim3A_287 : vector<256x2048xi1>, vector<256x2048xf32>
      %reduce_sum3A_289 = arith.constant dense<0.000000e+00> : vector<256xf32>
      %reduce_sum3A_290 = vector.multi_reduction <add>, %select_n3A_288, %reduce_sum3A_289 [1] : vector<256x2048xf32> to vector<256xf32>
      %broadcast_in_dim3A_291 = vector.shape_cast %reduce_sum3A_290 : vector<256xf32> to vector<256x1xf32>
      %add3A_292 = arith.addf %scan3A_251, %broadcast_in_dim3A_291 : vector<256x1xf32>
      %dot_general3A_293 = arith.constant dense<0.000000e+00> : vector<256x64xf32>
      %dot_general3A_294 = tpu.matmul %select_n3A_288, %select_n3A_269, %dot_general3A_293 {dimension_numbers = #tpu.dot_dimension_numbers<[1], [1], [0], [0], [0, 0, 1, 0], [], []>, transpose_lhs_hint = false} : vector<256x2048xf32>, vector<64x2048xf32>, vector<256x64xf32> -> vector<256x64xf32>
      %add3A_295 = arith.addf %scan3A_252, %dot_general3A_294 : vector<256x64xf32>
      scf.yield %add3A_292, %add3A_295 : vector<256x1xf32>, vector<256x64xf32>
    }
    %scan3A_214 = arith.constant 27 : i32
    %gt3A_215 = arith.constant 0.000000e+00 : f32
    %gt3A_216 = vector.broadcast %gt3A_215 : f32 to vector<256x1xf32>
    %gt3A_217 = arith.cmpf ogt, %scan3A_213#0, %gt3A_216 : vector<256x1xf32>
    %div3A_218 = vector.broadcast %scan3A_213#0 : vector<256x1xf32> to vector<256x64xf32>
    %div3A_219 = arith.divf %scan3A_213#1, %div3A_218 : vector<256x64xf32>
    %jit3A_220 = arith.constant 0.000000e+00 : f32
    %broadcast_in_dim3A_221 = vector.shape_cast %gt3A_217 : vector<256x1xi1> to vector<256x1xi1>
    %broadcast_in_dim3A_222 = vector.broadcast %broadcast_in_dim3A_221 : vector<256x1xi1> to vector<256x64xi1>
    %broadcast_in_dim3A_223 = vector.broadcast %jit3A_220 : f32 to vector<256x64xf32>
    %select_n3A_224 = arith.select %broadcast_in_dim3A_222, %div3A_219, %broadcast_in_dim3A_223 : vector<256x64xi1>, vector<256x64xf32>
    %concatenate3A_225 = tpu.concatenate %mul3A_196, %select_n3A_224 in 1 : vector<256x64xf32>, vector<256x64xf32> -> vector<256x128xf32>
    %get3A_226 = arith.constant 0 : index
    %get3A_227 = arith.constant 0 : index
    %get3A_228 = vector.load %arg6[%get3A_226, %get3A_227] : memref<128x64xf32, #tpu.memory_space<vmem>>, vector<128x64xf32>
    %dot_general3A_229 = arith.constant dense<0.000000e+00> : vector<256x64xf32>
    %dot_general3A_230 = tpu.matmul %concatenate3A_225, %get3A_228, %dot_general3A_229 {dimension_numbers = #tpu.dot_dimension_numbers<[1], [0], [0], [1], [0, 0, 1, 1], [], []>, transpose_lhs_hint = false} : vector<256x128xf32>, vector<128x64xf32>, vector<256x64xf32> -> vector<256x64xf32>
    %get3A_231 = arith.constant 0 : index
    %get3A_232 = vector.load %arg7[%get3A_231] : memref<64xf32, #tpu.memory_space<vmem>>, vector<64xf32>
    %broadcast_in_dim3A_233 = vector.shape_cast %get3A_232 : vector<64xf32> to vector<1x64xf32>
    %add3A_234 = vector.broadcast %broadcast_in_dim3A_233 : vector<1x64xf32> to vector<256x64xf32>
    %add3A_235 = arith.addf %dot_general3A_230, %add3A_234 : vector<256x64xf32>
    %max3A = arith.constant 0.000000e+00 : f32
    %max3A_236 = vector.broadcast %max3A : f32 to vector<256x64xf32>
    %max3A_237 = arith.maximumf %add3A_235, %max3A_236 : vector<256x64xf32>
    %get3A_238 = arith.constant 0 : index
    %get3A_239 = arith.constant 0 : index
    %get3A_240 = vector.load %arg8[%get3A_238, %get3A_239] : memref<64x2xf32, #tpu.memory_space<vmem>>, vector<64x2xf32>
    %dot_general3A_241 = arith.constant dense<0.000000e+00> : vector<256x2xf32>
    %dot_general3A_242 = tpu.matmul %max3A_237, %get3A_240, %dot_general3A_241 {dimension_numbers = #tpu.dot_dimension_numbers<[1], [0], [0], [1], [0, 0, 1, 1], [], []>, transpose_lhs_hint = false} : vector<256x64xf32>, vector<64x2xf32>, vector<256x2xf32> -> vector<256x2xf32>
    %get3A_243 = arith.constant 0 : index
    %get3A_244 = vector.load %arg9[%get3A_243] : memref<2xf32, #tpu.memory_space<vmem>>, vector<2xf32>
    %broadcast_in_dim3A_245 = vector.shape_cast %get3A_244 : vector<2xf32> to vector<1x2xf32>
    %add3A_246 = vector.broadcast %broadcast_in_dim3A_245 : vector<1x2xf32> to vector<256x2xf32>
    %add3A_247 = arith.addf %dot_general3A_242, %add3A_246 : vector<256x2xf32>
    %swap3A = arith.constant 0 : index
    %swap3A_248 = arith.constant 0 : index
    %swap3A_249 = vector.load %arg10[%swap3A, %swap3A_248] : memref<256x2xf32, #tpu.memory_space<vmem>>, vector<256x2xf32>
    tpu.vector_store %arg10[%swap3A, %swap3A_248], %add3A_247 {strides = array<i32>} : memref<256x2xf32, #tpu.memory_space<vmem>>, vector<256x2xf32>,
    return
  }
}

</mosaic_0001>

<sc_bundles>
// kernel: kernel.11.cloned.1.call-start
scs
__scs_entry_jumppad:
0x0: {  	(pc) =	sbr.rel $0x88, $3  }
0x1: {  	(tag) =	ssettag $0x0;
	lr =	simm.s32 $0x1  }
0x2: {  	[smem:$0x3F92] =	sst lr;
	_ =	strace $0xD0000000  }
0x3: {  	_ = 	snop  }
0x4: {  	_ = 	snop  }
0x5: {  	_ = 	snop  }
0x6: {  	_ = 	snop  }
0x7: {  	_ = 	snop  }
__scs_overlays_trampoline_lowered:
0x8: {  	[smem:$0x3FA1] =	sst s0  }
0x9: {  	[smem:$0x3FA2] =	sst s1  }
0xa: {  	[smem:$0x3FA3] =	sst s2  }
0xb: {  	[smem:$0x3FA4] =	sst s3  }
0xc: {  	[smem:$0x3FA5] =	sst s4  }
0xd: {  	[smem:$0x3FA6] =	sst s5  }
0xe: {  	[smem:$0x3FA7] =	sst s6  }
0xf: {  	[smem:$0x3FA8] =	sst s7  }
0x10: {  	[smem:$0x3FA9] =	sst s8  }
0x11: {  	[smem:$0x3FAA] =	sst s9;
	s0 =	simm.s32 @!p0 $0x0  }
0x12: {  	s1 =	sld [smem:$0x3F90];
	s0 =	simm.s32 @p0 $0x1  }
0x13: {  	[smem:$0x3FAB] =	sst s0;
	s0 =	simm.s32 @!p1 $0x0  }
0x14: {  	s2 =	sld [smem:$0x3F8F];
	s0 =	simm.s32 @p1 $0x1  }
0x15: {  	[smem:$0x3FAC] =	sst s0;
	s0 =	simm.s32 @!p2 $0x0  }
0x16: {  	s3 =	sld [smem:$0x3FDB];
	s0 =	simm.s32 @p2 $0x1  }
0x17: {  	s4 =	simm.s32 $0x1BF5;
	[smem:$0x3FAE] =	sst s0  }
0x18: {  	s0 =	sld [smem:$0x3F91];
	_ =	swait.ge [sflag:s4], $0x0  }
0x19: {  	s7 =	sld [smem:$0x3F92]  }
0x1a: {  	s8 =	sadd.s32 $0xFFFFE003, lr  }
0x1b: {  	s9 =	sadd.s32 $0xFFFFFEF7, lr;
	s5 =	simm.s32 $0xFFFFFFFF;
	p2 =	slt.u32 s8, $0xFFFFF086  }
0x1c: {  	p1 =	slt.u32 s9, $0xF7A;
	s5 =	simm.s32 @!p2 $0x0  }
0x1d: {  	s5 =	simm.s32 @p1 $0x1;
	p0 =	seq.s32 s7, s2  }
0x1e: {  	s7 =	smul.u32 @!p0 $0xF7A, s2;
	p2 =	seq.s32 @!p0 s5, $0x0  }
0x1f: {  	s9 =	smul.u32 $0xF7A, s1;
	s8 =	simm.s32 @!p0 $0x1BF5;
	p2 =	por !p2, p0  }
0x20: {  	[sflag:s8] =	ssyncset.s32 @!p0 $0xFFFFF086;
	s6 =	sadd.s32 @!p0 s3, s7;
	s7 =	simm.s32 @!p0 $0x108  }
0x21: {  	s3 =	sadd.s32 s3, s9;
	s6 =	sadd.s32 @!p0 $0x88, s6;
	s7 =	simm.s32 @p2 $0x1082  }
0x22: {  	[simem:s7], [sflag:s8] =	dma.local @!p0 [hbm:s6], $0xF7A  }
0x23: {  	s9 =	sor.u32 $0xD0000000, s2;
	s6 =	simm.s32 $0x108;
	_ =	swait.ge @!p0 [sflag:s8], $0x0  }
0x24: {  	s3 =	sadd.s32 $0x88, s3;
	s6 =	simm.s32 @!p1 $0x1082;
	[sflag:s4] =	ssyncset.s32 $0xFFFFF086  }
0x25: {  	[simem:s6], [sflag:s4] =	dma.local [hbm:s3], $0xF7A  }
0x26: {  	[smem:$0x3F92] =	sst s1;
	(tag) =	ssettag s2;
	_ =	strace s9  }
0x27: {  	s1 =	sld [smem:$0x3FA2]  }
0x28: {  	s2 =	sld [smem:$0x3FA3]  }
0x29: {  	s4 =	sld [smem:$0x3FA5]  }
0x2a: {  	p0 =	seq.s32 s5, $0x0;
	s5 =	sld [smem:$0x3FA6]  }
0x2b: {  	s6 =	sld [smem:$0x3FA7]  }
0x2c: {  	s7 =	sld [smem:$0x3FA8]  }
0x2d: {  	s3 =	simm.s32 $0x108;
	s8 =	sld [smem:$0x3FA9]  }
0x2e: {  	s3 =	simm.s32 @!p0 $0x1082;
	s9 =	sld [smem:$0x3FAA]  }
0x2f: {  	lr =	sadd.s32 s0, s3;
	s0 =	sld [smem:$0x3FA1]  }
0x30: {  	s3 =	sld [smem:$0x3FA4]  }
0x31: {  	[smem:$0x3FAD] =	sst s10  }
0x32: {  	s10 =	sld [smem:$0x3FAB];
	_ =	sdelay $0x3  }
0x33: {  	p0 =	seq.s32 s10, $0x1;
	s10 =	sld [smem:$0x3FAD];
	_ =	sdelay $0x3  }
0x34: {  	[smem:$0x3FAD] =	sst s10  }
0x35: {  	s10 =	sld [smem:$0x3FAC];
	_ =	sdelay $0x3  }
0x36: {  	p1 =	seq.s32 s10, $0x1;
	s10 =	sld [smem:$0x3FAD];
	_ =	sdelay $0x3  }
0x37: {  	[smem:$0x3FAD] =	sst s10  }
0x38: {  	s10 =	sld [smem:$0x3FAE]  }
0x39: {  	_ = 	snop;
	(pc) =	sbr.ind lr, $3  }
0x3a: {  	_ = 	snop  }
0x3b: {  	_ = 	snop  }
0x3c: {  	p2 =	seq.s32 s10, $0x1;
	s10 =	sld [smem:$0x3FAD]  }
0x3d: {  	_ =	shalt  }
0x3e: {  	_ =	shalt  }
0x3f: {  	_ =	shalt  }
0x40: {  	_ =	shalt  }
0x41: {  	_ =	shalt  }
0x42: {  	_ =	shalt  }
0x43: {  	_ =	shalt  }
0x44: {  	_ =	shalt  }
0x45: {  	_ =	shalt  }
0x46: {  	_ =	shalt  }
0x47: {  	_ =	shalt  }
0x48: {  	_ =	shalt  }
0x49: {  	_ =	shalt  }
0x4a: {  	_ =	shalt  }
0x4b: {  	_ =	shalt  }
0x4c: {  	_ =	shalt  }
0x4d: {  	_ =	shalt  }
0x4e: {  	_ =	shalt  }
0x4f: {  	_ =	shalt  }
0x50: {  	_ =	shalt  }
0x51: {  	_ =	shalt  }
0x52: {  	_ =	shalt  }
0x53: {  	_ =	shalt  }
0x54: {  	_ =	shalt  }
0x55: {  	_ =	shalt  }
0x56: {  	_ =	shalt  }
0x57: {  	_ =	shalt  }
0x58: {  	_ =	shalt  }
0x59: {  	_ =	shalt  }
0x5a: {  	_ =	shalt  }
0x5b: {  	_ =	shalt  }
0x5c: {  	_ =	shalt  }
0x5d: {  	_ =	shalt  }
0x5e: {  	_ =	shalt  }
0x5f: {  	_ =	shalt  }
0x60: {  	_ =	shalt  }
0x61: {  	_ =	shalt  }
0x62: {  	_ =	shalt  }
0x63: {  	_ =	shalt  }
0x64: {  	_ =	shalt  }
0x65: {  	_ =	shalt  }
0x66: {  	_ =	shalt  }
0x67: {  	_ =	shalt  }
0x68: {  	_ =	shalt  }
0x69: {  	_ =	shalt  }
0x6a: {  	_ =	shalt  }
0x6b: {  	_ =	shalt  }
0x6c: {  	_ =	shalt  }
0x6d: {  	_ =	shalt  }
0x6e: {  	_ =	shalt  }
0x6f: {  	_ =	shalt  }
0x70: {  	_ =	shalt  }
0x71: {  	_ =	shalt  }
0x72: {  	_ =	shalt  }
0x73: {  	_ =	shalt  }
0x74: {  	_ =	shalt  }
0x75: {  	_ =	shalt  }
0x76: {  	_ =	shalt  }
0x77: {  	_ =	shalt  }
0x78: {  	_ =	shalt  }
0x79: {  	_ =	shalt  }
0x7a: {  	_ =	shalt  }
0x7b: {  	_ =	shalt  }
0x7c: {  	_ =	shalt  }
0x7d: {  	_ =	shalt  }
0x7e: {  	_ =	shalt  }
0x7f: {  	_ =	shalt  }
0x80: {  	_ =	shalt  }
0x81: {  	_ =	shalt  }
0x82: {  	_ =	shalt  }
0x83: {  	_ =	shalt  }
0x84: {  	_ =	shalt  }
0x85: {  	_ =	shalt  }
0x86: {  	_ =	shalt  }
0x87: {  	_ =	shalt  }
.Lfunc_end0:
.L_simem_size_0:
called_computation.1_lowered:
.L_overlay_start_0:
0x88: {  	s2 =	sld [smem:$0x3FD9]  }
0x89: {  	s3 =	sld [smem:$0x3FFE];
	_ =	sdelay $0x1  }
0x8a: {  	s1 =	srdreg.scid  }
0x8b: {  	s0 =	sand.u32 $0x1, s1  }
0x8c: {  	s16 =	sshll.u32 s0, $0xA;
	s2 =	sadd.s32 s3, s2  }
0x8d: {  	s2 =	sadd.s32 s2, s16  }
0x8e: {  	[smem:$0x3FB9] =	sst s2  }
0x8f: {  	_ = 	snop  }
0x90: {  	(tm) =	ssettm $0x1  }
0x91: {  	s17 =	sld [smem:$0x3FFB];
	_ =	sdelay $0x3  }
0x92: {  	_ =	strace s17  }
0x93: {  	s2 =	sld [smem:$0x3FFC];
	_ =	sdelay $0x3  }
0x94: {  	_ =	strace s2  }
0x95: {  	s2 =	sld [smem:$0x3FFD];
	_ =	sdelay $0x3  }
0x96: {  	_ =	strace s2  }
0x97: {  	_ =	strace $0x8FFFFFFF  }
0x98: {  	s18 =	sld [smem:$0x3FDB];
	_ =	sdelay $0x1  }
0x99: {  	s19 =	simm.s32 $_scs_section_size  }
0x9a: {  	s4 =	simm.s32 $_size__tile_overlayer_lowered;
	s5 =	simm.s32 $_tile_overlayer_lowered  }
0x9b: {  	s22 =	simm.s32 $0x1BFF;
	s21 =	sshll.u32 s5, $0x1;
	s2 =	sadd.s32 s19, s18  }
0x9c: {  	s6 =	simm.s32 $0x0;
	s20 =	sshll.u32 s4, $0x1;
	s4 =	sadd.s32 s21, s2  }
0x9d: {  	[timem:s6], [sflag:s22] =	dma.local [hbm:s4], s20  }
0x9e: {  	_ =	swait.ge [sflag:s22], s20  }
0x9f: {  	s3 =	ssub.s32 $0x0, s20;
	[sflag:s22] =	ssyncset.done $0x0  }
0xa0: {  	[sflag:s22] =	ssyncadd.s32 s3;
	_ =	sdelay $0x1  }
0xa1: {  	s23 =	simm.s32 $0x1B8B  }
0xa2: {  	_ =	swait.ge [sflag:s23], $0x1  }
0xa3: {  	[sflag:s23] =	ssyncset.done $0x0  }
0xa4: {  	s25 =	simm.s32 $0x1B8E;
	s24 =	sld [smem:$0x3FFE];
	[sflag:s23] =	ssyncadd.s32 $0xFFFFFFFF  }
0xa5: {  	s26 =	simm.s32 $execute0_lowered;
	[smem:$0x3FD2] =	sst s25  }
0xa6: {  	s4 =	sshll.u32 s26, $0x1;
	_ =	strace $0x80000049;
	[dreg:$0x1] =	wrdreg $0xFFFFFFFF  }
0xa7: {  	s28 =	simm.s32 $_size_execute0_lowered;
	s2 =	sadd.s32 s2, s4;
	[dreg:$0x0] =	wrdreg $0x0  }
0xa8: {  	s4 =	sshll.u32 s28, $0x1;
	[dreg:$0x2] =	wrdreg s2  }
0xa9: {  	[dreg:$0x3] =	wrdreg s4  }
0xaa: {  	[dreg:$0x4] =	wrdreg $0xC0  }
0xab: {  	_ =	task [dreg:s6], $0x5FFFF  }
0xac: {  	[dreg:$0x1] =	wrdreg $0xFFFFFFFF  }
0xad: {  	[dreg:$0x0] =	wrdreg $0x60  }
0xae: {  	[dreg:$0x2] =	wrdreg s24  }
0xaf: {  	[dreg:$0x3] =	wrdreg $0xCCC00  }
0xb0: {  	[dreg:$0x4] =	wrdreg $0x9  }
0xb1: {  	_ =	task.clear_ibuf [dreg:s6], $0x5FFFF;
	_ =	strace $0x90000049  }
0xb2: {  	s29 =	simm.s32 $0x9;
	_ =	strace $0x8000004B  }
0xb3: {  	_ =	swait.ge [sflag:s29], $0x1  }
0xb4: {  	[sflag:s29] =	ssyncadd.s32 $0xFFFFFFFF  }
0xb5: {  	_ =	strace $0x9000004B  }
0xb6: {  	_ =	sfence  }
0xb7: {  	s30 =	sld [smem:$0x0];
	_ =	sdelay $0x2  }
0xb8: {  	s31 =	sshll.u32 s1, $0xD;
	s1 =	sshrl.u32 s1, $0x2  }
0xb9: {  	s3 =	sand.u32 $0x4000, s31;
	s1 =	sadd.s32 s1, s30  }
0xba: {  	s0 =	sor.u32 s3, s0;
	s1 =	sshll.u32 s1, $0x11  }
0xbb: {  	s0 =	sor.u32 s1, s0  }
0xbc: {  	s0 =	sadd.s32 $0x8F2B, s0  }
0xbd: {  	[sflag:s0] =	ssyncadd.remote.s32 $0x1  }
0xbe: {  	_ =	sfence.sel $0xFFFF  }
0xbf: {  	[dreg:$0x0] =	wrdreg $0xFFFFFFFF;
	(pc) =	sbr.abs _section_cstart, $3  }
0xc0: {  	[dreg:$0x1] =	wrdreg $0xFFFFFFFF  }
0xc1: {  	_ =	task.clear_ibuf [dreg:s6], $0x2FFFF;
	_ =	strace $0x9FFFFFFF  }
0xc2: {  	(tm) =	ssettm $0x7FFFFFFF  }
0xc3: {  	_ =	shalt  }
tec
execute0_lowered:
.L_overlay_start_1:
0x0: {  	(tag) =	ssettag $0x1  }
0x1: {  	s0 =	rddreg [dreg:$0x0]  }
0x2: {  	s2 =	rddreg [dreg:$0x1]  }
0x3: {  	s1 =	srdreg.scid;
	s12 =	stileid.u32  }
0x4: {  	s3 =	simm.s32 $0x0;
	s29 =	simm.s32 $0x5;
	s31 =	simm.s32 $0x80  }
0x5: {  	s30 =	simm.s32 $0x180;
	s1 =	sand.u32 $0x1, s1;
	s5 =	smul.u32 $0x12100, s12  }
0x6: {  	[smem:$0x7FF] =	sst s3;
	s7 =	sadd.s32 $0x1E000, s0;
	s10 =	smul.u32 $0x48400, s12  }
0x7: {  	s8 =	sadd.s32 $0x1E00, s0;
	s4 =	sadd.s32 $0x281200, s0;
	s13 =	smul.u32 $0xC800, s12  }
0x8: {  	s11 =	sshll.u32 s12, $0x1;
	s6 =	smul.u32 $0x121000, s1;
	_ =	strace $0x8000004A  }
0x9: {  	s9 =	ssub.s32 $0x2, s1;
	s26 =	sor.u32 s1, s11;
	s1 =	smul.u32 $0x6400, s1  }
0xa: {  	s25 =	sshrl.u32 s9, $0x1;
	s10 =	sshrl.u32 s10, $0x2;
	s6 =	sadd.s32 s5, s6  }
0xb: {  	s5 =	sadd.s32 s5, s2;
	s28 =	sadd.s32 s10, s2;
	s1 =	sadd.s32 s1, s13  }
0xc: {  	s6 =	sshrl.u32 s6, $0x3;
	[dreg:$0x3] =	wrdreg s5;
	s10 =	sadd.s32 $0x4840, s28  }
0xd: {  	s11 =	sadd.s32 $0x9080, s28;
	s5 =	sadd.s32 $0xD8C0, s28;
	s19 =	sor.u32 $0x300, s1  }
0xe: {  	s21 =	sor.u32 $0x280, s1;
	s23 =	sor.u32 $0x200, s1;
	[dreg:$0x4] =	wrdreg s10  }
0xf: {  	s1 =	sor.u32 $0x180, s1;
	s0 =	sadd.s32 s6, s0;
	[dreg:$0x5] =	wrdreg s11  }
0x10: {  	s6 =	ssub.s32 s9, s25;
	s9 =	smul.u32 $0x6400, s26;
	[dreg:$0x6] =	wrdreg s5  }
0x11: {  	s20 =	sshrl.u32 s19, $0x3;
	s22 =	sshrl.u32 s21, $0x3;
	s24 =	sshrl.u32 s23, $0x3  }
0x12: {  	s1 =	sshrl.u32 s1, $0x3;
	s23 =	simm.s32 $0x480;
	s25 =	sadd.s32 $0x2E2E00, s0  }
0x13: {  	s10 =	simm.s32 $0x4;
	s26 =	sadd.s32 $0x32B200, s0;
	[dreg:$0xd] =	wrdreg s25  }
0x14: {  	s19 =	sadd.s32 s24, s8;
	s0 =	sadd.s32 $0x373600, s0;
	[dreg:$0xe] =	wrdreg s26  }
0x15: {  	s21 =	sadd.s32 s1, s8;
	s28 =	smax.u32 s6, $0x1;
	[dreg:$0xf] =	wrdreg s0  }
0x16: {  	s6 =	simm.s32 $0x1;
	s14 =	sshrl.u32 s9, $0x3;
	[dreg:$0x10] =	wrdreg s28  }
0x17: {  	s26 =	simm.s32 $0x4480;
	s25 =	simm.s32 $0x6480;
	s9 =	sadd.s32 s7, s14  }
0x18: {  	s15 =	sadd.s32 s8, s14;
	s16 =	sor.u32 $0x10, s14;
	[dreg:$0x7] =	wrdreg s9  }
0x19: {  	s5 =	sor.u32 $0x20, s14;
	[dreg:$0x8] =	wrdreg s15;
	s17 =	sadd.s32 s7, s16  }
0x1a: {  	s9 =	sadd.s32 s8, s16;
	s18 =	sadd.s32 s7, s5;
	[dreg:$0x9] =	wrdreg s17  }
0x1b: {  	s5 =	sadd.s32 s8, s5;
	s15 =	sadd.s32 s20, s8;
	[dreg:$0xa] =	wrdreg s9  }
0x1c: {  	s16 =	sadd.s32 s20, s7;
	s20 =	sadd.s32 s24, s7;
	[dreg:$0xb] =	wrdreg s18  }
0x1d: {  	s24 =	simm.s32 $0x380;
	[dreg:$0xc] =	wrdreg s5;
	s17 =	sadd.s32 s22, s8  }
0x1e: {  	s18 =	sadd.s32 s22, s7;
	s22 =	sadd.s32 s1, s7;
	s7 =	simm.s32 $0x400  }
0x1f: {  	v0 =	vimm.f32 $0.0e+00;
	s8 =	simm.s32 $0x2;
	s9 =	simm.s32 $0x3;
	s1 =	simm.s32 $0x0  }
.LBB2_1:
0x20: {  	s5 =	sand.u32 $0x1FF00, s3  }
0x21: {  	[dreg:$0x11] =	wrdreg s1;
	s12 =	sand.u32 $0x30, s3;
	s13 =	sshrl.u32 s5, $0x2  }
0x22: {  	s5 =	simm.s32 $0x40;
	s13 =	sor.u32 s12, s13;
	s12 =	simm.s32 $0x0  }
.LBB2_2:
0x23: {  	p0 =	sne.s32 s5, $0x120C0  }
0x24: {  	[tilespmem:s13+$0x8480] =	vst v0;
	s12 =	sadd.s32 $0x10, s12;
	s13 =	smov.u32 s5;
	s5 =	sadd.s32 $0x40, s5  }
.Ltmp0:
0x25: {  	(pc) =	sbr.rel @p0 .LBB2_2-.Ltmp0, $4  }
0x26: {  	_ = 	snop  }
0x27: {  	s13 =	sand.u32 $0x1FF00, s13  }
0x28: {  	s14 =	sand.u32 $0x30, s12;
	s13 =	sshrl.u32 s13, $0x2  }
0x29: {  	s13 =	sor.u32 s14, s13  }
0x2a: {  	[tilespmem:s13+$0x8480] =	vst v0;
	s0 =	rddreg [dreg:$0x3];
	s5 =	simm.s32 $0x8480  }
0x2b: {  	[spmem:s0] =	stream.linear.scatter [tilespmem:s5], [sflag:$0x5], $0x4840, $0x38;
	[tilespmem:$0x1EDC0] =	vst v63  }
0x2c: {  	_ =	swait.ge [sflag:s29], $0x4840  }
0x2d: {  	[sflag:s29] =	ssyncset.done $0x0  }
0x2e: {  	s14 =	rddreg [dreg:$0x4];
	[sflag:s29] =	ssyncadd.s32 $0xFFFFB7C0  }
0x2f: {  	[spmem:s14] =	stream.linear.scatter [tilespmem:s5], [sflag:$0x5], $0x4840, $0x38;
	[tilespmem:$0x1EDC0] =	vst v63  }
0x30: {  	_ =	swait.ge [sflag:s29], $0x4840  }
0x31: {  	[sflag:s29] =	ssyncset.done $0x0  }
0x32: {  	s28 =	rddreg [dreg:$0x5];
	[sflag:s29] =	ssyncadd.s32 $0xFFFFB7C0  }
0x33: {  	[spmem:s28] =	stream.linear.scatter [tilespmem:s5], [sflag:$0x5], $0x4840, $0x38;
	[tilespmem:$0x1EDC0] =	vst v63  }
0x34: {  	_ =	swait.ge [sflag:s29], $0x4840  }
0x35: {  	[sflag:s29] =	ssyncset.done $0x0  }
0x36: {  	s1 =	rddreg [dreg:$0x6];
	[sflag:s29] =	ssyncadd.s32 $0xFFFFB7C0  }
0x37: {  	[spmem:s1] =	stream.linear.scatter [tilespmem:s5], [sflag:$0x5], $0x4840, $0x38;
	[tilespmem:$0x1EDC0] =	vst v63  }
0x38: {  	_ =	swait.ge [sflag:s29], $0x4840  }
0x39: {  	[sflag:s29] =	ssyncset.done $0x0  }
0x3a: {  	[sflag:s29] =	ssyncadd.s32 $0xFFFFB7C0  }
0x3b: {  	[bflag:$0x0] =	sbarrier.arrive $0xFFFF  }
0x3c: {  	s12 =	simm.s32 $0x0;
	s5 =	rddreg [dreg:$0x7]  }
0x3d: {  	[tilespmem:s12], [sflag:$0x5] =	stream.linear.gather [hbm4b:s5+s12], $0x80, $0x38;
	[tilespmem:$0x1EDC0] =	vst v63  }
0x3e: {  	_ =	swait.ge [sflag:s29], $0x80  }
0x3f: {  	[sflag:s29] =	ssyncset.done $0x0  }
0x40: {  	s13 =	simm.s32 $0x200;
	s11 =	rddreg [dreg:$0x8];
	[sflag:s29] =	ssyncadd.s32 $0xFFFFFF80  }
0x41: {  	[tilespmem:s13], [sflag:$0x5] =	stream.linear.gather [hbm4b:s11+s12], $0x80, $0x38;
	[tilespmem:$0x1EDC0] =	vst v63  }
0x42: {  	_ =	swait.ge [sflag:s29], $0x80  }
0x43: {  	[sflag:s29] =	ssyncset.done $0x0  }
0x44: {  	[sflag:s29] =	ssyncadd.s32 $0xFFFFFF80  }
0x45: {  	[tilespmem:s23], [sflag:$0x1] =	stream.indirect.gather [hbm4b:s4+s31], $0x40, s12, s31, $0xb8;
	[tilespmem:$0x1EDC0] =	vst v63  }
0x46: {  	s14 =	rddreg [dreg:$0x9]  }
0x47: {  	[tilespmem:s31], [sflag:$0x5] =	stream.linear.gather [hbm4b:s14+s12], $0x80, $0x38;
	[tilespmem:$0x1EDC0] =	vst v63  }
0x48: {  	_ =	swait.ge [sflag:s29], $0x80  }
0x49: {  	[sflag:s29] =	ssyncset.done $0x0  }
0x4a: {  	s1 =	simm.s32 $0x280;
	s28 =	rddreg [dreg:$0xa];
	[sflag:s29] =	ssyncadd.s32 $0xFFFFFF80  }
0x4b: {  	[tilespmem:s1], [sflag:$0x5] =	stream.linear.gather [hbm4b:s28+s12], $0x80, $0x38;
	[tilespmem:$0x1EDC0] =	vst v63  }
0x4c: {  	_ =	swait.ge [sflag:s29], $0x80  }
0x4d: {  	[sflag:s29] =	ssyncset.done $0x0  }
0x4e: {  	s1 =	simm.s32 $0x2480;
	[sflag:s29] =	ssyncadd.s32 $0xFFFFFF80  }
0x4f: {  	[tilespmem:s1], [sflag:$0x2] =	stream.indirect.gather [hbm4b:s4+s31], $0x40, s31, s31, $0xb8;
	[tilespmem:$0x1EDC0] =	vst v63  }
0x50: {  	s13 =	simm.s32 $0x100;
	s11 =	rddreg [dreg:$0xb]  }
0x51: {  	[tilespmem:s13], [sflag:$0x5] =	stream.linear.gather [hbm4b:s11+s12], $0x80, $0x38;
	[tilespmem:$0x1EDC0] =	vst v63  }
0x52: {  	_ =	swait.ge [sflag:s29], $0x80  }
0x53: {  	[sflag:s29] =	ssyncset.done $0x0  }
0x54: {  	s11 =	simm.s32 $0x300;
	s14 =	rddreg [dreg:$0xc];
	[sflag:s29] =	ssyncadd.s32 $0xFFFFFF80  }
0x55: {  	[tilespmem:s11], [sflag:$0x5] =	stream.linear.gather [hbm4b:s14+s12], $0x80, $0x38;
	[tilespmem:$0x1EDC0] =	vst v63  }
0x56: {  	_ =	swait.ge [sflag:s29], $0x80  }
0x57: {  	[sflag:s29] =	ssyncset.done $0x0  }
0x58: {  	[sflag:s29] =	ssyncadd.s32 $0xFFFFFF80  }
0x59: {  	[tilespmem:s26], [sflag:$0x3] =	stream.indirect.gather [hbm4b:s4+s31], $0x40, s13, s31, $0xb8;
	[tilespmem:$0x1EDC0] =	vst v63  }
0x5a: {  	s26 =	sadd.s32 $0x0, s22  }
0x5b: {  	[tilespmem:s30], [sflag:$0x5] =	stream.linear.gather [hbm4b:s26+s3], $0x80, $0x38;
	[tilespmem:$0x1EDC0] =	vst v63  }
0x5c: {  	_ =	swait.ge [sflag:s29], $0x80  }
0x5d: {  	[sflag:s29] =	ssyncset.done $0x0  }
0x5e: {  	s28 =	sadd.s32 $0x0, s21;
	[sflag:s29] =	ssyncadd.s32 $0xFFFFFF80  }
0x5f: {  	[tilespmem:s24], [sflag:$0x5] =	stream.linear.gather [hbm4b:s28+s3], $0x80, $0x38;
	[tilespmem:$0x1EDC0] =	vst v63  }
0x60: {  	_ =	swait.ge [sflag:s29], $0x80  }
0x61: {  	[sflag:s29] =	ssyncset.done $0x0  }
0x62: {  	[sflag:s29] =	ssyncadd.s32 $0xFFFFFF80  }
0x63: {  	[tilespmem:s25], [sflag:$0x4] =	stream.indirect.gather [hbm4b:s4+s31], $0x40, s30, s31, $0xb8;
	[tilespmem:$0x1EDC0] =	vst v63  }
0x64: {  	v1 =	vld [tilespmem:$0x260]  }
0x65: {  	v2 =	vld [tilespmem:$0x200]  }
0x66: {  	v3 =	vld [tilespmem:$0x240]  }
0x67: {  	v4 =	vld [tilespmem:$0x210]  }
0x68: {  	v5 =	vld [tilespmem:$0x230]  }
0x69: {  	v7 =	vld [tilespmem:$0x220];
	v1 =	vmin.u32 v1, $0x4800  }
0x6a: {  	v6 =	vld [tilespmem:$0x250];
	v2 =	vmin.u32 v2, $0x4800;
	[tilespmem:$0x460] =	vst v1  }
0x6b: {  	v1 =	vld [tilespmem:$0x270];
	[tilespmem:$0x400] =	vst v2;
	v2 =	vmin.u32 v3, $0x4800  }
0x6c: {  	v3 =	vmin.u32 v4, $0x4800;
	[tilespmem:$0x440] =	vst v2  }
0x6d: {  	[tilespmem:$0x410] =	vst v3;
	v2 =	vmin.u32 v5, $0x4800  }
0x6e: {  	v3 =	vmin.u32 v7, $0x4800;
	[tilespmem:$0x430] =	vst v2  }
0x6f: {  	v2 =	vmin.u32 v6, $0x4800;
	[tilespmem:$0x420] =	vst v3  }
0x70: {  	[tilespmem:$0x450] =	vst v2;
	v1 =	vmin.u32 v1, $0x4800  }
0x71: {  	[tilespmem:$0x470] =	vst v1  }
0x72: {  	_ =	swait.ge [sflag:s6], $0x2000  }
0x73: {  	[sflag:s6] =	ssyncset.done $0x0  }
0x74: {  	[sflag:s6] =	ssyncadd.s32 $0xFFFFE000  }
0x75: {  	[spmem:s2] =	stream.indirect.scatter.add.f32 [tilespmem:s23], [sflag:$0x5], $0x40, s7, s31, $0xb8;
	[tilespmem:$0x1EDC0] =	vst v63  }
0x76: {  	p1 =	por $0x0, $0x0;
	_ =	swait.ge [sflag:s29], $0x2000  }
0x77: {  	s5 =	sadd.s32 @!p1 $0x0, s20;
	[sflag:s29] =	ssyncset.done $0x0  }
0x78: {  	s14 =	simm.s32 @!p1 $0x5;
	s24 =	simm.s32 @!p1 $0x0;
	[sflag:s29] =	ssyncadd.s32 $0xFFFFE000  }
0x79: {  	[tilespmem:s24], [sflag:$0x5] =	stream.linear.gather @!p1 [hbm4b:s5+s24], $0x80, $0x38;
	[tilespmem:$0x1EDC0] =	vst v63  }
0x7a: {  	_ =	swait.ge @!p1 [sflag:s14], $0x80  }
0x7b: {  	[sflag:s14] =	ssyncset.done @!p1 $0x0  }
0x7c: {  	s13 =	simm.s32 @!p1 $0x200;
	s5 =	sadd.s32 @!p1 $0x0, s19;
	[sflag:s14] =	ssyncadd.s32 @!p1 $0xFFFFFF80  }
0x7d: {  	[tilespmem:s13], [sflag:$0x5] =	stream.linear.gather @!p1 [hbm4b:s5+s24], $0x80, $0x38;
	[tilespmem:$0x1EDC0] =	vst v63  }
0x7e: {  	_ =	swait.ge @!p1 [sflag:s14], $0x80  }
0x7f: {  	[sflag:s14] =	ssyncset.done @!p1 $0x0  }
0x80: {  	s5 =	simm.s32 @!p1 $0x80;
	s13 =	simm.s32 @!p1 $0x480;
	[sflag:s14] =	ssyncadd.s32 @!p1 $0xFFFFFF80  }
0x81: {  	[tilespmem:s13], [sflag:$0x1] =	stream.indirect.gather @!p1 [hbm4b:s4+s5], $0x40, s24, s5, $0xb8;
	[tilespmem:$0x1EDC0] =	vst v63  }
0x82: {  	v1 =	vld [tilespmem:$0x280]  }
0x83: {  	v2 =	vld [tilespmem:$0x2F0]  }
0x84: {  	v3 =	vld [tilespmem:$0x2A0]  }
0x85: {  	v4 =	vld [tilespmem:$0x2B0]  }
0x86: {  	v5 =	vld [tilespmem:$0x2C0]  }
0x87: {  	v60 =	vld [tilespmem:$0x2D0];
	v1 =	vmin.u32 v1, $0x4800  }
0x88: {  	v61 =	vld [tilespmem:$0x290];
	v2 =	vmin.u32 v2, $0x4800;
	[tilespmem:$0x400] =	vst v1  }
0x89: {  	v3 =	vmin.u32 v3, $0x4800;
	v1 =	vld [tilespmem:$0x2E0];
	[tilespmem:$0x470] =	vst v2  }
0x8a: {  	[tilespmem:$0x420] =	vst v3;
	v2 =	vmin.u32 v4, $0x4800  }
0x8b: {  	[tilespmem:$0x430] =	vst v2;
	v2 =	vmin.u32 v5, $0x4800  }
0x8c: {  	[tilespmem:$0x440] =	vst v2;
	v2 =	vmin.u32 v60, $0x4800  }
0x8d: {  	[tilespmem:$0x450] =	vst v2;
	v2 =	vmin.u32 v61, $0x4800  }
0x8e: {  	[tilespmem:$0x410] =	vst v2;
	v1 =	vmin.u32 v1, $0x4800  }
0x8f: {  	[tilespmem:$0x460] =	vst v1  }
0x90: {  	_ =	swait.ge [sflag:s8], $0x2000  }
0x91: {  	[sflag:s8] =	ssyncset.done $0x0  }
0x92: {  	[sflag:s8] =	ssyncadd.s32 $0xFFFFE000  }
0x93: {  	[spmem:s2] =	stream.indirect.scatter.add.f32 [tilespmem:s1], [sflag:$0x5], $0x40, s7, s31, $0xb8;
	[tilespmem:$0x1EDC0] =	vst v63  }
0x94: {  	_ =	swait.ge [sflag:s29], $0x2000  }
0x95: {  	[sflag:s29] =	ssyncset.done $0x0  }
0x96: {  	s13 =	sadd.s32 @!p1 $0x0, s18;
	[sflag:s29] =	ssyncadd.s32 $0xFFFFE000  }
0x97: {  	[tilespmem:s5], [sflag:$0x5] =	stream.linear.gather @!p1 [hbm4b:s13+s24], $0x80, $0x38;
	[tilespmem:$0x1EDC0] =	vst v63  }
0x98: {  	_ =	swait.ge @!p1 [sflag:s14], $0x80  }
0x99: {  	[sflag:s14] =	ssyncset.done @!p1 $0x0  }
0x9a: {  	s28 =	simm.s32 @!p1 $0x280;
	s13 =	sadd.s32 @!p1 $0x0, s17;
	[sflag:s14] =	ssyncadd.s32 @!p1 $0xFFFFFF80  }
0x9b: {  	[tilespmem:s28], [sflag:$0x5] =	stream.linear.gather @!p1 [hbm4b:s13+s24], $0x80, $0x38;
	[tilespmem:$0x1EDC0] =	vst v63  }
0x9c: {  	_ =	swait.ge @!p1 [sflag:s14], $0x80  }
0x9d: {  	[sflag:s14] =	ssyncset.done @!p1 $0x0  }
0x9e: {  	s13 =	simm.s32 @!p1 $0x2480;
	[sflag:s14] =	ssyncadd.s32 @!p1 $0xFFFFFF80  }
0x9f: {  	[tilespmem:s13], [sflag:$0x2] =	stream.indirect.gather @!p1 [hbm4b:s4+s5], $0x40, s5, s5, $0xb8;
	[tilespmem:$0x1EDC0] =	vst v63  }
0xa0: {  	v1 =	vld [tilespmem:$0x350]  }
0xa1: {  	v2 =	vld [tilespmem:$0x300]  }
0xa2: {  	v3 =	vld [tilespmem:$0x320]  }
0xa3: {  	v4 =	vld [tilespmem:$0x370]  }
0xa4: {  	v5 =	vld [tilespmem:$0x360]  }
0xa5: {  	v62 =	vld [tilespmem:$0x330]  }
0xa6: {  	v63 =	vld [tilespmem:$0x310];
	v2 =	vmin.u32 v2, $0x4800  }
0xa7: {  	v1 =	vmin.u32 v1, $0x4800;
	[tilespmem:$0x400] =	vst v2  }
0xa8: {  	v2 =	vmin.u32 v3, $0x4800;
	[tilespmem:$0x450] =	vst v1;
	v1 =	vld [tilespmem:$0x340]  }
0xa9: {  	[tilespmem:$0x420] =	vst v2;
	v2 =	vmin.u32 v4, $0x4800  }
0xaa: {  	v4 =	vmin.u32 v62, $0x4800;
	[tilespmem:$0x470] =	vst v2  }
0xab: {  	s26 =	simm.s32 $0x4480;
	s23 =	simm.s32 $0x480;
	s13 =	simm.s32 $0x40;
	v3 =	vmin.u32 v5, $0x4800;
	v2 =	vmin.u32 v63, $0x4800;
	[tilespmem:$0x430] =	vst v4  }
.LBB2_4:
0xac: {  	[tilespmem:$0x460] =	vst v3;
	s28 =	smov.u32 s13;
	s13 =	sadd.s32 $0x40, s13  }
0xad: {  	v1 =	vmin.u32 v1, $0x4800;
	p0 =	sne.s32 s13, $0xC80;
	[tilespmem:$0x410] =	vst v2  }
0xae: {  	[tilespmem:$0x440] =	vst v1  }
0xaf: {  	_ =	swait.ge [sflag:s9], $0x2000  }
0xb0: {  	[sflag:s9] =	ssyncset.done $0x0  }
0xb1: {  	[sflag:s9] =	ssyncadd.s32 $0xFFFFE000  }
0xb2: {  	[spmem:s2] =	stream.indirect.scatter.add.f32 [tilespmem:s26], [sflag:$0x5], $0x40, s7, s31, $0xb8;
	[tilespmem:$0x1EDC0] =	vst v63  }
0xb3: {  	_ =	swait.ge [sflag:s29], $0x2000  }
0xb4: {  	[sflag:s29] =	ssyncset.done $0x0  }
0xb5: {  	s11 =	sadd.s32 @!p1 s12, s16;
	s0 =	simm.s32 @!p1 $0x100;
	[sflag:s29] =	ssyncadd.s32 $0xFFFFE000  }
0xb6: {  	[tilespmem:s0], [sflag:$0x5] =	stream.linear.gather @!p1 [hbm4b:s11+s24], $0x80, $0x38;
	[tilespmem:$0x1EDC0] =	vst v63  }
0xb7: {  	_ =	swait.ge @!p1 [sflag:s14], $0x80  }
0xb8: {  	[sflag:s14] =	ssyncset.done @!p1 $0x0  }
0xb9: {  	s11 =	sadd.s32 @!p1 s12, s15;
	s12 =	simm.s32 @!p1 $0x300;
	[sflag:s14] =	ssyncadd.s32 @!p1 $0xFFFFFF80  }
0xba: {  	[tilespmem:s12], [sflag:$0x5] =	stream.linear.gather @!p1 [hbm4b:s11+s24], $0x80, $0x38;
	[tilespmem:$0x1EDC0] =	vst v63  }
0xbb: {  	s12 =	smov.u32 s28;
	_ =	swait.ge @!p1 [sflag:s14], $0x80  }
0xbc: {  	[sflag:s14] =	ssyncset.done @!p1 $0x0  }
0xbd: {  	s11 =	simm.s32 @!p1 $0x4480;
	[sflag:s14] =	ssyncadd.s32 @!p1 $0xFFFFFF80  }
0xbe: {  	[tilespmem:s11], [sflag:$0x3] =	stream.indirect.gather @!p1 [hbm4b:s4+s5], $0x40, s0, s5, $0xb8;
	[tilespmem:$0x1EDC0] =	vst v63  }
0xbf: {  	v1 =	vld [tilespmem:$0x380]  }
0xc0: {  	v2 =	vld [tilespmem:$0x390]  }
0xc1: {  	v3 =	vld [tilespmem:$0x3A0]  }
0xc2: {  	v4 =	vld [tilespmem:$0x3B0]  }
0xc3: {  	v5 =	vld [tilespmem:$0x3C0]  }
0xc4: {  	v1 =	vmin.u32 v1, $0x4800;
	v6 =	vld [tilespmem:$0x3D0]  }
0xc5: {  	[tilespmem:$0x400] =	vst v1;
	v1 =	vmin.u32 v2, $0x4800;
	v2 =	vld [tilespmem:$0x3F0]  }
0xc6: {  	[tilespmem:$0x410] =	vst v1;
	v1 =	vmin.u32 v3, $0x4800  }
0xc7: {  	[tilespmem:$0x420] =	vst v1;
	v1 =	vmin.u32 v4, $0x4800  }
0xc8: {  	[tilespmem:$0x430] =	vst v1;
	v1 =	vmin.u32 v5, $0x4800;
	v3 =	vld [tilespmem:$0x3E0]  }
0xc9: {  	[tilespmem:$0x440] =	vst v1;
	v1 =	vmin.u32 v6, $0x4800  }
0xca: {  	[tilespmem:$0x450] =	vst v1;
	v1 =	vmin.u32 v2, $0x4800  }
0xcb: {  	[tilespmem:$0x470] =	vst v1;
	_ =	sdelay $0x1  }
0xcc: {  	s0 =	sadd.s32 s12, s22;
	v1 =	vmin.u32 v3, $0x4800  }
0xcd: {  	[tilespmem:$0x460] =	vst v1  }
0xce: {  	_ =	swait.ge [sflag:s10], $0x2000  }
0xcf: {  	[sflag:s10] =	ssyncset.done $0x0  }
0xd0: {  	[sflag:s10] =	ssyncadd.s32 $0xFFFFE000  }
0xd1: {  	[spmem:s2] =	stream.indirect.scatter.add.f32 [tilespmem:s25], [sflag:$0x5], $0x40, s7, s31, $0xb8;
	[tilespmem:$0x1EDC0] =	vst v63  }
0xd2: {  	_ =	swait.ge [sflag:s29], $0x2000  }
0xd3: {  	[sflag:s29] =	ssyncset.done $0x0  }
0xd4: {  	[sflag:s29] =	ssyncadd.s32 $0xFFFFE000;
	_ =	sdelay $0x1  }
0xd5: {  	[tilespmem:s30], [sflag:$0x5] =	stream.linear.gather [hbm4b:s0+s3], $0x80, $0x38;
	[tilespmem:$0x1EDC0] =	vst v63  }
0xd6: {  	_ =	swait.ge [sflag:s29], $0x80  }
0xd7: {  	[sflag:s29] =	ssyncset.done $0x0  }
0xd8: {  	s5 =	simm.s32 $0x380;
	s0 =	sadd.s32 s12, s21;
	[sflag:s29] =	ssyncadd.s32 $0xFFFFFF80  }
0xd9: {  	[tilespmem:s5], [sflag:$0x5] =	stream.linear.gather [hbm4b:s0+s3], $0x80, $0x38;
	[tilespmem:$0x1EDC0] =	vst v63  }
0xda: {  	_ =	swait.ge [sflag:s29], $0x80  }
0xdb: {  	[sflag:s29] =	ssyncset.done $0x0  }
0xdc: {  	[sflag:s29] =	ssyncadd.s32 $0xFFFFFF80  }
0xdd: {  	[tilespmem:s25], [sflag:$0x4] =	stream.indirect.gather [hbm4b:s4+s31], $0x40, s30, s31, $0xb8;
	[tilespmem:$0x1EDC0] =	vst v63  }
0xde: {  	v1 =	vld [tilespmem:$0x260]  }
0xdf: {  	v2 =	vld [tilespmem:$0x270]  }
0xe0: {  	v3 =	vld [tilespmem:$0x200]  }
0xe1: {  	v4 =	vld [tilespmem:$0x240]  }
0xe2: {  	v5 =	vld [tilespmem:$0x210]  }
0xe3: {  	v6 =	vld [tilespmem:$0x230]  }
0xe4: {  	v1 =	vmin.u32 v1, $0x4800;
	v7 =	vld [tilespmem:$0x250];
	v2 =	vmin.u32 v2, $0x4800  }
0xe5: {  	v3 =	vmin.u32 v3, $0x4800;
	v8 =	vld [tilespmem:$0x220];
	[tilespmem:$0x460] =	vst v1  }
0xe6: {  	[tilespmem:$0x400] =	vst v3;
	v1 =	vmin.u32 v4, $0x4800  }
0xe7: {  	v3 =	vmin.u32 v5, $0x4800;
	[tilespmem:$0x440] =	vst v1  }
0xe8: {  	[tilespmem:$0x410] =	vst v3;
	v1 =	vmin.u32 v6, $0x4800  }
0xe9: {  	[tilespmem:$0x430] =	vst v1;
	v1 =	vmin.u32 v7, $0x4800  }
0xea: {  	v3 =	vmin.u32 v8, $0x4800;
	[tilespmem:$0x450] =	vst v1  }
0xeb: {  	[tilespmem:$0x420] =	vst v3  }
0xec: {  	[tilespmem:$0x470] =	vst v2  }
0xed: {  	_ =	swait.ge [sflag:s6], $0x2000  }
0xee: {  	[sflag:s6] =	ssyncset.done $0x0  }
0xef: {  	p1 =	seq.s32 s12, $0xC40;
	[sflag:s6] =	ssyncadd.s32 $0xFFFFE000  }
0xf0: {  	[spmem:s2] =	stream.indirect.scatter.add.f32 [tilespmem:s23], [sflag:$0x5], $0x40, s7, s31, $0xb8;
	[tilespmem:$0x1EDC0] =	vst v63  }
0xf1: {  	s24 =	simm.s32 @!p1 $0x0;
	s0 =	sadd.s32 @!p1 s12, s20;
	_ =	swait.ge [sflag:s29], $0x2000  }
0xf2: {  	s14 =	simm.s32 @!p1 $0x5;
	[sflag:s29] =	ssyncset.done $0x0  }
0xf3: {  	[sflag:s29] =	ssyncadd.s32 $0xFFFFE000  }
0xf4: {  	[tilespmem:s24], [sflag:$0x5] =	stream.linear.gather @!p1 [hbm4b:s0+s24], $0x80, $0x38;
	[tilespmem:$0x1EDC0] =	vst v63  }
0xf5: {  	_ =	swait.ge @!p1 [sflag:s14], $0x80  }
0xf6: {  	s5 =	simm.s32 @!p1 $0x200;
	s0 =	sadd.s32 @!p1 s12, s19;
	[sflag:s14] =	ssyncset.done @!p1 $0x0  }
0xf7: {  	[sflag:s14] =	ssyncadd.s32 @!p1 $0xFFFFFF80  }
0xf8: {  	[tilespmem:s5], [sflag:$0x5] =	stream.linear.gather @!p1 [hbm4b:s0+s24], $0x80, $0x38;
	[tilespmem:$0x1EDC0] =	vst v63  }
0xf9: {  	_ =	swait.ge @!p1 [sflag:s14], $0x80  }
0xfa: {  	s5 =	simm.s32 @!p1 $0x80;
	s0 =	simm.s32 @!p1 $0x480;
	[sflag:s14] =	ssyncset.done @!p1 $0x0  }
0xfb: {  	[sflag:s14] =	ssyncadd.s32 @!p1 $0xFFFFFF80  }
0xfc: {  	[tilespmem:s0], [sflag:$0x1] =	stream.indirect.gather @!p1 [hbm4b:s4+s5], $0x40, s24, s5, $0xb8;
	[tilespmem:$0x1EDC0] =	vst v63  }
0xfd: {  	v1 =	vld [tilespmem:$0x280]  }
0xfe: {  	v2 =	vld [tilespmem:$0x2F0]  }
0xff: {  	v3 =	vld [tilespmem:$0x2A0]  }
0x100: {  	v4 =	vld [tilespmem:$0x2B0]  }
0x101: {  	v5 =	vld [tilespmem:$0x2C0]  }
0x102: {  	v1 =	vmin.u32 v1, $0x4800;
	v6 =	vld [tilespmem:$0x2D0]  }
0x103: {  	[tilespmem:$0x400] =	vst v1;
	v1 =	vld [tilespmem:$0x2E0];
	v2 =	vmin.u32 v2, $0x4800  }
0x104: {  	v7 =	vld [tilespmem:$0x290];
	v3 =	vmin.u32 v3, $0x4800;
	[tilespmem:$0x470] =	vst v2  }
0x105: {  	[tilespmem:$0x420] =	vst v3;
	v2 =	vmin.u32 v4, $0x4800  }
0x106: {  	[tilespmem:$0x430] =	vst v2;
	v2 =	vmin.u32 v5, $0x4800  }
0x107: {  	[tilespmem:$0x440] =	vst v2;
	v2 =	vmin.u32 v6, $0x4800  }
0x108: {  	[tilespmem:$0x450] =	vst v2;
	v1 =	vmin.u32 v1, $0x4800  }
0x109: {  	v2 =	vmin.u32 v7, $0x4800;
	[tilespmem:$0x460] =	vst v1  }
0x10a: {  	[tilespmem:$0x410] =	vst v2  }
0x10b: {  	_ =	swait.ge [sflag:s8], $0x2000  }
0x10c: {  	[sflag:s8] =	ssyncset.done $0x0  }
0x10d: {  	[sflag:s8] =	ssyncadd.s32 $0xFFFFE000  }
0x10e: {  	[spmem:s2] =	stream.indirect.scatter.add.f32 [tilespmem:s1], [sflag:$0x5], $0x40, s7, s31, $0xb8;
	[tilespmem:$0x1EDC0] =	vst v63  }
0x10f: {  	_ =	swait.ge [sflag:s29], $0x2000  }
0x110: {  	[sflag:s29] =	ssyncset.done $0x0  }
0x111: {  	s0 =	sadd.s32 @!p1 s12, s18;
	[sflag:s29] =	ssyncadd.s32 $0xFFFFE000  }
0x112: {  	[tilespmem:s5], [sflag:$0x5] =	stream.linear.gather @!p1 [hbm4b:s0+s24], $0x80, $0x38;
	[tilespmem:$0x1EDC0] =	vst v63  }
0x113: {  	_ =	swait.ge @!p1 [sflag:s14], $0x80  }
0x114: {  	[sflag:s14] =	ssyncset.done @!p1 $0x0  }
0x115: {  	s11 =	simm.s32 @!p1 $0x280;
	s0 =	sadd.s32 @!p1 s12, s17;
	[sflag:s14] =	ssyncadd.s32 @!p1 $0xFFFFFF80  }
0x116: {  	[tilespmem:s11], [sflag:$0x5] =	stream.linear.gather @!p1 [hbm4b:s0+s24], $0x80, $0x38;
	[tilespmem:$0x1EDC0] =	vst v63  }
0x117: {  	_ =	swait.ge @!p1 [sflag:s14], $0x80  }
0x118: {  	[sflag:s14] =	ssyncset.done @!p1 $0x0  }
0x119: {  	s0 =	simm.s32 @!p1 $0x2480;
	[sflag:s14] =	ssyncadd.s32 @!p1 $0xFFFFFF80  }
0x11a: {  	[tilespmem:s0], [sflag:$0x2] =	stream.indirect.gather @!p1 [hbm4b:s4+s5], $0x40, s5, s5, $0xb8;
	[tilespmem:$0x1EDC0] =	vst v63  }
0x11b: {  	v2 =	vld [tilespmem:$0x350]  }
0x11c: {  	v1 =	vld [tilespmem:$0x300]  }
0x11d: {  	v3 =	vld [tilespmem:$0x320]  }
0x11e: {  	v4 =	vld [tilespmem:$0x370]  }
0x11f: {  	v5 =	vld [tilespmem:$0x360]  }
0x120: {  	v6 =	vld [tilespmem:$0x330]  }
0x121: {  	v1 =	vmin.u32 v1, $0x4800;
	v7 =	vld [tilespmem:$0x310]  }
.Ltmp1:
0x122: {  	[tilespmem:$0x400] =	vst v1;
	v3 =	vmin.u32 v3, $0x4800;
	v1 =	vld [tilespmem:$0x340];
	(pc) =	sbr.rel @p0 .LBB2_4-.Ltmp1, $4  }
0x123: {  	v2 =	vmin.u32 v2, $0x4800;
	[tilespmem:$0x420] =	vst v3;
	v4 =	vmin.u32 v4, $0x4800  }
0x124: {  	[tilespmem:$0x450] =	vst v2  }
0x125: {  	v3 =	vmin.u32 v5, $0x4800;
	v6 =	vmin.u32 v6, $0x4800;
	[tilespmem:$0x470] =	vst v4  }
0x126: {  	v2 =	vmin.u32 v7, $0x4800;
	[tilespmem:$0x430] =	vst v6  }
0x127: {  	[tilespmem:$0x460] =	vst v3  }
0x128: {  	[tilespmem:$0x410] =	vst v2;
	v1 =	vmin.u32 v1, $0x4800  }
0x129: {  	[tilespmem:$0x440] =	vst v1  }
0x12a: {  	_ =	swait.ge [sflag:s9], $0x2000  }
0x12b: {  	[sflag:s9] =	ssyncset.done $0x0  }
0x12c: {  	s28 =	simm.s32 $0x4480;
	[sflag:s9] =	ssyncadd.s32 $0xFFFFE000  }
0x12d: {  	[spmem:s2] =	stream.indirect.scatter.add.f32 [tilespmem:s28], [sflag:$0x5], $0x40, s7, s31, $0xb8;
	[tilespmem:$0x1EDC0] =	vst v63  }
0x12e: {  	_ =	swait.ge [sflag:s29], $0x2000  }
0x12f: {  	[sflag:s29] =	ssyncset.done $0x0  }
0x130: {  	s0 =	sadd.s32 @!p1 s12, s16;
	s11 =	simm.s32 @!p1 $0x100;
	[sflag:s29] =	ssyncadd.s32 $0xFFFFE000  }
0x131: {  	[tilespmem:s11], [sflag:$0x5] =	stream.linear.gather @!p1 [hbm4b:s0+s24], $0x80, $0x38;
	[tilespmem:$0x1EDC0] =	vst v63  }
0x132: {  	_ =	swait.ge @!p1 [sflag:s14], $0x80  }
0x133: {  	[sflag:s14] =	ssyncset.done @!p1 $0x0  }
0x134: {  	s0 =	sadd.s32 @!p1 s12, s15;
	s12 =	simm.s32 @!p1 $0x300;
	[sflag:s14] =	ssyncadd.s32 @!p1 $0xFFFFFF80  }
0x135: {  	[tilespmem:s12], [sflag:$0x5] =	stream.linear.gather @!p1 [hbm4b:s0+s24], $0x80, $0x38;
	[tilespmem:$0x1EDC0] =	vst v63  }
0x136: {  	_ =	swait.ge @!p1 [sflag:s14], $0x80  }
0x137: {  	[sflag:s14] =	ssyncset.done @!p1 $0x0  }
0x138: {  	s0 =	simm.s32 @!p1 $0x4480;
	[sflag:s14] =	ssyncadd.s32 @!p1 $0xFFFFFF80  }
0x139: {  	[tilespmem:s0], [sflag:$0x3] =	stream.indirect.gather @!p1 [hbm4b:s4+s5], $0x40, s11, s5, $0xb8;
	[tilespmem:$0x1EDC0] =	vst v63  }
0x13a: {  	v1 =	vld [tilespmem:$0x380]  }
0x13b: {  	v2 =	vld [tilespmem:$0x390]  }
0x13c: {  	v3 =	vld [tilespmem:$0x3A0]  }
0x13d: {  	v4 =	vld [tilespmem:$0x3B0]  }
0x13e: {  	v5 =	vld [tilespmem:$0x3C0]  }
0x13f: {  	v6 =	vld [tilespmem:$0x3D0];
	v1 =	vmin.u32 v1, $0x4800  }
0x140: {  	[tilespmem:$0x400] =	vst v1;
	v1 =	vmin.u32 v2, $0x4800;
	v2 =	vld [tilespmem:$0x3F0]  }
0x141: {  	[tilespmem:$0x410] =	vst v1;
	v1 =	vmin.u32 v3, $0x4800;
	v3 =	vld [tilespmem:$0x3E0]  }
0x142: {  	[tilespmem:$0x420] =	vst v1;
	v1 =	vmin.u32 v4, $0x4800  }
0x143: {  	[tilespmem:$0x430] =	vst v1;
	v1 =	vmin.u32 v5, $0x4800  }
0x144: {  	[tilespmem:$0x440] =	vst v1;
	v1 =	vmin.u32 v6, $0x4800  }
0x145: {  	[tilespmem:$0x450] =	vst v1;
	v1 =	vmin.u32 v2, $0x4800  }
0x146: {  	[tilespmem:$0x470] =	vst v1;
	v1 =	vmin.u32 v3, $0x4800  }
0x147: {  	[tilespmem:$0x460] =	vst v1  }
0x148: {  	_ =	swait.ge [sflag:s10], $0x2000  }
0x149: {  	[sflag:s10] =	ssyncset.done $0x0  }
0x14a: {  	[sflag:s10] =	ssyncadd.s32 $0xFFFFE000  }
0x14b: {  	[spmem:s2] =	stream.indirect.scatter.add.f32 [tilespmem:s25], [sflag:$0x5], $0x40, s7, s31, $0xb8;
	[tilespmem:$0x1EDC0] =	vst v63  }
0x14c: {  	_ =	swait.ge [sflag:s29], $0x2000  }
0x14d: {  	[sflag:s29] =	ssyncset.done $0x0  }
0x14e: {  	[sflag:s29] =	ssyncadd.s32 $0xFFFFE000  }
0x14f: {  	s14 =	stileid.u32;
	[bflag:$0x0] =	sbarrier.arrive $0xFFFF  }
0x150: {  	s0 =	sshll.u32 s14, $0x6;
	s26 =	rddreg [dreg:$0x3]  }
0x151: {  	s24 =	sor.u32 $0x1C05, s0;
	s12 =	rddreg [dreg:$0xd]  }
0x152: {  	[dreg:$0x12] =	wrdreg s24;
	s13 =	sshrl.u32 s26, $0x3  }
0x153: {  	[hbm:s12], [sflag:s24] =	dma.local [spmem:s13], $0x2420  }
0x154: {  	_ =	swait.ge [sflag:s29], $0x2420  }
0x155: {  	[sflag:s29] =	ssyncset.done $0x0  }
0x156: {  	[sflag:s29] =	ssyncadd.s32 $0xFFFFDBE0  }
0x157: {  	s14 =	simm.s32 $0x8480;
	[bflag:$0x0] =	sbarrier.arrive $0xFFFF  }
0x158: {  	[spmem:s26] =	stream.linear.scatter [tilespmem:s14], [sflag:$0x5], $0x4840, $0x38;
	[tilespmem:$0x1EDC0] =	vst v63  }
0x159: {  	_ =	swait.ge [sflag:s29], $0x4840  }
0x15a: {  	[sflag:s29] =	ssyncset.done $0x0  }
0x15b: {  	s24 =	rddreg [dreg:$0x4];
	[sflag:s29] =	ssyncadd.s32 $0xFFFFB7C0  }
0x15c: {  	[spmem:s24] =	stream.linear.scatter [tilespmem:s14], [sflag:$0x5], $0x4840, $0x38;
	[tilespmem:$0x1EDC0] =	vst v63  }
0x15d: {  	_ =	swait.ge [sflag:s29], $0x4840  }
0x15e: {  	[sflag:s29] =	ssyncset.done $0x0  }
0x15f: {  	s26 =	rddreg [dreg:$0x5];
	[sflag:s29] =	ssyncadd.s32 $0xFFFFB7C0  }
0x160: {  	[spmem:s26] =	stream.linear.scatter [tilespmem:s14], [sflag:$0x5], $0x4840, $0x38;
	[tilespmem:$0x1EDC0] =	vst v63  }
0x161: {  	_ =	swait.ge [sflag:s29], $0x4840  }
0x162: {  	[sflag:s29] =	ssyncset.done $0x0  }
0x163: {  	s11 =	rddreg [dreg:$0x6];
	[sflag:s29] =	ssyncadd.s32 $0xFFFFB7C0  }
0x164: {  	[spmem:s11] =	stream.linear.scatter [tilespmem:s14], [sflag:$0x5], $0x4840, $0x38;
	[tilespmem:$0x1EDC0] =	vst v63  }
0x165: {  	_ =	swait.ge [sflag:s29], $0x4840  }
0x166: {  	[sflag:s29] =	ssyncset.done $0x0  }
0x167: {  	[sflag:s29] =	ssyncadd.s32 $0xFFFFB7C0  }
0x168: {  	[bflag:$0x0] =	sbarrier.arrive $0xFFFF  }
0x169: {  	s5 =	simm.s32 $0x0;
	s12 =	rddreg [dreg:$0x7]  }
0x16a: {  	[tilespmem:s5], [sflag:$0x5] =	stream.linear.gather [hbm4b:s12+s5], $0x80, $0x38;
	[tilespmem:$0x1EDC0] =	vst v63  }
0x16b: {  	_ =	swait.ge [sflag:s29], $0x80  }
0x16c: {  	[sflag:s29] =	ssyncset.done $0x0  }
0x16d: {  	s24 =	simm.s32 $0x200;
	s14 =	rddreg [dreg:$0x8];
	[sflag:s29] =	ssyncadd.s32 $0xFFFFFF80  }
0x16e: {  	[tilespmem:s24], [sflag:$0x5] =	stream.linear.gather [hbm4b:s14+s5], $0x80, $0x38;
	[tilespmem:$0x1EDC0] =	vst v63  }
0x16f: {  	_ =	swait.ge [sflag:s29], $0x80  }
0x170: {  	[sflag:s29] =	ssyncset.done $0x0  }
0x171: {  	[sflag:s29] =	ssyncadd.s32 $0xFFFFFF80  }
0x172: {  	[tilespmem:s23], [sflag:$0x1] =	stream.indirect.gather [hbm4b:s4+s31], $0x40, s5, s31, $0xb8;
	[tilespmem:$0x1EDC0] =	vst v63  }
0x173: {  	s26 =	rddreg [dreg:$0x9]  }
0x174: {  	[tilespmem:s31], [sflag:$0x5] =	stream.linear.gather [hbm4b:s26+s5], $0x80, $0x38;
	[tilespmem:$0x1EDC0] =	vst v63  }
0x175: {  	_ =	swait.ge [sflag:s29], $0x80  }
0x176: {  	[sflag:s29] =	ssyncset.done $0x0  }
0x177: {  	s12 =	simm.s32 $0x280;
	s11 =	rddreg [dreg:$0xa];
	[sflag:s29] =	ssyncadd.s32 $0xFFFFFF80  }
0x178: {  	[tilespmem:s12], [sflag:$0x5] =	stream.linear.gather [hbm4b:s11+s5], $0x80, $0x38;
	[tilespmem:$0x1EDC0] =	vst v63  }
0x179: {  	_ =	swait.ge [sflag:s29], $0x80  }
0x17a: {  	[sflag:s29] =	ssyncset.done $0x0  }
0x17b: {  	[sflag:s29] =	ssyncadd.s32 $0xFFFFFF80  }
0x17c: {  	[tilespmem:s1], [sflag:$0x2] =	stream.indirect.gather [hbm4b:s4+s31], $0x40, s31, s31, $0xb8;
	[tilespmem:$0x1EDC0] =	vst v63  }
0x17d: {  	s23 =	simm.s32 $0x100;
	s14 =	rddreg [dreg:$0xb]  }
0x17e: {  	[tilespmem:s23], [sflag:$0x5] =	stream.linear.gather [hbm4b:s14+s5], $0x80, $0x38;
	[tilespmem:$0x1EDC0] =	vst v63  }
0x17f: {  	_ =	swait.ge [sflag:s29], $0x80  }
0x180: {  	[sflag:s29] =	ssyncset.done $0x0  }
0x181: {  	s26 =	simm.s32 $0x300;
	s24 =	rddreg [dreg:$0xc];
	[sflag:s29] =	ssyncadd.s32 $0xFFFFFF80  }
0x182: {  	[tilespmem:s26], [sflag:$0x5] =	stream.linear.gather [hbm4b:s24+s5], $0x80, $0x38;
	[tilespmem:$0x1EDC0] =	vst v63  }
0x183: {  	_ =	swait.ge [sflag:s29], $0x80  }
0x184: {  	[sflag:s29] =	ssyncset.done $0x0  }
0x185: {  	[sflag:s29] =	ssyncadd.s32 $0xFFFFFF80  }
0x186: {  	[tilespmem:s28], [sflag:$0x3] =	stream.indirect.gather [hbm4b:s4+s31], $0x40, s23, s31, $0xb8;
	[tilespmem:$0x1EDC0] =	vst v63  }
0x187: {  	s1 =	simm.s32 $0x2480;
	s26 =	simm.s32 $0x4480;
	s23 =	simm.s32 $0x480  }
.LBB2_6:
0x188: {  	s0 =	sadd.s32 s5, s22  }
0x189: {  	[tilespmem:s30], [sflag:$0x5] =	stream.linear.gather [hbm4b:s0+s3], $0x80, $0x38;
	[tilespmem:$0x1EDC0] =	vst v63  }
0x18a: {  	_ =	swait.ge [sflag:s29], $0x80  }
0x18b: {  	[sflag:s29] =	ssyncset.done $0x0  }
0x18c: {  	s28 =	sadd.s32 s5, s21;
	s11 =	simm.s32 $0x380;
	[sflag:s29] =	ssyncadd.s32 $0xFFFFFF80  }
0x18d: {  	[tilespmem:s11], [sflag:$0x5] =	stream.linear.gather [hbm4b:s28+s3], $0x80, $0x38;
	[tilespmem:$0x1EDC0] =	vst v63  }
0x18e: {  	_ =	swait.ge [sflag:s29], $0x80  }
0x18f: {  	[sflag:s29] =	ssyncset.done $0x0  }
0x190: {  	[sflag:s29] =	ssyncadd.s32 $0xFFFFFF80  }
0x191: {  	[tilespmem:s25], [sflag:$0x4] =	stream.indirect.gather [hbm4b:s4+s31], $0x40, s30, s31, $0xb8;
	[tilespmem:$0x1EDC0] =	vst v63  }
0x192: {  	v1 =	vld [tilespmem:$0x200]  }
0x193: {  	v2 =	vld [tilespmem:$0x210]  }
0x194: {  	v3 =	vld [tilespmem:$0x220]  }
0x195: {  	v4 =	vld [tilespmem:$0x230]  }
0x196: {  	v5 =	vld [tilespmem:$0x240]  }
0x197: {  	v6 =	vld [tilespmem:$0x250];
	v1 =	vadd.s32 $0xFFFFB800, v1  }
0x198: {  	v7 =	vld [tilespmem:$0x260];
	v2 =	vadd.s32 $0xFFFFB800, v2;
	v1 =	vmin.u32 v1, $0x4800  }
0x199: {  	[tilespmem:$0x400] =	vst v1;
	v1 =	vmin.u32 v2, $0x4800;
	v2 =	vadd.s32 $0xFFFFB800, v3;
	v3 =	vld [tilespmem:$0x270]  }
0x19a: {  	[tilespmem:$0x410] =	vst v1;
	v1 =	vmin.u32 v2, $0x4800;
	v2 =	vadd.s32 $0xFFFFB800, v4  }
0x19b: {  	[tilespmem:$0x420] =	vst v1;
	v1 =	vmin.u32 v2, $0x4800;
	v2 =	vadd.s32 $0xFFFFB800, v5  }
0x19c: {  	[tilespmem:$0x430] =	vst v1;
	v1 =	vmin.u32 v2, $0x4800;
	v2 =	vadd.s32 $0xFFFFB800, v6  }
0x19d: {  	[tilespmem:$0x440] =	vst v1;
	v1 =	vmin.u32 v2, $0x4800;
	v2 =	vadd.s32 $0xFFFFB800, v7  }
0x19e: {  	[tilespmem:$0x450] =	vst v1;
	v1 =	vmin.u32 v2, $0x4800;
	v2 =	vadd.s32 $0xFFFFB800, v3  }
0x19f: {  	[tilespmem:$0x460] =	vst v1;
	v1 =	vmin.u32 v2, $0x4800  }
0x1a0: {  	[tilespmem:$0x470] =	vst v1  }
0x1a1: {  	_ =	swait.ge [sflag:s6], $0x2000  }
0x1a2: {  	[sflag:s6] =	ssyncset.done $0x0  }
0x1a3: {  	[sflag:s6] =	ssyncadd.s32 $0xFFFFE000  }
0x1a4: {  	[spmem:s2] =	stream.indirect.scatter.add.f32 [tilespmem:s23], [sflag:$0x5], $0x40, s7, s31, $0xb8;
	[tilespmem:$0x1EDC0] =	vst v63  }
0x1a5: {  	p0 =	seq.s32 s5, $0xC40;
	_ =	swait.ge [sflag:s29], $0x2000  }
0x1a6: {  	s0 =	sadd.s32 @!p0 s5, s20;
	[sflag:s29] =	ssyncset.done $0x0  }
0x1a7: {  	s24 =	simm.s32 @!p0 $0x0;
	s14 =	simm.s32 @!p0 $0x5;
	[sflag:s29] =	ssyncadd.s32 $0xFFFFE000  }
0x1a8: {  	[tilespmem:s24], [sflag:$0x5] =	stream.linear.gather @!p0 [hbm4b:s0+s24], $0x80, $0x38;
	[tilespmem:$0x1EDC0] =	vst v63  }
0x1a9: {  	_ =	swait.ge @!p0 [sflag:s14], $0x80  }
0x1aa: {  	[sflag:s14] =	ssyncset.done @!p0 $0x0  }
0x1ab: {  	s11 =	simm.s32 @!p0 $0x200;
	s0 =	sadd.s32 @!p0 s5, s19;
	[sflag:s14] =	ssyncadd.s32 @!p0 $0xFFFFFF80  }
0x1ac: {  	[tilespmem:s11], [sflag:$0x5] =	stream.linear.gather @!p0 [hbm4b:s0+s24], $0x80, $0x38;
	[tilespmem:$0x1EDC0] =	vst v63  }
0x1ad: {  	_ =	swait.ge @!p0 [sflag:s14], $0x80  }
0x1ae: {  	[sflag:s14] =	ssyncset.done @!p0 $0x0  }
0x1af: {  	s28 =	simm.s32 @!p0 $0x80;
	s0 =	simm.s32 @!p0 $0x480;
	[sflag:s14] =	ssyncadd.s32 @!p0 $0xFFFFFF80  }
0x1b0: {  	[tilespmem:s0], [sflag:$0x1] =	stream.indirect.gather @!p0 [hbm4b:s4+s28], $0x40, s24, s28, $0xb8;
	[tilespmem:$0x1EDC0] =	vst v63  }
0x1b1: {  	v1 =	vld [tilespmem:$0x280]  }
0x1b2: {  	v2 =	vld [tilespmem:$0x290]  }
0x1b3: {  	v3 =	vld [tilespmem:$0x2A0]  }
0x1b4: {  	v52 =	vld [tilespmem:$0x2B0]  }
0x1b5: {  	v53 =	vld [tilespmem:$0x2C0]  }
0x1b6: {  	v54 =	vld [tilespmem:$0x2D0];
	v1 =	vadd.s32 $0xFFFFB800, v1  }
0x1b7: {  	v55 =	vld [tilespmem:$0x2E0];
	v2 =	vadd.s32 $0xFFFFB800, v2;
	v1 =	vmin.u32 v1, $0x4800  }
0x1b8: {  	[tilespmem:$0x400] =	vst v1;
	v1 =	vmin.u32 v2, $0x4800;
	v2 =	vadd.s32 $0xFFFFB800, v3;
	v3 =	vld [tilespmem:$0x2F0]  }
0x1b9: {  	[tilespmem:$0x410] =	vst v1;
	v1 =	vmin.u32 v2, $0x4800;
	v2 =	vadd.s32 $0xFFFFB800, v52  }
0x1ba: {  	[tilespmem:$0x420] =	vst v1;
	v1 =	vmin.u32 v2, $0x4800;
	v2 =	vadd.s32 $0xFFFFB800, v53  }
0x1bb: {  	[tilespmem:$0x430] =	vst v1;
	v1 =	vmin.u32 v2, $0x4800;
	v2 =	vadd.s32 $0xFFFFB800, v54  }
0x1bc: {  	[tilespmem:$0x440] =	vst v1;
	v1 =	vmin.u32 v2, $0x4800;
	v2 =	vadd.s32 $0xFFFFB800, v55  }
0x1bd: {  	[tilespmem:$0x450] =	vst v1;
	v1 =	vmin.u32 v2, $0x4800;
	v2 =	vadd.s32 $0xFFFFB800, v3  }
0x1be: {  	[tilespmem:$0x460] =	vst v1;
	v1 =	vmin.u32 v2, $0x4800  }
0x1bf: {  	[tilespmem:$0x470] =	vst v1  }
0x1c0: {  	_ =	swait.ge [sflag:s8], $0x2000  }
0x1c1: {  	[sflag:s8] =	ssyncset.done $0x0  }
0x1c2: {  	[sflag:s8] =	ssyncadd.s32 $0xFFFFE000  }
0x1c3: {  	[spmem:s2] =	stream.indirect.scatter.add.f32 [tilespmem:s1], [sflag:$0x5], $0x40, s7, s31, $0xb8;
	[tilespmem:$0x1EDC0] =	vst v63  }
0x1c4: {  	_ =	swait.ge [sflag:s29], $0x2000  }
0x1c5: {  	[sflag:s29] =	ssyncset.done $0x0  }
0x1c6: {  	s0 =	sadd.s32 @!p0 s5, s18;
	[sflag:s29] =	ssyncadd.s32 $0xFFFFE000  }
0x1c7: {  	[tilespmem:s28], [sflag:$0x5] =	stream.linear.gather @!p0 [hbm4b:s0+s24], $0x80, $0x38;
	[tilespmem:$0x1EDC0] =	vst v63  }
0x1c8: {  	_ =	swait.ge @!p0 [sflag:s14], $0x80  }
0x1c9: {  	[sflag:s14] =	ssyncset.done @!p0 $0x0  }
0x1ca: {  	s11 =	simm.s32 @!p0 $0x280;
	s0 =	sadd.s32 @!p0 s5, s17;
	[sflag:s14] =	ssyncadd.s32 @!p0 $0xFFFFFF80  }
0x1cb: {  	[tilespmem:s11], [sflag:$0x5] =	stream.linear.gather @!p0 [hbm4b:s0+s24], $0x80, $0x38;
	[tilespmem:$0x1EDC0] =	vst v63  }
0x1cc: {  	_ =	swait.ge @!p0 [sflag:s14], $0x80  }
0x1cd: {  	[sflag:s14] =	ssyncset.done @!p0 $0x0  }
0x1ce: {  	s0 =	simm.s32 @!p0 $0x2480;
	[sflag:s14] =	ssyncadd.s32 @!p0 $0xFFFFFF80  }
0x1cf: {  	[tilespmem:s0], [sflag:$0x2] =	stream.indirect.gather @!p0 [hbm4b:s4+s28], $0x40, s28, s28, $0xb8;
	[tilespmem:$0x1EDC0] =	vst v63  }
0x1d0: {  	v1 =	vld [tilespmem:$0x300]  }
0x1d1: {  	v2 =	vld [tilespmem:$0x310]  }
0x1d2: {  	v3 =	vld [tilespmem:$0x320]  }
0x1d3: {  	v56 =	vld [tilespmem:$0x330]  }
0x1d4: {  	v57 =	vld [tilespmem:$0x340]  }
0x1d5: {  	v58 =	vld [tilespmem:$0x350];
	v1 =	vadd.s32 $0xFFFFB800, v1  }
0x1d6: {  	v59 =	vld [tilespmem:$0x360];
	v2 =	vadd.s32 $0xFFFFB800, v2;
	v1 =	vmin.u32 v1, $0x4800  }
0x1d7: {  	[tilespmem:$0x400] =	vst v1;
	v1 =	vmin.u32 v2, $0x4800;
	v2 =	vadd.s32 $0xFFFFB800, v3;
	v3 =	vld [tilespmem:$0x370]  }
0x1d8: {  	[tilespmem:$0x410] =	vst v1;
	v1 =	vmin.u32 v2, $0x4800;
	v2 =	vadd.s32 $0xFFFFB800, v56  }
0x1d9: {  	[tilespmem:$0x420] =	vst v1;
	v1 =	vmin.u32 v2, $0x4800;
	v2 =	vadd.s32 $0xFFFFB800, v57  }
0x1da: {  	[tilespmem:$0x430] =	vst v1;
	v1 =	vmin.u32 v2, $0x4800;
	v2 =	vadd.s32 $0xFFFFB800, v58  }
0x1db: {  	[tilespmem:$0x440] =	vst v1;
	v1 =	vmin.u32 v2, $0x4800;
	v2 =	vadd.s32 $0xFFFFB800, v59  }
0x1dc: {  	[tilespmem:$0x450] =	vst v1;
	v1 =	vmin.u32 v2, $0x4800;
	v2 =	vadd.s32 $0xFFFFB800, v3  }
0x1dd: {  	[tilespmem:$0x460] =	vst v1;
	v1 =	vmin.u32 v2, $0x4800  }
0x1de: {  	[tilespmem:$0x470] =	vst v1  }
0x1df: {  	_ =	swait.ge [sflag:s9], $0x2000  }
0x1e0: {  	[sflag:s9] =	ssyncset.done $0x0  }
0x1e1: {  	[sflag:s9] =	ssyncadd.s32 $0xFFFFE000  }
0x1e2: {  	[spmem:s2] =	stream.indirect.scatter.add.f32 [tilespmem:s26], [sflag:$0x5], $0x40, s7, s31, $0xb8;
	[tilespmem:$0x1EDC0] =	vst v63  }
0x1e3: {  	_ =	swait.ge [sflag:s29], $0x2000  }
0x1e4: {  	[sflag:s29] =	ssyncset.done $0x0  }
0x1e5: {  	s11 =	simm.s32 @!p0 $0x100;
	s0 =	sadd.s32 @!p0 s5, s16;
	[sflag:s29] =	ssyncadd.s32 $0xFFFFE000  }
0x1e6: {  	[tilespmem:s11], [sflag:$0x5] =	stream.linear.gather @!p0 [hbm4b:s0+s24], $0x80, $0x38;
	[tilespmem:$0x1EDC0] =	vst v63  }
0x1e7: {  	_ =	swait.ge @!p0 [sflag:s14], $0x80  }
0x1e8: {  	[sflag:s14] =	ssyncset.done @!p0 $0x0  }
0x1e9: {  	s12 =	simm.s32 @!p0 $0x300;
	s0 =	sadd.s32 @!p0 s5, s15;
	[sflag:s14] =	ssyncadd.s32 @!p0 $0xFFFFFF80  }
0x1ea: {  	[tilespmem:s12], [sflag:$0x5] =	stream.linear.gather @!p0 [hbm4b:s0+s24], $0x80, $0x38;
	[tilespmem:$0x1EDC0] =	vst v63  }
0x1eb: {  	_ =	swait.ge @!p0 [sflag:s14], $0x80  }
0x1ec: {  	[sflag:s14] =	ssyncset.done @!p0 $0x0  }
0x1ed: {  	s0 =	simm.s32 @!p0 $0x4480;
	[sflag:s14] =	ssyncadd.s32 @!p0 $0xFFFFFF80  }
0x1ee: {  	[tilespmem:s0], [sflag:$0x3] =	stream.indirect.gather @!p0 [hbm4b:s4+s28], $0x40, s11, s28, $0xb8;
	[tilespmem:$0x1EDC0] =	vst v63  }
0x1ef: {  	v1 =	vld [tilespmem:$0x380]  }
0x1f0: {  	v2 =	vld [tilespmem:$0x390]  }
0x1f1: {  	v3 =	vld [tilespmem:$0x3A0]  }
0x1f2: {  	v60 =	vld [tilespmem:$0x3B0]  }
0x1f3: {  	v61 =	vld [tilespmem:$0x3C0]  }
0x1f4: {  	v62 =	vld [tilespmem:$0x3D0];
	v1 =	vadd.s32 $0xFFFFB800, v1  }
0x1f5: {  	v63 =	vld [tilespmem:$0x3E0];
	v2 =	vadd.s32 $0xFFFFB800, v2;
	v1 =	vmin.u32 v1, $0x4800  }
0x1f6: {  	[tilespmem:$0x400] =	vst v1;
	v1 =	vmin.u32 v2, $0x4800;
	v2 =	vadd.s32 $0xFFFFB800, v3;
	v3 =	vld [tilespmem:$0x3F0]  }
0x1f7: {  	[tilespmem:$0x410] =	vst v1;
	v1 =	vmin.u32 v2, $0x4800;
	v2 =	vadd.s32 $0xFFFFB800, v60  }
0x1f8: {  	[tilespmem:$0x420] =	vst v1;
	v1 =	vmin.u32 v2, $0x4800;
	v2 =	vadd.s32 $0xFFFFB800, v61  }
0x1f9: {  	[tilespmem:$0x430] =	vst v1;
	v1 =	vmin.u32 v2, $0x4800;
	v2 =	vadd.s32 $0xFFFFB800, v62  }
0x1fa: {  	[tilespmem:$0x440] =	vst v1;
	v1 =	vmin.u32 v2, $0x4800;
	v2 =	vadd.s32 $0xFFFFB800, v63  }
0x1fb: {  	[tilespmem:$0x450] =	vst v1;
	v1 =	vmin.u32 v2, $0x4800;
	v2 =	vadd.s32 $0xFFFFB800, v3  }
0x1fc: {  	[tilespmem:$0x460] =	vst v1;
	v1 =	vmin.u32 v2, $0x4800  }
0x1fd: {  	[tilespmem:$0x470] =	vst v1  }
0x1fe: {  	s5 =	sadd.s32 $0x40, s5;
	_ =	swait.ge [sflag:s10], $0x2000  }
0x1ff: {  	p0 =	sne.s32 s5, $0xC80;
	[sflag:s10] =	ssyncset.done $0x0  }
.Ltmp2:
0x200: {  	[sflag:s10] =	ssyncadd.s32 $0xFFFFE000;
	(pc) =	sbr.rel @p0 .LBB2_6-.Ltmp2, $4  }
0x201: {  	[spmem:s2] =	stream.indirect.scatter.add.f32 [tilespmem:s25], [sflag:$0x5], $0x40, s7, s31, $0xb8;
	[tilespmem:$0x1EDC0] =	vst v63  }
0x202: {  	_ =	swait.ge [sflag:s29], $0x2000  }
0x203: {  	[sflag:s29] =	ssyncset.done $0x0  }
0x204: {  	s23 =	simm.s32 $0x480;
	s1 =	simm.s32 $0x2480;
	[sflag:s29] =	ssyncadd.s32 $0xFFFFE000  }
0x205: {  	[bflag:$0x0] =	sbarrier.arrive $0xFFFF  }
0x206: {  	s0 =	rddreg [dreg:$0xe]  }
0x207: {  	s5 =	rddreg [dreg:$0x12]  }
0x208: {  	[hbm:s0], [sflag:s5] =	dma.local [spmem:s13], $0x2420  }
0x209: {  	_ =	swait.ge [sflag:s29], $0x2420  }
0x20a: {  	[sflag:s29] =	ssyncset.done $0x0  }
0x20b: {  	[sflag:s29] =	ssyncadd.s32 $0xFFFFDBE0  }
0x20c: {  	[bflag:$0x0] =	sbarrier.arrive $0xFFFF  }
0x20d: {  	s24 =	simm.s32 $0x8480;
	s14 =	rddreg [dreg:$0x3]  }
0x20e: {  	[spmem:s14] =	stream.linear.scatter [tilespmem:s24], [sflag:$0x5], $0x4840, $0x38;
	[tilespmem:$0x1EDC0] =	vst v63  }
0x20f: {  	_ =	swait.ge [sflag:s29], $0x4840  }
0x210: {  	[sflag:s29] =	ssyncset.done $0x0  }
0x211: {  	s28 =	rddreg [dreg:$0x4];
	[sflag:s29] =	ssyncadd.s32 $0xFFFFB7C0  }
0x212: {  	[spmem:s28] =	stream.linear.scatter [tilespmem:s24], [sflag:$0x5], $0x4840, $0x38;
	[tilespmem:$0x1EDC0] =	vst v63  }
0x213: {  	_ =	swait.ge [sflag:s29], $0x4840  }
0x214: {  	[sflag:s29] =	ssyncset.done $0x0  }
0x215: {  	s11 =	rddreg [dreg:$0x5];
	[sflag:s29] =	ssyncadd.s32 $0xFFFFB7C0  }
0x216: {  	[spmem:s11] =	stream.linear.scatter [tilespmem:s24], [sflag:$0x5], $0x4840, $0x38;
	[tilespmem:$0x1EDC0] =	vst v63  }
0x217: {  	_ =	swait.ge [sflag:s29], $0x4840  }
0x218: {  	[sflag:s29] =	ssyncset.done $0x0  }
0x219: {  	s12 =	rddreg [dreg:$0x6];
	[sflag:s29] =	ssyncadd.s32 $0xFFFFB7C0  }
0x21a: {  	[spmem:s12] =	stream.linear.scatter [tilespmem:s24], [sflag:$0x5], $0x4840, $0x38;
	[tilespmem:$0x1EDC0] =	vst v63  }
0x21b: {  	_ =	swait.ge [sflag:s29], $0x4840  }
0x21c: {  	[sflag:s29] =	ssyncset.done $0x0  }
0x21d: {  	[sflag:s29] =	ssyncadd.s32 $0xFFFFB7C0  }
0x21e: {  	[bflag:$0x0] =	sbarrier.arrive $0xFFFF  }
0x21f: {  	s5 =	simm.s32 $0x0;
	s14 =	rddreg [dreg:$0x7]  }
0x220: {  	[tilespmem:s5], [sflag:$0x5] =	stream.linear.gather [hbm4b:s14+s5], $0x80, $0x38;
	[tilespmem:$0x1EDC0] =	vst v63  }
0x221: {  	_ =	swait.ge [sflag:s29], $0x80  }
0x222: {  	[sflag:s29] =	ssyncset.done $0x0  }
0x223: {  	s11 =	simm.s32 $0x200;
	s24 =	rddreg [dreg:$0x8];
	[sflag:s29] =	ssyncadd.s32 $0xFFFFFF80  }
0x224: {  	[tilespmem:s11], [sflag:$0x5] =	stream.linear.gather [hbm4b:s24+s5], $0x80, $0x38;
	[tilespmem:$0x1EDC0] =	vst v63  }
0x225: {  	_ =	swait.ge [sflag:s29], $0x80  }
0x226: {  	[sflag:s29] =	ssyncset.done $0x0  }
0x227: {  	[sflag:s29] =	ssyncadd.s32 $0xFFFFFF80  }
0x228: {  	[tilespmem:s23], [sflag:$0x1] =	stream.indirect.gather [hbm4b:s4+s31], $0x40, s5, s31, $0xb8;
	[tilespmem:$0x1EDC0] =	vst v63  }
0x229: {  	s28 =	rddreg [dreg:$0x9]  }
0x22a: {  	[tilespmem:s31], [sflag:$0x5] =	stream.linear.gather [hbm4b:s28+s5], $0x80, $0x38;
	[tilespmem:$0x1EDC0] =	vst v63  }
0x22b: {  	_ =	swait.ge [sflag:s29], $0x80  }
0x22c: {  	[sflag:s29] =	ssyncset.done $0x0  }
0x22d: {  	s12 =	simm.s32 $0x280;
	s11 =	rddreg [dreg:$0xa];
	[sflag:s29] =	ssyncadd.s32 $0xFFFFFF80  }
0x22e: {  	[tilespmem:s12], [sflag:$0x5] =	stream.linear.gather [hbm4b:s11+s5], $0x80, $0x38;
	[tilespmem:$0x1EDC0] =	vst v63  }
0x22f: {  	_ =	swait.ge [sflag:s29], $0x80  }
0x230: {  	[sflag:s29] =	ssyncset.done $0x0  }
0x231: {  	[sflag:s29] =	ssyncadd.s32 $0xFFFFFF80  }
0x232: {  	[tilespmem:s1], [sflag:$0x2] =	stream.indirect.gather [hbm4b:s4+s31], $0x40, s31, s31, $0xb8;
	[tilespmem:$0x1EDC0] =	vst v63  }
0x233: {  	s24 =	simm.s32 $0x100;
	s14 =	rddreg [dreg:$0xb]  }
0x234: {  	[tilespmem:s24], [sflag:$0x5] =	stream.linear.gather [hbm4b:s14+s5], $0x80, $0x38;
	[tilespmem:$0x1EDC0] =	vst v63  }
0x235: {  	_ =	swait.ge [sflag:s29], $0x80  }
0x236: {  	[sflag:s29] =	ssyncset.done $0x0  }
0x237: {  	s12 =	simm.s32 $0x300;
	s28 =	rddreg [dreg:$0xc];
	[sflag:s29] =	ssyncadd.s32 $0xFFFFFF80  }
0x238: {  	[tilespmem:s12], [sflag:$0x5] =	stream.linear.gather [hbm4b:s28+s5], $0x80, $0x38;
	[tilespmem:$0x1EDC0] =	vst v63  }
0x239: {  	_ =	swait.ge [sflag:s29], $0x80  }
0x23a: {  	[sflag:s29] =	ssyncset.done $0x0  }
0x23b: {  	[sflag:s29] =	ssyncadd.s32 $0xFFFFFF80  }
0x23c: {  	[tilespmem:s26], [sflag:$0x3] =	stream.indirect.gather [hbm4b:s4+s31], $0x40, s24, s31, $0xb8;
	[tilespmem:$0x1EDC0] =	vst v63  }
0x23d: {  	s24 =	simm.s32 $0x380;
	s26 =	simm.s32 $0x4480  }
.LBB2_8:
0x23e: {  	s0 =	sadd.s32 s5, s22  }
0x23f: {  	[tilespmem:s30], [sflag:$0x5] =	stream.linear.gather [hbm4b:s0+s3], $0x80, $0x38;
	[tilespmem:$0x1EDC0] =	vst v63  }
0x240: {  	_ =	swait.ge [sflag:s29], $0x80  }
0x241: {  	[sflag:s29] =	ssyncset.done $0x0  }
0x242: {  	s28 =	sadd.s32 s5, s21;
	[sflag:s29] =	ssyncadd.s32 $0xFFFFFF80  }
0x243: {  	[tilespmem:s24], [sflag:$0x5] =	stream.linear.gather [hbm4b:s28+s3], $0x80, $0x38;
	[tilespmem:$0x1EDC0] =	vst v63  }
0x244: {  	_ =	swait.ge [sflag:s29], $0x80  }
0x245: {  	[sflag:s29] =	ssyncset.done $0x0  }
0x246: {  	[sflag:s29] =	ssyncadd.s32 $0xFFFFFF80  }
0x247: {  	[tilespmem:s25], [sflag:$0x4] =	stream.indirect.gather [hbm4b:s4+s31], $0x40, s30, s31, $0xb8;
	[tilespmem:$0x1EDC0] =	vst v63  }
0x248: {  	v1 =	vld [tilespmem:$0x200]  }
0x249: {  	v2 =	vld [tilespmem:$0x210]  }
0x24a: {  	v3 =	vld [tilespmem:$0x220]  }
0x24b: {  	v4 =	vld [tilespmem:$0x230]  }
0x24c: {  	v5 =	vld [tilespmem:$0x240]  }
0x24d: {  	v6 =	vld [tilespmem:$0x250];
	v1 =	vadd.s32 $0xFFFF7000, v1  }
0x24e: {  	v7 =	vld [tilespmem:$0x260];
	v2 =	vadd.s32 $0xFFFF7000, v2;
	v1 =	vmin.u32 v1, $0x4800  }
0x24f: {  	[tilespmem:$0x400] =	vst v1;
	v1 =	vmin.u32 v2, $0x4800;
	v2 =	vadd.s32 $0xFFFF7000, v3;
	v3 =	vld [tilespmem:$0x270]  }
0x250: {  	[tilespmem:$0x410] =	vst v1;
	v1 =	vmin.u32 v2, $0x4800;
	v2 =	vadd.s32 $0xFFFF7000, v4  }
0x251: {  	[tilespmem:$0x420] =	vst v1;
	v1 =	vmin.u32 v2, $0x4800;
	v2 =	vadd.s32 $0xFFFF7000, v5  }
0x252: {  	[tilespmem:$0x430] =	vst v1;
	v1 =	vmin.u32 v2, $0x4800;
	v2 =	vadd.s32 $0xFFFF7000, v6  }
0x253: {  	[tilespmem:$0x440] =	vst v1;
	v1 =	vmin.u32 v2, $0x4800;
	v2 =	vadd.s32 $0xFFFF7000, v7  }
0x254: {  	[tilespmem:$0x450] =	vst v1;
	v1 =	vmin.u32 v2, $0x4800;
	v2 =	vadd.s32 $0xFFFF7000, v3  }
0x255: {  	[tilespmem:$0x460] =	vst v1;
	v1 =	vmin.u32 v2, $0x4800  }
0x256: {  	[tilespmem:$0x470] =	vst v1  }
0x257: {  	_ =	swait.ge [sflag:s6], $0x2000  }
0x258: {  	[sflag:s6] =	ssyncset.done $0x0  }
0x259: {  	[sflag:s6] =	ssyncadd.s32 $0xFFFFE000  }
0x25a: {  	[spmem:s2] =	stream.indirect.scatter.add.f32 [tilespmem:s23], [sflag:$0x5], $0x40, s7, s31, $0xb8;
	[tilespmem:$0x1EDC0] =	vst v63  }
0x25b: {  	p0 =	seq.s32 s5, $0xC40;
	_ =	swait.ge [sflag:s29], $0x2000  }
0x25c: {  	s0 =	sadd.s32 @!p0 s5, s20;
	[sflag:s29] =	ssyncset.done $0x0  }
0x25d: {  	s14 =	simm.s32 @!p0 $0x5;
	s24 =	simm.s32 @!p0 $0x0;
	[sflag:s29] =	ssyncadd.s32 $0xFFFFE000  }
0x25e: {  	[tilespmem:s24], [sflag:$0x5] =	stream.linear.gather @!p0 [hbm4b:s0+s24], $0x80, $0x38;
	[tilespmem:$0x1EDC0] =	vst v63  }
0x25f: {  	_ =	swait.ge @!p0 [sflag:s14], $0x80  }
0x260: {  	[sflag:s14] =	ssyncset.done @!p0 $0x0  }
0x261: {  	s11 =	simm.s32 @!p0 $0x200;
	s0 =	sadd.s32 @!p0 s5, s19;
	[sflag:s14] =	ssyncadd.s32 @!p0 $0xFFFFFF80  }
0x262: {  	[tilespmem:s11], [sflag:$0x5] =	stream.linear.gather @!p0 [hbm4b:s0+s24], $0x80, $0x38;
	[tilespmem:$0x1EDC0] =	vst v63  }
0x263: {  	_ =	swait.ge @!p0 [sflag:s14], $0x80  }
0x264: {  	[sflag:s14] =	ssyncset.done @!p0 $0x0  }
0x265: {  	s28 =	simm.s32 @!p0 $0x80;
	s0 =	simm.s32 @!p0 $0x480;
	[sflag:s14] =	ssyncadd.s32 @!p0 $0xFFFFFF80  }
0x266: {  	[tilespmem:s0], [sflag:$0x1] =	stream.indirect.gather @!p0 [hbm4b:s4+s28], $0x40, s24, s28, $0xb8;
	[tilespmem:$0x1EDC0] =	vst v63  }
0x267: {  	v1 =	vld [tilespmem:$0x280]  }
0x268: {  	v2 =	vld [tilespmem:$0x290]  }
0x269: {  	v3 =	vld [tilespmem:$0x2A0]  }
0x26a: {  	v52 =	vld [tilespmem:$0x2B0]  }
0x26b: {  	v53 =	vld [tilespmem:$0x2C0]  }
0x26c: {  	v54 =	vld [tilespmem:$0x2D0];
	v1 =	vadd.s32 $0xFFFF7000, v1  }
0x26d: {  	v55 =	vld [tilespmem:$0x2E0];
	v2 =	vadd.s32 $0xFFFF7000, v2;
	v1 =	vmin.u32 v1, $0x4800  }
0x26e: {  	[tilespmem:$0x400] =	vst v1;
	v1 =	vmin.u32 v2, $0x4800;
	v2 =	vadd.s32 $0xFFFF7000, v3;
	v3 =	vld [tilespmem:$0x2F0]  }
0x26f: {  	[tilespmem:$0x410] =	vst v1;
	v1 =	vmin.u32 v2, $0x4800;
	v2 =	vadd.s32 $0xFFFF7000, v52  }
0x270: {  	[tilespmem:$0x420] =	vst v1;
	v1 =	vmin.u32 v2, $0x4800;
	v2 =	vadd.s32 $0xFFFF7000, v53  }
0x271: {  	[tilespmem:$0x430] =	vst v1;
	v1 =	vmin.u32 v2, $0x4800;
	v2 =	vadd.s32 $0xFFFF7000, v54  }
0x272: {  	[tilespmem:$0x440] =	vst v1;
	v1 =	vmin.u32 v2, $0x4800;
	v2 =	vadd.s32 $0xFFFF7000, v55  }
0x273: {  	[tilespmem:$0x450] =	vst v1;
	v1 =	vmin.u32 v2, $0x4800;
	v2 =	vadd.s32 $0xFFFF7000, v3  }
0x274: {  	[tilespmem:$0x460] =	vst v1;
	v1 =	vmin.u32 v2, $0x4800  }
0x275: {  	[tilespmem:$0x470] =	vst v1  }
0x276: {  	_ =	swait.ge [sflag:s8], $0x2000  }
0x277: {  	[sflag:s8] =	ssyncset.done $0x0  }
0x278: {  	[sflag:s8] =	ssyncadd.s32 $0xFFFFE000  }
0x279: {  	[spmem:s2] =	stream.indirect.scatter.add.f32 [tilespmem:s1], [sflag:$0x5], $0x40, s7, s31, $0xb8;
	[tilespmem:$0x1EDC0] =	vst v63  }
0x27a: {  	_ =	swait.ge [sflag:s29], $0x2000  }
0x27b: {  	[sflag:s29] =	ssyncset.done $0x0  }
0x27c: {  	s0 =	sadd.s32 @!p0 s5, s18;
	[sflag:s29] =	ssyncadd.s32 $0xFFFFE000  }
0x27d: {  	[tilespmem:s28], [sflag:$0x5] =	stream.linear.gather @!p0 [hbm4b:s0+s24], $0x80, $0x38;
	[tilespmem:$0x1EDC0] =	vst v63  }
0x27e: {  	_ =	swait.ge @!p0 [sflag:s14], $0x80  }
0x27f: {  	[sflag:s14] =	ssyncset.done @!p0 $0x0  }
0x280: {  	s11 =	simm.s32 @!p0 $0x280;
	s0 =	sadd.s32 @!p0 s5, s17;
	[sflag:s14] =	ssyncadd.s32 @!p0 $0xFFFFFF80  }
0x281: {  	[tilespmem:s11], [sflag:$0x5] =	stream.linear.gather @!p0 [hbm4b:s0+s24], $0x80, $0x38;
	[tilespmem:$0x1EDC0] =	vst v63  }
0x282: {  	_ =	swait.ge @!p0 [sflag:s14], $0x80  }
0x283: {  	[sflag:s14] =	ssyncset.done @!p0 $0x0  }
0x284: {  	s0 =	simm.s32 @!p0 $0x2480;
	[sflag:s14] =	ssyncadd.s32 @!p0 $0xFFFFFF80  }
0x285: {  	[tilespmem:s0], [sflag:$0x2] =	stream.indirect.gather @!p0 [hbm4b:s4+s28], $0x40, s28, s28, $0xb8;
	[tilespmem:$0x1EDC0] =	vst v63  }
0x286: {  	v1 =	vld [tilespmem:$0x300]  }
0x287: {  	v2 =	vld [tilespmem:$0x310]  }
0x288: {  	v3 =	vld [tilespmem:$0x320]  }
0x289: {  	v56 =	vld [tilespmem:$0x330]  }
0x28a: {  	v57 =	vld [tilespmem:$0x340]  }
0x28b: {  	v58 =	vld [tilespmem:$0x350];
	v1 =	vadd.s32 $0xFFFF7000, v1  }
0x28c: {  	v59 =	vld [tilespmem:$0x360];
	v2 =	vadd.s32 $0xFFFF7000, v2;
	v1 =	vmin.u32 v1, $0x4800  }
0x28d: {  	[tilespmem:$0x400] =	vst v1;
	v1 =	vmin.u32 v2, $0x4800;
	v2 =	vadd.s32 $0xFFFF7000, v3;
	v3 =	vld [tilespmem:$0x370]  }
0x28e: {  	[tilespmem:$0x410] =	vst v1;
	v1 =	vmin.u32 v2, $0x4800;
	v2 =	vadd.s32 $0xFFFF7000, v56  }
0x28f: {  	[tilespmem:$0x420] =	vst v1;
	v1 =	vmin.u32 v2, $0x4800;
	v2 =	vadd.s32 $0xFFFF7000, v57  }
0x290: {  	[tilespmem:$0x430] =	vst v1;
	v1 =	vmin.u32 v2, $0x4800;
	v2 =	vadd.s32 $0xFFFF7000, v58  }
0x291: {  	[tilespmem:$0x440] =	vst v1;
	v1 =	vmin.u32 v2, $0x4800;
	v2 =	vadd.s32 $0xFFFF7000, v59  }
0x292: {  	[tilespmem:$0x450] =	vst v1;
	v1 =	vmin.u32 v2, $0x4800;
	v2 =	vadd.s32 $0xFFFF7000, v3  }
0x293: {  	[tilespmem:$0x460] =	vst v1;
	v1 =	vmin.u32 v2, $0x4800  }
0x294: {  	[tilespmem:$0x470] =	vst v1  }
0x295: {  	_ =	swait.ge [sflag:s9], $0x2000  }
0x296: {  	[sflag:s9] =	ssyncset.done $0x0  }
0x297: {  	[sflag:s9] =	ssyncadd.s32 $0xFFFFE000  }
0x298: {  	[spmem:s2] =	stream.indirect.scatter.add.f32 [tilespmem:s26], [sflag:$0x5], $0x40, s7, s31, $0xb8;
	[tilespmem:$0x1EDC0] =	vst v63  }
0x299: {  	_ =	swait.ge [sflag:s29], $0x2000  }
0x29a: {  	[sflag:s29] =	ssyncset.done $0x0  }
0x29b: {  	s11 =	simm.s32 @!p0 $0x100;
	s0 =	sadd.s32 @!p0 s5, s16;
	[sflag:s29] =	ssyncadd.s32 $0xFFFFE000  }
0x29c: {  	[tilespmem:s11], [sflag:$0x5] =	stream.linear.gather @!p0 [hbm4b:s0+s24], $0x80, $0x38;
	[tilespmem:$0x1EDC0] =	vst v63  }
0x29d: {  	_ =	swait.ge @!p0 [sflag:s14], $0x80  }
0x29e: {  	[sflag:s14] =	ssyncset.done @!p0 $0x0  }
0x29f: {  	s12 =	simm.s32 @!p0 $0x300;
	s0 =	sadd.s32 @!p0 s5, s15;
	[sflag:s14] =	ssyncadd.s32 @!p0 $0xFFFFFF80  }
0x2a0: {  	[tilespmem:s12], [sflag:$0x5] =	stream.linear.gather @!p0 [hbm4b:s0+s24], $0x80, $0x38;
	[tilespmem:$0x1EDC0] =	vst v63  }
0x2a1: {  	_ =	swait.ge @!p0 [sflag:s14], $0x80  }
0x2a2: {  	[sflag:s14] =	ssyncset.done @!p0 $0x0  }
0x2a3: {  	s0 =	simm.s32 @!p0 $0x4480;
	[sflag:s14] =	ssyncadd.s32 @!p0 $0xFFFFFF80  }
0x2a4: {  	[tilespmem:s0], [sflag:$0x3] =	stream.indirect.gather @!p0 [hbm4b:s4+s28], $0x40, s11, s28, $0xb8;
	[tilespmem:$0x1EDC0] =	vst v63  }
0x2a5: {  	v1 =	vld [tilespmem:$0x380]  }
0x2a6: {  	v2 =	vld [tilespmem:$0x390]  }
0x2a7: {  	v3 =	vld [tilespmem:$0x3A0]  }
0x2a8: {  	v60 =	vld [tilespmem:$0x3B0]  }
0x2a9: {  	v61 =	vld [tilespmem:$0x3C0]  }
0x2aa: {  	v62 =	vld [tilespmem:$0x3D0];
	v1 =	vadd.s32 $0xFFFF7000, v1  }
0x2ab: {  	v63 =	vld [tilespmem:$0x3E0];
	v2 =	vadd.s32 $0xFFFF7000, v2;
	v1 =	vmin.u32 v1, $0x4800  }
0x2ac: {  	[tilespmem:$0x400] =	vst v1;
	v1 =	vmin.u32 v2, $0x4800;
	v2 =	vadd.s32 $0xFFFF7000, v3;
	v3 =	vld [tilespmem:$0x3F0]  }
0x2ad: {  	[tilespmem:$0x410] =	vst v1;
	v1 =	vmin.u32 v2, $0x4800;
	v2 =	vadd.s32 $0xFFFF7000, v60  }
0x2ae: {  	[tilespmem:$0x420] =	vst v1;
	v1 =	vmin.u32 v2, $0x4800;
	v2 =	vadd.s32 $0xFFFF7000, v61  }
0x2af: {  	[tilespmem:$0x430] =	vst v1;
	v1 =	vmin.u32 v2, $0x4800;
	v2 =	vadd.s32 $0xFFFF7000, v62  }
0x2b0: {  	[tilespmem:$0x440] =	vst v1;
	v1 =	vmin.u32 v2, $0x4800;
	v2 =	vadd.s32 $0xFFFF7000, v63  }
0x2b1: {  	[tilespmem:$0x450] =	vst v1;
	v1 =	vmin.u32 v2, $0x4800;
	v2 =	vadd.s32 $0xFFFF7000, v3  }
0x2b2: {  	[tilespmem:$0x460] =	vst v1;
	v1 =	vmin.u32 v2, $0x4800  }
0x2b3: {  	[tilespmem:$0x470] =	vst v1  }
0x2b4: {  	s5 =	sadd.s32 $0x40, s5;
	_ =	swait.ge [sflag:s10], $0x2000  }
0x2b5: {  	p0 =	sne.s32 s5, $0xC80;
	[sflag:s10] =	ssyncset.done $0x0  }
.Ltmp3:
0x2b6: {  	[sflag:s10] =	ssyncadd.s32 $0xFFFFE000;
	(pc) =	sbr.rel @p0 .LBB2_8-.Ltmp3, $4  }
0x2b7: {  	[spmem:s2] =	stream.indirect.scatter.add.f32 [tilespmem:s25], [sflag:$0x5], $0x40, s7, s31, $0xb8;
	[tilespmem:$0x1EDC0] =	vst v63  }
0x2b8: {  	_ =	swait.ge [sflag:s29], $0x2000  }
0x2b9: {  	s23 =	simm.s32 $0x480;
	[sflag:s29] =	ssyncset.done $0x0  }
0x2ba: {  	s1 =	simm.s32 $0x2480;
	s24 =	simm.s32 $0x380;
	[sflag:s29] =	ssyncadd.s32 $0xFFFFE000  }
0x2bb: {  	[bflag:$0x0] =	sbarrier.arrive $0xFFFF  }
0x2bc: {  	s0 =	rddreg [dreg:$0xf]  }
0x2bd: {  	s1 =	rddreg [dreg:$0x12]  }
0x2be: {  	[hbm:s0], [sflag:s1] =	dma.local [spmem:s13], $0x2420  }
0x2bf: {  	_ =	swait.ge [sflag:s29], $0x2420  }
0x2c0: {  	s14 =	rddreg [dreg:$0x11]  }
0x2c1: {  	s28 =	rddreg [dreg:$0x10];
	s1 =	sadd.s32 $0x1, s14  }
0x2c2: {  	p0 =	sne.s32 s1, s28  }
.Ltmp4:
0x2c3: {  	_ = 	snop;
	(pc) =	sbr.rel @p0 .LBB2_1-.Ltmp4, $3  }
0x2c4: {  	[sflag:s29] =	ssyncset.done $0x0  }
0x2c5: {  	[sflag:s29] =	ssyncadd.s32 $0xFFFFDBE0  }
0x2c6: {  	[bflag:$0x0] =	sbarrier.arrive $0xFFFF;
	_ =	sdelay $0x1  }
0x2c7: {  	_ =	sfence.sel $0x180000  }
0x2c8: {  	[bflag:$0x0] =	sbarrier.arrive $0xFFFF  }
0x2c9: {  	_ =	strace $0x9000004A  }
0x2ca: {  	s0 =	stileid.u32;
	[bflag:$0x2] =	sbarrier.arrive $0xFFFF  }
0x2cb: {  	p0 =	sne.s32 s0, $0x0;
	s0 =	rddreg [dreg:$0x2]  }
0x2cc: {  	s0 =	sadd.s32 @!p0 $0x100000, s0  }
0x2cd: {  	[sflag:s0] =	ssyncadd.tile.s32 @!p0 $0x1;
	_ =	shalt  }
.Lfunc_end2:
_tile_overlayer_lowered:
.L_overlay_start_2:
0x2ce: {  	(tag) =	ssettag $0x2  }
0x2cf: {  	s0 =	rddreg [dreg:$0x0];
	s2 =	stileid.u32  }
0x2d0: {  	s1 =	rddreg [dreg:$0x1];
	p0 =	sne.s32 s2, $0x0  }
0x2d1: {  	s3 =	rddreg [dreg:$0x2];
	[bflag:$0x3] =	sbarrier.arrive $0xFFFF;
	s2 =	simm.s32 @!p0 $0x1C05  }
0x2d2: {  	[timem:s3], [sflag:s2] =	dma.local @!p0 [hbm:s0], s1  }
0x2d3: {  	s0 =	simm.s32 @!p0 $0x5  }
0x2d4: {  	_ =	swait.ge @!p0 [sflag:s0], s1  }
0x2d5: {  	s1 =	ssub.s32 @!p0 $0x0, s1;
	[sflag:s0] =	ssyncset.done @!p0 $0x0  }
0x2d6: {  	[sflag:s0] =	ssyncadd.s32 @!p0 s1  }
0x2d7: {  	[bflag:$0x3] =	sbarrier.arrive $0xFFFF  }
0x2d8: {  	_ =	shalt  }

// kernel: kernel.8.cloned.1.call-start
scs
__scs_entry_jumppad:
0x0: {  	(pc) =	sbr.rel $0x88, $3  }
0x1: {  	(tag) =	ssettag $0x0;
	lr =	simm.s32 $0x1  }
0x2: {  	[smem:$0x3F92] =	sst lr;
	_ =	strace $0xD0000000  }
0x3: {  	_ = 	snop  }
0x4: {  	_ = 	snop  }
0x5: {  	_ = 	snop  }
0x6: {  	_ = 	snop  }
0x7: {  	_ = 	snop  }
__scs_overlays_trampoline_lowered:
0x8: {  	[smem:$0x3FA1] =	sst s0  }
0x9: {  	[smem:$0x3FA2] =	sst s1  }
0xa: {  	[smem:$0x3FA3] =	sst s2  }
0xb: {  	[smem:$0x3FA4] =	sst s3  }
0xc: {  	[smem:$0x3FA5] =	sst s4  }
0xd: {  	[smem:$0x3FA6] =	sst s5  }
0xe: {  	[smem:$0x3FA7] =	sst s6  }
0xf: {  	[smem:$0x3FA8] =	sst s7  }
0x10: {  	[smem:$0x3FA9] =	sst s8  }
0x11: {  	[smem:$0x3FAA] =	sst s9;
	s0 =	simm.s32 @!p0 $0x0  }
0x12: {  	s1 =	sld [smem:$0x3F90];
	s0 =	simm.s32 @p0 $0x1  }
0x13: {  	[smem:$0x3FAB] =	sst s0;
	s0 =	simm.s32 @!p1 $0x0  }
0x14: {  	s2 =	sld [smem:$0x3F8F];
	s0 =	simm.s32 @p1 $0x1  }
0x15: {  	[smem:$0x3FAC] =	sst s0;
	s0 =	simm.s32 @!p2 $0x0  }
0x16: {  	s3 =	sld [smem:$0x3FDB];
	s0 =	simm.s32 @p2 $0x1  }
0x17: {  	s4 =	simm.s32 $0x1BF5;
	[smem:$0x3FAE] =	sst s0  }
0x18: {  	s0 =	sld [smem:$0x3F91];
	_ =	swait.ge [sflag:s4], $0x0  }
0x19: {  	s7 =	sld [smem:$0x3F92]  }
0x1a: {  	s8 =	sadd.s32 $0xFFFFE003, lr  }
0x1b: {  	s9 =	sadd.s32 $0xFFFFFEF7, lr;
	s5 =	simm.s32 $0xFFFFFFFF;
	p2 =	slt.u32 s8, $0xFFFFF086  }
0x1c: {  	p1 =	slt.u32 s9, $0xF7A;
	s5 =	simm.s32 @!p2 $0x0  }
0x1d: {  	s5 =	simm.s32 @p1 $0x1;
	p0 =	seq.s32 s7, s2  }
0x1e: {  	s7 =	smul.u32 @!p0 $0xF7A, s2;
	p2 =	seq.s32 @!p0 s5, $0x0  }
0x1f: {  	s9 =	smul.u32 $0xF7A, s1;
	s8 =	simm.s32 @!p0 $0x1BF5;
	p2 =	por !p2, p0  }
0x20: {  	[sflag:s8] =	ssyncset.s32 @!p0 $0xFFFFF086;
	s6 =	sadd.s32 @!p0 s3, s7;
	s7 =	simm.s32 @!p0 $0x108  }
0x21: {  	s3 =	sadd.s32 s3, s9;
	s6 =	sadd.s32 @!p0 $0x88, s6;
	s7 =	simm.s32 @p2 $0x1082  }
0x22: {  	[simem:s7], [sflag:s8] =	dma.local @!p0 [hbm:s6], $0xF7A  }
0x23: {  	s9 =	sor.u32 $0xD0000000, s2;
	s6 =	simm.s32 $0x108;
	_ =	swait.ge @!p0 [sflag:s8], $0x0  }
0x24: {  	s3 =	sadd.s32 $0x88, s3;
	s6 =	simm.s32 @!p1 $0x1082;
	[sflag:s4] =	ssyncset.s32 $0xFFFFF086  }
0x25: {  	[simem:s6], [sflag:s4] =	dma.local [hbm:s3], $0xF7A  }
0x26: {  	[smem:$0x3F92] =	sst s1;
	(tag) =	ssettag s2;
	_ =	strace s9  }
0x27: {  	s1 =	sld [smem:$0x3FA2]  }
0x28: {  	s2 =	sld [smem:$0x3FA3]  }
0x29: {  	s4 =	sld [smem:$0x3FA5]  }
0x2a: {  	p0 =	seq.s32 s5, $0x0;
	s5 =	sld [smem:$0x3FA6]  }
0x2b: {  	s6 =	sld [smem:$0x3FA7]  }
0x2c: {  	s7 =	sld [smem:$0x3FA8]  }
0x2d: {  	s3 =	simm.s32 $0x108;
	s8 =	sld [smem:$0x3FA9]  }
0x2e: {  	s3 =	simm.s32 @!p0 $0x1082;
	s9 =	sld [smem:$0x3FAA]  }
0x2f: {  	lr =	sadd.s32 s0, s3;
	s0 =	sld [smem:$0x3FA1]  }
0x30: {  	s3 =	sld [smem:$0x3FA4]  }
0x31: {  	[smem:$0x3FAD] =	sst s10  }
0x32: {  	s10 =	sld [smem:$0x3FAB];
	_ =	sdelay $0x3  }
0x33: {  	p0 =	seq.s32 s10, $0x1;
	s10 =	sld [smem:$0x3FAD];
	_ =	sdelay $0x3  }
0x34: {  	[smem:$0x3FAD] =	sst s10  }
0x35: {  	s10 =	sld [smem:$0x3FAC];
	_ =	sdelay $0x3  }
0x36: {  	p1 =	seq.s32 s10, $0x1;
	s10 =	sld [smem:$0x3FAD];
	_ =	sdelay $0x3  }
0x37: {  	[smem:$0x3FAD] =	sst s10  }
0x38: {  	s10 =	sld [smem:$0x3FAE]  }
0x39: {  	_ = 	snop;
	(pc) =	sbr.ind lr, $3  }
0x3a: {  	_ = 	snop  }
0x3b: {  	_ = 	snop  }
0x3c: {  	p2 =	seq.s32 s10, $0x1;
	s10 =	sld [smem:$0x3FAD]  }
0x3d: {  	_ =	shalt  }
0x3e: {  	_ =	shalt  }
0x3f: {  	_ =	shalt  }
0x40: {  	_ =	shalt  }
0x41: {  	_ =	shalt  }
0x42: {  	_ =	shalt  }
0x43: {  	_ =	shalt  }
0x44: {  	_ =	shalt  }
0x45: {  	_ =	shalt  }
0x46: {  	_ =	shalt  }
0x47: {  	_ =	shalt  }
0x48: {  	_ =	shalt  }
0x49: {  	_ =	shalt  }
0x4a: {  	_ =	shalt  }
0x4b: {  	_ =	shalt  }
0x4c: {  	_ =	shalt  }
0x4d: {  	_ =	shalt  }
0x4e: {  	_ =	shalt  }
0x4f: {  	_ =	shalt  }
0x50: {  	_ =	shalt  }
0x51: {  	_ =	shalt  }
0x52: {  	_ =	shalt  }
0x53: {  	_ =	shalt  }
0x54: {  	_ =	shalt  }
0x55: {  	_ =	shalt  }
0x56: {  	_ =	shalt  }
0x57: {  	_ =	shalt  }
0x58: {  	_ =	shalt  }
0x59: {  	_ =	shalt  }
0x5a: {  	_ =	shalt  }
0x5b: {  	_ =	shalt  }
0x5c: {  	_ =	shalt  }
0x5d: {  	_ =	shalt  }
0x5e: {  	_ =	shalt  }
0x5f: {  	_ =	shalt  }
0x60: {  	_ =	shalt  }
0x61: {  	_ =	shalt  }
0x62: {  	_ =	shalt  }
0x63: {  	_ =	shalt  }
0x64: {  	_ =	shalt  }
0x65: {  	_ =	shalt  }
0x66: {  	_ =	shalt  }
0x67: {  	_ =	shalt  }
0x68: {  	_ =	shalt  }
0x69: {  	_ =	shalt  }
0x6a: {  	_ =	shalt  }
0x6b: {  	_ =	shalt  }
0x6c: {  	_ =	shalt  }
0x6d: {  	_ =	shalt  }
0x6e: {  	_ =	shalt  }
0x6f: {  	_ =	shalt  }
0x70: {  	_ =	shalt  }
0x71: {  	_ =	shalt  }
0x72: {  	_ =	shalt  }
0x73: {  	_ =	shalt  }
0x74: {  	_ =	shalt  }
0x75: {  	_ =	shalt  }
0x76: {  	_ =	shalt  }
0x77: {  	_ =	shalt  }
0x78: {  	_ =	shalt  }
0x79: {  	_ =	shalt  }
0x7a: {  	_ =	shalt  }
0x7b: {  	_ =	shalt  }
0x7c: {  	_ =	shalt  }
0x7d: {  	_ =	shalt  }
0x7e: {  	_ =	shalt  }
0x7f: {  	_ =	shalt  }
0x80: {  	_ =	shalt  }
0x81: {  	_ =	shalt  }
0x82: {  	_ =	shalt  }
0x83: {  	_ =	shalt  }
0x84: {  	_ =	shalt  }
0x85: {  	_ =	shalt  }
0x86: {  	_ =	shalt  }
0x87: {  	_ =	shalt  }
.Lfunc_end0:
.L_simem_size_0:
called_computation_lowered:
.L_overlay_start_0:
0x88: {  	s2 =	sld [smem:$0x3FD9]  }
0x89: {  	s3 =	sld [smem:$0x3FFE];
	_ =	sdelay $0x1  }
0x8a: {  	s1 =	srdreg.scid  }
0x8b: {  	s0 =	sand.u32 $0x1, s1  }
0x8c: {  	s16 =	sshll.u32 s0, $0xA;
	s2 =	sadd.s32 s3, s2  }
0x8d: {  	s2 =	sadd.s32 s2, s16  }
0x8e: {  	[smem:$0x3FB9] =	sst s2  }
0x8f: {  	_ = 	snop  }
0x90: {  	(tm) =	ssettm $0x1  }
0x91: {  	s17 =	sld [smem:$0x3FFB];
	_ =	sdelay $0x3  }
0x92: {  	_ =	strace s17  }
0x93: {  	s2 =	sld [smem:$0x3FFC];
	_ =	sdelay $0x3  }
0x94: {  	_ =	strace s2  }
0x95: {  	s2 =	sld [smem:$0x3FFD];
	_ =	sdelay $0x3  }
0x96: {  	_ =	strace s2  }
0x97: {  	_ =	strace $0x8FFFFFFF  }
0x98: {  	s18 =	sld [smem:$0x3FDB];
	_ =	sdelay $0x1  }
0x99: {  	s19 =	simm.s32 $_scs_section_size  }
0x9a: {  	s4 =	simm.s32 $_size__tile_overlayer_lowered;
	s5 =	simm.s32 $_tile_overlayer_lowered  }
0x9b: {  	s22 =	simm.s32 $0x1BFF;
	s21 =	sshll.u32 s5, $0x1;
	s2 =	sadd.s32 s19, s18  }
0x9c: {  	s6 =	simm.s32 $0x0;
	s20 =	sshll.u32 s4, $0x1;
	s4 =	sadd.s32 s21, s2  }
0x9d: {  	[timem:s6], [sflag:s22] =	dma.local [hbm:s4], s20  }
0x9e: {  	_ =	swait.ge [sflag:s22], s20  }
0x9f: {  	s3 =	ssub.s32 $0x0, s20;
	[sflag:s22] =	ssyncset.done $0x0  }
0xa0: {  	[sflag:s22] =	ssyncadd.s32 s3;
	_ =	sdelay $0x1  }
0xa1: {  	s23 =	simm.s32 $0x1B8B  }
0xa2: {  	_ =	swait.ge [sflag:s23], $0x1  }
0xa3: {  	[sflag:s23] =	ssyncset.done $0x0  }
0xa4: {  	s25 =	simm.s32 $0x1B8E;
	s24 =	sld [smem:$0x3FFE];
	[sflag:s23] =	ssyncadd.s32 $0xFFFFFFFF  }
0xa5: {  	s26 =	simm.s32 $execute0_lowered;
	[smem:$0x3FD2] =	sst s25  }
0xa6: {  	s4 =	sshll.u32 s26, $0x1;
	_ =	strace $0x80000046;
	[dreg:$0x1] =	wrdreg $0xFFFFFFFF  }
0xa7: {  	s28 =	simm.s32 $_size_execute0_lowered;
	s2 =	sadd.s32 s2, s4;
	[dreg:$0x0] =	wrdreg $0x0  }
0xa8: {  	s4 =	sshll.u32 s28, $0x1;
	[dreg:$0x2] =	wrdreg s2  }
0xa9: {  	[dreg:$0x3] =	wrdreg s4  }
0xaa: {  	[dreg:$0x4] =	wrdreg $0xC0  }
0xab: {  	_ =	task [dreg:s6], $0x5FFFF  }
0xac: {  	[dreg:$0x1] =	wrdreg $0xFFFFFFFF  }
0xad: {  	[dreg:$0x0] =	wrdreg $0x60  }
0xae: {  	[dreg:$0x2] =	wrdreg s24  }
0xaf: {  	[dreg:$0x3] =	wrdreg $0xD800  }
0xb0: {  	[dreg:$0x4] =	wrdreg $0x9  }
0xb1: {  	_ =	task.clear_ibuf [dreg:s6], $0x5FFFF;
	_ =	strace $0x90000046  }
0xb2: {  	s29 =	simm.s32 $0x9;
	_ =	strace $0x80000048  }
0xb3: {  	_ =	swait.ge [sflag:s29], $0x1  }
0xb4: {  	[sflag:s29] =	ssyncadd.s32 $0xFFFFFFFF  }
0xb5: {  	_ =	strace $0x90000048  }
0xb6: {  	_ =	sfence  }
0xb7: {  	s30 =	sld [smem:$0x0];
	_ =	sdelay $0x2  }
0xb8: {  	s31 =	sshll.u32 s1, $0xD;
	s1 =	sshrl.u32 s1, $0x2  }
0xb9: {  	s3 =	sand.u32 $0x4000, s31;
	s1 =	sadd.s32 s1, s30  }
0xba: {  	s0 =	sor.u32 s3, s0;
	s1 =	sshll.u32 s1, $0x11  }
0xbb: {  	s0 =	sor.u32 s1, s0  }
0xbc: {  	s0 =	sadd.s32 $0x8F2B, s0  }
0xbd: {  	[sflag:s0] =	ssyncadd.remote.s32 $0x1  }
0xbe: {  	_ =	sfence.sel $0xFFFF  }
0xbf: {  	[dreg:$0x0] =	wrdreg $0xFFFFFFFF;
	(pc) =	sbr.abs _section_cstart, $3  }
0xc0: {  	[dreg:$0x1] =	wrdreg $0xFFFFFFFF  }
0xc1: {  	_ =	task.clear_ibuf [dreg:s6], $0x2FFFF;
	_ =	strace $0x9FFFFFFF  }
0xc2: {  	(tm) =	ssettm $0x7FFFFFFF  }
0xc3: {  	_ =	shalt  }
tec
execute0_lowered:
.L_overlay_start_1:
0x0: {  	(tag) =	ssettag $0x1  }
0x1: {  	s4 =	rddreg [dreg:$0x0]  }
0x2: {  	s2 =	rddreg [dreg:$0x1]  }
0x3: {  	s0 =	rddreg [dreg:$0x2];
	s3 =	simm.s32 $0x0;
	s1 =	stileid.u32  }
0x4: {  	s5 =	srdreg.scid;
	s10 =	simm.s32 $0x80;
	s13 =	simm.s32 $0x20  }
0x5: {  	s14 =	simm.s32 $0x10;
	s15 =	simm.s32 $0x0;
	s6 =	smul.u32 $0x1900, s1  }
0x6: {  	[smem:$0x7FF] =	sst s3;
	s5 =	sand.u32 $0x1, s5;
	s29 =	smul.u32 $0x3200, s1  }
0x7: {  	s11 =	sshll.u32 s1, $0x6;
	_ =	strace $0x80000047;
	s7 =	sshll.u32 s5, $0x7  }
0x8: {  	s9 =	ssub.s32 $0x2, s5;
	s5 =	smul.u32 $0xC80, s5;
	s11 =	sor.u32 $0x1C01, s11  }
0x9: {  	s8 =	sadd.s32 s6, s4;
	s6 =	sor.u32 s7, s6;
	s30 =	sshrl.u32 s9, $0x1  }
0xa: {  	s7 =	sshrl.u32 s29, $0x2;
	s6 =	sshrl.u32 s6, $0x3;
	s9 =	ssub.s32 s9, s30  }
0xb: {  	s31 =	sadd.s32 s5, s8;
	s8 =	simm.s32 $0x100;
	s6 =	sadd.s32 s6, s4  }
0xc: {  	s4 =	sadd.s32 s7, s2;
	s7 =	sadd.s32 $0x1E00, s31;
	s5 =	sadd.s32 $0x1AE00, s6  }
0xd: {  	v0 =	vimm.f32 $1.000000000e+00;
	v1 =	vimm.f32 $0.0e+00;
	s6 =	smax.u32 s9, $0x1;
	s9 =	simm.s32 $0x1;
	s12 =	sshrl.u32 s4, $0x3  }
.LBB2_1:
0xe: {  	[tilespmem:$0x80] =	vst v0  }
0xf: {  	[tilespmem:$0x90] =	vst v0  }
0x10: {  	[tilespmem:$0xA0] =	vst v0  }
0x11: {  	[tilespmem:$0xB0] =	vst v0  }
0x12: {  	[tilespmem:$0xC0] =	vst v0  }
0x13: {  	[tilespmem:$0xD0] =	vst v0  }
0x14: {  	[tilespmem:$0xE0] =	vst v0  }
0x15: {  	[tilespmem:$0xF0] =	vst v0;
	s16 =	simm.s32 $0x40;
	s17 =	simm.s32 $0x0  }
.LBB2_2:
0x16: {  	p0 =	sne.s32 s16, $0x31C0;
	[tilespmem:s17+$0x100] =	vst v1;
	s17 =	smov.u32 s16;
	s16 =	sadd.s32 $0x40, s16  }
.Ltmp0:
0x17: {  	(pc) =	sbr.rel @p0 .LBB2_2-.Ltmp0, $2  }
0x18: {  	_ =	sdelay $0x2  }
0x19: {  	s17 =	sshra.s32 s17, $0x2  }
0x1a: {  	[tilespmem:s17+$0x100] =	vst v1  }
0x1b: {  	[spmem:s4] =	stream.linear.scatter [tilespmem:s8], [sflag:$0x1], $0xC80, $0x38;
	[tilespmem:$0x1A00] =	vst v63  }
0x1c: {  	_ =	swait.ge [sflag:s9], $0xC80  }
0x1d: {  	[sflag:s9] =	ssyncset.done $0x0  }
0x1e: {  	[sflag:s9] =	ssyncadd.s32 $0xFFFFF380  }
0x1f: {  	s16 =	sadd.s32 $0x0, s7;
	[bflag:$0x0] =	sbarrier.arrive $0xFFFF  }
0x20: {  	[tilespmem:s3], [sflag:$0x1] =	stream.linear.gather [hbm4b:s16+s3], $0x80, $0x38;
	[tilespmem:$0x1A00] =	vst v63  }
0x21: {  	_ =	swait.ge [sflag:s9], $0x80  }
0x22: {  	[sflag:s9] =	ssyncset.done $0x0  }
0x23: {  	[sflag:s9] =	ssyncadd.s32 $0xFFFFFF80  }
0x24: {  	[spmem:s2] =	stream.indirect.scatter.add.f32 [tilespmem:s10], [sflag:$0x1], $0x1, s3, s10, $0xb8;
	[tilespmem:$0x1A00] =	vst v63  }
0x25: {  	_ =	swait.ge [sflag:s9], $0x80  }
0x26: {  	s17 =	simm.s32 $0x20;
	s16 =	simm.s32 $0x10;
	[sflag:s9] =	ssyncset.done $0x0  }
.LBB2_4:
0x27: {  	s18 =	sadd.s32 s16, s7  }
0x28: {  	[sflag:s9] =	ssyncadd.s32 $0xFFFFFF80;
	s16 =	smov.u32 s17;
	s19 =	sadd.s32 $0x10, s17  }
0x29: {  	[tilespmem:s3], [sflag:$0x1] =	stream.linear.gather [hbm4b:s18+s3], $0x80, $0x38;
	[tilespmem:$0x1A00] =	vst v63  }
0x2a: {  	p0 =	sne.s32 s17, $0xC70;
	_ =	swait.ge [sflag:s9], $0x80  }
.Ltmp1:
0x2b: {  	[sflag:s9] =	ssyncset.done $0x0;
	(pc) =	sbr.rel @p0 .LBB2_4-.Ltmp1, $4  }
0x2c: {  	[sflag:s9] =	ssyncadd.s32 $0xFFFFFF80  }
0x2d: {  	[spmem:s2] =	stream.indirect.scatter.add.f32 [tilespmem:s10], [sflag:$0x1], $0x1, s3, s10, $0xb8;
	[tilespmem:$0x1A00] =	vst v63  }
0x2e: {  	_ =	swait.ge [sflag:s9], $0x80  }
0x2f: {  	s17 =	smov.u32 s19;
	[sflag:s9] =	ssyncset.done $0x0  }
0x30: {  	s16 =	sadd.s32 s16, s7;
	[sflag:s9] =	ssyncadd.s32 $0xFFFFFF80  }
0x31: {  	[tilespmem:s3], [sflag:$0x1] =	stream.linear.gather [hbm4b:s16+s3], $0x80, $0x38;
	[tilespmem:$0x1A00] =	vst v63  }
0x32: {  	_ =	swait.ge [sflag:s9], $0x80  }
0x33: {  	[sflag:s9] =	ssyncset.done $0x0  }
0x34: {  	[sflag:s9] =	ssyncadd.s32 $0xFFFFFF80  }
0x35: {  	[spmem:s2] =	stream.indirect.scatter.add.f32 [tilespmem:s10], [sflag:$0x1], $0x1, s3, s10, $0xb8;
	[tilespmem:$0x1A00] =	vst v63  }
0x36: {  	_ =	swait.ge [sflag:s9], $0x80  }
0x37: {  	s15 =	sadd.s32 $0x1, s15;
	[sflag:s9] =	ssyncset.done $0x0  }
0x38: {  	p0 =	sne.s32 s15, s6;
	[sflag:s9] =	ssyncadd.s32 $0xFFFFFF80  }
.Ltmp2:
0x39: {  	[bflag:$0x0] =	sbarrier.arrive $0xFFFF;
	(pc) =	sbr.rel @p0 .LBB2_1-.Ltmp2, $4  }
0x3a: {  	[hbm:s5@s13], [sflag:s11] =	dma.strided [spmem:s12@s14], $0x190, s9, $0x10   }
0x3b: {  	_ =	swait.ge [sflag:s9], $0x190  }
0x3c: {  	[sflag:s9] =	ssyncset.done $0x0  }
0x3d: {  	[sflag:s9] =	ssyncadd.s32 $0xFFFFFE70  }
0x3e: {  	_ =	sfence.sel $0x180000  }
0x3f: {  	[bflag:$0x0] =	sbarrier.arrive $0xFFFF  }
0x40: {  	p0 =	sne.s32 s1, $0x0;
	_ =	strace $0x90000047  }
0x41: {  	s0 =	sadd.s32 @!p0 $0x100000, s0;
	[bflag:$0x2] =	sbarrier.arrive $0xFFFF  }
0x42: {  	[sflag:s0] =	ssyncadd.tile.s32 @!p0 $0x1;
	_ =	shalt  }
.Lfunc_end2:
_tile_overlayer_lowered:
.L_overlay_start_2:
0x43: {  	(tag) =	ssettag $0x2  }
0x44: {  	s0 =	rddreg [dreg:$0x0];
	s2 =	stileid.u32  }
0x45: {  	s1 =	rddreg [dreg:$0x1];
	p0 =	sne.s32 s2, $0x0  }
0x46: {  	s3 =	rddreg [dreg:$0x2];
	[bflag:$0x3] =	sbarrier.arrive $0xFFFF;
	s2 =	simm.s32 @!p0 $0x1C01  }
0x47: {  	[timem:s3], [sflag:s2] =	dma.local @!p0 [hbm:s0], s1  }
0x48: {  	s0 =	simm.s32 @!p0 $0x1  }
0x49: {  	_ =	swait.ge @!p0 [sflag:s0], s1  }
0x4a: {  	s1 =	ssub.s32 @!p0 $0x0, s1;
	[sflag:s0] =	ssyncset.done @!p0 $0x0  }
0x4b: {  	[sflag:s0] =	ssyncadd.s32 @!p0 s1  }
0x4c: {  	[bflag:$0x3] =	sbarrier.arrive $0xFFFF  }
0x4d: {  	_ =	shalt  }

</sc_bundles>
